<compile_context>
chip_gen: v7x
topology: tpu7x:2x2x1
jax: 0.10.2.dev20260603
libtpu: 0.0.44.dev20260713+nightly
codegen_flags: <defaults>
</compile_context>

<pallas_src>
import functools

import jax
import jax.numpy as jnp
from jax import lax
from jax.experimental import pallas as pl
from jax.experimental.pallas import tpu as pltpu
from jax.experimental.pallas import tpu_sc as plsc

N_NODES = 10000
N_EDGES = 320000
D = 128
DEGW = 128

NC = 2
NS = 16
NW = NC * NS
E_PER_W = N_EDGES // NW
K = 25
G = 8
NG = E_PER_W // (G * K)
TOT = NG * G
N_PAD = 10240
ROWS_PER_TILE = N_PAD // NS


def _sc_agg_body(d, nbuf, *refs):
    pf = nbuf // 2
    x_hbm, srcG_hbm, dstG_hbm, z_hbm, acc_out = refs[:5]
    srcT, dstT, acc_sh = refs[5:8]
    rows = refs[8:8 + nbuf]
    gsem = refs[8 + nbuf:8 + 2 * nbuf]
    ssem = refs[8 + 2 * nbuf:8 + 3 * nbuf]
    tsem = refs[8 + 3 * nbuf]

    cid = lax.axis_index("c")
    sid = lax.axis_index("s")
    wid = sid * NC + cid

    r0 = sid * ROWS_PER_TILE
    pltpu.sync_copy(z_hbm, acc_sh.at[pl.ds(r0, ROWS_PER_TILE)])

    plsc.subcore_barrier()

    pltpu.sync_copy(srcG_hbm.at[wid, 0], srcT.at[0])
    pltpu.sync_copy(dstG_hbm.at[wid, 0], dstT.at[0])
    pltpu.async_copy(srcG_hbm.at[wid, 1], srcT.at[1], tsem)
    pltpu.async_copy(dstG_hbm.at[wid, 1], dstT.at[1], tsem)
    for j in range(pf):
        pltpu.async_copy(x_hbm.at[srcT.at[0, j]], rows[j], gsem[j])

    def outer(grp, _):
        h = lax.rem(grp, 3)
        h1 = lax.rem(grp + 1, 3)
        h2 = lax.rem(grp + 2, 3)
        for j in range(G):
            b = j % nbuf
            c = grp * G + j
            pltpu.make_async_copy(
                x_hbm.at[srcT.at[h, j]], rows[b], gsem[b]).wait()
            pltpu.async_copy(rows[b], acc_sh.at[dstT.at[h, j]], ssem[b],
                             add=True)
            if j == 3:
                @pl.when(grp + 1 < NG)
                def _():
                    pltpu.make_async_copy(
                        srcG_hbm.at[wid, 0], srcT.at[0], tsem).wait()
                    pltpu.make_async_copy(
                        dstG_hbm.at[wid, 0], dstT.at[0], tsem).wait()
            if j == 4:
                @pl.when(grp + 2 < NG)
                def _():
                    pltpu.async_copy(srcG_hbm.at[wid, grp + 2],
                                     srcT.at[h2], tsem)
                    pltpu.async_copy(dstG_hbm.at[wid, grp + 2],
                                     dstT.at[h2], tsem)
            b2 = (j + pf) % nbuf

            @pl.when(c >= pf)
            def _():
                pltpu.make_async_copy(
                    rows[b2], acc_sh.at[dstT.at[h, j]], ssem[b2]).wait()

            @pl.when(c + pf < TOT)
            def _():
                if j + pf < G:
                    pltpu.async_copy(x_hbm.at[srcT.at[h, j + pf]], rows[b2],
                                     gsem[b2])
                else:
                    pltpu.async_copy(x_hbm.at[srcT.at[h1, j + pf - G]],
                                     rows[b2], gsem[b2])
        return 0
    lax.fori_loop(0, NG, outer, 0)

    for c in range(TOT - pf, TOT):
        b = c % nbuf
        pltpu.make_async_copy(rows[b], acc_sh.at[dstT.at[0, 0]],
                              ssem[b]).wait()

    plsc.subcore_barrier()

    pltpu.sync_copy(acc_sh.at[pl.ds(r0, ROWS_PER_TILE)],
                    acc_out.at[cid, pl.ds(r0, ROWS_PER_TILE)])


def _make_sc_agg(d, nbuf):
    mesh = plsc.VectorSubcoreMesh(core_axis_name="c", subcore_axis_name="s",
                                  num_cores=NC, num_subcores=NS)
    return pl.kernel(
        functools.partial(_sc_agg_body, d, nbuf),
        out_type=[jax.ShapeDtypeStruct((NC, N_PAD, d), jnp.float32)],
        mesh=mesh,
        scratch_types=(
            [
                pltpu.VMEM((3, G, K), jnp.int32),
                pltpu.VMEM((3, G, K), jnp.int32),
                pltpu.VMEM_SHARED((N_PAD, d), jnp.float32),
            ]
            + [pltpu.VMEM((K, d), jnp.float32) for _ in range(nbuf)]
            + [pltpu.SemaphoreType.DMA for _ in range(2 * nbuf + 1)]
        ),
    )


_sc_agg = _make_sc_agg(D, 8)


def _sc_deg_body(dst_hbm, deg_out, dstL, hist):
    cid = lax.axis_index("c")
    sid = lax.axis_index("s")
    wid = sid * NC + cid

    zero16 = jnp.zeros((16,), jnp.float32)

    def zrow(i, _):
        hist[pl.ds(i * 16, 16)] = zero16
        return 0
    lax.fori_loop(0, N_PAD // 16, zrow, 0)

    pltpu.sync_copy(dst_hbm.at[pl.ds(wid * E_PER_W, E_PER_W)], dstL)

    one16 = jnp.ones((16,), jnp.float32)

    def step(i, _):
        iv = dstL[pl.ds(i * 16, 16)]
        plsc.addupdate_scatter(hist, [iv], one16)
        return 0
    lax.fori_loop(0, E_PER_W // 16, step, 0)

    pltpu.sync_copy(hist, deg_out.at[cid, sid])


def _make_sc_deg():
    mesh = plsc.VectorSubcoreMesh(core_axis_name="c", subcore_axis_name="s",
                                  num_cores=NC, num_subcores=NS)
    return pl.kernel(
        _sc_deg_body,
        out_type=[jax.ShapeDtypeStruct((NC, NS, N_PAD), jnp.float32)],
        mesh=mesh,
        compiler_params=pltpu.CompilerParams(needs_layout_passes=False),
        scratch_types=[
            pltpu.VMEM((E_PER_W,), jnp.int32),
            pltpu.VMEM((N_PAD,), jnp.float32),
        ],
    )


_sc_deg = _make_sc_deg()


R_BLK = 2048


def _tc_dense_body(dacc, prelu, final, *refs):
    if final:
        (acc_ref, deg_ref, h_ref, wl_ref, bl_ref, wr_ref, a_ref,
         wp_ref, bp_ref, out_ref) = refs
    else:
        (acc_ref, deg_ref, h_ref, wl_ref, bl_ref, wr_ref, a_ref,
         out_ref) = refs
    acc = acc_ref[0] + acc_ref[1]
    deg = jnp.sum(deg_ref[...], axis=0)
    mean = acc * (1.0 / jnp.clip(deg, 1.0, None))[:, None]
    h = h_ref[...]
    out = (jnp.dot(mean, wl_ref[...], preferred_element_type=jnp.float32)
           + bl_ref[...][None, :]
           + jnp.dot(h, wr_ref[...], preferred_element_type=jnp.float32))
    if prelu:
        a = a_ref[0, 0]
        out = jnp.where(out >= 0, out, a * out)
    if final:
        lvl = jnp.dot(out, wp_ref[...], preferred_element_type=jnp.float32)
        out_ref[...] = lvl + bp_ref[...][None, :]
    else:
        out_ref[...] = out


def _make_tc_dense(dacc, prelu, final):
    n_blk = N_PAD // R_BLK
    full = lambda i: (0, 0)
    in_specs = [
        pl.BlockSpec((NC, R_BLK, dacc), lambda i: (0, i, 0)),
        pl.BlockSpec((NW, R_BLK), lambda i: (0, i)),
        pl.BlockSpec((R_BLK, D), lambda i: (i, 0)),
        pl.BlockSpec((D, D), full),
        pl.BlockSpec((D,), lambda i: (0,)),
        pl.BlockSpec((D, D), full),
        pl.BlockSpec((1, 1), full),
    ]
    if final:
        in_specs += [
            pl.BlockSpec((D, 1), full),
            pl.BlockSpec((1,), lambda i: (0,)),
        ]
        out_spec = pl.BlockSpec((R_BLK, 1), lambda i: (i, 0))
        out_shape = jax.ShapeDtypeStruct((N_PAD, 1), jnp.float32)
    else:
        out_spec = pl.BlockSpec((R_BLK, D), lambda i: (i, 0))
        out_shape = jax.ShapeDtypeStruct((N_PAD, D), jnp.float32)
    return pl.pallas_call(
        functools.partial(_tc_dense_body, dacc, prelu, final),
        grid=(n_blk,),
        in_specs=in_specs,
        out_specs=out_spec,
        out_shape=out_shape,
    )


_tc_mid = _make_tc_dense(D, True, False)
_tc_last = _make_tc_dense(D, False, True)


def kernel(x, edge_index, Wl1, bl1, Wr1, Wl2, bl2, Wr2, Wl3, bl3, Wr3,
           a, Wp, bp):
    srcG = edge_index[0].astype(jnp.int32).reshape(NW, NG, G, K)
    dstG = edge_index[1].astype(jnp.int32).reshape(NW, NG, G, K)
    a2 = jnp.asarray(a, jnp.float32).reshape(1, 1)
    z = jnp.zeros((ROWS_PER_TILE, D), jnp.float32)
    xp = jnp.pad(x, ((0, N_PAD - N_NODES), (0, 0)))

    dst_flat = edge_index[1].astype(jnp.int32)
    degp, = _sc_deg(dst_flat)
    degp = degp.reshape(NW, N_PAD)
    acc1, = _sc_agg(xp, srcG, dstG, z)
    h1 = _tc_mid(acc1, degp, xp, Wl1, bl1, Wr1, a2)
    acc2, = _sc_agg(h1, srcG, dstG, z)
    h2 = _tc_mid(acc2, degp, h1, Wl2, bl2, Wr2, a2)
    acc3, = _sc_agg(h2, srcG, dstG, z)
    out = _tc_last(acc3, degp, h2, Wl3, bl3, Wr3, a2, Wp, bp)
    return out[:N_NODES, 0]

# --- scband reference (transcript-rebuilt; emitter-appended) ---
"""Pipeline reference for scband-graph-sage-26104811225563 (READ-ONLY COPY).

The authoritative reference and input builder live on the scoring server;
editing this copy changes nothing except your own understanding.
"""

import jax, jax.numpy as jnp
import numpy as np

N_NODES = 10000
N_EDGES = 320000
D_IN = 128
D_HID = 128
D_OUT = 128


def _glorot(key, shape):
    fan_in, fan_out = shape[0], shape[1]
    limit = np.sqrt(6.0 / (fan_in + fan_out))
    return jax.random.uniform(key, shape, jnp.float32, -limit, limit)


def setup_inputs(seed: int = 0) -> dict:
    key = jax.random.key(seed)
    ks = jax.random.split(key, 16)
    x = jax.random.normal(ks[0], (N_NODES, D_IN), dtype=jnp.float32)
    edge_index = jax.random.randint(ks[1], (2, N_EDGES), 0, N_NODES, dtype=jnp.int64)
    # SAGEConv params: lin_l (with bias) applied to aggregated neighbors, lin_r (no bias) applied to self
    Wl1 = _glorot(ks[2], (D_IN, D_HID)); bl1 = jnp.zeros((D_HID,), jnp.float32); Wr1 = _glorot(ks[3], (D_IN, D_HID))
    Wl2 = _glorot(ks[4], (D_HID, D_HID)); bl2 = jnp.zeros((D_HID,), jnp.float32); Wr2 = _glorot(ks[5], (D_HID, D_HID))
    Wl3 = _glorot(ks[6], (D_HID, D_OUT)); bl3 = jnp.zeros((D_OUT,), jnp.float32); Wr3 = _glorot(ks[7], (D_HID, D_OUT))
    a = jnp.array(0.25, dtype=jnp.float32)  # PReLU single parameter
    Wp = _glorot(ks[8], (D_OUT, 1)); bp = jnp.zeros((1,), jnp.float32)
    return {"x": x, "edge_index": edge_index,
            "Wl1": Wl1, "bl1": bl1, "Wr1": Wr1,
            "Wl2": Wl2, "bl2": bl2, "Wr2": Wr2,
            "Wl3": Wl3, "bl3": bl3, "Wr3": Wr3,
            "a": a, "Wp": Wp, "bp": bp}


def _sage_conv(x, src, dst, Wl, bl, Wr, n_nodes):
    # mean aggregation of source features at destination nodes
    msg = jnp.take(x, src, axis=0)
    aggr = jax.ops.segment_sum(msg, dst, num_segments=n_nodes)
    deg = jax.ops.segment_sum(jnp.ones((src.shape[0],), jnp.float32), dst, num_segments=n_nodes)
    mean = aggr / jnp.clip(deg, 1.0, None)[:, None]
    return mean @ Wl + bl + x @ Wr


def _prelu(x, a):
    return jnp.where(x >= 0, x, a * x)


def reference(x, edge_index, Wl1, bl1, Wr1, Wl2, bl2, Wr2, Wl3, bl3, Wr3, a, Wp, bp):
    src = edge_index[0]
    dst = edge_index[1]
    h = _sage_conv(x, src, dst, Wl1, bl1, Wr1, N_NODES)
    h = _prelu(h, a)
    h = _sage_conv(h, src, dst, Wl2, bl2, Wr2, N_NODES)
    h = _prelu(h, a)
    h = _sage_conv(h, src, dst, Wl3, bl3, Wr3, N_NODES)
    level_output = (h @ Wp + bp).squeeze(-1)
    return level_output

if __name__ == "__main__":
    import jax
    _d = setup_inputs()
    print(jax.jit(kernel)(*tuple(_d.values())))

</pallas_src>

<mosaic_0001>
#map = affine_map<(d0, d1) -> (0, 0)>
#map1 = affine_map<(d0, d1) -> (0, 0, 0, 0)>
#map2 = affine_map<(d0, d1) -> (0, 0, 0)>
module attributes {stable_mosaic.version = 14 : i64} {
  func.func @_sc_agg_body(%arg0: i32, %arg1: i32, %arg2: memref<10240x128xf32, #tpu.memory_space<hbm>>, %arg3: memref<32x50x8x25xi32, #tpu.memory_space<hbm>>, %arg4: memref<32x50x8x25xi32, #tpu.memory_space<hbm>>, %arg5: memref<640x128xf32, #tpu.memory_space<hbm>>, %arg6: memref<2x10240x128xf32, #tpu.memory_space<hbm>>, %arg7: memref<3x8x25xi32, #tpu.memory_space<vmem>>, %arg8: memref<3x8x25xi32, #tpu.memory_space<vmem>>, %arg9: memref<10240x128xf32, #tpu.memory_space<vmem_shared>>, %arg10: memref<25x128xf32, #tpu.memory_space<vmem>>, %arg11: memref<25x128xf32, #tpu.memory_space<vmem>>, %arg12: memref<25x128xf32, #tpu.memory_space<vmem>>, %arg13: memref<25x128xf32, #tpu.memory_space<vmem>>, %arg14: memref<25x128xf32, #tpu.memory_space<vmem>>, %arg15: memref<25x128xf32, #tpu.memory_space<vmem>>, %arg16: memref<25x128xf32, #tpu.memory_space<vmem>>, %arg17: memref<25x128xf32, #tpu.memory_space<vmem>>, %arg18: memref<!tpu.dma_semaphore, #tpu.memory_space<semaphore_mem>>, %arg19: memref<!tpu.dma_semaphore, #tpu.memory_space<semaphore_mem>>, %arg20: memref<!tpu.dma_semaphore, #tpu.memory_space<semaphore_mem>>, %arg21: memref<!tpu.dma_semaphore, #tpu.memory_space<semaphore_mem>>, %arg22: memref<!tpu.dma_semaphore, #tpu.memory_space<semaphore_mem>>, %arg23: memref<!tpu.dma_semaphore, #tpu.memory_space<semaphore_mem>>, %arg24: memref<!tpu.dma_semaphore, #tpu.memory_space<semaphore_mem>>, %arg25: memref<!tpu.dma_semaphore, #tpu.memory_space<semaphore_mem>>, %arg26: memref<!tpu.dma_semaphore, #tpu.memory_space<semaphore_mem>>, %arg27: memref<!tpu.dma_semaphore, #tpu.memory_space<semaphore_mem>>, %arg28: memref<!tpu.dma_semaphore, #tpu.memory_space<semaphore_mem>>, %arg29: memref<!tpu.dma_semaphore, #tpu.memory_space<semaphore_mem>>, %arg30: memref<!tpu.dma_semaphore, #tpu.memory_space<semaphore_mem>>, %arg31: memref<!tpu.dma_semaphore, #tpu.memory_space<semaphore_mem>>, %arg32: memref<!tpu.dma_semaphore, #tpu.memory_space<semaphore_mem>>, %arg33: memref<!tpu.dma_semaphore, #tpu.memory_space<semaphore_mem>>, %arg34: memref<!tpu.dma_semaphore, #tpu.memory_space<semaphore_mem>>) attributes {dimension_semantics = [#tpu.dimension_semantics<core_parallel>, #tpu.dimension_semantics<subcore_parallel>], iteration_bounds = array<i64: 2, 16>, scalar_prefetch = 0 : i64, scratch_operands = 28 : i64, tpu.core_type = #tpu.core_type<sc_vector_subcore>, window_params = [{transform_indices = #map}, {transform_indices = #map1}, {transform_indices = #map1}, {transform_indices = #map}, {transform_indices = #map2}]} {
    %mul3A = arith.constant 2 : i32
    %mul3A_0 = arith.muli %arg1, %mul3A : i32
    %add3A = arith.addi %mul3A_0, %arg0 : i32
    %mul3A_1 = arith.constant 640 : i32
    %mul3A_2 = arith.muli %arg1, %mul3A_1 : i32
    "tpu.region"() ({
      %run_scoped3A_111 = tpu.sem_alloc : memref<!tpu.dma_semaphore, #tpu.memory_space<semaphore_mem>>
      %dma_start3A_112 = arith.constant 0 : i32
      %dma_start3A_113 = tpu.memref_slice %arg9[%mul3A_2, %dma_start3A_112] : memref<10240x128xf32, #tpu.memory_space<vmem_shared>> -> memref<640x128xf32, #tpu.memory_space<vmem_shared>>
      tpu.enqueue_dma source(%arg5 : memref<640x128xf32, #tpu.memory_space<hbm>>) target(%dma_start3A_113 : memref<640x128xf32, #tpu.memory_space<vmem_shared>>) target_semaphore(%run_scoped3A_111 : memref<!tpu.dma_semaphore, #tpu.memory_space<semaphore_mem>>)
      %dma_wait3A_114 = arith.constant 0 : i32
      %dma_wait3A_115 = tpu.memref_slice %arg9[%mul3A_2, %dma_wait3A_114] : memref<10240x128xf32, #tpu.memory_space<vmem_shared>> -> memref<640x128xf32, #tpu.memory_space<vmem_shared>>
      tpu.wait_dma2 semaphore(%run_scoped3A_111 : memref<!tpu.dma_semaphore, #tpu.memory_space<semaphore_mem>>) src(%arg5 : memref<640x128xf32, #tpu.memory_space<hbm>>) dst(%dma_wait3A_115 : memref<640x128xf32, #tpu.memory_space<vmem_shared>>)
      tpu.yield
    }) : () -> ()
    %barrier3A = arith.constant 0 : index
    tpu.barrier barrier_id(%barrier3A)
    %run_scoped3A = arith.constant 0 : i32
    %run_scoped3A_3 = arith.constant 0 : i32
    "tpu.region"() ({
      %run_scoped3A_111 = tpu.sem_alloc : memref<!tpu.dma_semaphore, #tpu.memory_space<semaphore_mem>>
      %dma_start3A_112 = arith.constant 0 : i32
      %dma_start3A_113 = arith.constant 0 : i32
      %dma_start3A_114 = tpu.memref_slice %arg7[%run_scoped3A_3, %dma_start3A_112, %dma_start3A_113] : memref<3x8x25xi32, #tpu.memory_space<vmem>> -> memref<1x8x25xi32, #tpu.memory_space<vmem>>
      %dma_start3A_115 = tpu.memref_squeeze %dma_start3A_114 : memref<1x8x25xi32, #tpu.memory_space<vmem>> -> memref<8x25xi32, #tpu.memory_space<vmem>>
      %dma_start3A_116 = arith.constant 0 : i32
      %dma_start3A_117 = arith.constant 0 : i32
      %dma_start3A_118 = tpu.memref_slice %arg3[%add3A, %run_scoped3A, %dma_start3A_116, %dma_start3A_117] : memref<32x50x8x25xi32, #tpu.memory_space<hbm>> -> memref<1x1x8x25xi32, #tpu.memory_space<hbm>>
      %dma_start3A_119 = tpu.memref_squeeze %dma_start3A_118 : memref<1x1x8x25xi32, #tpu.memory_space<hbm>> -> memref<8x25xi32, #tpu.memory_space<hbm>>
      %dma_start3A_120 = arith.constant 0 : i32
      %dma_start3A_121 = arith.constant 0 : i32
      %dma_start3A_122 = tpu.memref_slice %arg7[%run_scoped3A_3, %dma_start3A_120, %dma_start3A_121] : memref<3x8x25xi32, #tpu.memory_space<vmem>> -> memref<1x8x25xi32, #tpu.memory_space<vmem>>
      %dma_start3A_123 = tpu.memref_squeeze %dma_start3A_122 : memref<1x8x25xi32, #tpu.memory_space<vmem>> -> memref<8x25xi32, #tpu.memory_space<vmem>>
      %dma_start3A_124 = arith.constant 0 : i32
      %dma_start3A_125 = arith.constant 0 : i32
      %dma_start3A_126 = tpu.memref_slice %arg3[%add3A, %run_scoped3A, %dma_start3A_124, %dma_start3A_125] : memref<32x50x8x25xi32, #tpu.memory_space<hbm>> -> memref<1x1x8x25xi32, #tpu.memory_space<hbm>>
      %dma_start3A_127 = tpu.memref_squeeze %dma_start3A_126 : memref<1x1x8x25xi32, #tpu.memory_space<hbm>> -> memref<8x25xi32, #tpu.memory_space<hbm>>
      tpu.enqueue_dma source(%dma_start3A_127 : memref<8x25xi32, #tpu.memory_space<hbm>>) target(%dma_start3A_123 : memref<8x25xi32, #tpu.memory_space<vmem>>) target_semaphore(%run_scoped3A_111 : memref<!tpu.dma_semaphore, #tpu.memory_space<semaphore_mem>>)
      %dma_wait3A_128 = arith.constant 0 : i32
      %dma_wait3A_129 = arith.constant 0 : i32
      %dma_wait3A_130 = tpu.memref_slice %arg7[%run_scoped3A_3, %dma_wait3A_128, %dma_wait3A_129] : memref<3x8x25xi32, #tpu.memory_space<vmem>> -> memref<1x8x25xi32, #tpu.memory_space<vmem>>
      %dma_wait3A_131 = tpu.memref_squeeze %dma_wait3A_130 : memref<1x8x25xi32, #tpu.memory_space<vmem>> -> memref<8x25xi32, #tpu.memory_space<vmem>>
      %dma_wait3A_132 = arith.constant 0 : i32
      %dma_wait3A_133 = arith.constant 0 : i32
      %dma_wait3A_134 = tpu.memref_slice %arg3[%add3A, %run_scoped3A, %dma_wait3A_132, %dma_wait3A_133] : memref<32x50x8x25xi32, #tpu.memory_space<hbm>> -> memref<1x1x8x25xi32, #tpu.memory_space<hbm>>
      %dma_wait3A_135 = tpu.memref_squeeze %dma_wait3A_134 : memref<1x1x8x25xi32, #tpu.memory_space<hbm>> -> memref<8x25xi32, #tpu.memory_space<hbm>>
      %dma_wait3A_136 = arith.constant 0 : i32
      %dma_wait3A_137 = arith.constant 0 : i32
      %dma_wait3A_138 = tpu.memref_slice %arg7[%run_scoped3A_3, %dma_wait3A_136, %dma_wait3A_137] : memref<3x8x25xi32, #tpu.memory_space<vmem>> -> memref<1x8x25xi32, #tpu.memory_space<vmem>>
      %dma_wait3A_139 = tpu.memref_squeeze %dma_wait3A_138 : memref<1x8x25xi32, #tpu.memory_space<vmem>> -> memref<8x25xi32, #tpu.memory_space<vmem>>
      %dma_wait3A_140 = arith.constant 0 : i32
      %dma_wait3A_141 = arith.constant 0 : i32
      %dma_wait3A_142 = tpu.memref_slice %arg3[%add3A, %run_scoped3A, %dma_wait3A_140, %dma_wait3A_141] : memref<32x50x8x25xi32, #tpu.memory_space<hbm>> -> memref<1x1x8x25xi32, #tpu.memory_space<hbm>>
      %dma_wait3A_143 = tpu.memref_squeeze %dma_wait3A_142 : memref<1x1x8x25xi32, #tpu.memory_space<hbm>> -> memref<8x25xi32, #tpu.memory_space<hbm>>
      tpu.wait_dma2 semaphore(%run_scoped3A_111 : memref<!tpu.dma_semaphore, #tpu.memory_space<semaphore_mem>>) src(%dma_wait3A_143 : memref<8x25xi32, #tpu.memory_space<hbm>>) dst(%dma_wait3A_139 : memref<8x25xi32, #tpu.memory_space<vmem>>)
      tpu.yield
    }) : () -> ()
    %run_scoped3A_4 = arith.constant 0 : i32
    %run_scoped3A_5 = arith.constant 0 : i32
    "tpu.region"() ({
      %run_scoped3A_111 = tpu.sem_alloc : memref<!tpu.dma_semaphore, #tpu.memory_space<semaphore_mem>>
      %dma_start3A_112 = arith.constant 0 : i32
      %dma_start3A_113 = arith.constant 0 : i32
      %dma_start3A_114 = tpu.memref_slice %arg8[%run_scoped3A_5, %dma_start3A_112, %dma_start3A_113] : memref<3x8x25xi32, #tpu.memory_space<vmem>> -> memref<1x8x25xi32, #tpu.memory_space<vmem>>
      %dma_start3A_115 = tpu.memref_squeeze %dma_start3A_114 : memref<1x8x25xi32, #tpu.memory_space<vmem>> -> memref<8x25xi32, #tpu.memory_space<vmem>>
      %dma_start3A_116 = arith.constant 0 : i32
      %dma_start3A_117 = arith.constant 0 : i32
      %dma_start3A_118 = tpu.memref_slice %arg4[%add3A, %run_scoped3A_4, %dma_start3A_116, %dma_start3A_117] : memref<32x50x8x25xi32, #tpu.memory_space<hbm>> -> memref<1x1x8x25xi32, #tpu.memory_space<hbm>>
      %dma_start3A_119 = tpu.memref_squeeze %dma_start3A_118 : memref<1x1x8x25xi32, #tpu.memory_space<hbm>> -> memref<8x25xi32, #tpu.memory_space<hbm>>
      %dma_start3A_120 = arith.constant 0 : i32
      %dma_start3A_121 = arith.constant 0 : i32
      %dma_start3A_122 = tpu.memref_slice %arg8[%run_scoped3A_5, %dma_start3A_120, %dma_start3A_121] : memref<3x8x25xi32, #tpu.memory_space<vmem>> -> memref<1x8x25xi32, #tpu.memory_space<vmem>>
      %dma_start3A_123 = tpu.memref_squeeze %dma_start3A_122 : memref<1x8x25xi32, #tpu.memory_space<vmem>> -> memref<8x25xi32, #tpu.memory_space<vmem>>
      %dma_start3A_124 = arith.constant 0 : i32
      %dma_start3A_125 = arith.constant 0 : i32
      %dma_start3A_126 = tpu.memref_slice %arg4[%add3A, %run_scoped3A_4, %dma_start3A_124, %dma_start3A_125] : memref<32x50x8x25xi32, #tpu.memory_space<hbm>> -> memref<1x1x8x25xi32, #tpu.memory_space<hbm>>
      %dma_start3A_127 = tpu.memref_squeeze %dma_start3A_126 : memref<1x1x8x25xi32, #tpu.memory_space<hbm>> -> memref<8x25xi32, #tpu.memory_space<hbm>>
      tpu.enqueue_dma source(%dma_start3A_127 : memref<8x25xi32, #tpu.memory_space<hbm>>) target(%dma_start3A_123 : memref<8x25xi32, #tpu.memory_space<vmem>>) target_semaphore(%run_scoped3A_111 : memref<!tpu.dma_semaphore, #tpu.memory_space<semaphore_mem>>)
      %dma_wait3A_128 = arith.constant 0 : i32
      %dma_wait3A_129 = arith.constant 0 : i32
      %dma_wait3A_130 = tpu.memref_slice %arg8[%run_scoped3A_5, %dma_wait3A_128, %dma_wait3A_129] : memref<3x8x25xi32, #tpu.memory_space<vmem>> -> memref<1x8x25xi32, #tpu.memory_space<vmem>>
      %dma_wait3A_131 = tpu.memref_squeeze %dma_wait3A_130 : memref<1x8x25xi32, #tpu.memory_space<vmem>> -> memref<8x25xi32, #tpu.memory_space<vmem>>
      %dma_wait3A_132 = arith.constant 0 : i32
      %dma_wait3A_133 = arith.constant 0 : i32
      %dma_wait3A_134 = tpu.memref_slice %arg4[%add3A, %run_scoped3A_4, %dma_wait3A_132, %dma_wait3A_133] : memref<32x50x8x25xi32, #tpu.memory_space<hbm>> -> memref<1x1x8x25xi32, #tpu.memory_space<hbm>>
      %dma_wait3A_135 = tpu.memref_squeeze %dma_wait3A_134 : memref<1x1x8x25xi32, #tpu.memory_space<hbm>> -> memref<8x25xi32, #tpu.memory_space<hbm>>
      %dma_wait3A_136 = arith.constant 0 : i32
      %dma_wait3A_137 = arith.constant 0 : i32
      %dma_wait3A_138 = tpu.memref_slice %arg8[%run_scoped3A_5, %dma_wait3A_136, %dma_wait3A_137] : memref<3x8x25xi32, #tpu.memory_space<vmem>> -> memref<1x8x25xi32, #tpu.memory_space<vmem>>
      %dma_wait3A_139 = tpu.memref_squeeze %dma_wait3A_138 : memref<1x8x25xi32, #tpu.memory_space<vmem>> -> memref<8x25xi32, #tpu.memory_space<vmem>>
      %dma_wait3A_140 = arith.constant 0 : i32
      %dma_wait3A_141 = arith.constant 0 : i32
      %dma_wait3A_142 = tpu.memref_slice %arg4[%add3A, %run_scoped3A_4, %dma_wait3A_140, %dma_wait3A_141] : memref<32x50x8x25xi32, #tpu.memory_space<hbm>> -> memref<1x1x8x25xi32, #tpu.memory_space<hbm>>
      %dma_wait3A_143 = tpu.memref_squeeze %dma_wait3A_142 : memref<1x1x8x25xi32, #tpu.memory_space<hbm>> -> memref<8x25xi32, #tpu.memory_space<hbm>>
      tpu.wait_dma2 semaphore(%run_scoped3A_111 : memref<!tpu.dma_semaphore, #tpu.memory_space<semaphore_mem>>) src(%dma_wait3A_143 : memref<8x25xi32, #tpu.memory_space<hbm>>) dst(%dma_wait3A_139 : memref<8x25xi32, #tpu.memory_space<vmem>>)
      tpu.yield
    }) : () -> ()
    %dma_start3A = arith.constant 1 : i32
    %dma_start3A_6 = arith.constant 1 : i32
    %dma_start3A_7 = arith.constant 0 : i32
    %dma_start3A_8 = arith.constant 0 : i32
    %dma_start3A_9 = tpu.memref_slice %arg7[%dma_start3A_6, %dma_start3A_7, %dma_start3A_8] : memref<3x8x25xi32, #tpu.memory_space<vmem>> -> memref<1x8x25xi32, #tpu.memory_space<vmem>>
    %dma_start3A_10 = tpu.memref_squeeze %dma_start3A_9 : memref<1x8x25xi32, #tpu.memory_space<vmem>> -> memref<8x25xi32, #tpu.memory_space<vmem>>
    %dma_start3A_11 = arith.constant 0 : i32
    %dma_start3A_12 = arith.constant 0 : i32
    %dma_start3A_13 = tpu.memref_slice %arg3[%add3A, %dma_start3A, %dma_start3A_11, %dma_start3A_12] : memref<32x50x8x25xi32, #tpu.memory_space<hbm>> -> memref<1x1x8x25xi32, #tpu.memory_space<hbm>>
    %dma_start3A_14 = tpu.memref_squeeze %dma_start3A_13 : memref<1x1x8x25xi32, #tpu.memory_space<hbm>> -> memref<8x25xi32, #tpu.memory_space<hbm>>
    %dma_start3A_15 = arith.constant 0 : i32
    %dma_start3A_16 = arith.constant 0 : i32
    %dma_start3A_17 = tpu.memref_slice %arg7[%dma_start3A_6, %dma_start3A_15, %dma_start3A_16] : memref<3x8x25xi32, #tpu.memory_space<vmem>> -> memref<1x8x25xi32, #tpu.memory_space<vmem>>
    %dma_start3A_18 = tpu.memref_squeeze %dma_start3A_17 : memref<1x8x25xi32, #tpu.memory_space<vmem>> -> memref<8x25xi32, #tpu.memory_space<vmem>>
    %dma_start3A_19 = arith.constant 0 : i32
    %dma_start3A_20 = arith.constant 0 : i32
    %dma_start3A_21 = tpu.memref_slice %arg3[%add3A, %dma_start3A, %dma_start3A_19, %dma_start3A_20] : memref<32x50x8x25xi32, #tpu.memory_space<hbm>> -> memref<1x1x8x25xi32, #tpu.memory_space<hbm>>
    %dma_start3A_22 = tpu.memref_squeeze %dma_start3A_21 : memref<1x1x8x25xi32, #tpu.memory_space<hbm>> -> memref<8x25xi32, #tpu.memory_space<hbm>>
    tpu.enqueue_dma source(%dma_start3A_22 : memref<8x25xi32, #tpu.memory_space<hbm>>) target(%dma_start3A_18 : memref<8x25xi32, #tpu.memory_space<vmem>>) target_semaphore(%arg34 : memref<!tpu.dma_semaphore, #tpu.memory_space<semaphore_mem>>)
    %dma_start3A_23 = arith.constant 1 : i32
    %dma_start3A_24 = arith.constant 1 : i32
    %dma_start3A_25 = arith.constant 0 : i32
    %dma_start3A_26 = arith.constant 0 : i32
    %dma_start3A_27 = tpu.memref_slice %arg8[%dma_start3A_24, %dma_start3A_25, %dma_start3A_26] : memref<3x8x25xi32, #tpu.memory_space<vmem>> -> memref<1x8x25xi32, #tpu.memory_space<vmem>>
    %dma_start3A_28 = tpu.memref_squeeze %dma_start3A_27 : memref<1x8x25xi32, #tpu.memory_space<vmem>> -> memref<8x25xi32, #tpu.memory_space<vmem>>
    %dma_start3A_29 = arith.constant 0 : i32
    %dma_start3A_30 = arith.constant 0 : i32
    %dma_start3A_31 = tpu.memref_slice %arg4[%add3A, %dma_start3A_23, %dma_start3A_29, %dma_start3A_30] : memref<32x50x8x25xi32, #tpu.memory_space<hbm>> -> memref<1x1x8x25xi32, #tpu.memory_space<hbm>>
    %dma_start3A_32 = tpu.memref_squeeze %dma_start3A_31 : memref<1x1x8x25xi32, #tpu.memory_space<hbm>> -> memref<8x25xi32, #tpu.memory_space<hbm>>
    %dma_start3A_33 = arith.constant 0 : i32
    %dma_start3A_34 = arith.constant 0 : i32
    %dma_start3A_35 = tpu.memref_slice %arg8[%dma_start3A_24, %dma_start3A_33, %dma_start3A_34] : memref<3x8x25xi32, #tpu.memory_space<vmem>> -> memref<1x8x25xi32, #tpu.memory_space<vmem>>
    %dma_start3A_36 = tpu.memref_squeeze %dma_start3A_35 : memref<1x8x25xi32, #tpu.memory_space<vmem>> -> memref<8x25xi32, #tpu.memory_space<vmem>>
    %dma_start3A_37 = arith.constant 0 : i32
    %dma_start3A_38 = arith.constant 0 : i32
    %dma_start3A_39 = tpu.memref_slice %arg4[%add3A, %dma_start3A_23, %dma_start3A_37, %dma_start3A_38] : memref<32x50x8x25xi32, #tpu.memory_space<hbm>> -> memref<1x1x8x25xi32, #tpu.memory_space<hbm>>
    %dma_start3A_40 = tpu.memref_squeeze %dma_start3A_39 : memref<1x1x8x25xi32, #tpu.memory_space<hbm>> -> memref<8x25xi32, #tpu.memory_space<hbm>>
    tpu.enqueue_dma source(%dma_start3A_40 : memref<8x25xi32, #tpu.memory_space<hbm>>) target(%dma_start3A_36 : memref<8x25xi32, #tpu.memory_space<vmem>>) target_semaphore(%arg34 : memref<!tpu.dma_semaphore, #tpu.memory_space<semaphore_mem>>)
    %dma_start3A_41 = arith.constant 0 : i32
    %dma_start3A_42 = arith.constant 0 : i32
    %dma_start3A_43 = arith.constant 0 : i32
    %dma_start3A_44 = tpu.memref_slice %arg7[%dma_start3A_41, %dma_start3A_42, %dma_start3A_43] : memref<3x8x25xi32, #tpu.memory_space<vmem>> -> memref<1x1x25xi32, #tpu.memory_space<vmem>>
    %dma_start3A_45 = tpu.memref_squeeze %dma_start3A_44 : memref<1x1x25xi32, #tpu.memory_space<vmem>> -> memref<25xi32, #tpu.memory_space<vmem>>
    %dma_start3A_46 = arith.constant 0 : i32
    %dma_start3A_47 = arith.constant 0 : i32
    %dma_start3A_48 = tpu.memref_slice %arg2[%dma_start3A_46, %dma_start3A_47] : memref<10240x128xf32, #tpu.memory_space<hbm>> -> memref<10240x128xf32, #tpu.memory_space<hbm>>
    tpu.enqueue_indirect_dma source(%dma_start3A_48 : memref<10240x128xf32, #tpu.memory_space<hbm>>) target(%arg10 : memref<25x128xf32, #tpu.memory_space<vmem>>) offsets(%dma_start3A_45 : memref<25xi32, #tpu.memory_space<vmem>>) semaphore(%arg18 : memref<!tpu.dma_semaphore, #tpu.memory_space<semaphore_mem>>)
    %dma_start3A_49 = arith.constant 0 : i32
    %dma_start3A_50 = arith.constant 1 : i32
    %dma_start3A_51 = arith.constant 0 : i32
    %dma_start3A_52 = tpu.memref_slice %arg7[%dma_start3A_49, %dma_start3A_50, %dma_start3A_51] : memref<3x8x25xi32, #tpu.memory_space<vmem>> -> memref<1x1x25xi32, #tpu.memory_space<vmem>>
    %dma_start3A_53 = tpu.memref_squeeze %dma_start3A_52 : memref<1x1x25xi32, #tpu.memory_space<vmem>> -> memref<25xi32, #tpu.memory_space<vmem>>
    %dma_start3A_54 = arith.constant 0 : i32
    %dma_start3A_55 = arith.constant 0 : i32
    %dma_start3A_56 = tpu.memref_slice %arg2[%dma_start3A_54, %dma_start3A_55] : memref<10240x128xf32, #tpu.memory_space<hbm>> -> memref<10240x128xf32, #tpu.memory_space<hbm>>
    tpu.enqueue_indirect_dma source(%dma_start3A_56 : memref<10240x128xf32, #tpu.memory_space<hbm>>) target(%arg11 : memref<25x128xf32, #tpu.memory_space<vmem>>) offsets(%dma_start3A_53 : memref<25xi32, #tpu.memory_space<vmem>>) semaphore(%arg19 : memref<!tpu.dma_semaphore, #tpu.memory_space<semaphore_mem>>)
    %dma_start3A_57 = arith.constant 0 : i32
    %dma_start3A_58 = arith.constant 2 : i32
    %dma_start3A_59 = arith.constant 0 : i32
    %dma_start3A_60 = tpu.memref_slice %arg7[%dma_start3A_57, %dma_start3A_58, %dma_start3A_59] : memref<3x8x25xi32, #tpu.memory_space<vmem>> -> memref<1x1x25xi32, #tpu.memory_space<vmem>>
    %dma_start3A_61 = tpu.memref_squeeze %dma_start3A_60 : memref<1x1x25xi32, #tpu.memory_space<vmem>> -> memref<25xi32, #tpu.memory_space<vmem>>
    %dma_start3A_62 = arith.constant 0 : i32
    %dma_start3A_63 = arith.constant 0 : i32
    %dma_start3A_64 = tpu.memref_slice %arg2[%dma_start3A_62, %dma_start3A_63] : memref<10240x128xf32, #tpu.memory_space<hbm>> -> memref<10240x128xf32, #tpu.memory_space<hbm>>
    tpu.enqueue_indirect_dma source(%dma_start3A_64 : memref<10240x128xf32, #tpu.memory_space<hbm>>) target(%arg12 : memref<25x128xf32, #tpu.memory_space<vmem>>) offsets(%dma_start3A_61 : memref<25xi32, #tpu.memory_space<vmem>>) semaphore(%arg20 : memref<!tpu.dma_semaphore, #tpu.memory_space<semaphore_mem>>)
    %dma_start3A_65 = arith.constant 0 : i32
    %dma_start3A_66 = arith.constant 3 : i32
    %dma_start3A_67 = arith.constant 0 : i32
    %dma_start3A_68 = tpu.memref_slice %arg7[%dma_start3A_65, %dma_start3A_66, %dma_start3A_67] : memref<3x8x25xi32, #tpu.memory_space<vmem>> -> memref<1x1x25xi32, #tpu.memory_space<vmem>>
    %dma_start3A_69 = tpu.memref_squeeze %dma_start3A_68 : memref<1x1x25xi32, #tpu.memory_space<vmem>> -> memref<25xi32, #tpu.memory_space<vmem>>
    %dma_start3A_70 = arith.constant 0 : i32
    %dma_start3A_71 = arith.constant 0 : i32
    %dma_start3A_72 = tpu.memref_slice %arg2[%dma_start3A_70, %dma_start3A_71] : memref<10240x128xf32, #tpu.memory_space<hbm>> -> memref<10240x128xf32, #tpu.memory_space<hbm>>
    tpu.enqueue_indirect_dma source(%dma_start3A_72 : memref<10240x128xf32, #tpu.memory_space<hbm>>) target(%arg13 : memref<25x128xf32, #tpu.memory_space<vmem>>) offsets(%dma_start3A_69 : memref<25xi32, #tpu.memory_space<vmem>>) semaphore(%arg21 : memref<!tpu.dma_semaphore, #tpu.memory_space<semaphore_mem>>)
    %scan3A = arith.constant 0 : i32
    %scan3A_73 = arith.constant 0 : i32
    %scan3A_74 = arith.constant 50 : i32
    %scan3A_75 = arith.addi %scan3A_73, %scan3A_74 : i32
    %scan3A_76 = arith.constant 1 : i32
    %scan3A_77 = scf.for %scan3A_111 = %scan3A_73 to %scan3A_75 step %scan3A_76 iter_args(%scan3A_112 = %scan3A) -> (i32)  : i32 {
      %rem3A = arith.constant 3 : i32
      %rem3A_113 = arith.remsi %scan3A_111, %rem3A : i32
      %add3A_114 = arith.constant 1 : i32
      %add3A_115 = arith.addi %scan3A_111, %add3A_114 : i32
      %rem3A_116 = arith.constant 3 : i32
      %rem3A_117 = arith.remsi %add3A_115, %rem3A_116 : i32
      %add3A_118 = arith.constant 2 : i32
      %add3A_119 = arith.addi %scan3A_111, %add3A_118 : i32
      %rem3A_120 = arith.constant 3 : i32
      %rem3A_121 = arith.remsi %add3A_119, %rem3A_120 : i32
      %mul3A_122 = arith.constant 8 : i32
      %mul3A_123 = arith.muli %scan3A_111, %mul3A_122 : i32
      %add3A_124 = arith.constant 0 : i32
      %add3A_125 = arith.addi %mul3A_123, %add3A_124 : i32
      %dma_wait3A_126 = arith.constant 0 : i32
      %dma_wait3A_127 = arith.constant 0 : i32
      %dma_wait3A_128 = tpu.memref_slice %arg7[%rem3A_113, %dma_wait3A_126, %dma_wait3A_127] : memref<3x8x25xi32, #tpu.memory_space<vmem>> -> memref<1x1x25xi32, #tpu.memory_space<vmem>>
      %dma_wait3A_129 = tpu.memref_squeeze %dma_wait3A_128 : memref<1x1x25xi32, #tpu.memory_space<vmem>> -> memref<25xi32, #tpu.memory_space<vmem>>
      %dma_wait3A_130 = arith.constant 0 : i32
      %dma_wait3A_131 = arith.constant 0 : i32
      %dma_wait3A_132 = tpu.memref_slice %arg2[%dma_wait3A_130, %dma_wait3A_131] : memref<10240x128xf32, #tpu.memory_space<hbm>> -> memref<10240x128xf32, #tpu.memory_space<hbm>>
      tpu.wait_indirect_dma semaphore(%arg18 : memref<!tpu.dma_semaphore, #tpu.memory_space<semaphore_mem>>) src(%dma_wait3A_132 : memref<10240x128xf32, #tpu.memory_space<hbm>>) dst(%arg10 : memref<25x128xf32, #tpu.memory_space<vmem>>)
      %dma_start3A_133 = arith.constant 0 : i32
      %dma_start3A_134 = arith.constant 0 : i32
      %dma_start3A_135 = tpu.memref_slice %arg8[%rem3A_113, %dma_start3A_133, %dma_start3A_134] : memref<3x8x25xi32, #tpu.memory_space<vmem>> -> memref<1x1x25xi32, #tpu.memory_space<vmem>>
      %dma_start3A_136 = tpu.memref_squeeze %dma_start3A_135 : memref<1x1x25xi32, #tpu.memory_space<vmem>> -> memref<25xi32, #tpu.memory_space<vmem>>
      %dma_start3A_137 = arith.constant 0 : i32
      %dma_start3A_138 = arith.constant 0 : i32
      %dma_start3A_139 = tpu.memref_slice %arg9[%dma_start3A_137, %dma_start3A_138] : memref<10240x128xf32, #tpu.memory_space<vmem_shared>> -> memref<10240x128xf32, #tpu.memory_space<vmem_shared>>
      tpu.enqueue_indirect_dma source(%arg10 : memref<25x128xf32, #tpu.memory_space<vmem>>) target(%dma_start3A_139 : memref<10240x128xf32, #tpu.memory_space<vmem_shared>>) offsets(%dma_start3A_136 : memref<25xi32, #tpu.memory_space<vmem>>) semaphore(%arg26 : memref<!tpu.dma_semaphore, #tpu.memory_space<semaphore_mem>>) {add = true}
      %ge3A = arith.constant 4 : i32
      %ge3A_140 = arith.cmpi sge, %add3A_125, %ge3A : i32
      %convert_element_type3A = arith.extui %ge3A_140 : i1 to i32
      %cond3A = arith.constant 0 : i32
      %cond3A_141 = arith.cmpi ne, %convert_element_type3A, %cond3A : i32
      scf.if %cond3A_141 {
        %dma_wait3A_373 = arith.constant 0 : i32
        %dma_wait3A_374 = arith.constant 0 : i32
        %dma_wait3A_375 = tpu.memref_slice %arg8[%rem3A_113, %dma_wait3A_373, %dma_wait3A_374] : memref<3x8x25xi32, #tpu.memory_space<vmem>> -> memref<1x1x25xi32, #tpu.memory_space<vmem>>
        %dma_wait3A_376 = tpu.memref_squeeze %dma_wait3A_375 : memref<1x1x25xi32, #tpu.memory_space<vmem>> -> memref<25xi32, #tpu.memory_space<vmem>>
        %dma_wait3A_377 = arith.constant 0 : i32
        %dma_wait3A_378 = arith.constant 0 : i32
        %dma_wait3A_379 = tpu.memref_slice %arg9[%dma_wait3A_377, %dma_wait3A_378] : memref<10240x128xf32, #tpu.memory_space<vmem_shared>> -> memref<10240x128xf32, #tpu.memory_space<vmem_shared>>
        tpu.wait_indirect_dma semaphore(%arg30 : memref<!tpu.dma_semaphore, #tpu.memory_space<semaphore_mem>>) src(%arg14 : memref<25x128xf32, #tpu.memory_space<vmem>>) dst(%dma_wait3A_379 : memref<10240x128xf32, #tpu.memory_space<vmem_shared>>)
      } else {
      }
      %add3A_142 = arith.constant 4 : i32
      %add3A_143 = arith.addi %add3A_125, %add3A_142 : i32
      %lt3A = arith.constant 400 : i32
      %lt3A_144 = arith.cmpi slt, %add3A_143, %lt3A : i32
      %convert_element_type3A_145 = arith.extui %lt3A_144 : i1 to i32
      %cond3A_146 = arith.constant 0 : i32
      %cond3A_147 = arith.cmpi ne, %convert_element_type3A_145, %cond3A_146 : i32
      scf.if %cond3A_147 {
        %dma_start3A_373 = arith.constant 4 : i32
        %dma_start3A_374 = arith.constant 0 : i32
        %dma_start3A_375 = tpu.memref_slice %arg7[%rem3A_113, %dma_start3A_373, %dma_start3A_374] : memref<3x8x25xi32, #tpu.memory_space<vmem>> -> memref<1x1x25xi32, #tpu.memory_space<vmem>>
        %dma_start3A_376 = tpu.memref_squeeze %dma_start3A_375 : memref<1x1x25xi32, #tpu.memory_space<vmem>> -> memref<25xi32, #tpu.memory_space<vmem>>
        %dma_start3A_377 = arith.constant 0 : i32
        %dma_start3A_378 = arith.constant 0 : i32
        %dma_start3A_379 = tpu.memref_slice %arg2[%dma_start3A_377, %dma_start3A_378] : memref<10240x128xf32, #tpu.memory_space<hbm>> -> memref<10240x128xf32, #tpu.memory_space<hbm>>
        tpu.enqueue_indirect_dma source(%dma_start3A_379 : memref<10240x128xf32, #tpu.memory_space<hbm>>) target(%arg14 : memref<25x128xf32, #tpu.memory_space<vmem>>) offsets(%dma_start3A_376 : memref<25xi32, #tpu.memory_space<vmem>>) semaphore(%arg22 : memref<!tpu.dma_semaphore, #tpu.memory_space<semaphore_mem>>)
      } else {
      }
      %mul3A_148 = arith.constant 8 : i32
      %mul3A_149 = arith.muli %scan3A_111, %mul3A_148 : i32
      %add3A_150 = arith.constant 1 : i32
      %add3A_151 = arith.addi %mul3A_149, %add3A_150 : i32
      %dma_wait3A_152 = arith.constant 1 : i32
      %dma_wait3A_153 = arith.constant 0 : i32
      %dma_wait3A_154 = tpu.memref_slice %arg7[%rem3A_113, %dma_wait3A_152, %dma_wait3A_153] : memref<3x8x25xi32, #tpu.memory_space<vmem>> -> memref<1x1x25xi32, #tpu.memory_space<vmem>>
      %dma_wait3A_155 = tpu.memref_squeeze %dma_wait3A_154 : memref<1x1x25xi32, #tpu.memory_space<vmem>> -> memref<25xi32, #tpu.memory_space<vmem>>
      %dma_wait3A_156 = arith.constant 0 : i32
      %dma_wait3A_157 = arith.constant 0 : i32
      %dma_wait3A_158 = tpu.memref_slice %arg2[%dma_wait3A_156, %dma_wait3A_157] : memref<10240x128xf32, #tpu.memory_space<hbm>> -> memref<10240x128xf32, #tpu.memory_space<hbm>>
      tpu.wait_indirect_dma semaphore(%arg19 : memref<!tpu.dma_semaphore, #tpu.memory_space<semaphore_mem>>) src(%dma_wait3A_158 : memref<10240x128xf32, #tpu.memory_space<hbm>>) dst(%arg11 : memref<25x128xf32, #tpu.memory_space<vmem>>)
      %dma_start3A_159 = arith.constant 1 : i32
      %dma_start3A_160 = arith.constant 0 : i32
      %dma_start3A_161 = tpu.memref_slice %arg8[%rem3A_113, %dma_start3A_159, %dma_start3A_160] : memref<3x8x25xi32, #tpu.memory_space<vmem>> -> memref<1x1x25xi32, #tpu.memory_space<vmem>>
      %dma_start3A_162 = tpu.memref_squeeze %dma_start3A_161 : memref<1x1x25xi32, #tpu.memory_space<vmem>> -> memref<25xi32, #tpu.memory_space<vmem>>
      %dma_start3A_163 = arith.constant 0 : i32
      %dma_start3A_164 = arith.constant 0 : i32
      %dma_start3A_165 = tpu.memref_slice %arg9[%dma_start3A_163, %dma_start3A_164] : memref<10240x128xf32, #tpu.memory_space<vmem_shared>> -> memref<10240x128xf32, #tpu.memory_space<vmem_shared>>
      tpu.enqueue_indirect_dma source(%arg11 : memref<25x128xf32, #tpu.memory_space<vmem>>) target(%dma_start3A_165 : memref<10240x128xf32, #tpu.memory_space<vmem_shared>>) offsets(%dma_start3A_162 : memref<25xi32, #tpu.memory_space<vmem>>) semaphore(%arg27 : memref<!tpu.dma_semaphore, #tpu.memory_space<semaphore_mem>>) {add = true}
      %ge3A_166 = arith.constant 4 : i32
      %ge3A_167 = arith.cmpi sge, %add3A_151, %ge3A_166 : i32
      %convert_element_type3A_168 = arith.extui %ge3A_167 : i1 to i32
      %cond3A_169 = arith.constant 0 : i32
      %cond3A_170 = arith.cmpi ne, %convert_element_type3A_168, %cond3A_169 : i32
      scf.if %cond3A_170 {
        %dma_wait3A_373 = arith.constant 1 : i32
        %dma_wait3A_374 = arith.constant 0 : i32
        %dma_wait3A_375 = tpu.memref_slice %arg8[%rem3A_113, %dma_wait3A_373, %dma_wait3A_374] : memref<3x8x25xi32, #tpu.memory_space<vmem>> -> memref<1x1x25xi32, #tpu.memory_space<vmem>>
        %dma_wait3A_376 = tpu.memref_squeeze %dma_wait3A_375 : memref<1x1x25xi32, #tpu.memory_space<vmem>> -> memref<25xi32, #tpu.memory_space<vmem>>
        %dma_wait3A_377 = arith.constant 0 : i32
        %dma_wait3A_378 = arith.constant 0 : i32
        %dma_wait3A_379 = tpu.memref_slice %arg9[%dma_wait3A_377, %dma_wait3A_378] : memref<10240x128xf32, #tpu.memory_space<vmem_shared>> -> memref<10240x128xf32, #tpu.memory_space<vmem_shared>>
        tpu.wait_indirect_dma semaphore(%arg31 : memref<!tpu.dma_semaphore, #tpu.memory_space<semaphore_mem>>) src(%arg15 : memref<25x128xf32, #tpu.memory_space<vmem>>) dst(%dma_wait3A_379 : memref<10240x128xf32, #tpu.memory_space<vmem_shared>>)
      } else {
      }
      %add3A_171 = arith.constant 4 : i32
      %add3A_172 = arith.addi %add3A_151, %add3A_171 : i32
      %lt3A_173 = arith.constant 400 : i32
      %lt3A_174 = arith.cmpi slt, %add3A_172, %lt3A_173 : i32
      %convert_element_type3A_175 = arith.extui %lt3A_174 : i1 to i32
      %cond3A_176 = arith.constant 0 : i32
      %cond3A_177 = arith.cmpi ne, %convert_element_type3A_175, %cond3A_176 : i32
      scf.if %cond3A_177 {
        %dma_start3A_373 = arith.constant 5 : i32
        %dma_start3A_374 = arith.constant 0 : i32
        %dma_start3A_375 = tpu.memref_slice %arg7[%rem3A_113, %dma_start3A_373, %dma_start3A_374] : memref<3x8x25xi32, #tpu.memory_space<vmem>> -> memref<1x1x25xi32, #tpu.memory_space<vmem>>
        %dma_start3A_376 = tpu.memref_squeeze %dma_start3A_375 : memref<1x1x25xi32, #tpu.memory_space<vmem>> -> memref<25xi32, #tpu.memory_space<vmem>>
        %dma_start3A_377 = arith.constant 0 : i32
        %dma_start3A_378 = arith.constant 0 : i32
        %dma_start3A_379 = tpu.memref_slice %arg2[%dma_start3A_377, %dma_start3A_378] : memref<10240x128xf32, #tpu.memory_space<hbm>> -> memref<10240x128xf32, #tpu.memory_space<hbm>>
        tpu.enqueue_indirect_dma source(%dma_start3A_379 : memref<10240x128xf32, #tpu.memory_space<hbm>>) target(%arg15 : memref<25x128xf32, #tpu.memory_space<vmem>>) offsets(%dma_start3A_376 : memref<25xi32, #tpu.memory_space<vmem>>) semaphore(%arg23 : memref<!tpu.dma_semaphore, #tpu.memory_space<semaphore_mem>>)
      } else {
      }
      %mul3A_178 = arith.constant 8 : i32
      %mul3A_179 = arith.muli %scan3A_111, %mul3A_178 : i32
      %add3A_180 = arith.constant 2 : i32
      %add3A_181 = arith.addi %mul3A_179, %add3A_180 : i32
      %dma_wait3A_182 = arith.constant 2 : i32
      %dma_wait3A_183 = arith.constant 0 : i32
      %dma_wait3A_184 = tpu.memref_slice %arg7[%rem3A_113, %dma_wait3A_182, %dma_wait3A_183] : memref<3x8x25xi32, #tpu.memory_space<vmem>> -> memref<1x1x25xi32, #tpu.memory_space<vmem>>
      %dma_wait3A_185 = tpu.memref_squeeze %dma_wait3A_184 : memref<1x1x25xi32, #tpu.memory_space<vmem>> -> memref<25xi32, #tpu.memory_space<vmem>>
      %dma_wait3A_186 = arith.constant 0 : i32
      %dma_wait3A_187 = arith.constant 0 : i32
      %dma_wait3A_188 = tpu.memref_slice %arg2[%dma_wait3A_186, %dma_wait3A_187] : memref<10240x128xf32, #tpu.memory_space<hbm>> -> memref<10240x128xf32, #tpu.memory_space<hbm>>
      tpu.wait_indirect_dma semaphore(%arg20 : memref<!tpu.dma_semaphore, #tpu.memory_space<semaphore_mem>>) src(%dma_wait3A_188 : memref<10240x128xf32, #tpu.memory_space<hbm>>) dst(%arg12 : memref<25x128xf32, #tpu.memory_space<vmem>>)
      %dma_start3A_189 = arith.constant 2 : i32
      %dma_start3A_190 = arith.constant 0 : i32
      %dma_start3A_191 = tpu.memref_slice %arg8[%rem3A_113, %dma_start3A_189, %dma_start3A_190] : memref<3x8x25xi32, #tpu.memory_space<vmem>> -> memref<1x1x25xi32, #tpu.memory_space<vmem>>
      %dma_start3A_192 = tpu.memref_squeeze %dma_start3A_191 : memref<1x1x25xi32, #tpu.memory_space<vmem>> -> memref<25xi32, #tpu.memory_space<vmem>>
      %dma_start3A_193 = arith.constant 0 : i32
      %dma_start3A_194 = arith.constant 0 : i32
      %dma_start3A_195 = tpu.memref_slice %arg9[%dma_start3A_193, %dma_start3A_194] : memref<10240x128xf32, #tpu.memory_space<vmem_shared>> -> memref<10240x128xf32, #tpu.memory_space<vmem_shared>>
      tpu.enqueue_indirect_dma source(%arg12 : memref<25x128xf32, #tpu.memory_space<vmem>>) target(%dma_start3A_195 : memref<10240x128xf32, #tpu.memory_space<vmem_shared>>) offsets(%dma_start3A_192 : memref<25xi32, #tpu.memory_space<vmem>>) semaphore(%arg28 : memref<!tpu.dma_semaphore, #tpu.memory_space<semaphore_mem>>) {add = true}
      %ge3A_196 = arith.constant 4 : i32
      %ge3A_197 = arith.cmpi sge, %add3A_181, %ge3A_196 : i32
      %convert_element_type3A_198 = arith.extui %ge3A_197 : i1 to i32
      %cond3A_199 = arith.constant 0 : i32
      %cond3A_200 = arith.cmpi ne, %convert_element_type3A_198, %cond3A_199 : i32
      scf.if %cond3A_200 {
        %dma_wait3A_373 = arith.constant 2 : i32
        %dma_wait3A_374 = arith.constant 0 : i32
        %dma_wait3A_375 = tpu.memref_slice %arg8[%rem3A_113, %dma_wait3A_373, %dma_wait3A_374] : memref<3x8x25xi32, #tpu.memory_space<vmem>> -> memref<1x1x25xi32, #tpu.memory_space<vmem>>
        %dma_wait3A_376 = tpu.memref_squeeze %dma_wait3A_375 : memref<1x1x25xi32, #tpu.memory_space<vmem>> -> memref<25xi32, #tpu.memory_space<vmem>>
        %dma_wait3A_377 = arith.constant 0 : i32
        %dma_wait3A_378 = arith.constant 0 : i32
        %dma_wait3A_379 = tpu.memref_slice %arg9[%dma_wait3A_377, %dma_wait3A_378] : memref<10240x128xf32, #tpu.memory_space<vmem_shared>> -> memref<10240x128xf32, #tpu.memory_space<vmem_shared>>
        tpu.wait_indirect_dma semaphore(%arg32 : memref<!tpu.dma_semaphore, #tpu.memory_space<semaphore_mem>>) src(%arg16 : memref<25x128xf32, #tpu.memory_space<vmem>>) dst(%dma_wait3A_379 : memref<10240x128xf32, #tpu.memory_space<vmem_shared>>)
      } else {
      }
      %add3A_201 = arith.constant 4 : i32
      %add3A_202 = arith.addi %add3A_181, %add3A_201 : i32
      %lt3A_203 = arith.constant 400 : i32
      %lt3A_204 = arith.cmpi slt, %add3A_202, %lt3A_203 : i32
      %convert_element_type3A_205 = arith.extui %lt3A_204 : i1 to i32
      %cond3A_206 = arith.constant 0 : i32
      %cond3A_207 = arith.cmpi ne, %convert_element_type3A_205, %cond3A_206 : i32
      scf.if %cond3A_207 {
        %dma_start3A_373 = arith.constant 6 : i32
        %dma_start3A_374 = arith.constant 0 : i32
        %dma_start3A_375 = tpu.memref_slice %arg7[%rem3A_113, %dma_start3A_373, %dma_start3A_374] : memref<3x8x25xi32, #tpu.memory_space<vmem>> -> memref<1x1x25xi32, #tpu.memory_space<vmem>>
        %dma_start3A_376 = tpu.memref_squeeze %dma_start3A_375 : memref<1x1x25xi32, #tpu.memory_space<vmem>> -> memref<25xi32, #tpu.memory_space<vmem>>
        %dma_start3A_377 = arith.constant 0 : i32
        %dma_start3A_378 = arith.constant 0 : i32
        %dma_start3A_379 = tpu.memref_slice %arg2[%dma_start3A_377, %dma_start3A_378] : memref<10240x128xf32, #tpu.memory_space<hbm>> -> memref<10240x128xf32, #tpu.memory_space<hbm>>
        tpu.enqueue_indirect_dma source(%dma_start3A_379 : memref<10240x128xf32, #tpu.memory_space<hbm>>) target(%arg16 : memref<25x128xf32, #tpu.memory_space<vmem>>) offsets(%dma_start3A_376 : memref<25xi32, #tpu.memory_space<vmem>>) semaphore(%arg24 : memref<!tpu.dma_semaphore, #tpu.memory_space<semaphore_mem>>)
      } else {
      }
      %mul3A_208 = arith.constant 8 : i32
      %mul3A_209 = arith.muli %scan3A_111, %mul3A_208 : i32
      %add3A_210 = arith.constant 3 : i32
      %add3A_211 = arith.addi %mul3A_209, %add3A_210 : i32
      %dma_wait3A_212 = arith.constant 3 : i32
      %dma_wait3A_213 = arith.constant 0 : i32
      %dma_wait3A_214 = tpu.memref_slice %arg7[%rem3A_113, %dma_wait3A_212, %dma_wait3A_213] : memref<3x8x25xi32, #tpu.memory_space<vmem>> -> memref<1x1x25xi32, #tpu.memory_space<vmem>>
      %dma_wait3A_215 = tpu.memref_squeeze %dma_wait3A_214 : memref<1x1x25xi32, #tpu.memory_space<vmem>> -> memref<25xi32, #tpu.memory_space<vmem>>
      %dma_wait3A_216 = arith.constant 0 : i32
      %dma_wait3A_217 = arith.constant 0 : i32
      %dma_wait3A_218 = tpu.memref_slice %arg2[%dma_wait3A_216, %dma_wait3A_217] : memref<10240x128xf32, #tpu.memory_space<hbm>> -> memref<10240x128xf32, #tpu.memory_space<hbm>>
      tpu.wait_indirect_dma semaphore(%arg21 : memref<!tpu.dma_semaphore, #tpu.memory_space<semaphore_mem>>) src(%dma_wait3A_218 : memref<10240x128xf32, #tpu.memory_space<hbm>>) dst(%arg13 : memref<25x128xf32, #tpu.memory_space<vmem>>)
      %dma_start3A_219 = arith.constant 3 : i32
      %dma_start3A_220 = arith.constant 0 : i32
      %dma_start3A_221 = tpu.memref_slice %arg8[%rem3A_113, %dma_start3A_219, %dma_start3A_220] : memref<3x8x25xi32, #tpu.memory_space<vmem>> -> memref<1x1x25xi32, #tpu.memory_space<vmem>>
      %dma_start3A_222 = tpu.memref_squeeze %dma_start3A_221 : memref<1x1x25xi32, #tpu.memory_space<vmem>> -> memref<25xi32, #tpu.memory_space<vmem>>
      %dma_start3A_223 = arith.constant 0 : i32
      %dma_start3A_224 = arith.constant 0 : i32
      %dma_start3A_225 = tpu.memref_slice %arg9[%dma_start3A_223, %dma_start3A_224] : memref<10240x128xf32, #tpu.memory_space<vmem_shared>> -> memref<10240x128xf32, #tpu.memory_space<vmem_shared>>
      tpu.enqueue_indirect_dma source(%arg13 : memref<25x128xf32, #tpu.memory_space<vmem>>) target(%dma_start3A_225 : memref<10240x128xf32, #tpu.memory_space<vmem_shared>>) offsets(%dma_start3A_222 : memref<25xi32, #tpu.memory_space<vmem>>) semaphore(%arg29 : memref<!tpu.dma_semaphore, #tpu.memory_space<semaphore_mem>>) {add = true}
      %add3A_226 = arith.constant 1 : i32
      %add3A_227 = arith.addi %scan3A_111, %add3A_226 : i32
      %lt3A_228 = arith.constant 50 : i32
      %lt3A_229 = arith.cmpi slt, %add3A_227, %lt3A_228 : i32
      %convert_element_type3A_230 = arith.extui %lt3A_229 : i1 to i32
      %cond3A_231 = arith.constant 0 : i32
      %cond3A_232 = arith.cmpi ne, %convert_element_type3A_230, %cond3A_231 : i32
      scf.if %cond3A_232 {
        %dma_wait3A_373 = arith.constant 0 : i32
        %dma_wait3A_374 = arith.constant 0 : i32
        %dma_wait3A_375 = arith.constant 0 : i32
        %dma_wait3A_376 = arith.constant 0 : i32
        %dma_wait3A_377 = tpu.memref_slice %arg7[%dma_wait3A_374, %dma_wait3A_375, %dma_wait3A_376] : memref<3x8x25xi32, #tpu.memory_space<vmem>> -> memref<1x8x25xi32, #tpu.memory_space<vmem>>
        %dma_wait3A_378 = tpu.memref_squeeze %dma_wait3A_377 : memref<1x8x25xi32, #tpu.memory_space<vmem>> -> memref<8x25xi32, #tpu.memory_space<vmem>>
        %dma_wait3A_379 = arith.constant 0 : i32
        %dma_wait3A_380 = arith.constant 0 : i32
        %dma_wait3A_381 = tpu.memref_slice %arg3[%add3A, %dma_wait3A_373, %dma_wait3A_379, %dma_wait3A_380] : memref<32x50x8x25xi32, #tpu.memory_space<hbm>> -> memref<1x1x8x25xi32, #tpu.memory_space<hbm>>
        %dma_wait3A_382 = tpu.memref_squeeze %dma_wait3A_381 : memref<1x1x8x25xi32, #tpu.memory_space<hbm>> -> memref<8x25xi32, #tpu.memory_space<hbm>>
        %dma_wait3A_383 = arith.constant 0 : i32
        %dma_wait3A_384 = arith.constant 0 : i32
        %dma_wait3A_385 = tpu.memref_slice %arg7[%dma_wait3A_374, %dma_wait3A_383, %dma_wait3A_384] : memref<3x8x25xi32, #tpu.memory_space<vmem>> -> memref<1x8x25xi32, #tpu.memory_space<vmem>>
        %dma_wait3A_386 = tpu.memref_squeeze %dma_wait3A_385 : memref<1x8x25xi32, #tpu.memory_space<vmem>> -> memref<8x25xi32, #tpu.memory_space<vmem>>
        %dma_wait3A_387 = arith.constant 0 : i32
        %dma_wait3A_388 = arith.constant 0 : i32
        %dma_wait3A_389 = tpu.memref_slice %arg3[%add3A, %dma_wait3A_373, %dma_wait3A_387, %dma_wait3A_388] : memref<32x50x8x25xi32, #tpu.memory_space<hbm>> -> memref<1x1x8x25xi32, #tpu.memory_space<hbm>>
        %dma_wait3A_390 = tpu.memref_squeeze %dma_wait3A_389 : memref<1x1x8x25xi32, #tpu.memory_space<hbm>> -> memref<8x25xi32, #tpu.memory_space<hbm>>
        tpu.wait_dma2 semaphore(%arg34 : memref<!tpu.dma_semaphore, #tpu.memory_space<semaphore_mem>>) src(%dma_wait3A_390 : memref<8x25xi32, #tpu.memory_space<hbm>>) dst(%dma_wait3A_386 : memref<8x25xi32, #tpu.memory_space<vmem>>)
        %dma_wait3A_391 = arith.constant 0 : i32
        %dma_wait3A_392 = arith.constant 0 : i32
        %dma_wait3A_393 = arith.constant 0 : i32
        %dma_wait3A_394 = arith.constant 0 : i32
        %dma_wait3A_395 = tpu.memref_slice %arg8[%dma_wait3A_392, %dma_wait3A_393, %dma_wait3A_394] : memref<3x8x25xi32, #tpu.memory_space<vmem>> -> memref<1x8x25xi32, #tpu.memory_space<vmem>>
        %dma_wait3A_396 = tpu.memref_squeeze %dma_wait3A_395 : memref<1x8x25xi32, #tpu.memory_space<vmem>> -> memref<8x25xi32, #tpu.memory_space<vmem>>
        %dma_wait3A_397 = arith.constant 0 : i32
        %dma_wait3A_398 = arith.constant 0 : i32
        %dma_wait3A_399 = tpu.memref_slice %arg4[%add3A, %dma_wait3A_391, %dma_wait3A_397, %dma_wait3A_398] : memref<32x50x8x25xi32, #tpu.memory_space<hbm>> -> memref<1x1x8x25xi32, #tpu.memory_space<hbm>>
        %dma_wait3A_400 = tpu.memref_squeeze %dma_wait3A_399 : memref<1x1x8x25xi32, #tpu.memory_space<hbm>> -> memref<8x25xi32, #tpu.memory_space<hbm>>
        %dma_wait3A_401 = arith.constant 0 : i32
        %dma_wait3A_402 = arith.constant 0 : i32
        %dma_wait3A_403 = tpu.memref_slice %arg8[%dma_wait3A_392, %dma_wait3A_401, %dma_wait3A_402] : memref<3x8x25xi32, #tpu.memory_space<vmem>> -> memref<1x8x25xi32, #tpu.memory_space<vmem>>
        %dma_wait3A_404 = tpu.memref_squeeze %dma_wait3A_403 : memref<1x8x25xi32, #tpu.memory_space<vmem>> -> memref<8x25xi32, #tpu.memory_space<vmem>>
        %dma_wait3A_405 = arith.constant 0 : i32
        %dma_wait3A_406 = arith.constant 0 : i32
        %dma_wait3A_407 = tpu.memref_slice %arg4[%add3A, %dma_wait3A_391, %dma_wait3A_405, %dma_wait3A_406] : memref<32x50x8x25xi32, #tpu.memory_space<hbm>> -> memref<1x1x8x25xi32, #tpu.memory_space<hbm>>
        %dma_wait3A_408 = tpu.memref_squeeze %dma_wait3A_407 : memref<1x1x8x25xi32, #tpu.memory_space<hbm>> -> memref<8x25xi32, #tpu.memory_space<hbm>>
        tpu.wait_dma2 semaphore(%arg34 : memref<!tpu.dma_semaphore, #tpu.memory_space<semaphore_mem>>) src(%dma_wait3A_408 : memref<8x25xi32, #tpu.memory_space<hbm>>) dst(%dma_wait3A_404 : memref<8x25xi32, #tpu.memory_space<vmem>>)
      } else {
      }
      %ge3A_233 = arith.constant 4 : i32
      %ge3A_234 = arith.cmpi sge, %add3A_211, %ge3A_233 : i32
      %convert_element_type3A_235 = arith.extui %ge3A_234 : i1 to i32
      %cond3A_236 = arith.constant 0 : i32
      %cond3A_237 = arith.cmpi ne, %convert_element_type3A_235, %cond3A_236 : i32
      scf.if %cond3A_237 {
        %dma_wait3A_373 = arith.constant 3 : i32
        %dma_wait3A_374 = arith.constant 0 : i32
        %dma_wait3A_375 = tpu.memref_slice %arg8[%rem3A_113, %dma_wait3A_373, %dma_wait3A_374] : memref<3x8x25xi32, #tpu.memory_space<vmem>> -> memref<1x1x25xi32, #tpu.memory_space<vmem>>
        %dma_wait3A_376 = tpu.memref_squeeze %dma_wait3A_375 : memref<1x1x25xi32, #tpu.memory_space<vmem>> -> memref<25xi32, #tpu.memory_space<vmem>>
        %dma_wait3A_377 = arith.constant 0 : i32
        %dma_wait3A_378 = arith.constant 0 : i32
        %dma_wait3A_379 = tpu.memref_slice %arg9[%dma_wait3A_377, %dma_wait3A_378] : memref<10240x128xf32, #tpu.memory_space<vmem_shared>> -> memref<10240x128xf32, #tpu.memory_space<vmem_shared>>
        tpu.wait_indirect_dma semaphore(%arg33 : memref<!tpu.dma_semaphore, #tpu.memory_space<semaphore_mem>>) src(%arg17 : memref<25x128xf32, #tpu.memory_space<vmem>>) dst(%dma_wait3A_379 : memref<10240x128xf32, #tpu.memory_space<vmem_shared>>)
      } else {
      }
      %add3A_238 = arith.constant 4 : i32
      %add3A_239 = arith.addi %add3A_211, %add3A_238 : i32
      %lt3A_240 = arith.constant 400 : i32
      %lt3A_241 = arith.cmpi slt, %add3A_239, %lt3A_240 : i32
      %convert_element_type3A_242 = arith.extui %lt3A_241 : i1 to i32
      %cond3A_243 = arith.constant 0 : i32
      %cond3A_244 = arith.cmpi ne, %convert_element_type3A_242, %cond3A_243 : i32
      scf.if %cond3A_244 {
        %dma_start3A_373 = arith.constant 7 : i32
        %dma_start3A_374 = arith.constant 0 : i32
        %dma_start3A_375 = tpu.memref_slice %arg7[%rem3A_113, %dma_start3A_373, %dma_start3A_374] : memref<3x8x25xi32, #tpu.memory_space<vmem>> -> memref<1x1x25xi32, #tpu.memory_space<vmem>>
        %dma_start3A_376 = tpu.memref_squeeze %dma_start3A_375 : memref<1x1x25xi32, #tpu.memory_space<vmem>> -> memref<25xi32, #tpu.memory_space<vmem>>
        %dma_start3A_377 = arith.constant 0 : i32
        %dma_start3A_378 = arith.constant 0 : i32
        %dma_start3A_379 = tpu.memref_slice %arg2[%dma_start3A_377, %dma_start3A_378] : memref<10240x128xf32, #tpu.memory_space<hbm>> -> memref<10240x128xf32, #tpu.memory_space<hbm>>
        tpu.enqueue_indirect_dma source(%dma_start3A_379 : memref<10240x128xf32, #tpu.memory_space<hbm>>) target(%arg17 : memref<25x128xf32, #tpu.memory_space<vmem>>) offsets(%dma_start3A_376 : memref<25xi32, #tpu.memory_space<vmem>>) semaphore(%arg25 : memref<!tpu.dma_semaphore, #tpu.memory_space<semaphore_mem>>)
      } else {
      }
      %mul3A_245 = arith.constant 8 : i32
      %mul3A_246 = arith.muli %scan3A_111, %mul3A_245 : i32
      %add3A_247 = arith.constant 4 : i32
      %add3A_248 = arith.addi %mul3A_246, %add3A_247 : i32
      %dma_wait3A_249 = arith.constant 4 : i32
      %dma_wait3A_250 = arith.constant 0 : i32
      %dma_wait3A_251 = tpu.memref_slice %arg7[%rem3A_113, %dma_wait3A_249, %dma_wait3A_250] : memref<3x8x25xi32, #tpu.memory_space<vmem>> -> memref<1x1x25xi32, #tpu.memory_space<vmem>>
      %dma_wait3A_252 = tpu.memref_squeeze %dma_wait3A_251 : memref<1x1x25xi32, #tpu.memory_space<vmem>> -> memref<25xi32, #tpu.memory_space<vmem>>
      %dma_wait3A_253 = arith.constant 0 : i32
      %dma_wait3A_254 = arith.constant 0 : i32
      %dma_wait3A_255 = tpu.memref_slice %arg2[%dma_wait3A_253, %dma_wait3A_254] : memref<10240x128xf32, #tpu.memory_space<hbm>> -> memref<10240x128xf32, #tpu.memory_space<hbm>>
      tpu.wait_indirect_dma semaphore(%arg22 : memref<!tpu.dma_semaphore, #tpu.memory_space<semaphore_mem>>) src(%dma_wait3A_255 : memref<10240x128xf32, #tpu.memory_space<hbm>>) dst(%arg14 : memref<25x128xf32, #tpu.memory_space<vmem>>)
      %dma_start3A_256 = arith.constant 4 : i32
      %dma_start3A_257 = arith.constant 0 : i32
      %dma_start3A_258 = tpu.memref_slice %arg8[%rem3A_113, %dma_start3A_256, %dma_start3A_257] : memref<3x8x25xi32, #tpu.memory_space<vmem>> -> memref<1x1x25xi32, #tpu.memory_space<vmem>>
      %dma_start3A_259 = tpu.memref_squeeze %dma_start3A_258 : memref<1x1x25xi32, #tpu.memory_space<vmem>> -> memref<25xi32, #tpu.memory_space<vmem>>
      %dma_start3A_260 = arith.constant 0 : i32
      %dma_start3A_261 = arith.constant 0 : i32
      %dma_start3A_262 = tpu.memref_slice %arg9[%dma_start3A_260, %dma_start3A_261] : memref<10240x128xf32, #tpu.memory_space<vmem_shared>> -> memref<10240x128xf32, #tpu.memory_space<vmem_shared>>
      tpu.enqueue_indirect_dma source(%arg14 : memref<25x128xf32, #tpu.memory_space<vmem>>) target(%dma_start3A_262 : memref<10240x128xf32, #tpu.memory_space<vmem_shared>>) offsets(%dma_start3A_259 : memref<25xi32, #tpu.memory_space<vmem>>) semaphore(%arg30 : memref<!tpu.dma_semaphore, #tpu.memory_space<semaphore_mem>>) {add = true}
      %add3A_263 = arith.constant 2 : i32
      %add3A_264 = arith.addi %scan3A_111, %add3A_263 : i32
      %lt3A_265 = arith.constant 50 : i32
      %lt3A_266 = arith.cmpi slt, %add3A_264, %lt3A_265 : i32
      %convert_element_type3A_267 = arith.extui %lt3A_266 : i1 to i32
      %cond3A_268 = arith.constant 0 : i32
      %cond3A_269 = arith.cmpi ne, %convert_element_type3A_267, %cond3A_268 : i32
      scf.if %cond3A_269 {
        %add3A_373 = arith.constant 2 : i32
        %add3A_374 = arith.addi %scan3A_111, %add3A_373 : i32
        %dma_start3A_375 = arith.constant 0 : i32
        %dma_start3A_376 = arith.constant 0 : i32
        %dma_start3A_377 = tpu.memref_slice %arg7[%rem3A_121, %dma_start3A_375, %dma_start3A_376] : memref<3x8x25xi32, #tpu.memory_space<vmem>> -> memref<1x8x25xi32, #tpu.memory_space<vmem>>
        %dma_start3A_378 = tpu.memref_squeeze %dma_start3A_377 : memref<1x8x25xi32, #tpu.memory_space<vmem>> -> memref<8x25xi32, #tpu.memory_space<vmem>>
        %dma_start3A_379 = arith.constant 0 : i32
        %dma_start3A_380 = arith.constant 0 : i32
        %dma_start3A_381 = tpu.memref_slice %arg3[%add3A, %add3A_374, %dma_start3A_379, %dma_start3A_380] : memref<32x50x8x25xi32, #tpu.memory_space<hbm>> -> memref<1x1x8x25xi32, #tpu.memory_space<hbm>>
        %dma_start3A_382 = tpu.memref_squeeze %dma_start3A_381 : memref<1x1x8x25xi32, #tpu.memory_space<hbm>> -> memref<8x25xi32, #tpu.memory_space<hbm>>
        %dma_start3A_383 = arith.constant 0 : i32
        %dma_start3A_384 = arith.constant 0 : i32
        %dma_start3A_385 = tpu.memref_slice %arg7[%rem3A_121, %dma_start3A_383, %dma_start3A_384] : memref<3x8x25xi32, #tpu.memory_space<vmem>> -> memref<1x8x25xi32, #tpu.memory_space<vmem>>
        %dma_start3A_386 = tpu.memref_squeeze %dma_start3A_385 : memref<1x8x25xi32, #tpu.memory_space<vmem>> -> memref<8x25xi32, #tpu.memory_space<vmem>>
        %dma_start3A_387 = arith.constant 0 : i32
        %dma_start3A_388 = arith.constant 0 : i32
        %dma_start3A_389 = tpu.memref_slice %arg3[%add3A, %add3A_374, %dma_start3A_387, %dma_start3A_388] : memref<32x50x8x25xi32, #tpu.memory_space<hbm>> -> memref<1x1x8x25xi32, #tpu.memory_space<hbm>>
        %dma_start3A_390 = tpu.memref_squeeze %dma_start3A_389 : memref<1x1x8x25xi32, #tpu.memory_space<hbm>> -> memref<8x25xi32, #tpu.memory_space<hbm>>
        tpu.enqueue_dma source(%dma_start3A_390 : memref<8x25xi32, #tpu.memory_space<hbm>>) target(%dma_start3A_386 : memref<8x25xi32, #tpu.memory_space<vmem>>) target_semaphore(%arg34 : memref<!tpu.dma_semaphore, #tpu.memory_space<semaphore_mem>>)
        %add3A_391 = arith.constant 2 : i32
        %add3A_392 = arith.addi %scan3A_111, %add3A_391 : i32
        %dma_start3A_393 = arith.constant 0 : i32
        %dma_start3A_394 = arith.constant 0 : i32
        %dma_start3A_395 = tpu.memref_slice %arg8[%rem3A_121, %dma_start3A_393, %dma_start3A_394] : memref<3x8x25xi32, #tpu.memory_space<vmem>> -> memref<1x8x25xi32, #tpu.memory_space<vmem>>
        %dma_start3A_396 = tpu.memref_squeeze %dma_start3A_395 : memref<1x8x25xi32, #tpu.memory_space<vmem>> -> memref<8x25xi32, #tpu.memory_space<vmem>>
        %dma_start3A_397 = arith.constant 0 : i32
        %dma_start3A_398 = arith.constant 0 : i32
        %dma_start3A_399 = tpu.memref_slice %arg4[%add3A, %add3A_392, %dma_start3A_397, %dma_start3A_398] : memref<32x50x8x25xi32, #tpu.memory_space<hbm>> -> memref<1x1x8x25xi32, #tpu.memory_space<hbm>>
        %dma_start3A_400 = tpu.memref_squeeze %dma_start3A_399 : memref<1x1x8x25xi32, #tpu.memory_space<hbm>> -> memref<8x25xi32, #tpu.memory_space<hbm>>
        %dma_start3A_401 = arith.constant 0 : i32
        %dma_start3A_402 = arith.constant 0 : i32
        %dma_start3A_403 = tpu.memref_slice %arg8[%rem3A_121, %dma_start3A_401, %dma_start3A_402] : memref<3x8x25xi32, #tpu.memory_space<vmem>> -> memref<1x8x25xi32, #tpu.memory_space<vmem>>
        %dma_start3A_404 = tpu.memref_squeeze %dma_start3A_403 : memref<1x8x25xi32, #tpu.memory_space<vmem>> -> memref<8x25xi32, #tpu.memory_space<vmem>>
        %dma_start3A_405 = arith.constant 0 : i32
        %dma_start3A_406 = arith.constant 0 : i32
        %dma_start3A_407 = tpu.memref_slice %arg4[%add3A, %add3A_392, %dma_start3A_405, %dma_start3A_406] : memref<32x50x8x25xi32, #tpu.memory_space<hbm>> -> memref<1x1x8x25xi32, #tpu.memory_space<hbm>>
        %dma_start3A_408 = tpu.memref_squeeze %dma_start3A_407 : memref<1x1x8x25xi32, #tpu.memory_space<hbm>> -> memref<8x25xi32, #tpu.memory_space<hbm>>
        tpu.enqueue_dma source(%dma_start3A_408 : memref<8x25xi32, #tpu.memory_space<hbm>>) target(%dma_start3A_404 : memref<8x25xi32, #tpu.memory_space<vmem>>) target_semaphore(%arg34 : memref<!tpu.dma_semaphore, #tpu.memory_space<semaphore_mem>>)
      } else {
      }
      %ge3A_270 = arith.constant 4 : i32
      %ge3A_271 = arith.cmpi sge, %add3A_248, %ge3A_270 : i32
      %convert_element_type3A_272 = arith.extui %ge3A_271 : i1 to i32
      %cond3A_273 = arith.constant 0 : i32
      %cond3A_274 = arith.cmpi ne, %convert_element_type3A_272, %cond3A_273 : i32
      scf.if %cond3A_274 {
        %dma_wait3A_373 = arith.constant 4 : i32
        %dma_wait3A_374 = arith.constant 0 : i32
        %dma_wait3A_375 = tpu.memref_slice %arg8[%rem3A_113, %dma_wait3A_373, %dma_wait3A_374] : memref<3x8x25xi32, #tpu.memory_space<vmem>> -> memref<1x1x25xi32, #tpu.memory_space<vmem>>
        %dma_wait3A_376 = tpu.memref_squeeze %dma_wait3A_375 : memref<1x1x25xi32, #tpu.memory_space<vmem>> -> memref<25xi32, #tpu.memory_space<vmem>>
        %dma_wait3A_377 = arith.constant 0 : i32
        %dma_wait3A_378 = arith.constant 0 : i32
        %dma_wait3A_379 = tpu.memref_slice %arg9[%dma_wait3A_377, %dma_wait3A_378] : memref<10240x128xf32, #tpu.memory_space<vmem_shared>> -> memref<10240x128xf32, #tpu.memory_space<vmem_shared>>
        tpu.wait_indirect_dma semaphore(%arg26 : memref<!tpu.dma_semaphore, #tpu.memory_space<semaphore_mem>>) src(%arg10 : memref<25x128xf32, #tpu.memory_space<vmem>>) dst(%dma_wait3A_379 : memref<10240x128xf32, #tpu.memory_space<vmem_shared>>)
      } else {
      }
      %add3A_275 = arith.constant 4 : i32
      %add3A_276 = arith.addi %add3A_248, %add3A_275 : i32
      %lt3A_277 = arith.constant 400 : i32
      %lt3A_278 = arith.cmpi slt, %add3A_276, %lt3A_277 : i32
      %convert_element_type3A_279 = arith.extui %lt3A_278 : i1 to i32
      %cond3A_280 = arith.constant 0 : i32
      %cond3A_281 = arith.cmpi ne, %convert_element_type3A_279, %cond3A_280 : i32
      scf.if %cond3A_281 {
        %dma_start3A_373 = arith.constant 0 : i32
        %dma_start3A_374 = arith.constant 0 : i32
        %dma_start3A_375 = tpu.memref_slice %arg7[%rem3A_117, %dma_start3A_373, %dma_start3A_374] : memref<3x8x25xi32, #tpu.memory_space<vmem>> -> memref<1x1x25xi32, #tpu.memory_space<vmem>>
        %dma_start3A_376 = tpu.memref_squeeze %dma_start3A_375 : memref<1x1x25xi32, #tpu.memory_space<vmem>> -> memref<25xi32, #tpu.memory_space<vmem>>
        %dma_start3A_377 = arith.constant 0 : i32
        %dma_start3A_378 = arith.constant 0 : i32
        %dma_start3A_379 = tpu.memref_slice %arg2[%dma_start3A_377, %dma_start3A_378] : memref<10240x128xf32, #tpu.memory_space<hbm>> -> memref<10240x128xf32, #tpu.memory_space<hbm>>
        tpu.enqueue_indirect_dma source(%dma_start3A_379 : memref<10240x128xf32, #tpu.memory_space<hbm>>) target(%arg10 : memref<25x128xf32, #tpu.memory_space<vmem>>) offsets(%dma_start3A_376 : memref<25xi32, #tpu.memory_space<vmem>>) semaphore(%arg18 : memref<!tpu.dma_semaphore, #tpu.memory_space<semaphore_mem>>)
      } else {
      }
      %mul3A_282 = arith.constant 8 : i32
      %mul3A_283 = arith.muli %scan3A_111, %mul3A_282 : i32
      %add3A_284 = arith.constant 5 : i32
      %add3A_285 = arith.addi %mul3A_283, %add3A_284 : i32
      %dma_wait3A_286 = arith.constant 5 : i32
      %dma_wait3A_287 = arith.constant 0 : i32
      %dma_wait3A_288 = tpu.memref_slice %arg7[%rem3A_113, %dma_wait3A_286, %dma_wait3A_287] : memref<3x8x25xi32, #tpu.memory_space<vmem>> -> memref<1x1x25xi32, #tpu.memory_space<vmem>>
      %dma_wait3A_289 = tpu.memref_squeeze %dma_wait3A_288 : memref<1x1x25xi32, #tpu.memory_space<vmem>> -> memref<25xi32, #tpu.memory_space<vmem>>
      %dma_wait3A_290 = arith.constant 0 : i32
      %dma_wait3A_291 = arith.constant 0 : i32
      %dma_wait3A_292 = tpu.memref_slice %arg2[%dma_wait3A_290, %dma_wait3A_291] : memref<10240x128xf32, #tpu.memory_space<hbm>> -> memref<10240x128xf32, #tpu.memory_space<hbm>>
      tpu.wait_indirect_dma semaphore(%arg23 : memref<!tpu.dma_semaphore, #tpu.memory_space<semaphore_mem>>) src(%dma_wait3A_292 : memref<10240x128xf32, #tpu.memory_space<hbm>>) dst(%arg15 : memref<25x128xf32, #tpu.memory_space<vmem>>)
      %dma_start3A_293 = arith.constant 5 : i32
      %dma_start3A_294 = arith.constant 0 : i32
      %dma_start3A_295 = tpu.memref_slice %arg8[%rem3A_113, %dma_start3A_293, %dma_start3A_294] : memref<3x8x25xi32, #tpu.memory_space<vmem>> -> memref<1x1x25xi32, #tpu.memory_space<vmem>>
      %dma_start3A_296 = tpu.memref_squeeze %dma_start3A_295 : memref<1x1x25xi32, #tpu.memory_space<vmem>> -> memref<25xi32, #tpu.memory_space<vmem>>
      %dma_start3A_297 = arith.constant 0 : i32
      %dma_start3A_298 = arith.constant 0 : i32
      %dma_start3A_299 = tpu.memref_slice %arg9[%dma_start3A_297, %dma_start3A_298] : memref<10240x128xf32, #tpu.memory_space<vmem_shared>> -> memref<10240x128xf32, #tpu.memory_space<vmem_shared>>
      tpu.enqueue_indirect_dma source(%arg15 : memref<25x128xf32, #tpu.memory_space<vmem>>) target(%dma_start3A_299 : memref<10240x128xf32, #tpu.memory_space<vmem_shared>>) offsets(%dma_start3A_296 : memref<25xi32, #tpu.memory_space<vmem>>) semaphore(%arg31 : memref<!tpu.dma_semaphore, #tpu.memory_space<semaphore_mem>>) {add = true}
      %ge3A_300 = arith.constant 4 : i32
      %ge3A_301 = arith.cmpi sge, %add3A_285, %ge3A_300 : i32
      %convert_element_type3A_302 = arith.extui %ge3A_301 : i1 to i32
      %cond3A_303 = arith.constant 0 : i32
      %cond3A_304 = arith.cmpi ne, %convert_element_type3A_302, %cond3A_303 : i32
      scf.if %cond3A_304 {
        %dma_wait3A_373 = arith.constant 5 : i32
        %dma_wait3A_374 = arith.constant 0 : i32
        %dma_wait3A_375 = tpu.memref_slice %arg8[%rem3A_113, %dma_wait3A_373, %dma_wait3A_374] : memref<3x8x25xi32, #tpu.memory_space<vmem>> -> memref<1x1x25xi32, #tpu.memory_space<vmem>>
        %dma_wait3A_376 = tpu.memref_squeeze %dma_wait3A_375 : memref<1x1x25xi32, #tpu.memory_space<vmem>> -> memref<25xi32, #tpu.memory_space<vmem>>
        %dma_wait3A_377 = arith.constant 0 : i32
        %dma_wait3A_378 = arith.constant 0 : i32
        %dma_wait3A_379 = tpu.memref_slice %arg9[%dma_wait3A_377, %dma_wait3A_378] : memref<10240x128xf32, #tpu.memory_space<vmem_shared>> -> memref<10240x128xf32, #tpu.memory_space<vmem_shared>>
        tpu.wait_indirect_dma semaphore(%arg27 : memref<!tpu.dma_semaphore, #tpu.memory_space<semaphore_mem>>) src(%arg11 : memref<25x128xf32, #tpu.memory_space<vmem>>) dst(%dma_wait3A_379 : memref<10240x128xf32, #tpu.memory_space<vmem_shared>>)
      } else {
      }
      %add3A_305 = arith.constant 4 : i32
      %add3A_306 = arith.addi %add3A_285, %add3A_305 : i32
      %lt3A_307 = arith.constant 400 : i32
      %lt3A_308 = arith.cmpi slt, %add3A_306, %lt3A_307 : i32
      %convert_element_type3A_309 = arith.extui %lt3A_308 : i1 to i32
      %cond3A_310 = arith.constant 0 : i32
      %cond3A_311 = arith.cmpi ne, %convert_element_type3A_309, %cond3A_310 : i32
      scf.if %cond3A_311 {
        %dma_start3A_373 = arith.constant 1 : i32
        %dma_start3A_374 = arith.constant 0 : i32
        %dma_start3A_375 = tpu.memref_slice %arg7[%rem3A_117, %dma_start3A_373, %dma_start3A_374] : memref<3x8x25xi32, #tpu.memory_space<vmem>> -> memref<1x1x25xi32, #tpu.memory_space<vmem>>
        %dma_start3A_376 = tpu.memref_squeeze %dma_start3A_375 : memref<1x1x25xi32, #tpu.memory_space<vmem>> -> memref<25xi32, #tpu.memory_space<vmem>>
        %dma_start3A_377 = arith.constant 0 : i32
        %dma_start3A_378 = arith.constant 0 : i32
        %dma_start3A_379 = tpu.memref_slice %arg2[%dma_start3A_377, %dma_start3A_378] : memref<10240x128xf32, #tpu.memory_space<hbm>> -> memref<10240x128xf32, #tpu.memory_space<hbm>>
        tpu.enqueue_indirect_dma source(%dma_start3A_379 : memref<10240x128xf32, #tpu.memory_space<hbm>>) target(%arg11 : memref<25x128xf32, #tpu.memory_space<vmem>>) offsets(%dma_start3A_376 : memref<25xi32, #tpu.memory_space<vmem>>) semaphore(%arg19 : memref<!tpu.dma_semaphore, #tpu.memory_space<semaphore_mem>>)
      } else {
      }
      %mul3A_312 = arith.constant 8 : i32
      %mul3A_313 = arith.muli %scan3A_111, %mul3A_312 : i32
      %add3A_314 = arith.constant 6 : i32
      %add3A_315 = arith.addi %mul3A_313, %add3A_314 : i32
      %dma_wait3A_316 = arith.constant 6 : i32
      %dma_wait3A_317 = arith.constant 0 : i32
      %dma_wait3A_318 = tpu.memref_slice %arg7[%rem3A_113, %dma_wait3A_316, %dma_wait3A_317] : memref<3x8x25xi32, #tpu.memory_space<vmem>> -> memref<1x1x25xi32, #tpu.memory_space<vmem>>
      %dma_wait3A_319 = tpu.memref_squeeze %dma_wait3A_318 : memref<1x1x25xi32, #tpu.memory_space<vmem>> -> memref<25xi32, #tpu.memory_space<vmem>>
      %dma_wait3A_320 = arith.constant 0 : i32
      %dma_wait3A_321 = arith.constant 0 : i32
      %dma_wait3A_322 = tpu.memref_slice %arg2[%dma_wait3A_320, %dma_wait3A_321] : memref<10240x128xf32, #tpu.memory_space<hbm>> -> memref<10240x128xf32, #tpu.memory_space<hbm>>
      tpu.wait_indirect_dma semaphore(%arg24 : memref<!tpu.dma_semaphore, #tpu.memory_space<semaphore_mem>>) src(%dma_wait3A_322 : memref<10240x128xf32, #tpu.memory_space<hbm>>) dst(%arg16 : memref<25x128xf32, #tpu.memory_space<vmem>>)
      %dma_start3A_323 = arith.constant 6 : i32
      %dma_start3A_324 = arith.constant 0 : i32
      %dma_start3A_325 = tpu.memref_slice %arg8[%rem3A_113, %dma_start3A_323, %dma_start3A_324] : memref<3x8x25xi32, #tpu.memory_space<vmem>> -> memref<1x1x25xi32, #tpu.memory_space<vmem>>
      %dma_start3A_326 = tpu.memref_squeeze %dma_start3A_325 : memref<1x1x25xi32, #tpu.memory_space<vmem>> -> memref<25xi32, #tpu.memory_space<vmem>>
      %dma_start3A_327 = arith.constant 0 : i32
      %dma_start3A_328 = arith.constant 0 : i32
      %dma_start3A_329 = tpu.memref_slice %arg9[%dma_start3A_327, %dma_start3A_328] : memref<10240x128xf32, #tpu.memory_space<vmem_shared>> -> memref<10240x128xf32, #tpu.memory_space<vmem_shared>>
      tpu.enqueue_indirect_dma source(%arg16 : memref<25x128xf32, #tpu.memory_space<vmem>>) target(%dma_start3A_329 : memref<10240x128xf32, #tpu.memory_space<vmem_shared>>) offsets(%dma_start3A_326 : memref<25xi32, #tpu.memory_space<vmem>>) semaphore(%arg32 : memref<!tpu.dma_semaphore, #tpu.memory_space<semaphore_mem>>) {add = true}
      %ge3A_330 = arith.constant 4 : i32
      %ge3A_331 = arith.cmpi sge, %add3A_315, %ge3A_330 : i32
      %convert_element_type3A_332 = arith.extui %ge3A_331 : i1 to i32
      %cond3A_333 = arith.constant 0 : i32
      %cond3A_334 = arith.cmpi ne, %convert_element_type3A_332, %cond3A_333 : i32
      scf.if %cond3A_334 {
        %dma_wait3A_373 = arith.constant 6 : i32
        %dma_wait3A_374 = arith.constant 0 : i32
        %dma_wait3A_375 = tpu.memref_slice %arg8[%rem3A_113, %dma_wait3A_373, %dma_wait3A_374] : memref<3x8x25xi32, #tpu.memory_space<vmem>> -> memref<1x1x25xi32, #tpu.memory_space<vmem>>
        %dma_wait3A_376 = tpu.memref_squeeze %dma_wait3A_375 : memref<1x1x25xi32, #tpu.memory_space<vmem>> -> memref<25xi32, #tpu.memory_space<vmem>>
        %dma_wait3A_377 = arith.constant 0 : i32
        %dma_wait3A_378 = arith.constant 0 : i32
        %dma_wait3A_379 = tpu.memref_slice %arg9[%dma_wait3A_377, %dma_wait3A_378] : memref<10240x128xf32, #tpu.memory_space<vmem_shared>> -> memref<10240x128xf32, #tpu.memory_space<vmem_shared>>
        tpu.wait_indirect_dma semaphore(%arg28 : memref<!tpu.dma_semaphore, #tpu.memory_space<semaphore_mem>>) src(%arg12 : memref<25x128xf32, #tpu.memory_space<vmem>>) dst(%dma_wait3A_379 : memref<10240x128xf32, #tpu.memory_space<vmem_shared>>)
      } else {
      }
      %add3A_335 = arith.constant 4 : i32
      %add3A_336 = arith.addi %add3A_315, %add3A_335 : i32
      %lt3A_337 = arith.constant 400 : i32
      %lt3A_338 = arith.cmpi slt, %add3A_336, %lt3A_337 : i32
      %convert_element_type3A_339 = arith.extui %lt3A_338 : i1 to i32
      %cond3A_340 = arith.constant 0 : i32
      %cond3A_341 = arith.cmpi ne, %convert_element_type3A_339, %cond3A_340 : i32
      scf.if %cond3A_341 {
        %dma_start3A_373 = arith.constant 2 : i32
        %dma_start3A_374 = arith.constant 0 : i32
        %dma_start3A_375 = tpu.memref_slice %arg7[%rem3A_117, %dma_start3A_373, %dma_start3A_374] : memref<3x8x25xi32, #tpu.memory_space<vmem>> -> memref<1x1x25xi32, #tpu.memory_space<vmem>>
        %dma_start3A_376 = tpu.memref_squeeze %dma_start3A_375 : memref<1x1x25xi32, #tpu.memory_space<vmem>> -> memref<25xi32, #tpu.memory_space<vmem>>
        %dma_start3A_377 = arith.constant 0 : i32
        %dma_start3A_378 = arith.constant 0 : i32
        %dma_start3A_379 = tpu.memref_slice %arg2[%dma_start3A_377, %dma_start3A_378] : memref<10240x128xf32, #tpu.memory_space<hbm>> -> memref<10240x128xf32, #tpu.memory_space<hbm>>
        tpu.enqueue_indirect_dma source(%dma_start3A_379 : memref<10240x128xf32, #tpu.memory_space<hbm>>) target(%arg12 : memref<25x128xf32, #tpu.memory_space<vmem>>) offsets(%dma_start3A_376 : memref<25xi32, #tpu.memory_space<vmem>>) semaphore(%arg20 : memref<!tpu.dma_semaphore, #tpu.memory_space<semaphore_mem>>)
      } else {
      }
      %mul3A_342 = arith.constant 8 : i32
      %mul3A_343 = arith.muli %scan3A_111, %mul3A_342 : i32
      %add3A_344 = arith.constant 7 : i32
      %add3A_345 = arith.addi %mul3A_343, %add3A_344 : i32
      %dma_wait3A_346 = arith.constant 7 : i32
      %dma_wait3A_347 = arith.constant 0 : i32
      %dma_wait3A_348 = tpu.memref_slice %arg7[%rem3A_113, %dma_wait3A_346, %dma_wait3A_347] : memref<3x8x25xi32, #tpu.memory_space<vmem>> -> memref<1x1x25xi32, #tpu.memory_space<vmem>>
      %dma_wait3A_349 = tpu.memref_squeeze %dma_wait3A_348 : memref<1x1x25xi32, #tpu.memory_space<vmem>> -> memref<25xi32, #tpu.memory_space<vmem>>
      %dma_wait3A_350 = arith.constant 0 : i32
      %dma_wait3A_351 = arith.constant 0 : i32
      %dma_wait3A_352 = tpu.memref_slice %arg2[%dma_wait3A_350, %dma_wait3A_351] : memref<10240x128xf32, #tpu.memory_space<hbm>> -> memref<10240x128xf32, #tpu.memory_space<hbm>>
      tpu.wait_indirect_dma semaphore(%arg25 : memref<!tpu.dma_semaphore, #tpu.memory_space<semaphore_mem>>) src(%dma_wait3A_352 : memref<10240x128xf32, #tpu.memory_space<hbm>>) dst(%arg17 : memref<25x128xf32, #tpu.memory_space<vmem>>)
      %dma_start3A_353 = arith.constant 7 : i32
      %dma_start3A_354 = arith.constant 0 : i32
      %dma_start3A_355 = tpu.memref_slice %arg8[%rem3A_113, %dma_start3A_353, %dma_start3A_354] : memref<3x8x25xi32, #tpu.memory_space<vmem>> -> memref<1x1x25xi32, #tpu.memory_space<vmem>>
      %dma_start3A_356 = tpu.memref_squeeze %dma_start3A_355 : memref<1x1x25xi32, #tpu.memory_space<vmem>> -> memref<25xi32, #tpu.memory_space<vmem>>
      %dma_start3A_357 = arith.constant 0 : i32
      %dma_start3A_358 = arith.constant 0 : i32
      %dma_start3A_359 = tpu.memref_slice %arg9[%dma_start3A_357, %dma_start3A_358] : memref<10240x128xf32, #tpu.memory_space<vmem_shared>> -> memref<10240x128xf32, #tpu.memory_space<vmem_shared>>
      tpu.enqueue_indirect_dma source(%arg17 : memref<25x128xf32, #tpu.memory_space<vmem>>) target(%dma_start3A_359 : memref<10240x128xf32, #tpu.memory_space<vmem_shared>>) offsets(%dma_start3A_356 : memref<25xi32, #tpu.memory_space<vmem>>) semaphore(%arg33 : memref<!tpu.dma_semaphore, #tpu.memory_space<semaphore_mem>>) {add = true}
      %ge3A_360 = arith.constant 4 : i32
      %ge3A_361 = arith.cmpi sge, %add3A_345, %ge3A_360 : i32
      %convert_element_type3A_362 = arith.extui %ge3A_361 : i1 to i32
      %cond3A_363 = arith.constant 0 : i32
      %cond3A_364 = arith.cmpi ne, %convert_element_type3A_362, %cond3A_363 : i32
      scf.if %cond3A_364 {
        %dma_wait3A_373 = arith.constant 7 : i32
        %dma_wait3A_374 = arith.constant 0 : i32
        %dma_wait3A_375 = tpu.memref_slice %arg8[%rem3A_113, %dma_wait3A_373, %dma_wait3A_374] : memref<3x8x25xi32, #tpu.memory_space<vmem>> -> memref<1x1x25xi32, #tpu.memory_space<vmem>>
        %dma_wait3A_376 = tpu.memref_squeeze %dma_wait3A_375 : memref<1x1x25xi32, #tpu.memory_space<vmem>> -> memref<25xi32, #tpu.memory_space<vmem>>
        %dma_wait3A_377 = arith.constant 0 : i32
        %dma_wait3A_378 = arith.constant 0 : i32
        %dma_wait3A_379 = tpu.memref_slice %arg9[%dma_wait3A_377, %dma_wait3A_378] : memref<10240x128xf32, #tpu.memory_space<vmem_shared>> -> memref<10240x128xf32, #tpu.memory_space<vmem_shared>>
        tpu.wait_indirect_dma semaphore(%arg29 : memref<!tpu.dma_semaphore, #tpu.memory_space<semaphore_mem>>) src(%arg13 : memref<25x128xf32, #tpu.memory_space<vmem>>) dst(%dma_wait3A_379 : memref<10240x128xf32, #tpu.memory_space<vmem_shared>>)
      } else {
      }
      %add3A_365 = arith.constant 4 : i32
      %add3A_366 = arith.addi %add3A_345, %add3A_365 : i32
      %lt3A_367 = arith.constant 400 : i32
      %lt3A_368 = arith.cmpi slt, %add3A_366, %lt3A_367 : i32
      %convert_element_type3A_369 = arith.extui %lt3A_368 : i1 to i32
      %cond3A_370 = arith.constant 0 : i32
      %cond3A_371 = arith.cmpi ne, %convert_element_type3A_369, %cond3A_370 : i32
      scf.if %cond3A_371 {
        %dma_start3A_373 = arith.constant 3 : i32
        %dma_start3A_374 = arith.constant 0 : i32
        %dma_start3A_375 = tpu.memref_slice %arg7[%rem3A_117, %dma_start3A_373, %dma_start3A_374] : memref<3x8x25xi32, #tpu.memory_space<vmem>> -> memref<1x1x25xi32, #tpu.memory_space<vmem>>
        %dma_start3A_376 = tpu.memref_squeeze %dma_start3A_375 : memref<1x1x25xi32, #tpu.memory_space<vmem>> -> memref<25xi32, #tpu.memory_space<vmem>>
        %dma_start3A_377 = arith.constant 0 : i32
        %dma_start3A_378 = arith.constant 0 : i32
        %dma_start3A_379 = tpu.memref_slice %arg2[%dma_start3A_377, %dma_start3A_378] : memref<10240x128xf32, #tpu.memory_space<hbm>> -> memref<10240x128xf32, #tpu.memory_space<hbm>>
        tpu.enqueue_indirect_dma source(%dma_start3A_379 : memref<10240x128xf32, #tpu.memory_space<hbm>>) target(%arg13 : memref<25x128xf32, #tpu.memory_space<vmem>>) offsets(%dma_start3A_376 : memref<25xi32, #tpu.memory_space<vmem>>) semaphore(%arg21 : memref<!tpu.dma_semaphore, #tpu.memory_space<semaphore_mem>>)
      } else {
      }
      %scan3A_372 = arith.constant 0 : i32
      scf.yield %scan3A_372 : i32
    }
    %scan3A_78 = arith.constant 50 : i32
    %dma_wait3A = arith.constant 0 : i32
    %dma_wait3A_79 = arith.constant 0 : i32
    %dma_wait3A_80 = arith.constant 0 : i32
    %dma_wait3A_81 = tpu.memref_slice %arg8[%dma_wait3A, %dma_wait3A_79, %dma_wait3A_80] : memref<3x8x25xi32, #tpu.memory_space<vmem>> -> memref<1x1x25xi32, #tpu.memory_space<vmem>>
    %dma_wait3A_82 = tpu.memref_squeeze %dma_wait3A_81 : memref<1x1x25xi32, #tpu.memory_space<vmem>> -> memref<25xi32, #tpu.memory_space<vmem>>
    %dma_wait3A_83 = arith.constant 0 : i32
    %dma_wait3A_84 = arith.constant 0 : i32
    %dma_wait3A_85 = tpu.memref_slice %arg9[%dma_wait3A_83, %dma_wait3A_84] : memref<10240x128xf32, #tpu.memory_space<vmem_shared>> -> memref<10240x128xf32, #tpu.memory_space<vmem_shared>>
    tpu.wait_indirect_dma semaphore(%arg30 : memref<!tpu.dma_semaphore, #tpu.memory_space<semaphore_mem>>) src(%arg14 : memref<25x128xf32, #tpu.memory_space<vmem>>) dst(%dma_wait3A_85 : memref<10240x128xf32, #tpu.memory_space<vmem_shared>>)
    %dma_wait3A_86 = arith.constant 0 : i32
    %dma_wait3A_87 = arith.constant 0 : i32
    %dma_wait3A_88 = arith.constant 0 : i32
    %dma_wait3A_89 = tpu.memref_slice %arg8[%dma_wait3A_86, %dma_wait3A_87, %dma_wait3A_88] : memref<3x8x25xi32, #tpu.memory_space<vmem>> -> memref<1x1x25xi32, #tpu.memory_space<vmem>>
    %dma_wait3A_90 = tpu.memref_squeeze %dma_wait3A_89 : memref<1x1x25xi32, #tpu.memory_space<vmem>> -> memref<25xi32, #tpu.memory_space<vmem>>
    %dma_wait3A_91 = arith.constant 0 : i32
    %dma_wait3A_92 = arith.constant 0 : i32
    %dma_wait3A_93 = tpu.memref_slice %arg9[%dma_wait3A_91, %dma_wait3A_92] : memref<10240x128xf32, #tpu.memory_space<vmem_shared>> -> memref<10240x128xf32, #tpu.memory_space<vmem_shared>>
    tpu.wait_indirect_dma semaphore(%arg31 : memref<!tpu.dma_semaphore, #tpu.memory_space<semaphore_mem>>) src(%arg15 : memref<25x128xf32, #tpu.memory_space<vmem>>) dst(%dma_wait3A_93 : memref<10240x128xf32, #tpu.memory_space<vmem_shared>>)
    %dma_wait3A_94 = arith.constant 0 : i32
    %dma_wait3A_95 = arith.constant 0 : i32
    %dma_wait3A_96 = arith.constant 0 : i32
    %dma_wait3A_97 = tpu.memref_slice %arg8[%dma_wait3A_94, %dma_wait3A_95, %dma_wait3A_96] : memref<3x8x25xi32, #tpu.memory_space<vmem>> -> memref<1x1x25xi32, #tpu.memory_space<vmem>>
    %dma_wait3A_98 = tpu.memref_squeeze %dma_wait3A_97 : memref<1x1x25xi32, #tpu.memory_space<vmem>> -> memref<25xi32, #tpu.memory_space<vmem>>
    %dma_wait3A_99 = arith.constant 0 : i32
    %dma_wait3A_100 = arith.constant 0 : i32
    %dma_wait3A_101 = tpu.memref_slice %arg9[%dma_wait3A_99, %dma_wait3A_100] : memref<10240x128xf32, #tpu.memory_space<vmem_shared>> -> memref<10240x128xf32, #tpu.memory_space<vmem_shared>>
    tpu.wait_indirect_dma semaphore(%arg32 : memref<!tpu.dma_semaphore, #tpu.memory_space<semaphore_mem>>) src(%arg16 : memref<25x128xf32, #tpu.memory_space<vmem>>) dst(%dma_wait3A_101 : memref<10240x128xf32, #tpu.memory_space<vmem_shared>>)
    %dma_wait3A_102 = arith.constant 0 : i32
    %dma_wait3A_103 = arith.constant 0 : i32
    %dma_wait3A_104 = arith.constant 0 : i32
    %dma_wait3A_105 = tpu.memref_slice %arg8[%dma_wait3A_102, %dma_wait3A_103, %dma_wait3A_104] : memref<3x8x25xi32, #tpu.memory_space<vmem>> -> memref<1x1x25xi32, #tpu.memory_space<vmem>>
    %dma_wait3A_106 = tpu.memref_squeeze %dma_wait3A_105 : memref<1x1x25xi32, #tpu.memory_space<vmem>> -> memref<25xi32, #tpu.memory_space<vmem>>
    %dma_wait3A_107 = arith.constant 0 : i32
    %dma_wait3A_108 = arith.constant 0 : i32
    %dma_wait3A_109 = tpu.memref_slice %arg9[%dma_wait3A_107, %dma_wait3A_108] : memref<10240x128xf32, #tpu.memory_space<vmem_shared>> -> memref<10240x128xf32, #tpu.memory_space<vmem_shared>>
    tpu.wait_indirect_dma semaphore(%arg33 : memref<!tpu.dma_semaphore, #tpu.memory_space<semaphore_mem>>) src(%arg17 : memref<25x128xf32, #tpu.memory_space<vmem>>) dst(%dma_wait3A_109 : memref<10240x128xf32, #tpu.memory_space<vmem_shared>>)
    %barrier3A_110 = arith.constant 0 : index
    tpu.barrier barrier_id(%barrier3A_110)
    "tpu.region"() ({
      %run_scoped3A_111 = tpu.sem_alloc : memref<!tpu.dma_semaphore, #tpu.memory_space<semaphore_mem>>
      %dma_start3A_112 = arith.constant 0 : i32
      %dma_start3A_113 = tpu.memref_slice %arg6[%arg0, %mul3A_2, %dma_start3A_112] : memref<2x10240x128xf32, #tpu.memory_space<hbm>> -> memref<1x640x128xf32, #tpu.memory_space<hbm>>
      %dma_start3A_114 = tpu.memref_squeeze %dma_start3A_113 : memref<1x640x128xf32, #tpu.memory_space<hbm>> -> memref<640x128xf32, #tpu.memory_space<hbm>>
      %dma_start3A_115 = arith.constant 0 : i32
      %dma_start3A_116 = tpu.memref_slice %arg9[%mul3A_2, %dma_start3A_115] : memref<10240x128xf32, #tpu.memory_space<vmem_shared>> -> memref<640x128xf32, #tpu.memory_space<vmem_shared>>
      tpu.enqueue_dma source(%dma_start3A_116 : memref<640x128xf32, #tpu.memory_space<vmem_shared>>) target(%dma_start3A_114 : memref<640x128xf32, #tpu.memory_space<hbm>>) target_semaphore(%run_scoped3A_111 : memref<!tpu.dma_semaphore, #tpu.memory_space<semaphore_mem>>)
      %dma_wait3A_117 = arith.constant 0 : i32
      %dma_wait3A_118 = tpu.memref_slice %arg6[%arg0, %mul3A_2, %dma_wait3A_117] : memref<2x10240x128xf32, #tpu.memory_space<hbm>> -> memref<1x640x128xf32, #tpu.memory_space<hbm>>
      %dma_wait3A_119 = tpu.memref_squeeze %dma_wait3A_118 : memref<1x640x128xf32, #tpu.memory_space<hbm>> -> memref<640x128xf32, #tpu.memory_space<hbm>>
      %dma_wait3A_120 = arith.constant 0 : i32
      %dma_wait3A_121 = tpu.memref_slice %arg9[%mul3A_2, %dma_wait3A_120] : memref<10240x128xf32, #tpu.memory_space<vmem_shared>> -> memref<640x128xf32, #tpu.memory_space<vmem_shared>>
      tpu.wait_dma2 semaphore(%run_scoped3A_111 : memref<!tpu.dma_semaphore, #tpu.memory_space<semaphore_mem>>) src(%dma_wait3A_121 : memref<640x128xf32, #tpu.memory_space<vmem_shared>>) dst(%dma_wait3A_119 : memref<640x128xf32, #tpu.memory_space<hbm>>)
      tpu.yield
    }) : () -> ()
    return
  }
}

#map = affine_map<(d0, d1) -> (0)>
#map1 = affine_map<(d0, d1) -> (0, 0, 0)>
module attributes {stable_mosaic.version = 14 : i64} {
  func.func @_sc_deg_body(%arg0: i32, %arg1: i32, %arg2: memref<320000xi32, #tpu.memory_space<hbm>>, %arg3: memref<2x16x10240xf32, #tpu.memory_space<hbm>>, %arg4: memref<10000xi32, #tpu.memory_space<vmem>>, %arg5: memref<10240xf32, #tpu.memory_space<vmem>>) attributes {dimension_semantics = [#tpu.dimension_semantics<core_parallel>, #tpu.dimension_semantics<subcore_parallel>], iteration_bounds = array<i64: 2, 16>, scalar_prefetch = 0 : i64, scratch_operands = 2 : i64, tpu.core_type = #tpu.core_type<sc_vector_subcore>, window_params = [{transform_indices = #map}, {transform_indices = #map1}]} {
    %mul3A = arith.constant 2 : i32
    %mul3A_0 = arith.muli %arg1, %mul3A : i32
    %add3A = arith.addi %mul3A_0, %arg0 : i32
    %broadcast_in_dim3A = arith.constant 0.000000e+00 : f32
    %broadcast_in_dim3A_1 = vector.broadcast %broadcast_in_dim3A : f32 to vector<16xf32>
    %scan3A = arith.constant 0 : i32
    %scan3A_2 = arith.constant 0 : i32
    %scan3A_3 = arith.constant 640 : i32
    %scan3A_4 = arith.addi %scan3A_2, %scan3A_3 : i32
    %scan3A_5 = arith.constant 1 : i32
    %scan3A_6 = scf.for %scan3A_19 = %scan3A_2 to %scan3A_4 step %scan3A_5 iter_args(%scan3A_20 = %scan3A) -> (i32)  : i32 {
      %mul3A_21 = arith.constant 16 : i32
      %mul3A_22 = arith.muli %scan3A_19, %mul3A_21 : i32
      %swap3A = arith.index_cast %mul3A_22 : i32 to index
      %swap3A_23 = tpu.vector_load %arg5[%swap3A] {strides = array<i32>} : memref<10240xf32, #tpu.memory_space<vmem>>, vector<16xf32>,
      tpu.vector_store %arg5[%swap3A], %broadcast_in_dim3A_1 {strides = array<i32>} : memref<10240xf32, #tpu.memory_space<vmem>>, vector<16xf32>,
      %scan3A_24 = arith.constant 0 : i32
      scf.yield %scan3A_24 : i32
    }
    %scan3A_7 = arith.constant 640 : i32
    %mul3A_8 = arith.constant 10000 : i32
    %mul3A_9 = arith.muli %add3A, %mul3A_8 : i32
    "tpu.region"() ({
      %run_scoped3A = tpu.sem_alloc : memref<!tpu.dma_semaphore, #tpu.memory_space<semaphore_mem>>
      %dma_start3A = tpu.memref_slice %arg2[%mul3A_9] : memref<320000xi32, #tpu.memory_space<hbm>> -> memref<10000xi32, #tpu.memory_space<hbm>>
      %dma_start3A_19 = tpu.memref_slice %arg2[%mul3A_9] : memref<320000xi32, #tpu.memory_space<hbm>> -> memref<10000xi32, #tpu.memory_space<hbm>>
      tpu.enqueue_dma source(%dma_start3A_19 : memref<10000xi32, #tpu.memory_space<hbm>>) target(%arg4 : memref<10000xi32, #tpu.memory_space<vmem>>) target_semaphore(%run_scoped3A : memref<!tpu.dma_semaphore, #tpu.memory_space<semaphore_mem>>)
      %dma_wait3A = tpu.memref_slice %arg2[%mul3A_9] : memref<320000xi32, #tpu.memory_space<hbm>> -> memref<10000xi32, #tpu.memory_space<hbm>>
      %dma_wait3A_20 = tpu.memref_slice %arg2[%mul3A_9] : memref<320000xi32, #tpu.memory_space<hbm>> -> memref<10000xi32, #tpu.memory_space<hbm>>
      tpu.wait_dma2 semaphore(%run_scoped3A : memref<!tpu.dma_semaphore, #tpu.memory_space<semaphore_mem>>) src(%dma_wait3A_20 : memref<10000xi32, #tpu.memory_space<hbm>>) dst(%arg4 : memref<10000xi32, #tpu.memory_space<vmem>>)
      tpu.yield
    }) : () -> ()
    %broadcast_in_dim3A_10 = arith.constant 1.000000e+00 : f32
    %broadcast_in_dim3A_11 = vector.broadcast %broadcast_in_dim3A_10 : f32 to vector<16xf32>
    %scan3A_12 = arith.constant 0 : i32
    %scan3A_13 = arith.constant 0 : i32
    %scan3A_14 = arith.constant 625 : i32
    %scan3A_15 = arith.addi %scan3A_13, %scan3A_14 : i32
    %scan3A_16 = arith.constant 1 : i32
    %scan3A_17 = scf.for %scan3A_19 = %scan3A_13 to %scan3A_15 step %scan3A_16 iter_args(%scan3A_20 = %scan3A_12) -> (i32)  : i32 {
      %mul3A_21 = arith.constant 16 : i32
      %mul3A_22 = arith.muli %scan3A_19, %mul3A_21 : i32
      %get3A = arith.index_cast %mul3A_22 : i32 to index
      %get3A_23 = tpu.vector_load %arg4[%get3A] {strides = array<i32>} : memref<10000xi32, #tpu.memory_space<vmem>>, vector<16xi32>,
      tpu.vector_store_idx %arg5[%get3A_23], %broadcast_in_dim3A_11 {add = true} : memref<10240xf32, #tpu.memory_space<vmem>>[vector<16xi32>], vector<16xf32>,
      %scan3A_24 = arith.constant 0 : i32
      scf.yield %scan3A_24 : i32
    }
    %scan3A_18 = arith.constant 625 : i32
    "tpu.region"() ({
      %run_scoped3A = tpu.sem_alloc : memref<!tpu.dma_semaphore, #tpu.memory_space<semaphore_mem>>
      %dma_start3A = arith.constant 0 : i32
      %dma_start3A_19 = tpu.memref_slice %arg3[%arg0, %arg1, %dma_start3A] : memref<2x16x10240xf32, #tpu.memory_space<hbm>> -> memref<1x1x10240xf32, #tpu.memory_space<hbm>>
      %dma_start3A_20 = tpu.memref_squeeze %dma_start3A_19 : memref<1x1x10240xf32, #tpu.memory_space<hbm>> -> memref<10240xf32, #tpu.memory_space<hbm>>
      %dma_start3A_21 = arith.constant 0 : i32
      %dma_start3A_22 = tpu.memref_slice %arg3[%arg0, %arg1, %dma_start3A_21] : memref<2x16x10240xf32, #tpu.memory_space<hbm>> -> memref<1x1x10240xf32, #tpu.memory_space<hbm>>
      %dma_start3A_23 = tpu.memref_squeeze %dma_start3A_22 : memref<1x1x10240xf32, #tpu.memory_space<hbm>> -> memref<10240xf32, #tpu.memory_space<hbm>>
      tpu.enqueue_dma source(%arg5 : memref<10240xf32, #tpu.memory_space<vmem>>) target(%dma_start3A_23 : memref<10240xf32, #tpu.memory_space<hbm>>) target_semaphore(%run_scoped3A : memref<!tpu.dma_semaphore, #tpu.memory_space<semaphore_mem>>)
      %dma_wait3A = arith.constant 0 : i32
      %dma_wait3A_24 = tpu.memref_slice %arg3[%arg0, %arg1, %dma_wait3A] : memref<2x16x10240xf32, #tpu.memory_space<hbm>> -> memref<1x1x10240xf32, #tpu.memory_space<hbm>>
      %dma_wait3A_25 = tpu.memref_squeeze %dma_wait3A_24 : memref<1x1x10240xf32, #tpu.memory_space<hbm>> -> memref<10240xf32, #tpu.memory_space<hbm>>
      %dma_wait3A_26 = arith.constant 0 : i32
      %dma_wait3A_27 = tpu.memref_slice %arg3[%arg0, %arg1, %dma_wait3A_26] : memref<2x16x10240xf32, #tpu.memory_space<hbm>> -> memref<1x1x10240xf32, #tpu.memory_space<hbm>>
      %dma_wait3A_28 = tpu.memref_squeeze %dma_wait3A_27 : memref<1x1x10240xf32, #tpu.memory_space<hbm>> -> memref<10240xf32, #tpu.memory_space<hbm>>
      tpu.wait_dma2 semaphore(%run_scoped3A : memref<!tpu.dma_semaphore, #tpu.memory_space<semaphore_mem>>) src(%arg5 : memref<10240xf32, #tpu.memory_space<vmem>>) dst(%dma_wait3A_28 : memref<10240xf32, #tpu.memory_space<hbm>>)
      tpu.yield
    }) : () -> ()
    return
  }
}

#map = affine_map<(d0, d1) -> (0, 0)>
#map1 = affine_map<(d0, d1) -> (0, 0, 0, 0)>
#map2 = affine_map<(d0, d1) -> (0, 0, 0)>
module attributes {stable_mosaic.version = 14 : i64} {
  func.func @_sc_agg_body(%arg0: i32, %arg1: i32, %arg2: memref<10240x128xf32, #tpu.memory_space<hbm>>, %arg3: memref<32x50x8x25xi32, #tpu.memory_space<hbm>>, %arg4: memref<32x50x8x25xi32, #tpu.memory_space<hbm>>, %arg5: memref<640x128xf32, #tpu.memory_space<hbm>>, %arg6: memref<2x10240x128xf32, #tpu.memory_space<hbm>>, %arg7: memref<3x8x25xi32, #tpu.memory_space<vmem>>, %arg8: memref<3x8x25xi32, #tpu.memory_space<vmem>>, %arg9: memref<10240x128xf32, #tpu.memory_space<vmem_shared>>, %arg10: memref<25x128xf32, #tpu.memory_space<vmem>>, %arg11: memref<25x128xf32, #tpu.memory_space<vmem>>, %arg12: memref<25x128xf32, #tpu.memory_space<vmem>>, %arg13: memref<25x128xf32, #tpu.memory_space<vmem>>, %arg14: memref<25x128xf32, #tpu.memory_space<vmem>>, %arg15: memref<25x128xf32, #tpu.memory_space<vmem>>, %arg16: memref<25x128xf32, #tpu.memory_space<vmem>>, %arg17: memref<25x128xf32, #tpu.memory_space<vmem>>, %arg18: memref<!tpu.dma_semaphore, #tpu.memory_space<semaphore_mem>>, %arg19: memref<!tpu.dma_semaphore, #tpu.memory_space<semaphore_mem>>, %arg20: memref<!tpu.dma_semaphore, #tpu.memory_space<semaphore_mem>>, %arg21: memref<!tpu.dma_semaphore, #tpu.memory_space<semaphore_mem>>, %arg22: memref<!tpu.dma_semaphore, #tpu.memory_space<semaphore_mem>>, %arg23: memref<!tpu.dma_semaphore, #tpu.memory_space<semaphore_mem>>, %arg24: memref<!tpu.dma_semaphore, #tpu.memory_space<semaphore_mem>>, %arg25: memref<!tpu.dma_semaphore, #tpu.memory_space<semaphore_mem>>, %arg26: memref<!tpu.dma_semaphore, #tpu.memory_space<semaphore_mem>>, %arg27: memref<!tpu.dma_semaphore, #tpu.memory_space<semaphore_mem>>, %arg28: memref<!tpu.dma_semaphore, #tpu.memory_space<semaphore_mem>>, %arg29: memref<!tpu.dma_semaphore, #tpu.memory_space<semaphore_mem>>, %arg30: memref<!tpu.dma_semaphore, #tpu.memory_space<semaphore_mem>>, %arg31: memref<!tpu.dma_semaphore, #tpu.memory_space<semaphore_mem>>, %arg32: memref<!tpu.dma_semaphore, #tpu.memory_space<semaphore_mem>>, %arg33: memref<!tpu.dma_semaphore, #tpu.memory_space<semaphore_mem>>, %arg34: memref<!tpu.dma_semaphore, #tpu.memory_space<semaphore_mem>>) attributes {dimension_semantics = [#tpu.dimension_semantics<core_parallel>, #tpu.dimension_semantics<subcore_parallel>], iteration_bounds = array<i64: 2, 16>, scalar_prefetch = 0 : i64, scratch_operands = 28 : i64, tpu.core_type = #tpu.core_type<sc_vector_subcore>, window_params = [{transform_indices = #map}, {transform_indices = #map1}, {transform_indices = #map1}, {transform_indices = #map}, {transform_indices = #map2}]} {
    %mul3A = arith.constant 2 : i32
    %mul3A_0 = arith.muli %arg1, %mul3A : i32
    %add3A = arith.addi %mul3A_0, %arg0 : i32
    %mul3A_1 = arith.constant 640 : i32
    %mul3A_2 = arith.muli %arg1, %mul3A_1 : i32
    "tpu.region"() ({
      %run_scoped3A_111 = tpu.sem_alloc : memref<!tpu.dma_semaphore, #tpu.memory_space<semaphore_mem>>
      %dma_start3A_112 = arith.constant 0 : i32
      %dma_start3A_113 = tpu.memref_slice %arg9[%mul3A_2, %dma_start3A_112] : memref<10240x128xf32, #tpu.memory_space<vmem_shared>> -> memref<640x128xf32, #tpu.memory_space<vmem_shared>>
      tpu.enqueue_dma source(%arg5 : memref<640x128xf32, #tpu.memory_space<hbm>>) target(%dma_start3A_113 : memref<640x128xf32, #tpu.memory_space<vmem_shared>>) target_semaphore(%run_scoped3A_111 : memref<!tpu.dma_semaphore, #tpu.memory_space<semaphore_mem>>)
      %dma_wait3A_114 = arith.constant 0 : i32
      %dma_wait3A_115 = tpu.memref_slice %arg9[%mul3A_2, %dma_wait3A_114] : memref<10240x128xf32, #tpu.memory_space<vmem_shared>> -> memref<640x128xf32, #tpu.memory_space<vmem_shared>>
      tpu.wait_dma2 semaphore(%run_scoped3A_111 : memref<!tpu.dma_semaphore, #tpu.memory_space<semaphore_mem>>) src(%arg5 : memref<640x128xf32, #tpu.memory_space<hbm>>) dst(%dma_wait3A_115 : memref<640x128xf32, #tpu.memory_space<vmem_shared>>)
      tpu.yield
    }) : () -> ()
    %barrier3A = arith.constant 0 : index
    tpu.barrier barrier_id(%barrier3A)
    %run_scoped3A = arith.constant 0 : i32
    %run_scoped3A_3 = arith.constant 0 : i32
    "tpu.region"() ({
      %run_scoped3A_111 = tpu.sem_alloc : memref<!tpu.dma_semaphore, #tpu.memory_space<semaphore_mem>>
      %dma_start3A_112 = arith.constant 0 : i32
      %dma_start3A_113 = arith.constant 0 : i32
      %dma_start3A_114 = tpu.memref_slice %arg7[%run_scoped3A_3, %dma_start3A_112, %dma_start3A_113] : memref<3x8x25xi32, #tpu.memory_space<vmem>> -> memref<1x8x25xi32, #tpu.memory_space<vmem>>
      %dma_start3A_115 = tpu.memref_squeeze %dma_start3A_114 : memref<1x8x25xi32, #tpu.memory_space<vmem>> -> memref<8x25xi32, #tpu.memory_space<vmem>>
      %dma_start3A_116 = arith.constant 0 : i32
      %dma_start3A_117 = arith.constant 0 : i32
      %dma_start3A_118 = tpu.memref_slice %arg3[%add3A, %run_scoped3A, %dma_start3A_116, %dma_start3A_117] : memref<32x50x8x25xi32, #tpu.memory_space<hbm>> -> memref<1x1x8x25xi32, #tpu.memory_space<hbm>>
      %dma_start3A_119 = tpu.memref_squeeze %dma_start3A_118 : memref<1x1x8x25xi32, #tpu.memory_space<hbm>> -> memref<8x25xi32, #tpu.memory_space<hbm>>
      %dma_start3A_120 = arith.constant 0 : i32
      %dma_start3A_121 = arith.constant 0 : i32
      %dma_start3A_122 = tpu.memref_slice %arg7[%run_scoped3A_3, %dma_start3A_120, %dma_start3A_121] : memref<3x8x25xi32, #tpu.memory_space<vmem>> -> memref<1x8x25xi32, #tpu.memory_space<vmem>>
      %dma_start3A_123 = tpu.memref_squeeze %dma_start3A_122 : memref<1x8x25xi32, #tpu.memory_space<vmem>> -> memref<8x25xi32, #tpu.memory_space<vmem>>
      %dma_start3A_124 = arith.constant 0 : i32
      %dma_start3A_125 = arith.constant 0 : i32
      %dma_start3A_126 = tpu.memref_slice %arg3[%add3A, %run_scoped3A, %dma_start3A_124, %dma_start3A_125] : memref<32x50x8x25xi32, #tpu.memory_space<hbm>> -> memref<1x1x8x25xi32, #tpu.memory_space<hbm>>
      %dma_start3A_127 = tpu.memref_squeeze %dma_start3A_126 : memref<1x1x8x25xi32, #tpu.memory_space<hbm>> -> memref<8x25xi32, #tpu.memory_space<hbm>>
      tpu.enqueue_dma source(%dma_start3A_127 : memref<8x25xi32, #tpu.memory_space<hbm>>) target(%dma_start3A_123 : memref<8x25xi32, #tpu.memory_space<vmem>>) target_semaphore(%run_scoped3A_111 : memref<!tpu.dma_semaphore, #tpu.memory_space<semaphore_mem>>)
      %dma_wait3A_128 = arith.constant 0 : i32
      %dma_wait3A_129 = arith.constant 0 : i32
      %dma_wait3A_130 = tpu.memref_slice %arg7[%run_scoped3A_3, %dma_wait3A_128, %dma_wait3A_129] : memref<3x8x25xi32, #tpu.memory_space<vmem>> -> memref<1x8x25xi32, #tpu.memory_space<vmem>>
      %dma_wait3A_131 = tpu.memref_squeeze %dma_wait3A_130 : memref<1x8x25xi32, #tpu.memory_space<vmem>> -> memref<8x25xi32, #tpu.memory_space<vmem>>
      %dma_wait3A_132 = arith.constant 0 : i32
      %dma_wait3A_133 = arith.constant 0 : i32
      %dma_wait3A_134 = tpu.memref_slice %arg3[%add3A, %run_scoped3A, %dma_wait3A_132, %dma_wait3A_133] : memref<32x50x8x25xi32, #tpu.memory_space<hbm>> -> memref<1x1x8x25xi32, #tpu.memory_space<hbm>>
      %dma_wait3A_135 = tpu.memref_squeeze %dma_wait3A_134 : memref<1x1x8x25xi32, #tpu.memory_space<hbm>> -> memref<8x25xi32, #tpu.memory_space<hbm>>
      %dma_wait3A_136 = arith.constant 0 : i32
      %dma_wait3A_137 = arith.constant 0 : i32
      %dma_wait3A_138 = tpu.memref_slice %arg7[%run_scoped3A_3, %dma_wait3A_136, %dma_wait3A_137] : memref<3x8x25xi32, #tpu.memory_space<vmem>> -> memref<1x8x25xi32, #tpu.memory_space<vmem>>
      %dma_wait3A_139 = tpu.memref_squeeze %dma_wait3A_138 : memref<1x8x25xi32, #tpu.memory_space<vmem>> -> memref<8x25xi32, #tpu.memory_space<vmem>>
      %dma_wait3A_140 = arith.constant 0 : i32
      %dma_wait3A_141 = arith.constant 0 : i32
      %dma_wait3A_142 = tpu.memref_slice %arg3[%add3A, %run_scoped3A, %dma_wait3A_140, %dma_wait3A_141] : memref<32x50x8x25xi32, #tpu.memory_space<hbm>> -> memref<1x1x8x25xi32, #tpu.memory_space<hbm>>
      %dma_wait3A_143 = tpu.memref_squeeze %dma_wait3A_142 : memref<1x1x8x25xi32, #tpu.memory_space<hbm>> -> memref<8x25xi32, #tpu.memory_space<hbm>>
      tpu.wait_dma2 semaphore(%run_scoped3A_111 : memref<!tpu.dma_semaphore, #tpu.memory_space<semaphore_mem>>) src(%dma_wait3A_143 : memref<8x25xi32, #tpu.memory_space<hbm>>) dst(%dma_wait3A_139 : memref<8x25xi32, #tpu.memory_space<vmem>>)
      tpu.yield
    }) : () -> ()
    %run_scoped3A_4 = arith.constant 0 : i32
    %run_scoped3A_5 = arith.constant 0 : i32
    "tpu.region"() ({
      %run_scoped3A_111 = tpu.sem_alloc : memref<!tpu.dma_semaphore, #tpu.memory_space<semaphore_mem>>
      %dma_start3A_112 = arith.constant 0 : i32
      %dma_start3A_113 = arith.constant 0 : i32
      %dma_start3A_114 = tpu.memref_slice %arg8[%run_scoped3A_5, %dma_start3A_112, %dma_start3A_113] : memref<3x8x25xi32, #tpu.memory_space<vmem>> -> memref<1x8x25xi32, #tpu.memory_space<vmem>>
      %dma_start3A_115 = tpu.memref_squeeze %dma_start3A_114 : memref<1x8x25xi32, #tpu.memory_space<vmem>> -> memref<8x25xi32, #tpu.memory_space<vmem>>
      %dma_start3A_116 = arith.constant 0 : i32
      %dma_start3A_117 = arith.constant 0 : i32
      %dma_start3A_118 = tpu.memref_slice %arg4[%add3A, %run_scoped3A_4, %dma_start3A_116, %dma_start3A_117] : memref<32x50x8x25xi32, #tpu.memory_space<hbm>> -> memref<1x1x8x25xi32, #tpu.memory_space<hbm>>
      %dma_start3A_119 = tpu.memref_squeeze %dma_start3A_118 : memref<1x1x8x25xi32, #tpu.memory_space<hbm>> -> memref<8x25xi32, #tpu.memory_space<hbm>>
      %dma_start3A_120 = arith.constant 0 : i32
      %dma_start3A_121 = arith.constant 0 : i32
      %dma_start3A_122 = tpu.memref_slice %arg8[%run_scoped3A_5, %dma_start3A_120, %dma_start3A_121] : memref<3x8x25xi32, #tpu.memory_space<vmem>> -> memref<1x8x25xi32, #tpu.memory_space<vmem>>
      %dma_start3A_123 = tpu.memref_squeeze %dma_start3A_122 : memref<1x8x25xi32, #tpu.memory_space<vmem>> -> memref<8x25xi32, #tpu.memory_space<vmem>>
      %dma_start3A_124 = arith.constant 0 : i32
      %dma_start3A_125 = arith.constant 0 : i32
      %dma_start3A_126 = tpu.memref_slice %arg4[%add3A, %run_scoped3A_4, %dma_start3A_124, %dma_start3A_125] : memref<32x50x8x25xi32, #tpu.memory_space<hbm>> -> memref<1x1x8x25xi32, #tpu.memory_space<hbm>>
      %dma_start3A_127 = tpu.memref_squeeze %dma_start3A_126 : memref<1x1x8x25xi32, #tpu.memory_space<hbm>> -> memref<8x25xi32, #tpu.memory_space<hbm>>
      tpu.enqueue_dma source(%dma_start3A_127 : memref<8x25xi32, #tpu.memory_space<hbm>>) target(%dma_start3A_123 : memref<8x25xi32, #tpu.memory_space<vmem>>) target_semaphore(%run_scoped3A_111 : memref<!tpu.dma_semaphore, #tpu.memory_space<semaphore_mem>>)
      %dma_wait3A_128 = arith.constant 0 : i32
      %dma_wait3A_129 = arith.constant 0 : i32
      %dma_wait3A_130 = tpu.memref_slice %arg8[%run_scoped3A_5, %dma_wait3A_128, %dma_wait3A_129] : memref<3x8x25xi32, #tpu.memory_space<vmem>> -> memref<1x8x25xi32, #tpu.memory_space<vmem>>
      %dma_wait3A_131 = tpu.memref_squeeze %dma_wait3A_130 : memref<1x8x25xi32, #tpu.memory_space<vmem>> -> memref<8x25xi32, #tpu.memory_space<vmem>>
      %dma_wait3A_132 = arith.constant 0 : i32
      %dma_wait3A_133 = arith.constant 0 : i32
      %dma_wait3A_134 = tpu.memref_slice %arg4[%add3A, %run_scoped3A_4, %dma_wait3A_132, %dma_wait3A_133] : memref<32x50x8x25xi32, #tpu.memory_space<hbm>> -> memref<1x1x8x25xi32, #tpu.memory_space<hbm>>
      %dma_wait3A_135 = tpu.memref_squeeze %dma_wait3A_134 : memref<1x1x8x25xi32, #tpu.memory_space<hbm>> -> memref<8x25xi32, #tpu.memory_space<hbm>>
      %dma_wait3A_136 = arith.constant 0 : i32
      %dma_wait3A_137 = arith.constant 0 : i32
      %dma_wait3A_138 = tpu.memref_slice %arg8[%run_scoped3A_5, %dma_wait3A_136, %dma_wait3A_137] : memref<3x8x25xi32, #tpu.memory_space<vmem>> -> memref<1x8x25xi32, #tpu.memory_space<vmem>>
      %dma_wait3A_139 = tpu.memref_squeeze %dma_wait3A_138 : memref<1x8x25xi32, #tpu.memory_space<vmem>> -> memref<8x25xi32, #tpu.memory_space<vmem>>
      %dma_wait3A_140 = arith.constant 0 : i32
      %dma_wait3A_141 = arith.constant 0 : i32
      %dma_wait3A_142 = tpu.memref_slice %arg4[%add3A, %run_scoped3A_4, %dma_wait3A_140, %dma_wait3A_141] : memref<32x50x8x25xi32, #tpu.memory_space<hbm>> -> memref<1x1x8x25xi32, #tpu.memory_space<hbm>>
      %dma_wait3A_143 = tpu.memref_squeeze %dma_wait3A_142 : memref<1x1x8x25xi32, #tpu.memory_space<hbm>> -> memref<8x25xi32, #tpu.memory_space<hbm>>
      tpu.wait_dma2 semaphore(%run_scoped3A_111 : memref<!tpu.dma_semaphore, #tpu.memory_space<semaphore_mem>>) src(%dma_wait3A_143 : memref<8x25xi32, #tpu.memory_space<hbm>>) dst(%dma_wait3A_139 : memref<8x25xi32, #tpu.memory_space<vmem>>)
      tpu.yield
    }) : () -> ()
    %dma_start3A = arith.constant 1 : i32
    %dma_start3A_6 = arith.constant 1 : i32
    %dma_start3A_7 = arith.constant 0 : i32
    %dma_start3A_8 = arith.constant 0 : i32
    %dma_start3A_9 = tpu.memref_slice %arg7[%dma_start3A_6, %dma_start3A_7, %dma_start3A_8] : memref<3x8x25xi32, #tpu.memory_space<vmem>> -> memref<1x8x25xi32, #tpu.memory_space<vmem>>
    %dma_start3A_10 = tpu.memref_squeeze %dma_start3A_9 : memref<1x8x25xi32, #tpu.memory_space<vmem>> -> memref<8x25xi32, #tpu.memory_space<vmem>>
    %dma_start3A_11 = arith.constant 0 : i32
    %dma_start3A_12 = arith.constant 0 : i32
    %dma_start3A_13 = tpu.memref_slice %arg3[%add3A, %dma_start3A, %dma_start3A_11, %dma_start3A_12] : memref<32x50x8x25xi32, #tpu.memory_space<hbm>> -> memref<1x1x8x25xi32, #tpu.memory_space<hbm>>
    %dma_start3A_14 = tpu.memref_squeeze %dma_start3A_13 : memref<1x1x8x25xi32, #tpu.memory_space<hbm>> -> memref<8x25xi32, #tpu.memory_space<hbm>>
    %dma_start3A_15 = arith.constant 0 : i32
    %dma_start3A_16 = arith.constant 0 : i32
    %dma_start3A_17 = tpu.memref_slice %arg7[%dma_start3A_6, %dma_start3A_15, %dma_start3A_16] : memref<3x8x25xi32, #tpu.memory_space<vmem>> -> memref<1x8x25xi32, #tpu.memory_space<vmem>>
    %dma_start3A_18 = tpu.memref_squeeze %dma_start3A_17 : memref<1x8x25xi32, #tpu.memory_space<vmem>> -> memref<8x25xi32, #tpu.memory_space<vmem>>
    %dma_start3A_19 = arith.constant 0 : i32
    %dma_start3A_20 = arith.constant 0 : i32
    %dma_start3A_21 = tpu.memref_slice %arg3[%add3A, %dma_start3A, %dma_start3A_19, %dma_start3A_20] : memref<32x50x8x25xi32, #tpu.memory_space<hbm>> -> memref<1x1x8x25xi32, #tpu.memory_space<hbm>>
    %dma_start3A_22 = tpu.memref_squeeze %dma_start3A_21 : memref<1x1x8x25xi32, #tpu.memory_space<hbm>> -> memref<8x25xi32, #tpu.memory_space<hbm>>
    tpu.enqueue_dma source(%dma_start3A_22 : memref<8x25xi32, #tpu.memory_space<hbm>>) target(%dma_start3A_18 : memref<8x25xi32, #tpu.memory_space<vmem>>) target_semaphore(%arg34 : memref<!tpu.dma_semaphore, #tpu.memory_space<semaphore_mem>>)
    %dma_start3A_23 = arith.constant 1 : i32
    %dma_start3A_24 = arith.constant 1 : i32
    %dma_start3A_25 = arith.constant 0 : i32
    %dma_start3A_26 = arith.constant 0 : i32
    %dma_start3A_27 = tpu.memref_slice %arg8[%dma_start3A_24, %dma_start3A_25, %dma_start3A_26] : memref<3x8x25xi32, #tpu.memory_space<vmem>> -> memref<1x8x25xi32, #tpu.memory_space<vmem>>
    %dma_start3A_28 = tpu.memref_squeeze %dma_start3A_27 : memref<1x8x25xi32, #tpu.memory_space<vmem>> -> memref<8x25xi32, #tpu.memory_space<vmem>>
    %dma_start3A_29 = arith.constant 0 : i32
    %dma_start3A_30 = arith.constant 0 : i32
    %dma_start3A_31 = tpu.memref_slice %arg4[%add3A, %dma_start3A_23, %dma_start3A_29, %dma_start3A_30] : memref<32x50x8x25xi32, #tpu.memory_space<hbm>> -> memref<1x1x8x25xi32, #tpu.memory_space<hbm>>
    %dma_start3A_32 = tpu.memref_squeeze %dma_start3A_31 : memref<1x1x8x25xi32, #tpu.memory_space<hbm>> -> memref<8x25xi32, #tpu.memory_space<hbm>>
    %dma_start3A_33 = arith.constant 0 : i32
    %dma_start3A_34 = arith.constant 0 : i32
    %dma_start3A_35 = tpu.memref_slice %arg8[%dma_start3A_24, %dma_start3A_33, %dma_start3A_34] : memref<3x8x25xi32, #tpu.memory_space<vmem>> -> memref<1x8x25xi32, #tpu.memory_space<vmem>>
    %dma_start3A_36 = tpu.memref_squeeze %dma_start3A_35 : memref<1x8x25xi32, #tpu.memory_space<vmem>> -> memref<8x25xi32, #tpu.memory_space<vmem>>
    %dma_start3A_37 = arith.constant 0 : i32
    %dma_start3A_38 = arith.constant 0 : i32
    %dma_start3A_39 = tpu.memref_slice %arg4[%add3A, %dma_start3A_23, %dma_start3A_37, %dma_start3A_38] : memref<32x50x8x25xi32, #tpu.memory_space<hbm>> -> memref<1x1x8x25xi32, #tpu.memory_space<hbm>>
    %dma_start3A_40 = tpu.memref_squeeze %dma_start3A_39 : memref<1x1x8x25xi32, #tpu.memory_space<hbm>> -> memref<8x25xi32, #tpu.memory_space<hbm>>
    tpu.enqueue_dma source(%dma_start3A_40 : memref<8x25xi32, #tpu.memory_space<hbm>>) target(%dma_start3A_36 : memref<8x25xi32, #tpu.memory_space<vmem>>) target_semaphore(%arg34 : memref<!tpu.dma_semaphore, #tpu.memory_space<semaphore_mem>>)
    %dma_start3A_41 = arith.constant 0 : i32
    %dma_start3A_42 = arith.constant 0 : i32
    %dma_start3A_43 = arith.constant 0 : i32
    %dma_start3A_44 = tpu.memref_slice %arg7[%dma_start3A_41, %dma_start3A_42, %dma_start3A_43] : memref<3x8x25xi32, #tpu.memory_space<vmem>> -> memref<1x1x25xi32, #tpu.memory_space<vmem>>
    %dma_start3A_45 = tpu.memref_squeeze %dma_start3A_44 : memref<1x1x25xi32, #tpu.memory_space<vmem>> -> memref<25xi32, #tpu.memory_space<vmem>>
    %dma_start3A_46 = arith.constant 0 : i32
    %dma_start3A_47 = arith.constant 0 : i32
    %dma_start3A_48 = tpu.memref_slice %arg2[%dma_start3A_46, %dma_start3A_47] : memref<10240x128xf32, #tpu.memory_space<hbm>> -> memref<10240x128xf32, #tpu.memory_space<hbm>>
    tpu.enqueue_indirect_dma source(%dma_start3A_48 : memref<10240x128xf32, #tpu.memory_space<hbm>>) target(%arg10 : memref<25x128xf32, #tpu.memory_space<vmem>>) offsets(%dma_start3A_45 : memref<25xi32, #tpu.memory_space<vmem>>) semaphore(%arg18 : memref<!tpu.dma_semaphore, #tpu.memory_space<semaphore_mem>>)
    %dma_start3A_49 = arith.constant 0 : i32
    %dma_start3A_50 = arith.constant 1 : i32
    %dma_start3A_51 = arith.constant 0 : i32
    %dma_start3A_52 = tpu.memref_slice %arg7[%dma_start3A_49, %dma_start3A_50, %dma_start3A_51] : memref<3x8x25xi32, #tpu.memory_space<vmem>> -> memref<1x1x25xi32, #tpu.memory_space<vmem>>
    %dma_start3A_53 = tpu.memref_squeeze %dma_start3A_52 : memref<1x1x25xi32, #tpu.memory_space<vmem>> -> memref<25xi32, #tpu.memory_space<vmem>>
    %dma_start3A_54 = arith.constant 0 : i32
    %dma_start3A_55 = arith.constant 0 : i32
    %dma_start3A_56 = tpu.memref_slice %arg2[%dma_start3A_54, %dma_start3A_55] : memref<10240x128xf32, #tpu.memory_space<hbm>> -> memref<10240x128xf32, #tpu.memory_space<hbm>>
    tpu.enqueue_indirect_dma source(%dma_start3A_56 : memref<10240x128xf32, #tpu.memory_space<hbm>>) target(%arg11 : memref<25x128xf32, #tpu.memory_space<vmem>>) offsets(%dma_start3A_53 : memref<25xi32, #tpu.memory_space<vmem>>) semaphore(%arg19 : memref<!tpu.dma_semaphore, #tpu.memory_space<semaphore_mem>>)
    %dma_start3A_57 = arith.constant 0 : i32
    %dma_start3A_58 = arith.constant 2 : i32
    %dma_start3A_59 = arith.constant 0 : i32
    %dma_start3A_60 = tpu.memref_slice %arg7[%dma_start3A_57, %dma_start3A_58, %dma_start3A_59] : memref<3x8x25xi32, #tpu.memory_space<vmem>> -> memref<1x1x25xi32, #tpu.memory_space<vmem>>
    %dma_start3A_61 = tpu.memref_squeeze %dma_start3A_60 : memref<1x1x25xi32, #tpu.memory_space<vmem>> -> memref<25xi32, #tpu.memory_space<vmem>>
    %dma_start3A_62 = arith.constant 0 : i32
    %dma_start3A_63 = arith.constant 0 : i32
    %dma_start3A_64 = tpu.memref_slice %arg2[%dma_start3A_62, %dma_start3A_63] : memref<10240x128xf32, #tpu.memory_space<hbm>> -> memref<10240x128xf32, #tpu.memory_space<hbm>>
    tpu.enqueue_indirect_dma source(%dma_start3A_64 : memref<10240x128xf32, #tpu.memory_space<hbm>>) target(%arg12 : memref<25x128xf32, #tpu.memory_space<vmem>>) offsets(%dma_start3A_61 : memref<25xi32, #tpu.memory_space<vmem>>) semaphore(%arg20 : memref<!tpu.dma_semaphore, #tpu.memory_space<semaphore_mem>>)
    %dma_start3A_65 = arith.constant 0 : i32
    %dma_start3A_66 = arith.constant 3 : i32
    %dma_start3A_67 = arith.constant 0 : i32
    %dma_start3A_68 = tpu.memref_slice %arg7[%dma_start3A_65, %dma_start3A_66, %dma_start3A_67] : memref<3x8x25xi32, #tpu.memory_space<vmem>> -> memref<1x1x25xi32, #tpu.memory_space<vmem>>
    %dma_start3A_69 = tpu.memref_squeeze %dma_start3A_68 : memref<1x1x25xi32, #tpu.memory_space<vmem>> -> memref<25xi32, #tpu.memory_space<vmem>>
    %dma_start3A_70 = arith.constant 0 : i32
    %dma_start3A_71 = arith.constant 0 : i32
    %dma_start3A_72 = tpu.memref_slice %arg2[%dma_start3A_70, %dma_start3A_71] : memref<10240x128xf32, #tpu.memory_space<hbm>> -> memref<10240x128xf32, #tpu.memory_space<hbm>>
    tpu.enqueue_indirect_dma source(%dma_start3A_72 : memref<10240x128xf32, #tpu.memory_space<hbm>>) target(%arg13 : memref<25x128xf32, #tpu.memory_space<vmem>>) offsets(%dma_start3A_69 : memref<25xi32, #tpu.memory_space<vmem>>) semaphore(%arg21 : memref<!tpu.dma_semaphore, #tpu.memory_space<semaphore_mem>>)
    %scan3A = arith.constant 0 : i32
    %scan3A_73 = arith.constant 0 : i32
    %scan3A_74 = arith.constant 50 : i32
    %scan3A_75 = arith.addi %scan3A_73, %scan3A_74 : i32
    %scan3A_76 = arith.constant 1 : i32
    %scan3A_77 = scf.for %scan3A_111 = %scan3A_73 to %scan3A_75 step %scan3A_76 iter_args(%scan3A_112 = %scan3A) -> (i32)  : i32 {
      %rem3A = arith.constant 3 : i32
      %rem3A_113 = arith.remsi %scan3A_111, %rem3A : i32
      %add3A_114 = arith.constant 1 : i32
      %add3A_115 = arith.addi %scan3A_111, %add3A_114 : i32
      %rem3A_116 = arith.constant 3 : i32
      %rem3A_117 = arith.remsi %add3A_115, %rem3A_116 : i32
      %add3A_118 = arith.constant 2 : i32
      %add3A_119 = arith.addi %scan3A_111, %add3A_118 : i32
      %rem3A_120 = arith.constant 3 : i32
      %rem3A_121 = arith.remsi %add3A_119, %rem3A_120 : i32
      %mul3A_122 = arith.constant 8 : i32
      %mul3A_123 = arith.muli %scan3A_111, %mul3A_122 : i32
      %add3A_124 = arith.constant 0 : i32
      %add3A_125 = arith.addi %mul3A_123, %add3A_124 : i32
      %dma_wait3A_126 = arith.constant 0 : i32
      %dma_wait3A_127 = arith.constant 0 : i32
      %dma_wait3A_128 = tpu.memref_slice %arg7[%rem3A_113, %dma_wait3A_126, %dma_wait3A_127] : memref<3x8x25xi32, #tpu.memory_space<vmem>> -> memref<1x1x25xi32, #tpu.memory_space<vmem>>
      %dma_wait3A_129 = tpu.memref_squeeze %dma_wait3A_128 : memref<1x1x25xi32, #tpu.memory_space<vmem>> -> memref<25xi32, #tpu.memory_space<vmem>>
      %dma_wait3A_130 = arith.constant 0 : i32
      %dma_wait3A_131 = arith.constant 0 : i32
      %dma_wait3A_132 = tpu.memref_slice %arg2[%dma_wait3A_130, %dma_wait3A_131] : memref<10240x128xf32, #tpu.memory_space<hbm>> -> memref<10240x128xf32, #tpu.memory_space<hbm>>
      tpu.wait_indirect_dma semaphore(%arg18 : memref<!tpu.dma_semaphore, #tpu.memory_space<semaphore_mem>>) src(%dma_wait3A_132 : memref<10240x128xf32, #tpu.memory_space<hbm>>) dst(%arg10 : memref<25x128xf32, #tpu.memory_space<vmem>>)
      %dma_start3A_133 = arith.constant 0 : i32
      %dma_start3A_134 = arith.constant 0 : i32
      %dma_start3A_135 = tpu.memref_slice %arg8[%rem3A_113, %dma_start3A_133, %dma_start3A_134] : memref<3x8x25xi32, #tpu.memory_space<vmem>> -> memref<1x1x25xi32, #tpu.memory_space<vmem>>
      %dma_start3A_136 = tpu.memref_squeeze %dma_start3A_135 : memref<1x1x25xi32, #tpu.memory_space<vmem>> -> memref<25xi32, #tpu.memory_space<vmem>>
      %dma_start3A_137 = arith.constant 0 : i32
      %dma_start3A_138 = arith.constant 0 : i32
      %dma_start3A_139 = tpu.memref_slice %arg9[%dma_start3A_137, %dma_start3A_138] : memref<10240x128xf32, #tpu.memory_space<vmem_shared>> -> memref<10240x128xf32, #tpu.memory_space<vmem_shared>>
      tpu.enqueue_indirect_dma source(%arg10 : memref<25x128xf32, #tpu.memory_space<vmem>>) target(%dma_start3A_139 : memref<10240x128xf32, #tpu.memory_space<vmem_shared>>) offsets(%dma_start3A_136 : memref<25xi32, #tpu.memory_space<vmem>>) semaphore(%arg26 : memref<!tpu.dma_semaphore, #tpu.memory_space<semaphore_mem>>) {add = true}
      %ge3A = arith.constant 4 : i32
      %ge3A_140 = arith.cmpi sge, %add3A_125, %ge3A : i32
      %convert_element_type3A = arith.extui %ge3A_140 : i1 to i32
      %cond3A = arith.constant 0 : i32
      %cond3A_141 = arith.cmpi ne, %convert_element_type3A, %cond3A : i32
      scf.if %cond3A_141 {
        %dma_wait3A_373 = arith.constant 0 : i32
        %dma_wait3A_374 = arith.constant 0 : i32
        %dma_wait3A_375 = tpu.memref_slice %arg8[%rem3A_113, %dma_wait3A_373, %dma_wait3A_374] : memref<3x8x25xi32, #tpu.memory_space<vmem>> -> memref<1x1x25xi32, #tpu.memory_space<vmem>>
        %dma_wait3A_376 = tpu.memref_squeeze %dma_wait3A_375 : memref<1x1x25xi32, #tpu.memory_space<vmem>> -> memref<25xi32, #tpu.memory_space<vmem>>
        %dma_wait3A_377 = arith.constant 0 : i32
        %dma_wait3A_378 = arith.constant 0 : i32
        %dma_wait3A_379 = tpu.memref_slice %arg9[%dma_wait3A_377, %dma_wait3A_378] : memref<10240x128xf32, #tpu.memory_space<vmem_shared>> -> memref<10240x128xf32, #tpu.memory_space<vmem_shared>>
        tpu.wait_indirect_dma semaphore(%arg30 : memref<!tpu.dma_semaphore, #tpu.memory_space<semaphore_mem>>) src(%arg14 : memref<25x128xf32, #tpu.memory_space<vmem>>) dst(%dma_wait3A_379 : memref<10240x128xf32, #tpu.memory_space<vmem_shared>>)
      } else {
      }
      %add3A_142 = arith.constant 4 : i32
      %add3A_143 = arith.addi %add3A_125, %add3A_142 : i32
      %lt3A = arith.constant 400 : i32
      %lt3A_144 = arith.cmpi slt, %add3A_143, %lt3A : i32
      %convert_element_type3A_145 = arith.extui %lt3A_144 : i1 to i32
      %cond3A_146 = arith.constant 0 : i32
      %cond3A_147 = arith.cmpi ne, %convert_element_type3A_145, %cond3A_146 : i32
      scf.if %cond3A_147 {
        %dma_start3A_373 = arith.constant 4 : i32
        %dma_start3A_374 = arith.constant 0 : i32
        %dma_start3A_375 = tpu.memref_slice %arg7[%rem3A_113, %dma_start3A_373, %dma_start3A_374] : memref<3x8x25xi32, #tpu.memory_space<vmem>> -> memref<1x1x25xi32, #tpu.memory_space<vmem>>
        %dma_start3A_376 = tpu.memref_squeeze %dma_start3A_375 : memref<1x1x25xi32, #tpu.memory_space<vmem>> -> memref<25xi32, #tpu.memory_space<vmem>>
        %dma_start3A_377 = arith.constant 0 : i32
        %dma_start3A_378 = arith.constant 0 : i32
        %dma_start3A_379 = tpu.memref_slice %arg2[%dma_start3A_377, %dma_start3A_378] : memref<10240x128xf32, #tpu.memory_space<hbm>> -> memref<10240x128xf32, #tpu.memory_space<hbm>>
        tpu.enqueue_indirect_dma source(%dma_start3A_379 : memref<10240x128xf32, #tpu.memory_space<hbm>>) target(%arg14 : memref<25x128xf32, #tpu.memory_space<vmem>>) offsets(%dma_start3A_376 : memref<25xi32, #tpu.memory_space<vmem>>) semaphore(%arg22 : memref<!tpu.dma_semaphore, #tpu.memory_space<semaphore_mem>>)
      } else {
      }
      %mul3A_148 = arith.constant 8 : i32
      %mul3A_149 = arith.muli %scan3A_111, %mul3A_148 : i32
      %add3A_150 = arith.constant 1 : i32
      %add3A_151 = arith.addi %mul3A_149, %add3A_150 : i32
      %dma_wait3A_152 = arith.constant 1 : i32
      %dma_wait3A_153 = arith.constant 0 : i32
      %dma_wait3A_154 = tpu.memref_slice %arg7[%rem3A_113, %dma_wait3A_152, %dma_wait3A_153] : memref<3x8x25xi32, #tpu.memory_space<vmem>> -> memref<1x1x25xi32, #tpu.memory_space<vmem>>
      %dma_wait3A_155 = tpu.memref_squeeze %dma_wait3A_154 : memref<1x1x25xi32, #tpu.memory_space<vmem>> -> memref<25xi32, #tpu.memory_space<vmem>>
      %dma_wait3A_156 = arith.constant 0 : i32
      %dma_wait3A_157 = arith.constant 0 : i32
      %dma_wait3A_158 = tpu.memref_slice %arg2[%dma_wait3A_156, %dma_wait3A_157] : memref<10240x128xf32, #tpu.memory_space<hbm>> -> memref<10240x128xf32, #tpu.memory_space<hbm>>
      tpu.wait_indirect_dma semaphore(%arg19 : memref<!tpu.dma_semaphore, #tpu.memory_space<semaphore_mem>>) src(%dma_wait3A_158 : memref<10240x128xf32, #tpu.memory_space<hbm>>) dst(%arg11 : memref<25x128xf32, #tpu.memory_space<vmem>>)
      %dma_start3A_159 = arith.constant 1 : i32
      %dma_start3A_160 = arith.constant 0 : i32
      %dma_start3A_161 = tpu.memref_slice %arg8[%rem3A_113, %dma_start3A_159, %dma_start3A_160] : memref<3x8x25xi32, #tpu.memory_space<vmem>> -> memref<1x1x25xi32, #tpu.memory_space<vmem>>
      %dma_start3A_162 = tpu.memref_squeeze %dma_start3A_161 : memref<1x1x25xi32, #tpu.memory_space<vmem>> -> memref<25xi32, #tpu.memory_space<vmem>>
      %dma_start3A_163 = arith.constant 0 : i32
      %dma_start3A_164 = arith.constant 0 : i32
      %dma_start3A_165 = tpu.memref_slice %arg9[%dma_start3A_163, %dma_start3A_164] : memref<10240x128xf32, #tpu.memory_space<vmem_shared>> -> memref<10240x128xf32, #tpu.memory_space<vmem_shared>>
      tpu.enqueue_indirect_dma source(%arg11 : memref<25x128xf32, #tpu.memory_space<vmem>>) target(%dma_start3A_165 : memref<10240x128xf32, #tpu.memory_space<vmem_shared>>) offsets(%dma_start3A_162 : memref<25xi32, #tpu.memory_space<vmem>>) semaphore(%arg27 : memref<!tpu.dma_semaphore, #tpu.memory_space<semaphore_mem>>) {add = true}
      %ge3A_166 = arith.constant 4 : i32
      %ge3A_167 = arith.cmpi sge, %add3A_151, %ge3A_166 : i32
      %convert_element_type3A_168 = arith.extui %ge3A_167 : i1 to i32
      %cond3A_169 = arith.constant 0 : i32
      %cond3A_170 = arith.cmpi ne, %convert_element_type3A_168, %cond3A_169 : i32
      scf.if %cond3A_170 {
        %dma_wait3A_373 = arith.constant 1 : i32
        %dma_wait3A_374 = arith.constant 0 : i32
        %dma_wait3A_375 = tpu.memref_slice %arg8[%rem3A_113, %dma_wait3A_373, %dma_wait3A_374] : memref<3x8x25xi32, #tpu.memory_space<vmem>> -> memref<1x1x25xi32, #tpu.memory_space<vmem>>
        %dma_wait3A_376 = tpu.memref_squeeze %dma_wait3A_375 : memref<1x1x25xi32, #tpu.memory_space<vmem>> -> memref<25xi32, #tpu.memory_space<vmem>>
        %dma_wait3A_377 = arith.constant 0 : i32
        %dma_wait3A_378 = arith.constant 0 : i32
        %dma_wait3A_379 = tpu.memref_slice %arg9[%dma_wait3A_377, %dma_wait3A_378] : memref<10240x128xf32, #tpu.memory_space<vmem_shared>> -> memref<10240x128xf32, #tpu.memory_space<vmem_shared>>
        tpu.wait_indirect_dma semaphore(%arg31 : memref<!tpu.dma_semaphore, #tpu.memory_space<semaphore_mem>>) src(%arg15 : memref<25x128xf32, #tpu.memory_space<vmem>>) dst(%dma_wait3A_379 : memref<10240x128xf32, #tpu.memory_space<vmem_shared>>)
      } else {
      }
      %add3A_171 = arith.constant 4 : i32
      %add3A_172 = arith.addi %add3A_151, %add3A_171 : i32
      %lt3A_173 = arith.constant 400 : i32
      %lt3A_174 = arith.cmpi slt, %add3A_172, %lt3A_173 : i32
      %convert_element_type3A_175 = arith.extui %lt3A_174 : i1 to i32
      %cond3A_176 = arith.constant 0 : i32
      %cond3A_177 = arith.cmpi ne, %convert_element_type3A_175, %cond3A_176 : i32
      scf.if %cond3A_177 {
        %dma_start3A_373 = arith.constant 5 : i32
        %dma_start3A_374 = arith.constant 0 : i32
        %dma_start3A_375 = tpu.memref_slice %arg7[%rem3A_113, %dma_start3A_373, %dma_start3A_374] : memref<3x8x25xi32, #tpu.memory_space<vmem>> -> memref<1x1x25xi32, #tpu.memory_space<vmem>>
        %dma_start3A_376 = tpu.memref_squeeze %dma_start3A_375 : memref<1x1x25xi32, #tpu.memory_space<vmem>> -> memref<25xi32, #tpu.memory_space<vmem>>
        %dma_start3A_377 = arith.constant 0 : i32
        %dma_start3A_378 = arith.constant 0 : i32
        %dma_start3A_379 = tpu.memref_slice %arg2[%dma_start3A_377, %dma_start3A_378] : memref<10240x128xf32, #tpu.memory_space<hbm>> -> memref<10240x128xf32, #tpu.memory_space<hbm>>
        tpu.enqueue_indirect_dma source(%dma_start3A_379 : memref<10240x128xf32, #tpu.memory_space<hbm>>) target(%arg15 : memref<25x128xf32, #tpu.memory_space<vmem>>) offsets(%dma_start3A_376 : memref<25xi32, #tpu.memory_space<vmem>>) semaphore(%arg23 : memref<!tpu.dma_semaphore, #tpu.memory_space<semaphore_mem>>)
      } else {
      }
      %mul3A_178 = arith.constant 8 : i32
      %mul3A_179 = arith.muli %scan3A_111, %mul3A_178 : i32
      %add3A_180 = arith.constant 2 : i32
      %add3A_181 = arith.addi %mul3A_179, %add3A_180 : i32
      %dma_wait3A_182 = arith.constant 2 : i32
      %dma_wait3A_183 = arith.constant 0 : i32
      %dma_wait3A_184 = tpu.memref_slice %arg7[%rem3A_113, %dma_wait3A_182, %dma_wait3A_183] : memref<3x8x25xi32, #tpu.memory_space<vmem>> -> memref<1x1x25xi32, #tpu.memory_space<vmem>>
      %dma_wait3A_185 = tpu.memref_squeeze %dma_wait3A_184 : memref<1x1x25xi32, #tpu.memory_space<vmem>> -> memref<25xi32, #tpu.memory_space<vmem>>
      %dma_wait3A_186 = arith.constant 0 : i32
      %dma_wait3A_187 = arith.constant 0 : i32
      %dma_wait3A_188 = tpu.memref_slice %arg2[%dma_wait3A_186, %dma_wait3A_187] : memref<10240x128xf32, #tpu.memory_space<hbm>> -> memref<10240x128xf32, #tpu.memory_space<hbm>>
      tpu.wait_indirect_dma semaphore(%arg20 : memref<!tpu.dma_semaphore, #tpu.memory_space<semaphore_mem>>) src(%dma_wait3A_188 : memref<10240x128xf32, #tpu.memory_space<hbm>>) dst(%arg12 : memref<25x128xf32, #tpu.memory_space<vmem>>)
      %dma_start3A_189 = arith.constant 2 : i32
      %dma_start3A_190 = arith.constant 0 : i32
      %dma_start3A_191 = tpu.memref_slice %arg8[%rem3A_113, %dma_start3A_189, %dma_start3A_190] : memref<3x8x25xi32, #tpu.memory_space<vmem>> -> memref<1x1x25xi32, #tpu.memory_space<vmem>>
      %dma_start3A_192 = tpu.memref_squeeze %dma_start3A_191 : memref<1x1x25xi32, #tpu.memory_space<vmem>> -> memref<25xi32, #tpu.memory_space<vmem>>
      %dma_start3A_193 = arith.constant 0 : i32
      %dma_start3A_194 = arith.constant 0 : i32
      %dma_start3A_195 = tpu.memref_slice %arg9[%dma_start3A_193, %dma_start3A_194] : memref<10240x128xf32, #tpu.memory_space<vmem_shared>> -> memref<10240x128xf32, #tpu.memory_space<vmem_shared>>
      tpu.enqueue_indirect_dma source(%arg12 : memref<25x128xf32, #tpu.memory_space<vmem>>) target(%dma_start3A_195 : memref<10240x128xf32, #tpu.memory_space<vmem_shared>>) offsets(%dma_start3A_192 : memref<25xi32, #tpu.memory_space<vmem>>) semaphore(%arg28 : memref<!tpu.dma_semaphore, #tpu.memory_space<semaphore_mem>>) {add = true}
      %ge3A_196 = arith.constant 4 : i32
      %ge3A_197 = arith.cmpi sge, %add3A_181, %ge3A_196 : i32
      %convert_element_type3A_198 = arith.extui %ge3A_197 : i1 to i32
      %cond3A_199 = arith.constant 0 : i32
      %cond3A_200 = arith.cmpi ne, %convert_element_type3A_198, %cond3A_199 : i32
      scf.if %cond3A_200 {
        %dma_wait3A_373 = arith.constant 2 : i32
        %dma_wait3A_374 = arith.constant 0 : i32
        %dma_wait3A_375 = tpu.memref_slice %arg8[%rem3A_113, %dma_wait3A_373, %dma_wait3A_374] : memref<3x8x25xi32, #tpu.memory_space<vmem>> -> memref<1x1x25xi32, #tpu.memory_space<vmem>>
        %dma_wait3A_376 = tpu.memref_squeeze %dma_wait3A_375 : memref<1x1x25xi32, #tpu.memory_space<vmem>> -> memref<25xi32, #tpu.memory_space<vmem>>
        %dma_wait3A_377 = arith.constant 0 : i32
        %dma_wait3A_378 = arith.constant 0 : i32
        %dma_wait3A_379 = tpu.memref_slice %arg9[%dma_wait3A_377, %dma_wait3A_378] : memref<10240x128xf32, #tpu.memory_space<vmem_shared>> -> memref<10240x128xf32, #tpu.memory_space<vmem_shared>>
        tpu.wait_indirect_dma semaphore(%arg32 : memref<!tpu.dma_semaphore, #tpu.memory_space<semaphore_mem>>) src(%arg16 : memref<25x128xf32, #tpu.memory_space<vmem>>) dst(%dma_wait3A_379 : memref<10240x128xf32, #tpu.memory_space<vmem_shared>>)
      } else {
      }
      %add3A_201 = arith.constant 4 : i32
      %add3A_202 = arith.addi %add3A_181, %add3A_201 : i32
      %lt3A_203 = arith.constant 400 : i32
      %lt3A_204 = arith.cmpi slt, %add3A_202, %lt3A_203 : i32
      %convert_element_type3A_205 = arith.extui %lt3A_204 : i1 to i32
      %cond3A_206 = arith.constant 0 : i32
      %cond3A_207 = arith.cmpi ne, %convert_element_type3A_205, %cond3A_206 : i32
      scf.if %cond3A_207 {
        %dma_start3A_373 = arith.constant 6 : i32
        %dma_start3A_374 = arith.constant 0 : i32
        %dma_start3A_375 = tpu.memref_slice %arg7[%rem3A_113, %dma_start3A_373, %dma_start3A_374] : memref<3x8x25xi32, #tpu.memory_space<vmem>> -> memref<1x1x25xi32, #tpu.memory_space<vmem>>
        %dma_start3A_376 = tpu.memref_squeeze %dma_start3A_375 : memref<1x1x25xi32, #tpu.memory_space<vmem>> -> memref<25xi32, #tpu.memory_space<vmem>>
        %dma_start3A_377 = arith.constant 0 : i32
        %dma_start3A_378 = arith.constant 0 : i32
        %dma_start3A_379 = tpu.memref_slice %arg2[%dma_start3A_377, %dma_start3A_378] : memref<10240x128xf32, #tpu.memory_space<hbm>> -> memref<10240x128xf32, #tpu.memory_space<hbm>>
        tpu.enqueue_indirect_dma source(%dma_start3A_379 : memref<10240x128xf32, #tpu.memory_space<hbm>>) target(%arg16 : memref<25x128xf32, #tpu.memory_space<vmem>>) offsets(%dma_start3A_376 : memref<25xi32, #tpu.memory_space<vmem>>) semaphore(%arg24 : memref<!tpu.dma_semaphore, #tpu.memory_space<semaphore_mem>>)
      } else {
      }
      %mul3A_208 = arith.constant 8 : i32
      %mul3A_209 = arith.muli %scan3A_111, %mul3A_208 : i32
      %add3A_210 = arith.constant 3 : i32
      %add3A_211 = arith.addi %mul3A_209, %add3A_210 : i32
      %dma_wait3A_212 = arith.constant 3 : i32
      %dma_wait3A_213 = arith.constant 0 : i32
      %dma_wait3A_214 = tpu.memref_slice %arg7[%rem3A_113, %dma_wait3A_212, %dma_wait3A_213] : memref<3x8x25xi32, #tpu.memory_space<vmem>> -> memref<1x1x25xi32, #tpu.memory_space<vmem>>
      %dma_wait3A_215 = tpu.memref_squeeze %dma_wait3A_214 : memref<1x1x25xi32, #tpu.memory_space<vmem>> -> memref<25xi32, #tpu.memory_space<vmem>>
      %dma_wait3A_216 = arith.constant 0 : i32
      %dma_wait3A_217 = arith.constant 0 : i32
      %dma_wait3A_218 = tpu.memref_slice %arg2[%dma_wait3A_216, %dma_wait3A_217] : memref<10240x128xf32, #tpu.memory_space<hbm>> -> memref<10240x128xf32, #tpu.memory_space<hbm>>
      tpu.wait_indirect_dma semaphore(%arg21 : memref<!tpu.dma_semaphore, #tpu.memory_space<semaphore_mem>>) src(%dma_wait3A_218 : memref<10240x128xf32, #tpu.memory_space<hbm>>) dst(%arg13 : memref<25x128xf32, #tpu.memory_space<vmem>>)
      %dma_start3A_219 = arith.constant 3 : i32
      %dma_start3A_220 = arith.constant 0 : i32
      %dma_start3A_221 = tpu.memref_slice %arg8[%rem3A_113, %dma_start3A_219, %dma_start3A_220] : memref<3x8x25xi32, #tpu.memory_space<vmem>> -> memref<1x1x25xi32, #tpu.memory_space<vmem>>
      %dma_start3A_222 = tpu.memref_squeeze %dma_start3A_221 : memref<1x1x25xi32, #tpu.memory_space<vmem>> -> memref<25xi32, #tpu.memory_space<vmem>>
      %dma_start3A_223 = arith.constant 0 : i32
      %dma_start3A_224 = arith.constant 0 : i32
      %dma_start3A_225 = tpu.memref_slice %arg9[%dma_start3A_223, %dma_start3A_224] : memref<10240x128xf32, #tpu.memory_space<vmem_shared>> -> memref<10240x128xf32, #tpu.memory_space<vmem_shared>>
      tpu.enqueue_indirect_dma source(%arg13 : memref<25x128xf32, #tpu.memory_space<vmem>>) target(%dma_start3A_225 : memref<10240x128xf32, #tpu.memory_space<vmem_shared>>) offsets(%dma_start3A_222 : memref<25xi32, #tpu.memory_space<vmem>>) semaphore(%arg29 : memref<!tpu.dma_semaphore, #tpu.memory_space<semaphore_mem>>) {add = true}
      %add3A_226 = arith.constant 1 : i32
      %add3A_227 = arith.addi %scan3A_111, %add3A_226 : i32
      %lt3A_228 = arith.constant 50 : i32
      %lt3A_229 = arith.cmpi slt, %add3A_227, %lt3A_228 : i32
      %convert_element_type3A_230 = arith.extui %lt3A_229 : i1 to i32
      %cond3A_231 = arith.constant 0 : i32
      %cond3A_232 = arith.cmpi ne, %convert_element_type3A_230, %cond3A_231 : i32
      scf.if %cond3A_232 {
        %dma_wait3A_373 = arith.constant 0 : i32
        %dma_wait3A_374 = arith.constant 0 : i32
        %dma_wait3A_375 = arith.constant 0 : i32
        %dma_wait3A_376 = arith.constant 0 : i32
        %dma_wait3A_377 = tpu.memref_slice %arg7[%dma_wait3A_374, %dma_wait3A_375, %dma_wait3A_376] : memref<3x8x25xi32, #tpu.memory_space<vmem>> -> memref<1x8x25xi32, #tpu.memory_space<vmem>>
        %dma_wait3A_378 = tpu.memref_squeeze %dma_wait3A_377 : memref<1x8x25xi32, #tpu.memory_space<vmem>> -> memref<8x25xi32, #tpu.memory_space<vmem>>
        %dma_wait3A_379 = arith.constant 0 : i32
        %dma_wait3A_380 = arith.constant 0 : i32
        %dma_wait3A_381 = tpu.memref_slice %arg3[%add3A, %dma_wait3A_373, %dma_wait3A_379, %dma_wait3A_380] : memref<32x50x8x25xi32, #tpu.memory_space<hbm>> -> memref<1x1x8x25xi32, #tpu.memory_space<hbm>>
        %dma_wait3A_382 = tpu.memref_squeeze %dma_wait3A_381 : memref<1x1x8x25xi32, #tpu.memory_space<hbm>> -> memref<8x25xi32, #tpu.memory_space<hbm>>
        %dma_wait3A_383 = arith.constant 0 : i32
        %dma_wait3A_384 = arith.constant 0 : i32
        %dma_wait3A_385 = tpu.memref_slice %arg7[%dma_wait3A_374, %dma_wait3A_383, %dma_wait3A_384] : memref<3x8x25xi32, #tpu.memory_space<vmem>> -> memref<1x8x25xi32, #tpu.memory_space<vmem>>
        %dma_wait3A_386 = tpu.memref_squeeze %dma_wait3A_385 : memref<1x8x25xi32, #tpu.memory_space<vmem>> -> memref<8x25xi32, #tpu.memory_space<vmem>>
        %dma_wait3A_387 = arith.constant 0 : i32
        %dma_wait3A_388 = arith.constant 0 : i32
        %dma_wait3A_389 = tpu.memref_slice %arg3[%add3A, %dma_wait3A_373, %dma_wait3A_387, %dma_wait3A_388] : memref<32x50x8x25xi32, #tpu.memory_space<hbm>> -> memref<1x1x8x25xi32, #tpu.memory_space<hbm>>
        %dma_wait3A_390 = tpu.memref_squeeze %dma_wait3A_389 : memref<1x1x8x25xi32, #tpu.memory_space<hbm>> -> memref<8x25xi32, #tpu.memory_space<hbm>>
        tpu.wait_dma2 semaphore(%arg34 : memref<!tpu.dma_semaphore, #tpu.memory_space<semaphore_mem>>) src(%dma_wait3A_390 : memref<8x25xi32, #tpu.memory_space<hbm>>) dst(%dma_wait3A_386 : memref<8x25xi32, #tpu.memory_space<vmem>>)
        %dma_wait3A_391 = arith.constant 0 : i32
        %dma_wait3A_392 = arith.constant 0 : i32
        %dma_wait3A_393 = arith.constant 0 : i32
        %dma_wait3A_394 = arith.constant 0 : i32
        %dma_wait3A_395 = tpu.memref_slice %arg8[%dma_wait3A_392, %dma_wait3A_393, %dma_wait3A_394] : memref<3x8x25xi32, #tpu.memory_space<vmem>> -> memref<1x8x25xi32, #tpu.memory_space<vmem>>
        %dma_wait3A_396 = tpu.memref_squeeze %dma_wait3A_395 : memref<1x8x25xi32, #tpu.memory_space<vmem>> -> memref<8x25xi32, #tpu.memory_space<vmem>>
        %dma_wait3A_397 = arith.constant 0 : i32
        %dma_wait3A_398 = arith.constant 0 : i32
        %dma_wait3A_399 = tpu.memref_slice %arg4[%add3A, %dma_wait3A_391, %dma_wait3A_397, %dma_wait3A_398] : memref<32x50x8x25xi32, #tpu.memory_space<hbm>> -> memref<1x1x8x25xi32, #tpu.memory_space<hbm>>
        %dma_wait3A_400 = tpu.memref_squeeze %dma_wait3A_399 : memref<1x1x8x25xi32, #tpu.memory_space<hbm>> -> memref<8x25xi32, #tpu.memory_space<hbm>>
        %dma_wait3A_401 = arith.constant 0 : i32
        %dma_wait3A_402 = arith.constant 0 : i32
        %dma_wait3A_403 = tpu.memref_slice %arg8[%dma_wait3A_392, %dma_wait3A_401, %dma_wait3A_402] : memref<3x8x25xi32, #tpu.memory_space<vmem>> -> memref<1x8x25xi32, #tpu.memory_space<vmem>>
        %dma_wait3A_404 = tpu.memref_squeeze %dma_wait3A_403 : memref<1x8x25xi32, #tpu.memory_space<vmem>> -> memref<8x25xi32, #tpu.memory_space<vmem>>
        %dma_wait3A_405 = arith.constant 0 : i32
        %dma_wait3A_406 = arith.constant 0 : i32
        %dma_wait3A_407 = tpu.memref_slice %arg4[%add3A, %dma_wait3A_391, %dma_wait3A_405, %dma_wait3A_406] : memref<32x50x8x25xi32, #tpu.memory_space<hbm>> -> memref<1x1x8x25xi32, #tpu.memory_space<hbm>>
        %dma_wait3A_408 = tpu.memref_squeeze %dma_wait3A_407 : memref<1x1x8x25xi32, #tpu.memory_space<hbm>> -> memref<8x25xi32, #tpu.memory_space<hbm>>
        tpu.wait_dma2 semaphore(%arg34 : memref<!tpu.dma_semaphore, #tpu.memory_space<semaphore_mem>>) src(%dma_wait3A_408 : memref<8x25xi32, #tpu.memory_space<hbm>>) dst(%dma_wait3A_404 : memref<8x25xi32, #tpu.memory_space<vmem>>)
      } else {
      }
      %ge3A_233 = arith.constant 4 : i32
      %ge3A_234 = arith.cmpi sge, %add3A_211, %ge3A_233 : i32
      %convert_element_type3A_235 = arith.extui %ge3A_234 : i1 to i32
      %cond3A_236 = arith.constant 0 : i32
      %cond3A_237 = arith.cmpi ne, %convert_element_type3A_235, %cond3A_236 : i32
      scf.if %cond3A_237 {
        %dma_wait3A_373 = arith.constant 3 : i32
        %dma_wait3A_374 = arith.constant 0 : i32
        %dma_wait3A_375 = tpu.memref_slice %arg8[%rem3A_113, %dma_wait3A_373, %dma_wait3A_374] : memref<3x8x25xi32, #tpu.memory_space<vmem>> -> memref<1x1x25xi32, #tpu.memory_space<vmem>>
        %dma_wait3A_376 = tpu.memref_squeeze %dma_wait3A_375 : memref<1x1x25xi32, #tpu.memory_space<vmem>> -> memref<25xi32, #tpu.memory_space<vmem>>
        %dma_wait3A_377 = arith.constant 0 : i32
        %dma_wait3A_378 = arith.constant 0 : i32
        %dma_wait3A_379 = tpu.memref_slice %arg9[%dma_wait3A_377, %dma_wait3A_378] : memref<10240x128xf32, #tpu.memory_space<vmem_shared>> -> memref<10240x128xf32, #tpu.memory_space<vmem_shared>>
        tpu.wait_indirect_dma semaphore(%arg33 : memref<!tpu.dma_semaphore, #tpu.memory_space<semaphore_mem>>) src(%arg17 : memref<25x128xf32, #tpu.memory_space<vmem>>) dst(%dma_wait3A_379 : memref<10240x128xf32, #tpu.memory_space<vmem_shared>>)
      } else {
      }
      %add3A_238 = arith.constant 4 : i32
      %add3A_239 = arith.addi %add3A_211, %add3A_238 : i32
      %lt3A_240 = arith.constant 400 : i32
      %lt3A_241 = arith.cmpi slt, %add3A_239, %lt3A_240 : i32
      %convert_element_type3A_242 = arith.extui %lt3A_241 : i1 to i32
      %cond3A_243 = arith.constant 0 : i32
      %cond3A_244 = arith.cmpi ne, %convert_element_type3A_242, %cond3A_243 : i32
      scf.if %cond3A_244 {
        %dma_start3A_373 = arith.constant 7 : i32
        %dma_start3A_374 = arith.constant 0 : i32
        %dma_start3A_375 = tpu.memref_slice %arg7[%rem3A_113, %dma_start3A_373, %dma_start3A_374] : memref<3x8x25xi32, #tpu.memory_space<vmem>> -> memref<1x1x25xi32, #tpu.memory_space<vmem>>
        %dma_start3A_376 = tpu.memref_squeeze %dma_start3A_375 : memref<1x1x25xi32, #tpu.memory_space<vmem>> -> memref<25xi32, #tpu.memory_space<vmem>>
        %dma_start3A_377 = arith.constant 0 : i32
        %dma_start3A_378 = arith.constant 0 : i32
        %dma_start3A_379 = tpu.memref_slice %arg2[%dma_start3A_377, %dma_start3A_378] : memref<10240x128xf32, #tpu.memory_space<hbm>> -> memref<10240x128xf32, #tpu.memory_space<hbm>>
        tpu.enqueue_indirect_dma source(%dma_start3A_379 : memref<10240x128xf32, #tpu.memory_space<hbm>>) target(%arg17 : memref<25x128xf32, #tpu.memory_space<vmem>>) offsets(%dma_start3A_376 : memref<25xi32, #tpu.memory_space<vmem>>) semaphore(%arg25 : memref<!tpu.dma_semaphore, #tpu.memory_space<semaphore_mem>>)
      } else {
      }
      %mul3A_245 = arith.constant 8 : i32
      %mul3A_246 = arith.muli %scan3A_111, %mul3A_245 : i32
      %add3A_247 = arith.constant 4 : i32
      %add3A_248 = arith.addi %mul3A_246, %add3A_247 : i32
      %dma_wait3A_249 = arith.constant 4 : i32
      %dma_wait3A_250 = arith.constant 0 : i32
      %dma_wait3A_251 = tpu.memref_slice %arg7[%rem3A_113, %dma_wait3A_249, %dma_wait3A_250] : memref<3x8x25xi32, #tpu.memory_space<vmem>> -> memref<1x1x25xi32, #tpu.memory_space<vmem>>
      %dma_wait3A_252 = tpu.memref_squeeze %dma_wait3A_251 : memref<1x1x25xi32, #tpu.memory_space<vmem>> -> memref<25xi32, #tpu.memory_space<vmem>>
      %dma_wait3A_253 = arith.constant 0 : i32
      %dma_wait3A_254 = arith.constant 0 : i32
      %dma_wait3A_255 = tpu.memref_slice %arg2[%dma_wait3A_253, %dma_wait3A_254] : memref<10240x128xf32, #tpu.memory_space<hbm>> -> memref<10240x128xf32, #tpu.memory_space<hbm>>
      tpu.wait_indirect_dma semaphore(%arg22 : memref<!tpu.dma_semaphore, #tpu.memory_space<semaphore_mem>>) src(%dma_wait3A_255 : memref<10240x128xf32, #tpu.memory_space<hbm>>) dst(%arg14 : memref<25x128xf32, #tpu.memory_space<vmem>>)
      %dma_start3A_256 = arith.constant 4 : i32
      %dma_start3A_257 = arith.constant 0 : i32
      %dma_start3A_258 = tpu.memref_slice %arg8[%rem3A_113, %dma_start3A_256, %dma_start3A_257] : memref<3x8x25xi32, #tpu.memory_space<vmem>> -> memref<1x1x25xi32, #tpu.memory_space<vmem>>
      %dma_start3A_259 = tpu.memref_squeeze %dma_start3A_258 : memref<1x1x25xi32, #tpu.memory_space<vmem>> -> memref<25xi32, #tpu.memory_space<vmem>>
      %dma_start3A_260 = arith.constant 0 : i32
      %dma_start3A_261 = arith.constant 0 : i32
      %dma_start3A_262 = tpu.memref_slice %arg9[%dma_start3A_260, %dma_start3A_261] : memref<10240x128xf32, #tpu.memory_space<vmem_shared>> -> memref<10240x128xf32, #tpu.memory_space<vmem_shared>>
      tpu.enqueue_indirect_dma source(%arg14 : memref<25x128xf32, #tpu.memory_space<vmem>>) target(%dma_start3A_262 : memref<10240x128xf32, #tpu.memory_space<vmem_shared>>) offsets(%dma_start3A_259 : memref<25xi32, #tpu.memory_space<vmem>>) semaphore(%arg30 : memref<!tpu.dma_semaphore, #tpu.memory_space<semaphore_mem>>) {add = true}
      %add3A_263 = arith.constant 2 : i32
      %add3A_264 = arith.addi %scan3A_111, %add3A_263 : i32
      %lt3A_265 = arith.constant 50 : i32
      %lt3A_266 = arith.cmpi slt, %add3A_264, %lt3A_265 : i32
      %convert_element_type3A_267 = arith.extui %lt3A_266 : i1 to i32
      %cond3A_268 = arith.constant 0 : i32
      %cond3A_269 = arith.cmpi ne, %convert_element_type3A_267, %cond3A_268 : i32
      scf.if %cond3A_269 {
        %add3A_373 = arith.constant 2 : i32
        %add3A_374 = arith.addi %scan3A_111, %add3A_373 : i32
        %dma_start3A_375 = arith.constant 0 : i32
        %dma_start3A_376 = arith.constant 0 : i32
        %dma_start3A_377 = tpu.memref_slice %arg7[%rem3A_121, %dma_start3A_375, %dma_start3A_376] : memref<3x8x25xi32, #tpu.memory_space<vmem>> -> memref<1x8x25xi32, #tpu.memory_space<vmem>>
        %dma_start3A_378 = tpu.memref_squeeze %dma_start3A_377 : memref<1x8x25xi32, #tpu.memory_space<vmem>> -> memref<8x25xi32, #tpu.memory_space<vmem>>
        %dma_start3A_379 = arith.constant 0 : i32
        %dma_start3A_380 = arith.constant 0 : i32
        %dma_start3A_381 = tpu.memref_slice %arg3[%add3A, %add3A_374, %dma_start3A_379, %dma_start3A_380] : memref<32x50x8x25xi32, #tpu.memory_space<hbm>> -> memref<1x1x8x25xi32, #tpu.memory_space<hbm>>
        %dma_start3A_382 = tpu.memref_squeeze %dma_start3A_381 : memref<1x1x8x25xi32, #tpu.memory_space<hbm>> -> memref<8x25xi32, #tpu.memory_space<hbm>>
        %dma_start3A_383 = arith.constant 0 : i32
        %dma_start3A_384 = arith.constant 0 : i32
        %dma_start3A_385 = tpu.memref_slice %arg7[%rem3A_121, %dma_start3A_383, %dma_start3A_384] : memref<3x8x25xi32, #tpu.memory_space<vmem>> -> memref<1x8x25xi32, #tpu.memory_space<vmem>>
        %dma_start3A_386 = tpu.memref_squeeze %dma_start3A_385 : memref<1x8x25xi32, #tpu.memory_space<vmem>> -> memref<8x25xi32, #tpu.memory_space<vmem>>
        %dma_start3A_387 = arith.constant 0 : i32
        %dma_start3A_388 = arith.constant 0 : i32
        %dma_start3A_389 = tpu.memref_slice %arg3[%add3A, %add3A_374, %dma_start3A_387, %dma_start3A_388] : memref<32x50x8x25xi32, #tpu.memory_space<hbm>> -> memref<1x1x8x25xi32, #tpu.memory_space<hbm>>
        %dma_start3A_390 = tpu.memref_squeeze %dma_start3A_389 : memref<1x1x8x25xi32, #tpu.memory_space<hbm>> -> memref<8x25xi32, #tpu.memory_space<hbm>>
        tpu.enqueue_dma source(%dma_start3A_390 : memref<8x25xi32, #tpu.memory_space<hbm>>) target(%dma_start3A_386 : memref<8x25xi32, #tpu.memory_space<vmem>>) target_semaphore(%arg34 : memref<!tpu.dma_semaphore, #tpu.memory_space<semaphore_mem>>)
        %add3A_391 = arith.constant 2 : i32
        %add3A_392 = arith.addi %scan3A_111, %add3A_391 : i32
        %dma_start3A_393 = arith.constant 0 : i32
        %dma_start3A_394 = arith.constant 0 : i32
        %dma_start3A_395 = tpu.memref_slice %arg8[%rem3A_121, %dma_start3A_393, %dma_start3A_394] : memref<3x8x25xi32, #tpu.memory_space<vmem>> -> memref<1x8x25xi32, #tpu.memory_space<vmem>>
        %dma_start3A_396 = tpu.memref_squeeze %dma_start3A_395 : memref<1x8x25xi32, #tpu.memory_space<vmem>> -> memref<8x25xi32, #tpu.memory_space<vmem>>
        %dma_start3A_397 = arith.constant 0 : i32
        %dma_start3A_398 = arith.constant 0 : i32
        %dma_start3A_399 = tpu.memref_slice %arg4[%add3A, %add3A_392, %dma_start3A_397, %dma_start3A_398] : memref<32x50x8x25xi32, #tpu.memory_space<hbm>> -> memref<1x1x8x25xi32, #tpu.memory_space<hbm>>
        %dma_start3A_400 = tpu.memref_squeeze %dma_start3A_399 : memref<1x1x8x25xi32, #tpu.memory_space<hbm>> -> memref<8x25xi32, #tpu.memory_space<hbm>>
        %dma_start3A_401 = arith.constant 0 : i32
        %dma_start3A_402 = arith.constant 0 : i32
        %dma_start3A_403 = tpu.memref_slice %arg8[%rem3A_121, %dma_start3A_401, %dma_start3A_402] : memref<3x8x25xi32, #tpu.memory_space<vmem>> -> memref<1x8x25xi32, #tpu.memory_space<vmem>>
        %dma_start3A_404 = tpu.memref_squeeze %dma_start3A_403 : memref<1x8x25xi32, #tpu.memory_space<vmem>> -> memref<8x25xi32, #tpu.memory_space<vmem>>
        %dma_start3A_405 = arith.constant 0 : i32
        %dma_start3A_406 = arith.constant 0 : i32
        %dma_start3A_407 = tpu.memref_slice %arg4[%add3A, %add3A_392, %dma_start3A_405, %dma_start3A_406] : memref<32x50x8x25xi32, #tpu.memory_space<hbm>> -> memref<1x1x8x25xi32, #tpu.memory_space<hbm>>
        %dma_start3A_408 = tpu.memref_squeeze %dma_start3A_407 : memref<1x1x8x25xi32, #tpu.memory_space<hbm>> -> memref<8x25xi32, #tpu.memory_space<hbm>>
        tpu.enqueue_dma source(%dma_start3A_408 : memref<8x25xi32, #tpu.memory_space<hbm>>) target(%dma_start3A_404 : memref<8x25xi32, #tpu.memory_space<vmem>>) target_semaphore(%arg34 : memref<!tpu.dma_semaphore, #tpu.memory_space<semaphore_mem>>)
      } else {
      }
      %ge3A_270 = arith.constant 4 : i32
      %ge3A_271 = arith.cmpi sge, %add3A_248, %ge3A_270 : i32
      %convert_element_type3A_272 = arith.extui %ge3A_271 : i1 to i32
      %cond3A_273 = arith.constant 0 : i32
      %cond3A_274 = arith.cmpi ne, %convert_element_type3A_272, %cond3A_273 : i32
      scf.if %cond3A_274 {
        %dma_wait3A_373 = arith.constant 4 : i32
        %dma_wait3A_374 = arith.constant 0 : i32
        %dma_wait3A_375 = tpu.memref_slice %arg8[%rem3A_113, %dma_wait3A_373, %dma_wait3A_374] : memref<3x8x25xi32, #tpu.memory_space<vmem>> -> memref<1x1x25xi32, #tpu.memory_space<vmem>>
        %dma_wait3A_376 = tpu.memref_squeeze %dma_wait3A_375 : memref<1x1x25xi32, #tpu.memory_space<vmem>> -> memref<25xi32, #tpu.memory_space<vmem>>
        %dma_wait3A_377 = arith.constant 0 : i32
        %dma_wait3A_378 = arith.constant 0 : i32
        %dma_wait3A_379 = tpu.memref_slice %arg9[%dma_wait3A_377, %dma_wait3A_378] : memref<10240x128xf32, #tpu.memory_space<vmem_shared>> -> memref<10240x128xf32, #tpu.memory_space<vmem_shared>>
        tpu.wait_indirect_dma semaphore(%arg26 : memref<!tpu.dma_semaphore, #tpu.memory_space<semaphore_mem>>) src(%arg10 : memref<25x128xf32, #tpu.memory_space<vmem>>) dst(%dma_wait3A_379 : memref<10240x128xf32, #tpu.memory_space<vmem_shared>>)
      } else {
      }
      %add3A_275 = arith.constant 4 : i32
      %add3A_276 = arith.addi %add3A_248, %add3A_275 : i32
      %lt3A_277 = arith.constant 400 : i32
      %lt3A_278 = arith.cmpi slt, %add3A_276, %lt3A_277 : i32
      %convert_element_type3A_279 = arith.extui %lt3A_278 : i1 to i32
      %cond3A_280 = arith.constant 0 : i32
      %cond3A_281 = arith.cmpi ne, %convert_element_type3A_279, %cond3A_280 : i32
      scf.if %cond3A_281 {
        %dma_start3A_373 = arith.constant 0 : i32
        %dma_start3A_374 = arith.constant 0 : i32
        %dma_start3A_375 = tpu.memref_slice %arg7[%rem3A_117, %dma_start3A_373, %dma_start3A_374] : memref<3x8x25xi32, #tpu.memory_space<vmem>> -> memref<1x1x25xi32, #tpu.memory_space<vmem>>
        %dma_start3A_376 = tpu.memref_squeeze %dma_start3A_375 : memref<1x1x25xi32, #tpu.memory_space<vmem>> -> memref<25xi32, #tpu.memory_space<vmem>>
        %dma_start3A_377 = arith.constant 0 : i32
        %dma_start3A_378 = arith.constant 0 : i32
        %dma_start3A_379 = tpu.memref_slice %arg2[%dma_start3A_377, %dma_start3A_378] : memref<10240x128xf32, #tpu.memory_space<hbm>> -> memref<10240x128xf32, #tpu.memory_space<hbm>>
        tpu.enqueue_indirect_dma source(%dma_start3A_379 : memref<10240x128xf32, #tpu.memory_space<hbm>>) target(%arg10 : memref<25x128xf32, #tpu.memory_space<vmem>>) offsets(%dma_start3A_376 : memref<25xi32, #tpu.memory_space<vmem>>) semaphore(%arg18 : memref<!tpu.dma_semaphore, #tpu.memory_space<semaphore_mem>>)
      } else {
      }
      %mul3A_282 = arith.constant 8 : i32
      %mul3A_283 = arith.muli %scan3A_111, %mul3A_282 : i32
      %add3A_284 = arith.constant 5 : i32
      %add3A_285 = arith.addi %mul3A_283, %add3A_284 : i32
      %dma_wait3A_286 = arith.constant 5 : i32
      %dma_wait3A_287 = arith.constant 0 : i32
      %dma_wait3A_288 = tpu.memref_slice %arg7[%rem3A_113, %dma_wait3A_286, %dma_wait3A_287] : memref<3x8x25xi32, #tpu.memory_space<vmem>> -> memref<1x1x25xi32, #tpu.memory_space<vmem>>
      %dma_wait3A_289 = tpu.memref_squeeze %dma_wait3A_288 : memref<1x1x25xi32, #tpu.memory_space<vmem>> -> memref<25xi32, #tpu.memory_space<vmem>>
      %dma_wait3A_290 = arith.constant 0 : i32
      %dma_wait3A_291 = arith.constant 0 : i32
      %dma_wait3A_292 = tpu.memref_slice %arg2[%dma_wait3A_290, %dma_wait3A_291] : memref<10240x128xf32, #tpu.memory_space<hbm>> -> memref<10240x128xf32, #tpu.memory_space<hbm>>
      tpu.wait_indirect_dma semaphore(%arg23 : memref<!tpu.dma_semaphore, #tpu.memory_space<semaphore_mem>>) src(%dma_wait3A_292 : memref<10240x128xf32, #tpu.memory_space<hbm>>) dst(%arg15 : memref<25x128xf32, #tpu.memory_space<vmem>>)
      %dma_start3A_293 = arith.constant 5 : i32
      %dma_start3A_294 = arith.constant 0 : i32
      %dma_start3A_295 = tpu.memref_slice %arg8[%rem3A_113, %dma_start3A_293, %dma_start3A_294] : memref<3x8x25xi32, #tpu.memory_space<vmem>> -> memref<1x1x25xi32, #tpu.memory_space<vmem>>
      %dma_start3A_296 = tpu.memref_squeeze %dma_start3A_295 : memref<1x1x25xi32, #tpu.memory_space<vmem>> -> memref<25xi32, #tpu.memory_space<vmem>>
      %dma_start3A_297 = arith.constant 0 : i32
      %dma_start3A_298 = arith.constant 0 : i32
      %dma_start3A_299 = tpu.memref_slice %arg9[%dma_start3A_297, %dma_start3A_298] : memref<10240x128xf32, #tpu.memory_space<vmem_shared>> -> memref<10240x128xf32, #tpu.memory_space<vmem_shared>>
      tpu.enqueue_indirect_dma source(%arg15 : memref<25x128xf32, #tpu.memory_space<vmem>>) target(%dma_start3A_299 : memref<10240x128xf32, #tpu.memory_space<vmem_shared>>) offsets(%dma_start3A_296 : memref<25xi32, #tpu.memory_space<vmem>>) semaphore(%arg31 : memref<!tpu.dma_semaphore, #tpu.memory_space<semaphore_mem>>) {add = true}
      %ge3A_300 = arith.constant 4 : i32
      %ge3A_301 = arith.cmpi sge, %add3A_285, %ge3A_300 : i32
      %convert_element_type3A_302 = arith.extui %ge3A_301 : i1 to i32
      %cond3A_303 = arith.constant 0 : i32
      %cond3A_304 = arith.cmpi ne, %convert_element_type3A_302, %cond3A_303 : i32
      scf.if %cond3A_304 {
        %dma_wait3A_373 = arith.constant 5 : i32
        %dma_wait3A_374 = arith.constant 0 : i32
        %dma_wait3A_375 = tpu.memref_slice %arg8[%rem3A_113, %dma_wait3A_373, %dma_wait3A_374] : memref<3x8x25xi32, #tpu.memory_space<vmem>> -> memref<1x1x25xi32, #tpu.memory_space<vmem>>
        %dma_wait3A_376 = tpu.memref_squeeze %dma_wait3A_375 : memref<1x1x25xi32, #tpu.memory_space<vmem>> -> memref<25xi32, #tpu.memory_space<vmem>>
        %dma_wait3A_377 = arith.constant 0 : i32
        %dma_wait3A_378 = arith.constant 0 : i32
        %dma_wait3A_379 = tpu.memref_slice %arg9[%dma_wait3A_377, %dma_wait3A_378] : memref<10240x128xf32, #tpu.memory_space<vmem_shared>> -> memref<10240x128xf32, #tpu.memory_space<vmem_shared>>
        tpu.wait_indirect_dma semaphore(%arg27 : memref<!tpu.dma_semaphore, #tpu.memory_space<semaphore_mem>>) src(%arg11 : memref<25x128xf32, #tpu.memory_space<vmem>>) dst(%dma_wait3A_379 : memref<10240x128xf32, #tpu.memory_space<vmem_shared>>)
      } else {
      }
      %add3A_305 = arith.constant 4 : i32
      %add3A_306 = arith.addi %add3A_285, %add3A_305 : i32
      %lt3A_307 = arith.constant 400 : i32
      %lt3A_308 = arith.cmpi slt, %add3A_306, %lt3A_307 : i32
      %convert_element_type3A_309 = arith.extui %lt3A_308 : i1 to i32
      %cond3A_310 = arith.constant 0 : i32
      %cond3A_311 = arith.cmpi ne, %convert_element_type3A_309, %cond3A_310 : i32
      scf.if %cond3A_311 {
        %dma_start3A_373 = arith.constant 1 : i32
        %dma_start3A_374 = arith.constant 0 : i32
        %dma_start3A_375 = tpu.memref_slice %arg7[%rem3A_117, %dma_start3A_373, %dma_start3A_374] : memref<3x8x25xi32, #tpu.memory_space<vmem>> -> memref<1x1x25xi32, #tpu.memory_space<vmem>>
        %dma_start3A_376 = tpu.memref_squeeze %dma_start3A_375 : memref<1x1x25xi32, #tpu.memory_space<vmem>> -> memref<25xi32, #tpu.memory_space<vmem>>
        %dma_start3A_377 = arith.constant 0 : i32
        %dma_start3A_378 = arith.constant 0 : i32
        %dma_start3A_379 = tpu.memref_slice %arg2[%dma_start3A_377, %dma_start3A_378] : memref<10240x128xf32, #tpu.memory_space<hbm>> -> memref<10240x128xf32, #tpu.memory_space<hbm>>
        tpu.enqueue_indirect_dma source(%dma_start3A_379 : memref<10240x128xf32, #tpu.memory_space<hbm>>) target(%arg11 : memref<25x128xf32, #tpu.memory_space<vmem>>) offsets(%dma_start3A_376 : memref<25xi32, #tpu.memory_space<vmem>>) semaphore(%arg19 : memref<!tpu.dma_semaphore, #tpu.memory_space<semaphore_mem>>)
      } else {
      }
      %mul3A_312 = arith.constant 8 : i32
      %mul3A_313 = arith.muli %scan3A_111, %mul3A_312 : i32
      %add3A_314 = arith.constant 6 : i32
      %add3A_315 = arith.addi %mul3A_313, %add3A_314 : i32
      %dma_wait3A_316 = arith.constant 6 : i32
      %dma_wait3A_317 = arith.constant 0 : i32
      %dma_wait3A_318 = tpu.memref_slice %arg7[%rem3A_113, %dma_wait3A_316, %dma_wait3A_317] : memref<3x8x25xi32, #tpu.memory_space<vmem>> -> memref<1x1x25xi32, #tpu.memory_space<vmem>>
      %dma_wait3A_319 = tpu.memref_squeeze %dma_wait3A_318 : memref<1x1x25xi32, #tpu.memory_space<vmem>> -> memref<25xi32, #tpu.memory_space<vmem>>
      %dma_wait3A_320 = arith.constant 0 : i32
      %dma_wait3A_321 = arith.constant 0 : i32
      %dma_wait3A_322 = tpu.memref_slice %arg2[%dma_wait3A_320, %dma_wait3A_321] : memref<10240x128xf32, #tpu.memory_space<hbm>> -> memref<10240x128xf32, #tpu.memory_space<hbm>>
      tpu.wait_indirect_dma semaphore(%arg24 : memref<!tpu.dma_semaphore, #tpu.memory_space<semaphore_mem>>) src(%dma_wait3A_322 : memref<10240x128xf32, #tpu.memory_space<hbm>>) dst(%arg16 : memref<25x128xf32, #tpu.memory_space<vmem>>)
      %dma_start3A_323 = arith.constant 6 : i32
      %dma_start3A_324 = arith.constant 0 : i32
      %dma_start3A_325 = tpu.memref_slice %arg8[%rem3A_113, %dma_start3A_323, %dma_start3A_324] : memref<3x8x25xi32, #tpu.memory_space<vmem>> -> memref<1x1x25xi32, #tpu.memory_space<vmem>>
      %dma_start3A_326 = tpu.memref_squeeze %dma_start3A_325 : memref<1x1x25xi32, #tpu.memory_space<vmem>> -> memref<25xi32, #tpu.memory_space<vmem>>
      %dma_start3A_327 = arith.constant 0 : i32
      %dma_start3A_328 = arith.constant 0 : i32
      %dma_start3A_329 = tpu.memref_slice %arg9[%dma_start3A_327, %dma_start3A_328] : memref<10240x128xf32, #tpu.memory_space<vmem_shared>> -> memref<10240x128xf32, #tpu.memory_space<vmem_shared>>
      tpu.enqueue_indirect_dma source(%arg16 : memref<25x128xf32, #tpu.memory_space<vmem>>) target(%dma_start3A_329 : memref<10240x128xf32, #tpu.memory_space<vmem_shared>>) offsets(%dma_start3A_326 : memref<25xi32, #tpu.memory_space<vmem>>) semaphore(%arg32 : memref<!tpu.dma_semaphore, #tpu.memory_space<semaphore_mem>>) {add = true}
      %ge3A_330 = arith.constant 4 : i32
      %ge3A_331 = arith.cmpi sge, %add3A_315, %ge3A_330 : i32
      %convert_element_type3A_332 = arith.extui %ge3A_331 : i1 to i32
      %cond3A_333 = arith.constant 0 : i32
      %cond3A_334 = arith.cmpi ne, %convert_element_type3A_332, %cond3A_333 : i32
      scf.if %cond3A_334 {
        %dma_wait3A_373 = arith.constant 6 : i32
        %dma_wait3A_374 = arith.constant 0 : i32
        %dma_wait3A_375 = tpu.memref_slice %arg8[%rem3A_113, %dma_wait3A_373, %dma_wait3A_374] : memref<3x8x25xi32, #tpu.memory_space<vmem>> -> memref<1x1x25xi32, #tpu.memory_space<vmem>>
        %dma_wait3A_376 = tpu.memref_squeeze %dma_wait3A_375 : memref<1x1x25xi32, #tpu.memory_space<vmem>> -> memref<25xi32, #tpu.memory_space<vmem>>
        %dma_wait3A_377 = arith.constant 0 : i32
        %dma_wait3A_378 = arith.constant 0 : i32
        %dma_wait3A_379 = tpu.memref_slice %arg9[%dma_wait3A_377, %dma_wait3A_378] : memref<10240x128xf32, #tpu.memory_space<vmem_shared>> -> memref<10240x128xf32, #tpu.memory_space<vmem_shared>>
        tpu.wait_indirect_dma semaphore(%arg28 : memref<!tpu.dma_semaphore, #tpu.memory_space<semaphore_mem>>) src(%arg12 : memref<25x128xf32, #tpu.memory_space<vmem>>) dst(%dma_wait3A_379 : memref<10240x128xf32, #tpu.memory_space<vmem_shared>>)
      } else {
      }
      %add3A_335 = arith.constant 4 : i32
      %add3A_336 = arith.addi %add3A_315, %add3A_335 : i32
      %lt3A_337 = arith.constant 400 : i32
      %lt3A_338 = arith.cmpi slt, %add3A_336, %lt3A_337 : i32
      %convert_element_type3A_339 = arith.extui %lt3A_338 : i1 to i32
      %cond3A_340 = arith.constant 0 : i32
      %cond3A_341 = arith.cmpi ne, %convert_element_type3A_339, %cond3A_340 : i32
      scf.if %cond3A_341 {
        %dma_start3A_373 = arith.constant 2 : i32
        %dma_start3A_374 = arith.constant 0 : i32
        %dma_start3A_375 = tpu.memref_slice %arg7[%rem3A_117, %dma_start3A_373, %dma_start3A_374] : memref<3x8x25xi32, #tpu.memory_space<vmem>> -> memref<1x1x25xi32, #tpu.memory_space<vmem>>
        %dma_start3A_376 = tpu.memref_squeeze %dma_start3A_375 : memref<1x1x25xi32, #tpu.memory_space<vmem>> -> memref<25xi32, #tpu.memory_space<vmem>>
        %dma_start3A_377 = arith.constant 0 : i32
        %dma_start3A_378 = arith.constant 0 : i32
        %dma_start3A_379 = tpu.memref_slice %arg2[%dma_start3A_377, %dma_start3A_378] : memref<10240x128xf32, #tpu.memory_space<hbm>> -> memref<10240x128xf32, #tpu.memory_space<hbm>>
        tpu.enqueue_indirect_dma source(%dma_start3A_379 : memref<10240x128xf32, #tpu.memory_space<hbm>>) target(%arg12 : memref<25x128xf32, #tpu.memory_space<vmem>>) offsets(%dma_start3A_376 : memref<25xi32, #tpu.memory_space<vmem>>) semaphore(%arg20 : memref<!tpu.dma_semaphore, #tpu.memory_space<semaphore_mem>>)
      } else {
      }
      %mul3A_342 = arith.constant 8 : i32
      %mul3A_343 = arith.muli %scan3A_111, %mul3A_342 : i32
      %add3A_344 = arith.constant 7 : i32
      %add3A_345 = arith.addi %mul3A_343, %add3A_344 : i32
      %dma_wait3A_346 = arith.constant 7 : i32
      %dma_wait3A_347 = arith.constant 0 : i32
      %dma_wait3A_348 = tpu.memref_slice %arg7[%rem3A_113, %dma_wait3A_346, %dma_wait3A_347] : memref<3x8x25xi32, #tpu.memory_space<vmem>> -> memref<1x1x25xi32, #tpu.memory_space<vmem>>
      %dma_wait3A_349 = tpu.memref_squeeze %dma_wait3A_348 : memref<1x1x25xi32, #tpu.memory_space<vmem>> -> memref<25xi32, #tpu.memory_space<vmem>>
      %dma_wait3A_350 = arith.constant 0 : i32
      %dma_wait3A_351 = arith.constant 0 : i32
      %dma_wait3A_352 = tpu.memref_slice %arg2[%dma_wait3A_350, %dma_wait3A_351] : memref<10240x128xf32, #tpu.memory_space<hbm>> -> memref<10240x128xf32, #tpu.memory_space<hbm>>
      tpu.wait_indirect_dma semaphore(%arg25 : memref<!tpu.dma_semaphore, #tpu.memory_space<semaphore_mem>>) src(%dma_wait3A_352 : memref<10240x128xf32, #tpu.memory_space<hbm>>) dst(%arg17 : memref<25x128xf32, #tpu.memory_space<vmem>>)
      %dma_start3A_353 = arith.constant 7 : i32
      %dma_start3A_354 = arith.constant 0 : i32
      %dma_start3A_355 = tpu.memref_slice %arg8[%rem3A_113, %dma_start3A_353, %dma_start3A_354] : memref<3x8x25xi32, #tpu.memory_space<vmem>> -> memref<1x1x25xi32, #tpu.memory_space<vmem>>
      %dma_start3A_356 = tpu.memref_squeeze %dma_start3A_355 : memref<1x1x25xi32, #tpu.memory_space<vmem>> -> memref<25xi32, #tpu.memory_space<vmem>>
      %dma_start3A_357 = arith.constant 0 : i32
      %dma_start3A_358 = arith.constant 0 : i32
      %dma_start3A_359 = tpu.memref_slice %arg9[%dma_start3A_357, %dma_start3A_358] : memref<10240x128xf32, #tpu.memory_space<vmem_shared>> -> memref<10240x128xf32, #tpu.memory_space<vmem_shared>>
      tpu.enqueue_indirect_dma source(%arg17 : memref<25x128xf32, #tpu.memory_space<vmem>>) target(%dma_start3A_359 : memref<10240x128xf32, #tpu.memory_space<vmem_shared>>) offsets(%dma_start3A_356 : memref<25xi32, #tpu.memory_space<vmem>>) semaphore(%arg33 : memref<!tpu.dma_semaphore, #tpu.memory_space<semaphore_mem>>) {add = true}
      %ge3A_360 = arith.constant 4 : i32
      %ge3A_361 = arith.cmpi sge, %add3A_345, %ge3A_360 : i32
      %convert_element_type3A_362 = arith.extui %ge3A_361 : i1 to i32
      %cond3A_363 = arith.constant 0 : i32
      %cond3A_364 = arith.cmpi ne, %convert_element_type3A_362, %cond3A_363 : i32
      scf.if %cond3A_364 {
        %dma_wait3A_373 = arith.constant 7 : i32
        %dma_wait3A_374 = arith.constant 0 : i32
        %dma_wait3A_375 = tpu.memref_slice %arg8[%rem3A_113, %dma_wait3A_373, %dma_wait3A_374] : memref<3x8x25xi32, #tpu.memory_space<vmem>> -> memref<1x1x25xi32, #tpu.memory_space<vmem>>
        %dma_wait3A_376 = tpu.memref_squeeze %dma_wait3A_375 : memref<1x1x25xi32, #tpu.memory_space<vmem>> -> memref<25xi32, #tpu.memory_space<vmem>>
        %dma_wait3A_377 = arith.constant 0 : i32
        %dma_wait3A_378 = arith.constant 0 : i32
        %dma_wait3A_379 = tpu.memref_slice %arg9[%dma_wait3A_377, %dma_wait3A_378] : memref<10240x128xf32, #tpu.memory_space<vmem_shared>> -> memref<10240x128xf32, #tpu.memory_space<vmem_shared>>
        tpu.wait_indirect_dma semaphore(%arg29 : memref<!tpu.dma_semaphore, #tpu.memory_space<semaphore_mem>>) src(%arg13 : memref<25x128xf32, #tpu.memory_space<vmem>>) dst(%dma_wait3A_379 : memref<10240x128xf32, #tpu.memory_space<vmem_shared>>)
      } else {
      }
      %add3A_365 = arith.constant 4 : i32
      %add3A_366 = arith.addi %add3A_345, %add3A_365 : i32
      %lt3A_367 = arith.constant 400 : i32
      %lt3A_368 = arith.cmpi slt, %add3A_366, %lt3A_367 : i32
      %convert_element_type3A_369 = arith.extui %lt3A_368 : i1 to i32
      %cond3A_370 = arith.constant 0 : i32
      %cond3A_371 = arith.cmpi ne, %convert_element_type3A_369, %cond3A_370 : i32
      scf.if %cond3A_371 {
        %dma_start3A_373 = arith.constant 3 : i32
        %dma_start3A_374 = arith.constant 0 : i32
        %dma_start3A_375 = tpu.memref_slice %arg7[%rem3A_117, %dma_start3A_373, %dma_start3A_374] : memref<3x8x25xi32, #tpu.memory_space<vmem>> -> memref<1x1x25xi32, #tpu.memory_space<vmem>>
        %dma_start3A_376 = tpu.memref_squeeze %dma_start3A_375 : memref<1x1x25xi32, #tpu.memory_space<vmem>> -> memref<25xi32, #tpu.memory_space<vmem>>
        %dma_start3A_377 = arith.constant 0 : i32
        %dma_start3A_378 = arith.constant 0 : i32
        %dma_start3A_379 = tpu.memref_slice %arg2[%dma_start3A_377, %dma_start3A_378] : memref<10240x128xf32, #tpu.memory_space<hbm>> -> memref<10240x128xf32, #tpu.memory_space<hbm>>
        tpu.enqueue_indirect_dma source(%dma_start3A_379 : memref<10240x128xf32, #tpu.memory_space<hbm>>) target(%arg13 : memref<25x128xf32, #tpu.memory_space<vmem>>) offsets(%dma_start3A_376 : memref<25xi32, #tpu.memory_space<vmem>>) semaphore(%arg21 : memref<!tpu.dma_semaphore, #tpu.memory_space<semaphore_mem>>)
      } else {
      }
      %scan3A_372 = arith.constant 0 : i32
      scf.yield %scan3A_372 : i32
    }
    %scan3A_78 = arith.constant 50 : i32
    %dma_wait3A = arith.constant 0 : i32
    %dma_wait3A_79 = arith.constant 0 : i32
    %dma_wait3A_80 = arith.constant 0 : i32
    %dma_wait3A_81 = tpu.memref_slice %arg8[%dma_wait3A, %dma_wait3A_79, %dma_wait3A_80] : memref<3x8x25xi32, #tpu.memory_space<vmem>> -> memref<1x1x25xi32, #tpu.memory_space<vmem>>
    %dma_wait3A_82 = tpu.memref_squeeze %dma_wait3A_81 : memref<1x1x25xi32, #tpu.memory_space<vmem>> -> memref<25xi32, #tpu.memory_space<vmem>>
    %dma_wait3A_83 = arith.constant 0 : i32
    %dma_wait3A_84 = arith.constant 0 : i32
    %dma_wait3A_85 = tpu.memref_slice %arg9[%dma_wait3A_83, %dma_wait3A_84] : memref<10240x128xf32, #tpu.memory_space<vmem_shared>> -> memref<10240x128xf32, #tpu.memory_space<vmem_shared>>
    tpu.wait_indirect_dma semaphore(%arg30 : memref<!tpu.dma_semaphore, #tpu.memory_space<semaphore_mem>>) src(%arg14 : memref<25x128xf32, #tpu.memory_space<vmem>>) dst(%dma_wait3A_85 : memref<10240x128xf32, #tpu.memory_space<vmem_shared>>)
    %dma_wait3A_86 = arith.constant 0 : i32
    %dma_wait3A_87 = arith.constant 0 : i32
    %dma_wait3A_88 = arith.constant 0 : i32
    %dma_wait3A_89 = tpu.memref_slice %arg8[%dma_wait3A_86, %dma_wait3A_87, %dma_wait3A_88] : memref<3x8x25xi32, #tpu.memory_space<vmem>> -> memref<1x1x25xi32, #tpu.memory_space<vmem>>
    %dma_wait3A_90 = tpu.memref_squeeze %dma_wait3A_89 : memref<1x1x25xi32, #tpu.memory_space<vmem>> -> memref<25xi32, #tpu.memory_space<vmem>>
    %dma_wait3A_91 = arith.constant 0 : i32
    %dma_wait3A_92 = arith.constant 0 : i32
    %dma_wait3A_93 = tpu.memref_slice %arg9[%dma_wait3A_91, %dma_wait3A_92] : memref<10240x128xf32, #tpu.memory_space<vmem_shared>> -> memref<10240x128xf32, #tpu.memory_space<vmem_shared>>
    tpu.wait_indirect_dma semaphore(%arg31 : memref<!tpu.dma_semaphore, #tpu.memory_space<semaphore_mem>>) src(%arg15 : memref<25x128xf32, #tpu.memory_space<vmem>>) dst(%dma_wait3A_93 : memref<10240x128xf32, #tpu.memory_space<vmem_shared>>)
    %dma_wait3A_94 = arith.constant 0 : i32
    %dma_wait3A_95 = arith.constant 0 : i32
    %dma_wait3A_96 = arith.constant 0 : i32
    %dma_wait3A_97 = tpu.memref_slice %arg8[%dma_wait3A_94, %dma_wait3A_95, %dma_wait3A_96] : memref<3x8x25xi32, #tpu.memory_space<vmem>> -> memref<1x1x25xi32, #tpu.memory_space<vmem>>
    %dma_wait3A_98 = tpu.memref_squeeze %dma_wait3A_97 : memref<1x1x25xi32, #tpu.memory_space<vmem>> -> memref<25xi32, #tpu.memory_space<vmem>>
    %dma_wait3A_99 = arith.constant 0 : i32
    %dma_wait3A_100 = arith.constant 0 : i32
    %dma_wait3A_101 = tpu.memref_slice %arg9[%dma_wait3A_99, %dma_wait3A_100] : memref<10240x128xf32, #tpu.memory_space<vmem_shared>> -> memref<10240x128xf32, #tpu.memory_space<vmem_shared>>
    tpu.wait_indirect_dma semaphore(%arg32 : memref<!tpu.dma_semaphore, #tpu.memory_space<semaphore_mem>>) src(%arg16 : memref<25x128xf32, #tpu.memory_space<vmem>>) dst(%dma_wait3A_101 : memref<10240x128xf32, #tpu.memory_space<vmem_shared>>)
    %dma_wait3A_102 = arith.constant 0 : i32
    %dma_wait3A_103 = arith.constant 0 : i32
    %dma_wait3A_104 = arith.constant 0 : i32
    %dma_wait3A_105 = tpu.memref_slice %arg8[%dma_wait3A_102, %dma_wait3A_103, %dma_wait3A_104] : memref<3x8x25xi32, #tpu.memory_space<vmem>> -> memref<1x1x25xi32, #tpu.memory_space<vmem>>
    %dma_wait3A_106 = tpu.memref_squeeze %dma_wait3A_105 : memref<1x1x25xi32, #tpu.memory_space<vmem>> -> memref<25xi32, #tpu.memory_space<vmem>>
    %dma_wait3A_107 = arith.constant 0 : i32
    %dma_wait3A_108 = arith.constant 0 : i32
    %dma_wait3A_109 = tpu.memref_slice %arg9[%dma_wait3A_107, %dma_wait3A_108] : memref<10240x128xf32, #tpu.memory_space<vmem_shared>> -> memref<10240x128xf32, #tpu.memory_space<vmem_shared>>
    tpu.wait_indirect_dma semaphore(%arg33 : memref<!tpu.dma_semaphore, #tpu.memory_space<semaphore_mem>>) src(%arg17 : memref<25x128xf32, #tpu.memory_space<vmem>>) dst(%dma_wait3A_109 : memref<10240x128xf32, #tpu.memory_space<vmem_shared>>)
    %barrier3A_110 = arith.constant 0 : index
    tpu.barrier barrier_id(%barrier3A_110)
    "tpu.region"() ({
      %run_scoped3A_111 = tpu.sem_alloc : memref<!tpu.dma_semaphore, #tpu.memory_space<semaphore_mem>>
      %dma_start3A_112 = arith.constant 0 : i32
      %dma_start3A_113 = tpu.memref_slice %arg6[%arg0, %mul3A_2, %dma_start3A_112] : memref<2x10240x128xf32, #tpu.memory_space<hbm>> -> memref<1x640x128xf32, #tpu.memory_space<hbm>>
      %dma_start3A_114 = tpu.memref_squeeze %dma_start3A_113 : memref<1x640x128xf32, #tpu.memory_space<hbm>> -> memref<640x128xf32, #tpu.memory_space<hbm>>
      %dma_start3A_115 = arith.constant 0 : i32
      %dma_start3A_116 = tpu.memref_slice %arg9[%mul3A_2, %dma_start3A_115] : memref<10240x128xf32, #tpu.memory_space<vmem_shared>> -> memref<640x128xf32, #tpu.memory_space<vmem_shared>>
      tpu.enqueue_dma source(%dma_start3A_116 : memref<640x128xf32, #tpu.memory_space<vmem_shared>>) target(%dma_start3A_114 : memref<640x128xf32, #tpu.memory_space<hbm>>) target_semaphore(%run_scoped3A_111 : memref<!tpu.dma_semaphore, #tpu.memory_space<semaphore_mem>>)
      %dma_wait3A_117 = arith.constant 0 : i32
      %dma_wait3A_118 = tpu.memref_slice %arg6[%arg0, %mul3A_2, %dma_wait3A_117] : memref<2x10240x128xf32, #tpu.memory_space<hbm>> -> memref<1x640x128xf32, #tpu.memory_space<hbm>>
      %dma_wait3A_119 = tpu.memref_squeeze %dma_wait3A_118 : memref<1x640x128xf32, #tpu.memory_space<hbm>> -> memref<640x128xf32, #tpu.memory_space<hbm>>
      %dma_wait3A_120 = arith.constant 0 : i32
      %dma_wait3A_121 = tpu.memref_slice %arg9[%mul3A_2, %dma_wait3A_120] : memref<10240x128xf32, #tpu.memory_space<vmem_shared>> -> memref<640x128xf32, #tpu.memory_space<vmem_shared>>
      tpu.wait_dma2 semaphore(%run_scoped3A_111 : memref<!tpu.dma_semaphore, #tpu.memory_space<semaphore_mem>>) src(%dma_wait3A_121 : memref<640x128xf32, #tpu.memory_space<vmem_shared>>) dst(%dma_wait3A_119 : memref<640x128xf32, #tpu.memory_space<hbm>>)
      tpu.yield
    }) : () -> ()
    return
  }
}

#map = affine_map<(d0, d1) -> (0, 0)>
#map1 = affine_map<(d0, d1) -> (0, 0, 0, 0)>
#map2 = affine_map<(d0, d1) -> (0, 0, 0)>
module attributes {stable_mosaic.version = 14 : i64} {
  func.func @_sc_agg_body(%arg0: i32, %arg1: i32, %arg2: memref<10240x128xf32, #tpu.memory_space<hbm>>, %arg3: memref<32x50x8x25xi32, #tpu.memory_space<hbm>>, %arg4: memref<32x50x8x25xi32, #tpu.memory_space<hbm>>, %arg5: memref<640x128xf32, #tpu.memory_space<hbm>>, %arg6: memref<2x10240x128xf32, #tpu.memory_space<hbm>>, %arg7: memref<3x8x25xi32, #tpu.memory_space<vmem>>, %arg8: memref<3x8x25xi32, #tpu.memory_space<vmem>>, %arg9: memref<10240x128xf32, #tpu.memory_space<vmem_shared>>, %arg10: memref<25x128xf32, #tpu.memory_space<vmem>>, %arg11: memref<25x128xf32, #tpu.memory_space<vmem>>, %arg12: memref<25x128xf32, #tpu.memory_space<vmem>>, %arg13: memref<25x128xf32, #tpu.memory_space<vmem>>, %arg14: memref<25x128xf32, #tpu.memory_space<vmem>>, %arg15: memref<25x128xf32, #tpu.memory_space<vmem>>, %arg16: memref<25x128xf32, #tpu.memory_space<vmem>>, %arg17: memref<25x128xf32, #tpu.memory_space<vmem>>, %arg18: memref<!tpu.dma_semaphore, #tpu.memory_space<semaphore_mem>>, %arg19: memref<!tpu.dma_semaphore, #tpu.memory_space<semaphore_mem>>, %arg20: memref<!tpu.dma_semaphore, #tpu.memory_space<semaphore_mem>>, %arg21: memref<!tpu.dma_semaphore, #tpu.memory_space<semaphore_mem>>, %arg22: memref<!tpu.dma_semaphore, #tpu.memory_space<semaphore_mem>>, %arg23: memref<!tpu.dma_semaphore, #tpu.memory_space<semaphore_mem>>, %arg24: memref<!tpu.dma_semaphore, #tpu.memory_space<semaphore_mem>>, %arg25: memref<!tpu.dma_semaphore, #tpu.memory_space<semaphore_mem>>, %arg26: memref<!tpu.dma_semaphore, #tpu.memory_space<semaphore_mem>>, %arg27: memref<!tpu.dma_semaphore, #tpu.memory_space<semaphore_mem>>, %arg28: memref<!tpu.dma_semaphore, #tpu.memory_space<semaphore_mem>>, %arg29: memref<!tpu.dma_semaphore, #tpu.memory_space<semaphore_mem>>, %arg30: memref<!tpu.dma_semaphore, #tpu.memory_space<semaphore_mem>>, %arg31: memref<!tpu.dma_semaphore, #tpu.memory_space<semaphore_mem>>, %arg32: memref<!tpu.dma_semaphore, #tpu.memory_space<semaphore_mem>>, %arg33: memref<!tpu.dma_semaphore, #tpu.memory_space<semaphore_mem>>, %arg34: memref<!tpu.dma_semaphore, #tpu.memory_space<semaphore_mem>>) attributes {dimension_semantics = [#tpu.dimension_semantics<core_parallel>, #tpu.dimension_semantics<subcore_parallel>], iteration_bounds = array<i64: 2, 16>, scalar_prefetch = 0 : i64, scratch_operands = 28 : i64, tpu.core_type = #tpu.core_type<sc_vector_subcore>, window_params = [{transform_indices = #map}, {transform_indices = #map1}, {transform_indices = #map1}, {transform_indices = #map}, {transform_indices = #map2}]} {
    %mul3A = arith.constant 2 : i32
    %mul3A_0 = arith.muli %arg1, %mul3A : i32
    %add3A = arith.addi %mul3A_0, %arg0 : i32
    %mul3A_1 = arith.constant 640 : i32
    %mul3A_2 = arith.muli %arg1, %mul3A_1 : i32
    "tpu.region"() ({
      %run_scoped3A_111 = tpu.sem_alloc : memref<!tpu.dma_semaphore, #tpu.memory_space<semaphore_mem>>
      %dma_start3A_112 = arith.constant 0 : i32
      %dma_start3A_113 = tpu.memref_slice %arg9[%mul3A_2, %dma_start3A_112] : memref<10240x128xf32, #tpu.memory_space<vmem_shared>> -> memref<640x128xf32, #tpu.memory_space<vmem_shared>>
      tpu.enqueue_dma source(%arg5 : memref<640x128xf32, #tpu.memory_space<hbm>>) target(%dma_start3A_113 : memref<640x128xf32, #tpu.memory_space<vmem_shared>>) target_semaphore(%run_scoped3A_111 : memref<!tpu.dma_semaphore, #tpu.memory_space<semaphore_mem>>)
      %dma_wait3A_114 = arith.constant 0 : i32
      %dma_wait3A_115 = tpu.memref_slice %arg9[%mul3A_2, %dma_wait3A_114] : memref<10240x128xf32, #tpu.memory_space<vmem_shared>> -> memref<640x128xf32, #tpu.memory_space<vmem_shared>>
      tpu.wait_dma2 semaphore(%run_scoped3A_111 : memref<!tpu.dma_semaphore, #tpu.memory_space<semaphore_mem>>) src(%arg5 : memref<640x128xf32, #tpu.memory_space<hbm>>) dst(%dma_wait3A_115 : memref<640x128xf32, #tpu.memory_space<vmem_shared>>)
      tpu.yield
    }) : () -> ()
    %barrier3A = arith.constant 0 : index
    tpu.barrier barrier_id(%barrier3A)
    %run_scoped3A = arith.constant 0 : i32
    %run_scoped3A_3 = arith.constant 0 : i32
    "tpu.region"() ({
      %run_scoped3A_111 = tpu.sem_alloc : memref<!tpu.dma_semaphore, #tpu.memory_space<semaphore_mem>>
      %dma_start3A_112 = arith.constant 0 : i32
      %dma_start3A_113 = arith.constant 0 : i32
      %dma_start3A_114 = tpu.memref_slice %arg7[%run_scoped3A_3, %dma_start3A_112, %dma_start3A_113] : memref<3x8x25xi32, #tpu.memory_space<vmem>> -> memref<1x8x25xi32, #tpu.memory_space<vmem>>
      %dma_start3A_115 = tpu.memref_squeeze %dma_start3A_114 : memref<1x8x25xi32, #tpu.memory_space<vmem>> -> memref<8x25xi32, #tpu.memory_space<vmem>>
      %dma_start3A_116 = arith.constant 0 : i32
      %dma_start3A_117 = arith.constant 0 : i32
      %dma_start3A_118 = tpu.memref_slice %arg3[%add3A, %run_scoped3A, %dma_start3A_116, %dma_start3A_117] : memref<32x50x8x25xi32, #tpu.memory_space<hbm>> -> memref<1x1x8x25xi32, #tpu.memory_space<hbm>>
      %dma_start3A_119 = tpu.memref_squeeze %dma_start3A_118 : memref<1x1x8x25xi32, #tpu.memory_space<hbm>> -> memref<8x25xi32, #tpu.memory_space<hbm>>
      %dma_start3A_120 = arith.constant 0 : i32
      %dma_start3A_121 = arith.constant 0 : i32
      %dma_start3A_122 = tpu.memref_slice %arg7[%run_scoped3A_3, %dma_start3A_120, %dma_start3A_121] : memref<3x8x25xi32, #tpu.memory_space<vmem>> -> memref<1x8x25xi32, #tpu.memory_space<vmem>>
      %dma_start3A_123 = tpu.memref_squeeze %dma_start3A_122 : memref<1x8x25xi32, #tpu.memory_space<vmem>> -> memref<8x25xi32, #tpu.memory_space<vmem>>
      %dma_start3A_124 = arith.constant 0 : i32
      %dma_start3A_125 = arith.constant 0 : i32
      %dma_start3A_126 = tpu.memref_slice %arg3[%add3A, %run_scoped3A, %dma_start3A_124, %dma_start3A_125] : memref<32x50x8x25xi32, #tpu.memory_space<hbm>> -> memref<1x1x8x25xi32, #tpu.memory_space<hbm>>
      %dma_start3A_127 = tpu.memref_squeeze %dma_start3A_126 : memref<1x1x8x25xi32, #tpu.memory_space<hbm>> -> memref<8x25xi32, #tpu.memory_space<hbm>>
      tpu.enqueue_dma source(%dma_start3A_127 : memref<8x25xi32, #tpu.memory_space<hbm>>) target(%dma_start3A_123 : memref<8x25xi32, #tpu.memory_space<vmem>>) target_semaphore(%run_scoped3A_111 : memref<!tpu.dma_semaphore, #tpu.memory_space<semaphore_mem>>)
      %dma_wait3A_128 = arith.constant 0 : i32
      %dma_wait3A_129 = arith.constant 0 : i32
      %dma_wait3A_130 = tpu.memref_slice %arg7[%run_scoped3A_3, %dma_wait3A_128, %dma_wait3A_129] : memref<3x8x25xi32, #tpu.memory_space<vmem>> -> memref<1x8x25xi32, #tpu.memory_space<vmem>>
      %dma_wait3A_131 = tpu.memref_squeeze %dma_wait3A_130 : memref<1x8x25xi32, #tpu.memory_space<vmem>> -> memref<8x25xi32, #tpu.memory_space<vmem>>
      %dma_wait3A_132 = arith.constant 0 : i32
      %dma_wait3A_133 = arith.constant 0 : i32
      %dma_wait3A_134 = tpu.memref_slice %arg3[%add3A, %run_scoped3A, %dma_wait3A_132, %dma_wait3A_133] : memref<32x50x8x25xi32, #tpu.memory_space<hbm>> -> memref<1x1x8x25xi32, #tpu.memory_space<hbm>>
      %dma_wait3A_135 = tpu.memref_squeeze %dma_wait3A_134 : memref<1x1x8x25xi32, #tpu.memory_space<hbm>> -> memref<8x25xi32, #tpu.memory_space<hbm>>
      %dma_wait3A_136 = arith.constant 0 : i32
      %dma_wait3A_137 = arith.constant 0 : i32
      %dma_wait3A_138 = tpu.memref_slice %arg7[%run_scoped3A_3, %dma_wait3A_136, %dma_wait3A_137] : memref<3x8x25xi32, #tpu.memory_space<vmem>> -> memref<1x8x25xi32, #tpu.memory_space<vmem>>
      %dma_wait3A_139 = tpu.memref_squeeze %dma_wait3A_138 : memref<1x8x25xi32, #tpu.memory_space<vmem>> -> memref<8x25xi32, #tpu.memory_space<vmem>>
      %dma_wait3A_140 = arith.constant 0 : i32
      %dma_wait3A_141 = arith.constant 0 : i32
      %dma_wait3A_142 = tpu.memref_slice %arg3[%add3A, %run_scoped3A, %dma_wait3A_140, %dma_wait3A_141] : memref<32x50x8x25xi32, #tpu.memory_space<hbm>> -> memref<1x1x8x25xi32, #tpu.memory_space<hbm>>
      %dma_wait3A_143 = tpu.memref_squeeze %dma_wait3A_142 : memref<1x1x8x25xi32, #tpu.memory_space<hbm>> -> memref<8x25xi32, #tpu.memory_space<hbm>>
      tpu.wait_dma2 semaphore(%run_scoped3A_111 : memref<!tpu.dma_semaphore, #tpu.memory_space<semaphore_mem>>) src(%dma_wait3A_143 : memref<8x25xi32, #tpu.memory_space<hbm>>) dst(%dma_wait3A_139 : memref<8x25xi32, #tpu.memory_space<vmem>>)
      tpu.yield
    }) : () -> ()
    %run_scoped3A_4 = arith.constant 0 : i32
    %run_scoped3A_5 = arith.constant 0 : i32
    "tpu.region"() ({
      %run_scoped3A_111 = tpu.sem_alloc : memref<!tpu.dma_semaphore, #tpu.memory_space<semaphore_mem>>
      %dma_start3A_112 = arith.constant 0 : i32
      %dma_start3A_113 = arith.constant 0 : i32
      %dma_start3A_114 = tpu.memref_slice %arg8[%run_scoped3A_5, %dma_start3A_112, %dma_start3A_113] : memref<3x8x25xi32, #tpu.memory_space<vmem>> -> memref<1x8x25xi32, #tpu.memory_space<vmem>>
      %dma_start3A_115 = tpu.memref_squeeze %dma_start3A_114 : memref<1x8x25xi32, #tpu.memory_space<vmem>> -> memref<8x25xi32, #tpu.memory_space<vmem>>
      %dma_start3A_116 = arith.constant 0 : i32
      %dma_start3A_117 = arith.constant 0 : i32
      %dma_start3A_118 = tpu.memref_slice %arg4[%add3A, %run_scoped3A_4, %dma_start3A_116, %dma_start3A_117] : memref<32x50x8x25xi32, #tpu.memory_space<hbm>> -> memref<1x1x8x25xi32, #tpu.memory_space<hbm>>
      %dma_start3A_119 = tpu.memref_squeeze %dma_start3A_118 : memref<1x1x8x25xi32, #tpu.memory_space<hbm>> -> memref<8x25xi32, #tpu.memory_space<hbm>>
      %dma_start3A_120 = arith.constant 0 : i32
      %dma_start3A_121 = arith.constant 0 : i32
      %dma_start3A_122 = tpu.memref_slice %arg8[%run_scoped3A_5, %dma_start3A_120, %dma_start3A_121] : memref<3x8x25xi32, #tpu.memory_space<vmem>> -> memref<1x8x25xi32, #tpu.memory_space<vmem>>
      %dma_start3A_123 = tpu.memref_squeeze %dma_start3A_122 : memref<1x8x25xi32, #tpu.memory_space<vmem>> -> memref<8x25xi32, #tpu.memory_space<vmem>>
      %dma_start3A_124 = arith.constant 0 : i32
      %dma_start3A_125 = arith.constant 0 : i32
      %dma_start3A_126 = tpu.memref_slice %arg4[%add3A, %run_scoped3A_4, %dma_start3A_124, %dma_start3A_125] : memref<32x50x8x25xi32, #tpu.memory_space<hbm>> -> memref<1x1x8x25xi32, #tpu.memory_space<hbm>>
      %dma_start3A_127 = tpu.memref_squeeze %dma_start3A_126 : memref<1x1x8x25xi32, #tpu.memory_space<hbm>> -> memref<8x25xi32, #tpu.memory_space<hbm>>
      tpu.enqueue_dma source(%dma_start3A_127 : memref<8x25xi32, #tpu.memory_space<hbm>>) target(%dma_start3A_123 : memref<8x25xi32, #tpu.memory_space<vmem>>) target_semaphore(%run_scoped3A_111 : memref<!tpu.dma_semaphore, #tpu.memory_space<semaphore_mem>>)
      %dma_wait3A_128 = arith.constant 0 : i32
      %dma_wait3A_129 = arith.constant 0 : i32
      %dma_wait3A_130 = tpu.memref_slice %arg8[%run_scoped3A_5, %dma_wait3A_128, %dma_wait3A_129] : memref<3x8x25xi32, #tpu.memory_space<vmem>> -> memref<1x8x25xi32, #tpu.memory_space<vmem>>
      %dma_wait3A_131 = tpu.memref_squeeze %dma_wait3A_130 : memref<1x8x25xi32, #tpu.memory_space<vmem>> -> memref<8x25xi32, #tpu.memory_space<vmem>>
      %dma_wait3A_132 = arith.constant 0 : i32
      %dma_wait3A_133 = arith.constant 0 : i32
      %dma_wait3A_134 = tpu.memref_slice %arg4[%add3A, %run_scoped3A_4, %dma_wait3A_132, %dma_wait3A_133] : memref<32x50x8x25xi32, #tpu.memory_space<hbm>> -> memref<1x1x8x25xi32, #tpu.memory_space<hbm>>
      %dma_wait3A_135 = tpu.memref_squeeze %dma_wait3A_134 : memref<1x1x8x25xi32, #tpu.memory_space<hbm>> -> memref<8x25xi32, #tpu.memory_space<hbm>>
      %dma_wait3A_136 = arith.constant 0 : i32
      %dma_wait3A_137 = arith.constant 0 : i32
      %dma_wait3A_138 = tpu.memref_slice %arg8[%run_scoped3A_5, %dma_wait3A_136, %dma_wait3A_137] : memref<3x8x25xi32, #tpu.memory_space<vmem>> -> memref<1x8x25xi32, #tpu.memory_space<vmem>>
      %dma_wait3A_139 = tpu.memref_squeeze %dma_wait3A_138 : memref<1x8x25xi32, #tpu.memory_space<vmem>> -> memref<8x25xi32, #tpu.memory_space<vmem>>
      %dma_wait3A_140 = arith.constant 0 : i32
      %dma_wait3A_141 = arith.constant 0 : i32
      %dma_wait3A_142 = tpu.memref_slice %arg4[%add3A, %run_scoped3A_4, %dma_wait3A_140, %dma_wait3A_141] : memref<32x50x8x25xi32, #tpu.memory_space<hbm>> -> memref<1x1x8x25xi32, #tpu.memory_space<hbm>>
      %dma_wait3A_143 = tpu.memref_squeeze %dma_wait3A_142 : memref<1x1x8x25xi32, #tpu.memory_space<hbm>> -> memref<8x25xi32, #tpu.memory_space<hbm>>
      tpu.wait_dma2 semaphore(%run_scoped3A_111 : memref<!tpu.dma_semaphore, #tpu.memory_space<semaphore_mem>>) src(%dma_wait3A_143 : memref<8x25xi32, #tpu.memory_space<hbm>>) dst(%dma_wait3A_139 : memref<8x25xi32, #tpu.memory_space<vmem>>)
      tpu.yield
    }) : () -> ()
    %dma_start3A = arith.constant 1 : i32
    %dma_start3A_6 = arith.constant 1 : i32
    %dma_start3A_7 = arith.constant 0 : i32
    %dma_start3A_8 = arith.constant 0 : i32
    %dma_start3A_9 = tpu.memref_slice %arg7[%dma_start3A_6, %dma_start3A_7, %dma_start3A_8] : memref<3x8x25xi32, #tpu.memory_space<vmem>> -> memref<1x8x25xi32, #tpu.memory_space<vmem>>
    %dma_start3A_10 = tpu.memref_squeeze %dma_start3A_9 : memref<1x8x25xi32, #tpu.memory_space<vmem>> -> memref<8x25xi32, #tpu.memory_space<vmem>>
    %dma_start3A_11 = arith.constant 0 : i32
    %dma_start3A_12 = arith.constant 0 : i32
    %dma_start3A_13 = tpu.memref_slice %arg3[%add3A, %dma_start3A, %dma_start3A_11, %dma_start3A_12] : memref<32x50x8x25xi32, #tpu.memory_space<hbm>> -> memref<1x1x8x25xi32, #tpu.memory_space<hbm>>
    %dma_start3A_14 = tpu.memref_squeeze %dma_start3A_13 : memref<1x1x8x25xi32, #tpu.memory_space<hbm>> -> memref<8x25xi32, #tpu.memory_space<hbm>>
    %dma_start3A_15 = arith.constant 0 : i32
    %dma_start3A_16 = arith.constant 0 : i32
    %dma_start3A_17 = tpu.memref_slice %arg7[%dma_start3A_6, %dma_start3A_15, %dma_start3A_16] : memref<3x8x25xi32, #tpu.memory_space<vmem>> -> memref<1x8x25xi32, #tpu.memory_space<vmem>>
    %dma_start3A_18 = tpu.memref_squeeze %dma_start3A_17 : memref<1x8x25xi32, #tpu.memory_space<vmem>> -> memref<8x25xi32, #tpu.memory_space<vmem>>
    %dma_start3A_19 = arith.constant 0 : i32
    %dma_start3A_20 = arith.constant 0 : i32
    %dma_start3A_21 = tpu.memref_slice %arg3[%add3A, %dma_start3A, %dma_start3A_19, %dma_start3A_20] : memref<32x50x8x25xi32, #tpu.memory_space<hbm>> -> memref<1x1x8x25xi32, #tpu.memory_space<hbm>>
    %dma_start3A_22 = tpu.memref_squeeze %dma_start3A_21 : memref<1x1x8x25xi32, #tpu.memory_space<hbm>> -> memref<8x25xi32, #tpu.memory_space<hbm>>
    tpu.enqueue_dma source(%dma_start3A_22 : memref<8x25xi32, #tpu.memory_space<hbm>>) target(%dma_start3A_18 : memref<8x25xi32, #tpu.memory_space<vmem>>) target_semaphore(%arg34 : memref<!tpu.dma_semaphore, #tpu.memory_space<semaphore_mem>>)
    %dma_start3A_23 = arith.constant 1 : i32
    %dma_start3A_24 = arith.constant 1 : i32
    %dma_start3A_25 = arith.constant 0 : i32
    %dma_start3A_26 = arith.constant 0 : i32
    %dma_start3A_27 = tpu.memref_slice %arg8[%dma_start3A_24, %dma_start3A_25, %dma_start3A_26] : memref<3x8x25xi32, #tpu.memory_space<vmem>> -> memref<1x8x25xi32, #tpu.memory_space<vmem>>
    %dma_start3A_28 = tpu.memref_squeeze %dma_start3A_27 : memref<1x8x25xi32, #tpu.memory_space<vmem>> -> memref<8x25xi32, #tpu.memory_space<vmem>>
    %dma_start3A_29 = arith.constant 0 : i32
    %dma_start3A_30 = arith.constant 0 : i32
    %dma_start3A_31 = tpu.memref_slice %arg4[%add3A, %dma_start3A_23, %dma_start3A_29, %dma_start3A_30] : memref<32x50x8x25xi32, #tpu.memory_space<hbm>> -> memref<1x1x8x25xi32, #tpu.memory_space<hbm>>
    %dma_start3A_32 = tpu.memref_squeeze %dma_start3A_31 : memref<1x1x8x25xi32, #tpu.memory_space<hbm>> -> memref<8x25xi32, #tpu.memory_space<hbm>>
    %dma_start3A_33 = arith.constant 0 : i32
    %dma_start3A_34 = arith.constant 0 : i32
    %dma_start3A_35 = tpu.memref_slice %arg8[%dma_start3A_24, %dma_start3A_33, %dma_start3A_34] : memref<3x8x25xi32, #tpu.memory_space<vmem>> -> memref<1x8x25xi32, #tpu.memory_space<vmem>>
    %dma_start3A_36 = tpu.memref_squeeze %dma_start3A_35 : memref<1x8x25xi32, #tpu.memory_space<vmem>> -> memref<8x25xi32, #tpu.memory_space<vmem>>
    %dma_start3A_37 = arith.constant 0 : i32
    %dma_start3A_38 = arith.constant 0 : i32
    %dma_start3A_39 = tpu.memref_slice %arg4[%add3A, %dma_start3A_23, %dma_start3A_37, %dma_start3A_38] : memref<32x50x8x25xi32, #tpu.memory_space<hbm>> -> memref<1x1x8x25xi32, #tpu.memory_space<hbm>>
    %dma_start3A_40 = tpu.memref_squeeze %dma_start3A_39 : memref<1x1x8x25xi32, #tpu.memory_space<hbm>> -> memref<8x25xi32, #tpu.memory_space<hbm>>
    tpu.enqueue_dma source(%dma_start3A_40 : memref<8x25xi32, #tpu.memory_space<hbm>>) target(%dma_start3A_36 : memref<8x25xi32, #tpu.memory_space<vmem>>) target_semaphore(%arg34 : memref<!tpu.dma_semaphore, #tpu.memory_space<semaphore_mem>>)
    %dma_start3A_41 = arith.constant 0 : i32
    %dma_start3A_42 = arith.constant 0 : i32
    %dma_start3A_43 = arith.constant 0 : i32
    %dma_start3A_44 = tpu.memref_slice %arg7[%dma_start3A_41, %dma_start3A_42, %dma_start3A_43] : memref<3x8x25xi32, #tpu.memory_space<vmem>> -> memref<1x1x25xi32, #tpu.memory_space<vmem>>
    %dma_start3A_45 = tpu.memref_squeeze %dma_start3A_44 : memref<1x1x25xi32, #tpu.memory_space<vmem>> -> memref<25xi32, #tpu.memory_space<vmem>>
    %dma_start3A_46 = arith.constant 0 : i32
    %dma_start3A_47 = arith.constant 0 : i32
    %dma_start3A_48 = tpu.memref_slice %arg2[%dma_start3A_46, %dma_start3A_47] : memref<10240x128xf32, #tpu.memory_space<hbm>> -> memref<10240x128xf32, #tpu.memory_space<hbm>>
    tpu.enqueue_indirect_dma source(%dma_start3A_48 : memref<10240x128xf32, #tpu.memory_space<hbm>>) target(%arg10 : memref<25x128xf32, #tpu.memory_space<vmem>>) offsets(%dma_start3A_45 : memref<25xi32, #tpu.memory_space<vmem>>) semaphore(%arg18 : memref<!tpu.dma_semaphore, #tpu.memory_space<semaphore_mem>>)
    %dma_start3A_49 = arith.constant 0 : i32
    %dma_start3A_50 = arith.constant 1 : i32
    %dma_start3A_51 = arith.constant 0 : i32
    %dma_start3A_52 = tpu.memref_slice %arg7[%dma_start3A_49, %dma_start3A_50, %dma_start3A_51] : memref<3x8x25xi32, #tpu.memory_space<vmem>> -> memref<1x1x25xi32, #tpu.memory_space<vmem>>
    %dma_start3A_53 = tpu.memref_squeeze %dma_start3A_52 : memref<1x1x25xi32, #tpu.memory_space<vmem>> -> memref<25xi32, #tpu.memory_space<vmem>>
    %dma_start3A_54 = arith.constant 0 : i32
    %dma_start3A_55 = arith.constant 0 : i32
    %dma_start3A_56 = tpu.memref_slice %arg2[%dma_start3A_54, %dma_start3A_55] : memref<10240x128xf32, #tpu.memory_space<hbm>> -> memref<10240x128xf32, #tpu.memory_space<hbm>>
    tpu.enqueue_indirect_dma source(%dma_start3A_56 : memref<10240x128xf32, #tpu.memory_space<hbm>>) target(%arg11 : memref<25x128xf32, #tpu.memory_space<vmem>>) offsets(%dma_start3A_53 : memref<25xi32, #tpu.memory_space<vmem>>) semaphore(%arg19 : memref<!tpu.dma_semaphore, #tpu.memory_space<semaphore_mem>>)
    %dma_start3A_57 = arith.constant 0 : i32
    %dma_start3A_58 = arith.constant 2 : i32
    %dma_start3A_59 = arith.constant 0 : i32
    %dma_start3A_60 = tpu.memref_slice %arg7[%dma_start3A_57, %dma_start3A_58, %dma_start3A_59] : memref<3x8x25xi32, #tpu.memory_space<vmem>> -> memref<1x1x25xi32, #tpu.memory_space<vmem>>
    %dma_start3A_61 = tpu.memref_squeeze %dma_start3A_60 : memref<1x1x25xi32, #tpu.memory_space<vmem>> -> memref<25xi32, #tpu.memory_space<vmem>>
    %dma_start3A_62 = arith.constant 0 : i32
    %dma_start3A_63 = arith.constant 0 : i32
    %dma_start3A_64 = tpu.memref_slice %arg2[%dma_start3A_62, %dma_start3A_63] : memref<10240x128xf32, #tpu.memory_space<hbm>> -> memref<10240x128xf32, #tpu.memory_space<hbm>>
    tpu.enqueue_indirect_dma source(%dma_start3A_64 : memref<10240x128xf32, #tpu.memory_space<hbm>>) target(%arg12 : memref<25x128xf32, #tpu.memory_space<vmem>>) offsets(%dma_start3A_61 : memref<25xi32, #tpu.memory_space<vmem>>) semaphore(%arg20 : memref<!tpu.dma_semaphore, #tpu.memory_space<semaphore_mem>>)
    %dma_start3A_65 = arith.constant 0 : i32
    %dma_start3A_66 = arith.constant 3 : i32
    %dma_start3A_67 = arith.constant 0 : i32
    %dma_start3A_68 = tpu.memref_slice %arg7[%dma_start3A_65, %dma_start3A_66, %dma_start3A_67] : memref<3x8x25xi32, #tpu.memory_space<vmem>> -> memref<1x1x25xi32, #tpu.memory_space<vmem>>
    %dma_start3A_69 = tpu.memref_squeeze %dma_start3A_68 : memref<1x1x25xi32, #tpu.memory_space<vmem>> -> memref<25xi32, #tpu.memory_space<vmem>>
    %dma_start3A_70 = arith.constant 0 : i32
    %dma_start3A_71 = arith.constant 0 : i32
    %dma_start3A_72 = tpu.memref_slice %arg2[%dma_start3A_70, %dma_start3A_71] : memref<10240x128xf32, #tpu.memory_space<hbm>> -> memref<10240x128xf32, #tpu.memory_space<hbm>>
    tpu.enqueue_indirect_dma source(%dma_start3A_72 : memref<10240x128xf32, #tpu.memory_space<hbm>>) target(%arg13 : memref<25x128xf32, #tpu.memory_space<vmem>>) offsets(%dma_start3A_69 : memref<25xi32, #tpu.memory_space<vmem>>) semaphore(%arg21 : memref<!tpu.dma_semaphore, #tpu.memory_space<semaphore_mem>>)
    %scan3A = arith.constant 0 : i32
    %scan3A_73 = arith.constant 0 : i32
    %scan3A_74 = arith.constant 50 : i32
    %scan3A_75 = arith.addi %scan3A_73, %scan3A_74 : i32
    %scan3A_76 = arith.constant 1 : i32
    %scan3A_77 = scf.for %scan3A_111 = %scan3A_73 to %scan3A_75 step %scan3A_76 iter_args(%scan3A_112 = %scan3A) -> (i32)  : i32 {
      %rem3A = arith.constant 3 : i32
      %rem3A_113 = arith.remsi %scan3A_111, %rem3A : i32
      %add3A_114 = arith.constant 1 : i32
      %add3A_115 = arith.addi %scan3A_111, %add3A_114 : i32
      %rem3A_116 = arith.constant 3 : i32
      %rem3A_117 = arith.remsi %add3A_115, %rem3A_116 : i32
      %add3A_118 = arith.constant 2 : i32
      %add3A_119 = arith.addi %scan3A_111, %add3A_118 : i32
      %rem3A_120 = arith.constant 3 : i32
      %rem3A_121 = arith.remsi %add3A_119, %rem3A_120 : i32
      %mul3A_122 = arith.constant 8 : i32
      %mul3A_123 = arith.muli %scan3A_111, %mul3A_122 : i32
      %add3A_124 = arith.constant 0 : i32
      %add3A_125 = arith.addi %mul3A_123, %add3A_124 : i32
      %dma_wait3A_126 = arith.constant 0 : i32
      %dma_wait3A_127 = arith.constant 0 : i32
      %dma_wait3A_128 = tpu.memref_slice %arg7[%rem3A_113, %dma_wait3A_126, %dma_wait3A_127] : memref<3x8x25xi32, #tpu.memory_space<vmem>> -> memref<1x1x25xi32, #tpu.memory_space<vmem>>
      %dma_wait3A_129 = tpu.memref_squeeze %dma_wait3A_128 : memref<1x1x25xi32, #tpu.memory_space<vmem>> -> memref<25xi32, #tpu.memory_space<vmem>>
      %dma_wait3A_130 = arith.constant 0 : i32
      %dma_wait3A_131 = arith.constant 0 : i32
      %dma_wait3A_132 = tpu.memref_slice %arg2[%dma_wait3A_130, %dma_wait3A_131] : memref<10240x128xf32, #tpu.memory_space<hbm>> -> memref<10240x128xf32, #tpu.memory_space<hbm>>
      tpu.wait_indirect_dma semaphore(%arg18 : memref<!tpu.dma_semaphore, #tpu.memory_space<semaphore_mem>>) src(%dma_wait3A_132 : memref<10240x128xf32, #tpu.memory_space<hbm>>) dst(%arg10 : memref<25x128xf32, #tpu.memory_space<vmem>>)
      %dma_start3A_133 = arith.constant 0 : i32
      %dma_start3A_134 = arith.constant 0 : i32
      %dma_start3A_135 = tpu.memref_slice %arg8[%rem3A_113, %dma_start3A_133, %dma_start3A_134] : memref<3x8x25xi32, #tpu.memory_space<vmem>> -> memref<1x1x25xi32, #tpu.memory_space<vmem>>
      %dma_start3A_136 = tpu.memref_squeeze %dma_start3A_135 : memref<1x1x25xi32, #tpu.memory_space<vmem>> -> memref<25xi32, #tpu.memory_space<vmem>>
      %dma_start3A_137 = arith.constant 0 : i32
      %dma_start3A_138 = arith.constant 0 : i32
      %dma_start3A_139 = tpu.memref_slice %arg9[%dma_start3A_137, %dma_start3A_138] : memref<10240x128xf32, #tpu.memory_space<vmem_shared>> -> memref<10240x128xf32, #tpu.memory_space<vmem_shared>>
      tpu.enqueue_indirect_dma source(%arg10 : memref<25x128xf32, #tpu.memory_space<vmem>>) target(%dma_start3A_139 : memref<10240x128xf32, #tpu.memory_space<vmem_shared>>) offsets(%dma_start3A_136 : memref<25xi32, #tpu.memory_space<vmem>>) semaphore(%arg26 : memref<!tpu.dma_semaphore, #tpu.memory_space<semaphore_mem>>) {add = true}
      %ge3A = arith.constant 4 : i32
      %ge3A_140 = arith.cmpi sge, %add3A_125, %ge3A : i32
      %convert_element_type3A = arith.extui %ge3A_140 : i1 to i32
      %cond3A = arith.constant 0 : i32
      %cond3A_141 = arith.cmpi ne, %convert_element_type3A, %cond3A : i32
      scf.if %cond3A_141 {
        %dma_wait3A_373 = arith.constant 0 : i32
        %dma_wait3A_374 = arith.constant 0 : i32
        %dma_wait3A_375 = tpu.memref_slice %arg8[%rem3A_113, %dma_wait3A_373, %dma_wait3A_374] : memref<3x8x25xi32, #tpu.memory_space<vmem>> -> memref<1x1x25xi32, #tpu.memory_space<vmem>>
        %dma_wait3A_376 = tpu.memref_squeeze %dma_wait3A_375 : memref<1x1x25xi32, #tpu.memory_space<vmem>> -> memref<25xi32, #tpu.memory_space<vmem>>
        %dma_wait3A_377 = arith.constant 0 : i32
        %dma_wait3A_378 = arith.constant 0 : i32
        %dma_wait3A_379 = tpu.memref_slice %arg9[%dma_wait3A_377, %dma_wait3A_378] : memref<10240x128xf32, #tpu.memory_space<vmem_shared>> -> memref<10240x128xf32, #tpu.memory_space<vmem_shared>>
        tpu.wait_indirect_dma semaphore(%arg30 : memref<!tpu.dma_semaphore, #tpu.memory_space<semaphore_mem>>) src(%arg14 : memref<25x128xf32, #tpu.memory_space<vmem>>) dst(%dma_wait3A_379 : memref<10240x128xf32, #tpu.memory_space<vmem_shared>>)
      } else {
      }
      %add3A_142 = arith.constant 4 : i32
      %add3A_143 = arith.addi %add3A_125, %add3A_142 : i32
      %lt3A = arith.constant 400 : i32
      %lt3A_144 = arith.cmpi slt, %add3A_143, %lt3A : i32
      %convert_element_type3A_145 = arith.extui %lt3A_144 : i1 to i32
      %cond3A_146 = arith.constant 0 : i32
      %cond3A_147 = arith.cmpi ne, %convert_element_type3A_145, %cond3A_146 : i32
      scf.if %cond3A_147 {
        %dma_start3A_373 = arith.constant 4 : i32
        %dma_start3A_374 = arith.constant 0 : i32
        %dma_start3A_375 = tpu.memref_slice %arg7[%rem3A_113, %dma_start3A_373, %dma_start3A_374] : memref<3x8x25xi32, #tpu.memory_space<vmem>> -> memref<1x1x25xi32, #tpu.memory_space<vmem>>
        %dma_start3A_376 = tpu.memref_squeeze %dma_start3A_375 : memref<1x1x25xi32, #tpu.memory_space<vmem>> -> memref<25xi32, #tpu.memory_space<vmem>>
        %dma_start3A_377 = arith.constant 0 : i32
        %dma_start3A_378 = arith.constant 0 : i32
        %dma_start3A_379 = tpu.memref_slice %arg2[%dma_start3A_377, %dma_start3A_378] : memref<10240x128xf32, #tpu.memory_space<hbm>> -> memref<10240x128xf32, #tpu.memory_space<hbm>>
        tpu.enqueue_indirect_dma source(%dma_start3A_379 : memref<10240x128xf32, #tpu.memory_space<hbm>>) target(%arg14 : memref<25x128xf32, #tpu.memory_space<vmem>>) offsets(%dma_start3A_376 : memref<25xi32, #tpu.memory_space<vmem>>) semaphore(%arg22 : memref<!tpu.dma_semaphore, #tpu.memory_space<semaphore_mem>>)
      } else {
      }
      %mul3A_148 = arith.constant 8 : i32
      %mul3A_149 = arith.muli %scan3A_111, %mul3A_148 : i32
      %add3A_150 = arith.constant 1 : i32
      %add3A_151 = arith.addi %mul3A_149, %add3A_150 : i32
      %dma_wait3A_152 = arith.constant 1 : i32
      %dma_wait3A_153 = arith.constant 0 : i32
      %dma_wait3A_154 = tpu.memref_slice %arg7[%rem3A_113, %dma_wait3A_152, %dma_wait3A_153] : memref<3x8x25xi32, #tpu.memory_space<vmem>> -> memref<1x1x25xi32, #tpu.memory_space<vmem>>
      %dma_wait3A_155 = tpu.memref_squeeze %dma_wait3A_154 : memref<1x1x25xi32, #tpu.memory_space<vmem>> -> memref<25xi32, #tpu.memory_space<vmem>>
      %dma_wait3A_156 = arith.constant 0 : i32
      %dma_wait3A_157 = arith.constant 0 : i32
      %dma_wait3A_158 = tpu.memref_slice %arg2[%dma_wait3A_156, %dma_wait3A_157] : memref<10240x128xf32, #tpu.memory_space<hbm>> -> memref<10240x128xf32, #tpu.memory_space<hbm>>
      tpu.wait_indirect_dma semaphore(%arg19 : memref<!tpu.dma_semaphore, #tpu.memory_space<semaphore_mem>>) src(%dma_wait3A_158 : memref<10240x128xf32, #tpu.memory_space<hbm>>) dst(%arg11 : memref<25x128xf32, #tpu.memory_space<vmem>>)
      %dma_start3A_159 = arith.constant 1 : i32
      %dma_start3A_160 = arith.constant 0 : i32
      %dma_start3A_161 = tpu.memref_slice %arg8[%rem3A_113, %dma_start3A_159, %dma_start3A_160] : memref<3x8x25xi32, #tpu.memory_space<vmem>> -> memref<1x1x25xi32, #tpu.memory_space<vmem>>
      %dma_start3A_162 = tpu.memref_squeeze %dma_start3A_161 : memref<1x1x25xi32, #tpu.memory_space<vmem>> -> memref<25xi32, #tpu.memory_space<vmem>>
      %dma_start3A_163 = arith.constant 0 : i32
      %dma_start3A_164 = arith.constant 0 : i32
      %dma_start3A_165 = tpu.memref_slice %arg9[%dma_start3A_163, %dma_start3A_164] : memref<10240x128xf32, #tpu.memory_space<vmem_shared>> -> memref<10240x128xf32, #tpu.memory_space<vmem_shared>>
      tpu.enqueue_indirect_dma source(%arg11 : memref<25x128xf32, #tpu.memory_space<vmem>>) target(%dma_start3A_165 : memref<10240x128xf32, #tpu.memory_space<vmem_shared>>) offsets(%dma_start3A_162 : memref<25xi32, #tpu.memory_space<vmem>>) semaphore(%arg27 : memref<!tpu.dma_semaphore, #tpu.memory_space<semaphore_mem>>) {add = true}
      %ge3A_166 = arith.constant 4 : i32
      %ge3A_167 = arith.cmpi sge, %add3A_151, %ge3A_166 : i32
      %convert_element_type3A_168 = arith.extui %ge3A_167 : i1 to i32
      %cond3A_169 = arith.constant 0 : i32
      %cond3A_170 = arith.cmpi ne, %convert_element_type3A_168, %cond3A_169 : i32
      scf.if %cond3A_170 {
        %dma_wait3A_373 = arith.constant 1 : i32
        %dma_wait3A_374 = arith.constant 0 : i32
        %dma_wait3A_375 = tpu.memref_slice %arg8[%rem3A_113, %dma_wait3A_373, %dma_wait3A_374] : memref<3x8x25xi32, #tpu.memory_space<vmem>> -> memref<1x1x25xi32, #tpu.memory_space<vmem>>
        %dma_wait3A_376 = tpu.memref_squeeze %dma_wait3A_375 : memref<1x1x25xi32, #tpu.memory_space<vmem>> -> memref<25xi32, #tpu.memory_space<vmem>>
        %dma_wait3A_377 = arith.constant 0 : i32
        %dma_wait3A_378 = arith.constant 0 : i32
        %dma_wait3A_379 = tpu.memref_slice %arg9[%dma_wait3A_377, %dma_wait3A_378] : memref<10240x128xf32, #tpu.memory_space<vmem_shared>> -> memref<10240x128xf32, #tpu.memory_space<vmem_shared>>
        tpu.wait_indirect_dma semaphore(%arg31 : memref<!tpu.dma_semaphore, #tpu.memory_space<semaphore_mem>>) src(%arg15 : memref<25x128xf32, #tpu.memory_space<vmem>>) dst(%dma_wait3A_379 : memref<10240x128xf32, #tpu.memory_space<vmem_shared>>)
      } else {
      }
      %add3A_171 = arith.constant 4 : i32
      %add3A_172 = arith.addi %add3A_151, %add3A_171 : i32
      %lt3A_173 = arith.constant 400 : i32
      %lt3A_174 = arith.cmpi slt, %add3A_172, %lt3A_173 : i32
      %convert_element_type3A_175 = arith.extui %lt3A_174 : i1 to i32
      %cond3A_176 = arith.constant 0 : i32
      %cond3A_177 = arith.cmpi ne, %convert_element_type3A_175, %cond3A_176 : i32
      scf.if %cond3A_177 {
        %dma_start3A_373 = arith.constant 5 : i32
        %dma_start3A_374 = arith.constant 0 : i32
        %dma_start3A_375 = tpu.memref_slice %arg7[%rem3A_113, %dma_start3A_373, %dma_start3A_374] : memref<3x8x25xi32, #tpu.memory_space<vmem>> -> memref<1x1x25xi32, #tpu.memory_space<vmem>>
        %dma_start3A_376 = tpu.memref_squeeze %dma_start3A_375 : memref<1x1x25xi32, #tpu.memory_space<vmem>> -> memref<25xi32, #tpu.memory_space<vmem>>
        %dma_start3A_377 = arith.constant 0 : i32
        %dma_start3A_378 = arith.constant 0 : i32
        %dma_start3A_379 = tpu.memref_slice %arg2[%dma_start3A_377, %dma_start3A_378] : memref<10240x128xf32, #tpu.memory_space<hbm>> -> memref<10240x128xf32, #tpu.memory_space<hbm>>
        tpu.enqueue_indirect_dma source(%dma_start3A_379 : memref<10240x128xf32, #tpu.memory_space<hbm>>) target(%arg15 : memref<25x128xf32, #tpu.memory_space<vmem>>) offsets(%dma_start3A_376 : memref<25xi32, #tpu.memory_space<vmem>>) semaphore(%arg23 : memref<!tpu.dma_semaphore, #tpu.memory_space<semaphore_mem>>)
      } else {
      }
      %mul3A_178 = arith.constant 8 : i32
      %mul3A_179 = arith.muli %scan3A_111, %mul3A_178 : i32
      %add3A_180 = arith.constant 2 : i32
      %add3A_181 = arith.addi %mul3A_179, %add3A_180 : i32
      %dma_wait3A_182 = arith.constant 2 : i32
      %dma_wait3A_183 = arith.constant 0 : i32
      %dma_wait3A_184 = tpu.memref_slice %arg7[%rem3A_113, %dma_wait3A_182, %dma_wait3A_183] : memref<3x8x25xi32, #tpu.memory_space<vmem>> -> memref<1x1x25xi32, #tpu.memory_space<vmem>>
      %dma_wait3A_185 = tpu.memref_squeeze %dma_wait3A_184 : memref<1x1x25xi32, #tpu.memory_space<vmem>> -> memref<25xi32, #tpu.memory_space<vmem>>
      %dma_wait3A_186 = arith.constant 0 : i32
      %dma_wait3A_187 = arith.constant 0 : i32
      %dma_wait3A_188 = tpu.memref_slice %arg2[%dma_wait3A_186, %dma_wait3A_187] : memref<10240x128xf32, #tpu.memory_space<hbm>> -> memref<10240x128xf32, #tpu.memory_space<hbm>>
      tpu.wait_indirect_dma semaphore(%arg20 : memref<!tpu.dma_semaphore, #tpu.memory_space<semaphore_mem>>) src(%dma_wait3A_188 : memref<10240x128xf32, #tpu.memory_space<hbm>>) dst(%arg12 : memref<25x128xf32, #tpu.memory_space<vmem>>)
      %dma_start3A_189 = arith.constant 2 : i32
      %dma_start3A_190 = arith.constant 0 : i32
      %dma_start3A_191 = tpu.memref_slice %arg8[%rem3A_113, %dma_start3A_189, %dma_start3A_190] : memref<3x8x25xi32, #tpu.memory_space<vmem>> -> memref<1x1x25xi32, #tpu.memory_space<vmem>>
      %dma_start3A_192 = tpu.memref_squeeze %dma_start3A_191 : memref<1x1x25xi32, #tpu.memory_space<vmem>> -> memref<25xi32, #tpu.memory_space<vmem>>
      %dma_start3A_193 = arith.constant 0 : i32
      %dma_start3A_194 = arith.constant 0 : i32
      %dma_start3A_195 = tpu.memref_slice %arg9[%dma_start3A_193, %dma_start3A_194] : memref<10240x128xf32, #tpu.memory_space<vmem_shared>> -> memref<10240x128xf32, #tpu.memory_space<vmem_shared>>
      tpu.enqueue_indirect_dma source(%arg12 : memref<25x128xf32, #tpu.memory_space<vmem>>) target(%dma_start3A_195 : memref<10240x128xf32, #tpu.memory_space<vmem_shared>>) offsets(%dma_start3A_192 : memref<25xi32, #tpu.memory_space<vmem>>) semaphore(%arg28 : memref<!tpu.dma_semaphore, #tpu.memory_space<semaphore_mem>>) {add = true}
      %ge3A_196 = arith.constant 4 : i32
      %ge3A_197 = arith.cmpi sge, %add3A_181, %ge3A_196 : i32
      %convert_element_type3A_198 = arith.extui %ge3A_197 : i1 to i32
      %cond3A_199 = arith.constant 0 : i32
      %cond3A_200 = arith.cmpi ne, %convert_element_type3A_198, %cond3A_199 : i32
      scf.if %cond3A_200 {
        %dma_wait3A_373 = arith.constant 2 : i32
        %dma_wait3A_374 = arith.constant 0 : i32
        %dma_wait3A_375 = tpu.memref_slice %arg8[%rem3A_113, %dma_wait3A_373, %dma_wait3A_374] : memref<3x8x25xi32, #tpu.memory_space<vmem>> -> memref<1x1x25xi32, #tpu.memory_space<vmem>>
        %dma_wait3A_376 = tpu.memref_squeeze %dma_wait3A_375 : memref<1x1x25xi32, #tpu.memory_space<vmem>> -> memref<25xi32, #tpu.memory_space<vmem>>
        %dma_wait3A_377 = arith.constant 0 : i32
        %dma_wait3A_378 = arith.constant 0 : i32
        %dma_wait3A_379 = tpu.memref_slice %arg9[%dma_wait3A_377, %dma_wait3A_378] : memref<10240x128xf32, #tpu.memory_space<vmem_shared>> -> memref<10240x128xf32, #tpu.memory_space<vmem_shared>>
        tpu.wait_indirect_dma semaphore(%arg32 : memref<!tpu.dma_semaphore, #tpu.memory_space<semaphore_mem>>) src(%arg16 : memref<25x128xf32, #tpu.memory_space<vmem>>) dst(%dma_wait3A_379 : memref<10240x128xf32, #tpu.memory_space<vmem_shared>>)
      } else {
      }
      %add3A_201 = arith.constant 4 : i32
      %add3A_202 = arith.addi %add3A_181, %add3A_201 : i32
      %lt3A_203 = arith.constant 400 : i32
      %lt3A_204 = arith.cmpi slt, %add3A_202, %lt3A_203 : i32
      %convert_element_type3A_205 = arith.extui %lt3A_204 : i1 to i32
      %cond3A_206 = arith.constant 0 : i32
      %cond3A_207 = arith.cmpi ne, %convert_element_type3A_205, %cond3A_206 : i32
      scf.if %cond3A_207 {
        %dma_start3A_373 = arith.constant 6 : i32
        %dma_start3A_374 = arith.constant 0 : i32
        %dma_start3A_375 = tpu.memref_slice %arg7[%rem3A_113, %dma_start3A_373, %dma_start3A_374] : memref<3x8x25xi32, #tpu.memory_space<vmem>> -> memref<1x1x25xi32, #tpu.memory_space<vmem>>
        %dma_start3A_376 = tpu.memref_squeeze %dma_start3A_375 : memref<1x1x25xi32, #tpu.memory_space<vmem>> -> memref<25xi32, #tpu.memory_space<vmem>>
        %dma_start3A_377 = arith.constant 0 : i32
        %dma_start3A_378 = arith.constant 0 : i32
        %dma_start3A_379 = tpu.memref_slice %arg2[%dma_start3A_377, %dma_start3A_378] : memref<10240x128xf32, #tpu.memory_space<hbm>> -> memref<10240x128xf32, #tpu.memory_space<hbm>>
        tpu.enqueue_indirect_dma source(%dma_start3A_379 : memref<10240x128xf32, #tpu.memory_space<hbm>>) target(%arg16 : memref<25x128xf32, #tpu.memory_space<vmem>>) offsets(%dma_start3A_376 : memref<25xi32, #tpu.memory_space<vmem>>) semaphore(%arg24 : memref<!tpu.dma_semaphore, #tpu.memory_space<semaphore_mem>>)
      } else {
      }
      %mul3A_208 = arith.constant 8 : i32
      %mul3A_209 = arith.muli %scan3A_111, %mul3A_208 : i32
      %add3A_210 = arith.constant 3 : i32
      %add3A_211 = arith.addi %mul3A_209, %add3A_210 : i32
      %dma_wait3A_212 = arith.constant 3 : i32
      %dma_wait3A_213 = arith.constant 0 : i32
      %dma_wait3A_214 = tpu.memref_slice %arg7[%rem3A_113, %dma_wait3A_212, %dma_wait3A_213] : memref<3x8x25xi32, #tpu.memory_space<vmem>> -> memref<1x1x25xi32, #tpu.memory_space<vmem>>
      %dma_wait3A_215 = tpu.memref_squeeze %dma_wait3A_214 : memref<1x1x25xi32, #tpu.memory_space<vmem>> -> memref<25xi32, #tpu.memory_space<vmem>>
      %dma_wait3A_216 = arith.constant 0 : i32
      %dma_wait3A_217 = arith.constant 0 : i32
      %dma_wait3A_218 = tpu.memref_slice %arg2[%dma_wait3A_216, %dma_wait3A_217] : memref<10240x128xf32, #tpu.memory_space<hbm>> -> memref<10240x128xf32, #tpu.memory_space<hbm>>
      tpu.wait_indirect_dma semaphore(%arg21 : memref<!tpu.dma_semaphore, #tpu.memory_space<semaphore_mem>>) src(%dma_wait3A_218 : memref<10240x128xf32, #tpu.memory_space<hbm>>) dst(%arg13 : memref<25x128xf32, #tpu.memory_space<vmem>>)
      %dma_start3A_219 = arith.constant 3 : i32
      %dma_start3A_220 = arith.constant 0 : i32
      %dma_start3A_221 = tpu.memref_slice %arg8[%rem3A_113, %dma_start3A_219, %dma_start3A_220] : memref<3x8x25xi32, #tpu.memory_space<vmem>> -> memref<1x1x25xi32, #tpu.memory_space<vmem>>
      %dma_start3A_222 = tpu.memref_squeeze %dma_start3A_221 : memref<1x1x25xi32, #tpu.memory_space<vmem>> -> memref<25xi32, #tpu.memory_space<vmem>>
      %dma_start3A_223 = arith.constant 0 : i32
      %dma_start3A_224 = arith.constant 0 : i32
      %dma_start3A_225 = tpu.memref_slice %arg9[%dma_start3A_223, %dma_start3A_224] : memref<10240x128xf32, #tpu.memory_space<vmem_shared>> -> memref<10240x128xf32, #tpu.memory_space<vmem_shared>>
      tpu.enqueue_indirect_dma source(%arg13 : memref<25x128xf32, #tpu.memory_space<vmem>>) target(%dma_start3A_225 : memref<10240x128xf32, #tpu.memory_space<vmem_shared>>) offsets(%dma_start3A_222 : memref<25xi32, #tpu.memory_space<vmem>>) semaphore(%arg29 : memref<!tpu.dma_semaphore, #tpu.memory_space<semaphore_mem>>) {add = true}
      %add3A_226 = arith.constant 1 : i32
      %add3A_227 = arith.addi %scan3A_111, %add3A_226 : i32
      %lt3A_228 = arith.constant 50 : i32
      %lt3A_229 = arith.cmpi slt, %add3A_227, %lt3A_228 : i32
      %convert_element_type3A_230 = arith.extui %lt3A_229 : i1 to i32
      %cond3A_231 = arith.constant 0 : i32
      %cond3A_232 = arith.cmpi ne, %convert_element_type3A_230, %cond3A_231 : i32
      scf.if %cond3A_232 {
        %dma_wait3A_373 = arith.constant 0 : i32
        %dma_wait3A_374 = arith.constant 0 : i32
        %dma_wait3A_375 = arith.constant 0 : i32
        %dma_wait3A_376 = arith.constant 0 : i32
        %dma_wait3A_377 = tpu.memref_slice %arg7[%dma_wait3A_374, %dma_wait3A_375, %dma_wait3A_376] : memref<3x8x25xi32, #tpu.memory_space<vmem>> -> memref<1x8x25xi32, #tpu.memory_space<vmem>>
        %dma_wait3A_378 = tpu.memref_squeeze %dma_wait3A_377 : memref<1x8x25xi32, #tpu.memory_space<vmem>> -> memref<8x25xi32, #tpu.memory_space<vmem>>
        %dma_wait3A_379 = arith.constant 0 : i32
        %dma_wait3A_380 = arith.constant 0 : i32
        %dma_wait3A_381 = tpu.memref_slice %arg3[%add3A, %dma_wait3A_373, %dma_wait3A_379, %dma_wait3A_380] : memref<32x50x8x25xi32, #tpu.memory_space<hbm>> -> memref<1x1x8x25xi32, #tpu.memory_space<hbm>>
        %dma_wait3A_382 = tpu.memref_squeeze %dma_wait3A_381 : memref<1x1x8x25xi32, #tpu.memory_space<hbm>> -> memref<8x25xi32, #tpu.memory_space<hbm>>
        %dma_wait3A_383 = arith.constant 0 : i32
        %dma_wait3A_384 = arith.constant 0 : i32
        %dma_wait3A_385 = tpu.memref_slice %arg7[%dma_wait3A_374, %dma_wait3A_383, %dma_wait3A_384] : memref<3x8x25xi32, #tpu.memory_space<vmem>> -> memref<1x8x25xi32, #tpu.memory_space<vmem>>
        %dma_wait3A_386 = tpu.memref_squeeze %dma_wait3A_385 : memref<1x8x25xi32, #tpu.memory_space<vmem>> -> memref<8x25xi32, #tpu.memory_space<vmem>>
        %dma_wait3A_387 = arith.constant 0 : i32
        %dma_wait3A_388 = arith.constant 0 : i32
        %dma_wait3A_389 = tpu.memref_slice %arg3[%add3A, %dma_wait3A_373, %dma_wait3A_387, %dma_wait3A_388] : memref<32x50x8x25xi32, #tpu.memory_space<hbm>> -> memref<1x1x8x25xi32, #tpu.memory_space<hbm>>
        %dma_wait3A_390 = tpu.memref_squeeze %dma_wait3A_389 : memref<1x1x8x25xi32, #tpu.memory_space<hbm>> -> memref<8x25xi32, #tpu.memory_space<hbm>>
        tpu.wait_dma2 semaphore(%arg34 : memref<!tpu.dma_semaphore, #tpu.memory_space<semaphore_mem>>) src(%dma_wait3A_390 : memref<8x25xi32, #tpu.memory_space<hbm>>) dst(%dma_wait3A_386 : memref<8x25xi32, #tpu.memory_space<vmem>>)
        %dma_wait3A_391 = arith.constant 0 : i32
        %dma_wait3A_392 = arith.constant 0 : i32
        %dma_wait3A_393 = arith.constant 0 : i32
        %dma_wait3A_394 = arith.constant 0 : i32
        %dma_wait3A_395 = tpu.memref_slice %arg8[%dma_wait3A_392, %dma_wait3A_393, %dma_wait3A_394] : memref<3x8x25xi32, #tpu.memory_space<vmem>> -> memref<1x8x25xi32, #tpu.memory_space<vmem>>
        %dma_wait3A_396 = tpu.memref_squeeze %dma_wait3A_395 : memref<1x8x25xi32, #tpu.memory_space<vmem>> -> memref<8x25xi32, #tpu.memory_space<vmem>>
        %dma_wait3A_397 = arith.constant 0 : i32
        %dma_wait3A_398 = arith.constant 0 : i32
        %dma_wait3A_399 = tpu.memref_slice %arg4[%add3A, %dma_wait3A_391, %dma_wait3A_397, %dma_wait3A_398] : memref<32x50x8x25xi32, #tpu.memory_space<hbm>> -> memref<1x1x8x25xi32, #tpu.memory_space<hbm>>
        %dma_wait3A_400 = tpu.memref_squeeze %dma_wait3A_399 : memref<1x1x8x25xi32, #tpu.memory_space<hbm>> -> memref<8x25xi32, #tpu.memory_space<hbm>>
        %dma_wait3A_401 = arith.constant 0 : i32
        %dma_wait3A_402 = arith.constant 0 : i32
        %dma_wait3A_403 = tpu.memref_slice %arg8[%dma_wait3A_392, %dma_wait3A_401, %dma_wait3A_402] : memref<3x8x25xi32, #tpu.memory_space<vmem>> -> memref<1x8x25xi32, #tpu.memory_space<vmem>>
        %dma_wait3A_404 = tpu.memref_squeeze %dma_wait3A_403 : memref<1x8x25xi32, #tpu.memory_space<vmem>> -> memref<8x25xi32, #tpu.memory_space<vmem>>
        %dma_wait3A_405 = arith.constant 0 : i32
        %dma_wait3A_406 = arith.constant 0 : i32
        %dma_wait3A_407 = tpu.memref_slice %arg4[%add3A, %dma_wait3A_391, %dma_wait3A_405, %dma_wait3A_406] : memref<32x50x8x25xi32, #tpu.memory_space<hbm>> -> memref<1x1x8x25xi32, #tpu.memory_space<hbm>>
        %dma_wait3A_408 = tpu.memref_squeeze %dma_wait3A_407 : memref<1x1x8x25xi32, #tpu.memory_space<hbm>> -> memref<8x25xi32, #tpu.memory_space<hbm>>
        tpu.wait_dma2 semaphore(%arg34 : memref<!tpu.dma_semaphore, #tpu.memory_space<semaphore_mem>>) src(%dma_wait3A_408 : memref<8x25xi32, #tpu.memory_space<hbm>>) dst(%dma_wait3A_404 : memref<8x25xi32, #tpu.memory_space<vmem>>)
      } else {
      }
      %ge3A_233 = arith.constant 4 : i32
      %ge3A_234 = arith.cmpi sge, %add3A_211, %ge3A_233 : i32
      %convert_element_type3A_235 = arith.extui %ge3A_234 : i1 to i32
      %cond3A_236 = arith.constant 0 : i32
      %cond3A_237 = arith.cmpi ne, %convert_element_type3A_235, %cond3A_236 : i32
      scf.if %cond3A_237 {
        %dma_wait3A_373 = arith.constant 3 : i32
        %dma_wait3A_374 = arith.constant 0 : i32
        %dma_wait3A_375 = tpu.memref_slice %arg8[%rem3A_113, %dma_wait3A_373, %dma_wait3A_374] : memref<3x8x25xi32, #tpu.memory_space<vmem>> -> memref<1x1x25xi32, #tpu.memory_space<vmem>>
        %dma_wait3A_376 = tpu.memref_squeeze %dma_wait3A_375 : memref<1x1x25xi32, #tpu.memory_space<vmem>> -> memref<25xi32, #tpu.memory_space<vmem>>
        %dma_wait3A_377 = arith.constant 0 : i32
        %dma_wait3A_378 = arith.constant 0 : i32
        %dma_wait3A_379 = tpu.memref_slice %arg9[%dma_wait3A_377, %dma_wait3A_378] : memref<10240x128xf32, #tpu.memory_space<vmem_shared>> -> memref<10240x128xf32, #tpu.memory_space<vmem_shared>>
        tpu.wait_indirect_dma semaphore(%arg33 : memref<!tpu.dma_semaphore, #tpu.memory_space<semaphore_mem>>) src(%arg17 : memref<25x128xf32, #tpu.memory_space<vmem>>) dst(%dma_wait3A_379 : memref<10240x128xf32, #tpu.memory_space<vmem_shared>>)
      } else {
      }
      %add3A_238 = arith.constant 4 : i32
      %add3A_239 = arith.addi %add3A_211, %add3A_238 : i32
      %lt3A_240 = arith.constant 400 : i32
      %lt3A_241 = arith.cmpi slt, %add3A_239, %lt3A_240 : i32
      %convert_element_type3A_242 = arith.extui %lt3A_241 : i1 to i32
      %cond3A_243 = arith.constant 0 : i32
      %cond3A_244 = arith.cmpi ne, %convert_element_type3A_242, %cond3A_243 : i32
      scf.if %cond3A_244 {
        %dma_start3A_373 = arith.constant 7 : i32
        %dma_start3A_374 = arith.constant 0 : i32
        %dma_start3A_375 = tpu.memref_slice %arg7[%rem3A_113, %dma_start3A_373, %dma_start3A_374] : memref<3x8x25xi32, #tpu.memory_space<vmem>> -> memref<1x1x25xi32, #tpu.memory_space<vmem>>
        %dma_start3A_376 = tpu.memref_squeeze %dma_start3A_375 : memref<1x1x25xi32, #tpu.memory_space<vmem>> -> memref<25xi32, #tpu.memory_space<vmem>>
        %dma_start3A_377 = arith.constant 0 : i32
        %dma_start3A_378 = arith.constant 0 : i32
        %dma_start3A_379 = tpu.memref_slice %arg2[%dma_start3A_377, %dma_start3A_378] : memref<10240x128xf32, #tpu.memory_space<hbm>> -> memref<10240x128xf32, #tpu.memory_space<hbm>>
        tpu.enqueue_indirect_dma source(%dma_start3A_379 : memref<10240x128xf32, #tpu.memory_space<hbm>>) target(%arg17 : memref<25x128xf32, #tpu.memory_space<vmem>>) offsets(%dma_start3A_376 : memref<25xi32, #tpu.memory_space<vmem>>) semaphore(%arg25 : memref<!tpu.dma_semaphore, #tpu.memory_space<semaphore_mem>>)
      } else {
      }
      %mul3A_245 = arith.constant 8 : i32
      %mul3A_246 = arith.muli %scan3A_111, %mul3A_245 : i32
      %add3A_247 = arith.constant 4 : i32
      %add3A_248 = arith.addi %mul3A_246, %add3A_247 : i32
      %dma_wait3A_249 = arith.constant 4 : i32
      %dma_wait3A_250 = arith.constant 0 : i32
      %dma_wait3A_251 = tpu.memref_slice %arg7[%rem3A_113, %dma_wait3A_249, %dma_wait3A_250] : memref<3x8x25xi32, #tpu.memory_space<vmem>> -> memref<1x1x25xi32, #tpu.memory_space<vmem>>
      %dma_wait3A_252 = tpu.memref_squeeze %dma_wait3A_251 : memref<1x1x25xi32, #tpu.memory_space<vmem>> -> memref<25xi32, #tpu.memory_space<vmem>>
      %dma_wait3A_253 = arith.constant 0 : i32
      %dma_wait3A_254 = arith.constant 0 : i32
      %dma_wait3A_255 = tpu.memref_slice %arg2[%dma_wait3A_253, %dma_wait3A_254] : memref<10240x128xf32, #tpu.memory_space<hbm>> -> memref<10240x128xf32, #tpu.memory_space<hbm>>
      tpu.wait_indirect_dma semaphore(%arg22 : memref<!tpu.dma_semaphore, #tpu.memory_space<semaphore_mem>>) src(%dma_wait3A_255 : memref<10240x128xf32, #tpu.memory_space<hbm>>) dst(%arg14 : memref<25x128xf32, #tpu.memory_space<vmem>>)
      %dma_start3A_256 = arith.constant 4 : i32
      %dma_start3A_257 = arith.constant 0 : i32
      %dma_start3A_258 = tpu.memref_slice %arg8[%rem3A_113, %dma_start3A_256, %dma_start3A_257] : memref<3x8x25xi32, #tpu.memory_space<vmem>> -> memref<1x1x25xi32, #tpu.memory_space<vmem>>
      %dma_start3A_259 = tpu.memref_squeeze %dma_start3A_258 : memref<1x1x25xi32, #tpu.memory_space<vmem>> -> memref<25xi32, #tpu.memory_space<vmem>>
      %dma_start3A_260 = arith.constant 0 : i32
      %dma_start3A_261 = arith.constant 0 : i32
      %dma_start3A_262 = tpu.memref_slice %arg9[%dma_start3A_260, %dma_start3A_261] : memref<10240x128xf32, #tpu.memory_space<vmem_shared>> -> memref<10240x128xf32, #tpu.memory_space<vmem_shared>>
      tpu.enqueue_indirect_dma source(%arg14 : memref<25x128xf32, #tpu.memory_space<vmem>>) target(%dma_start3A_262 : memref<10240x128xf32, #tpu.memory_space<vmem_shared>>) offsets(%dma_start3A_259 : memref<25xi32, #tpu.memory_space<vmem>>) semaphore(%arg30 : memref<!tpu.dma_semaphore, #tpu.memory_space<semaphore_mem>>) {add = true}
      %add3A_263 = arith.constant 2 : i32
      %add3A_264 = arith.addi %scan3A_111, %add3A_263 : i32
      %lt3A_265 = arith.constant 50 : i32
      %lt3A_266 = arith.cmpi slt, %add3A_264, %lt3A_265 : i32
      %convert_element_type3A_267 = arith.extui %lt3A_266 : i1 to i32
      %cond3A_268 = arith.constant 0 : i32
      %cond3A_269 = arith.cmpi ne, %convert_element_type3A_267, %cond3A_268 : i32
      scf.if %cond3A_269 {
        %add3A_373 = arith.constant 2 : i32
        %add3A_374 = arith.addi %scan3A_111, %add3A_373 : i32
        %dma_start3A_375 = arith.constant 0 : i32
        %dma_start3A_376 = arith.constant 0 : i32
        %dma_start3A_377 = tpu.memref_slice %arg7[%rem3A_121, %dma_start3A_375, %dma_start3A_376] : memref<3x8x25xi32, #tpu.memory_space<vmem>> -> memref<1x8x25xi32, #tpu.memory_space<vmem>>
        %dma_start3A_378 = tpu.memref_squeeze %dma_start3A_377 : memref<1x8x25xi32, #tpu.memory_space<vmem>> -> memref<8x25xi32, #tpu.memory_space<vmem>>
        %dma_start3A_379 = arith.constant 0 : i32
        %dma_start3A_380 = arith.constant 0 : i32
        %dma_start3A_381 = tpu.memref_slice %arg3[%add3A, %add3A_374, %dma_start3A_379, %dma_start3A_380] : memref<32x50x8x25xi32, #tpu.memory_space<hbm>> -> memref<1x1x8x25xi32, #tpu.memory_space<hbm>>
        %dma_start3A_382 = tpu.memref_squeeze %dma_start3A_381 : memref<1x1x8x25xi32, #tpu.memory_space<hbm>> -> memref<8x25xi32, #tpu.memory_space<hbm>>
        %dma_start3A_383 = arith.constant 0 : i32
        %dma_start3A_384 = arith.constant 0 : i32
        %dma_start3A_385 = tpu.memref_slice %arg7[%rem3A_121, %dma_start3A_383, %dma_start3A_384] : memref<3x8x25xi32, #tpu.memory_space<vmem>> -> memref<1x8x25xi32, #tpu.memory_space<vmem>>
        %dma_start3A_386 = tpu.memref_squeeze %dma_start3A_385 : memref<1x8x25xi32, #tpu.memory_space<vmem>> -> memref<8x25xi32, #tpu.memory_space<vmem>>
        %dma_start3A_387 = arith.constant 0 : i32
        %dma_start3A_388 = arith.constant 0 : i32
        %dma_start3A_389 = tpu.memref_slice %arg3[%add3A, %add3A_374, %dma_start3A_387, %dma_start3A_388] : memref<32x50x8x25xi32, #tpu.memory_space<hbm>> -> memref<1x1x8x25xi32, #tpu.memory_space<hbm>>
        %dma_start3A_390 = tpu.memref_squeeze %dma_start3A_389 : memref<1x1x8x25xi32, #tpu.memory_space<hbm>> -> memref<8x25xi32, #tpu.memory_space<hbm>>
        tpu.enqueue_dma source(%dma_start3A_390 : memref<8x25xi32, #tpu.memory_space<hbm>>) target(%dma_start3A_386 : memref<8x25xi32, #tpu.memory_space<vmem>>) target_semaphore(%arg34 : memref<!tpu.dma_semaphore, #tpu.memory_space<semaphore_mem>>)
        %add3A_391 = arith.constant 2 : i32
        %add3A_392 = arith.addi %scan3A_111, %add3A_391 : i32
        %dma_start3A_393 = arith.constant 0 : i32
        %dma_start3A_394 = arith.constant 0 : i32
        %dma_start3A_395 = tpu.memref_slice %arg8[%rem3A_121, %dma_start3A_393, %dma_start3A_394] : memref<3x8x25xi32, #tpu.memory_space<vmem>> -> memref<1x8x25xi32, #tpu.memory_space<vmem>>
        %dma_start3A_396 = tpu.memref_squeeze %dma_start3A_395 : memref<1x8x25xi32, #tpu.memory_space<vmem>> -> memref<8x25xi32, #tpu.memory_space<vmem>>
        %dma_start3A_397 = arith.constant 0 : i32
        %dma_start3A_398 = arith.constant 0 : i32
        %dma_start3A_399 = tpu.memref_slice %arg4[%add3A, %add3A_392, %dma_start3A_397, %dma_start3A_398] : memref<32x50x8x25xi32, #tpu.memory_space<hbm>> -> memref<1x1x8x25xi32, #tpu.memory_space<hbm>>
        %dma_start3A_400 = tpu.memref_squeeze %dma_start3A_399 : memref<1x1x8x25xi32, #tpu.memory_space<hbm>> -> memref<8x25xi32, #tpu.memory_space<hbm>>
        %dma_start3A_401 = arith.constant 0 : i32
        %dma_start3A_402 = arith.constant 0 : i32
        %dma_start3A_403 = tpu.memref_slice %arg8[%rem3A_121, %dma_start3A_401, %dma_start3A_402] : memref<3x8x25xi32, #tpu.memory_space<vmem>> -> memref<1x8x25xi32, #tpu.memory_space<vmem>>
        %dma_start3A_404 = tpu.memref_squeeze %dma_start3A_403 : memref<1x8x25xi32, #tpu.memory_space<vmem>> -> memref<8x25xi32, #tpu.memory_space<vmem>>
        %dma_start3A_405 = arith.constant 0 : i32
        %dma_start3A_406 = arith.constant 0 : i32
        %dma_start3A_407 = tpu.memref_slice %arg4[%add3A, %add3A_392, %dma_start3A_405, %dma_start3A_406] : memref<32x50x8x25xi32, #tpu.memory_space<hbm>> -> memref<1x1x8x25xi32, #tpu.memory_space<hbm>>
        %dma_start3A_408 = tpu.memref_squeeze %dma_start3A_407 : memref<1x1x8x25xi32, #tpu.memory_space<hbm>> -> memref<8x25xi32, #tpu.memory_space<hbm>>
        tpu.enqueue_dma source(%dma_start3A_408 : memref<8x25xi32, #tpu.memory_space<hbm>>) target(%dma_start3A_404 : memref<8x25xi32, #tpu.memory_space<vmem>>) target_semaphore(%arg34 : memref<!tpu.dma_semaphore, #tpu.memory_space<semaphore_mem>>)
      } else {
      }
      %ge3A_270 = arith.constant 4 : i32
      %ge3A_271 = arith.cmpi sge, %add3A_248, %ge3A_270 : i32
      %convert_element_type3A_272 = arith.extui %ge3A_271 : i1 to i32
      %cond3A_273 = arith.constant 0 : i32
      %cond3A_274 = arith.cmpi ne, %convert_element_type3A_272, %cond3A_273 : i32
      scf.if %cond3A_274 {
        %dma_wait3A_373 = arith.constant 4 : i32
        %dma_wait3A_374 = arith.constant 0 : i32
        %dma_wait3A_375 = tpu.memref_slice %arg8[%rem3A_113, %dma_wait3A_373, %dma_wait3A_374] : memref<3x8x25xi32, #tpu.memory_space<vmem>> -> memref<1x1x25xi32, #tpu.memory_space<vmem>>
        %dma_wait3A_376 = tpu.memref_squeeze %dma_wait3A_375 : memref<1x1x25xi32, #tpu.memory_space<vmem>> -> memref<25xi32, #tpu.memory_space<vmem>>
        %dma_wait3A_377 = arith.constant 0 : i32
        %dma_wait3A_378 = arith.constant 0 : i32
        %dma_wait3A_379 = tpu.memref_slice %arg9[%dma_wait3A_377, %dma_wait3A_378] : memref<10240x128xf32, #tpu.memory_space<vmem_shared>> -> memref<10240x128xf32, #tpu.memory_space<vmem_shared>>
        tpu.wait_indirect_dma semaphore(%arg26 : memref<!tpu.dma_semaphore, #tpu.memory_space<semaphore_mem>>) src(%arg10 : memref<25x128xf32, #tpu.memory_space<vmem>>) dst(%dma_wait3A_379 : memref<10240x128xf32, #tpu.memory_space<vmem_shared>>)
      } else {
      }
      %add3A_275 = arith.constant 4 : i32
      %add3A_276 = arith.addi %add3A_248, %add3A_275 : i32
      %lt3A_277 = arith.constant 400 : i32
      %lt3A_278 = arith.cmpi slt, %add3A_276, %lt3A_277 : i32
      %convert_element_type3A_279 = arith.extui %lt3A_278 : i1 to i32
      %cond3A_280 = arith.constant 0 : i32
      %cond3A_281 = arith.cmpi ne, %convert_element_type3A_279, %cond3A_280 : i32
      scf.if %cond3A_281 {
        %dma_start3A_373 = arith.constant 0 : i32
        %dma_start3A_374 = arith.constant 0 : i32
        %dma_start3A_375 = tpu.memref_slice %arg7[%rem3A_117, %dma_start3A_373, %dma_start3A_374] : memref<3x8x25xi32, #tpu.memory_space<vmem>> -> memref<1x1x25xi32, #tpu.memory_space<vmem>>
        %dma_start3A_376 = tpu.memref_squeeze %dma_start3A_375 : memref<1x1x25xi32, #tpu.memory_space<vmem>> -> memref<25xi32, #tpu.memory_space<vmem>>
        %dma_start3A_377 = arith.constant 0 : i32
        %dma_start3A_378 = arith.constant 0 : i32
        %dma_start3A_379 = tpu.memref_slice %arg2[%dma_start3A_377, %dma_start3A_378] : memref<10240x128xf32, #tpu.memory_space<hbm>> -> memref<10240x128xf32, #tpu.memory_space<hbm>>
        tpu.enqueue_indirect_dma source(%dma_start3A_379 : memref<10240x128xf32, #tpu.memory_space<hbm>>) target(%arg10 : memref<25x128xf32, #tpu.memory_space<vmem>>) offsets(%dma_start3A_376 : memref<25xi32, #tpu.memory_space<vmem>>) semaphore(%arg18 : memref<!tpu.dma_semaphore, #tpu.memory_space<semaphore_mem>>)
      } else {
      }
      %mul3A_282 = arith.constant 8 : i32
      %mul3A_283 = arith.muli %scan3A_111, %mul3A_282 : i32
      %add3A_284 = arith.constant 5 : i32
      %add3A_285 = arith.addi %mul3A_283, %add3A_284 : i32
      %dma_wait3A_286 = arith.constant 5 : i32
      %dma_wait3A_287 = arith.constant 0 : i32
      %dma_wait3A_288 = tpu.memref_slice %arg7[%rem3A_113, %dma_wait3A_286, %dma_wait3A_287] : memref<3x8x25xi32, #tpu.memory_space<vmem>> -> memref<1x1x25xi32, #tpu.memory_space<vmem>>
      %dma_wait3A_289 = tpu.memref_squeeze %dma_wait3A_288 : memref<1x1x25xi32, #tpu.memory_space<vmem>> -> memref<25xi32, #tpu.memory_space<vmem>>
      %dma_wait3A_290 = arith.constant 0 : i32
      %dma_wait3A_291 = arith.constant 0 : i32
      %dma_wait3A_292 = tpu.memref_slice %arg2[%dma_wait3A_290, %dma_wait3A_291] : memref<10240x128xf32, #tpu.memory_space<hbm>> -> memref<10240x128xf32, #tpu.memory_space<hbm>>
      tpu.wait_indirect_dma semaphore(%arg23 : memref<!tpu.dma_semaphore, #tpu.memory_space<semaphore_mem>>) src(%dma_wait3A_292 : memref<10240x128xf32, #tpu.memory_space<hbm>>) dst(%arg15 : memref<25x128xf32, #tpu.memory_space<vmem>>)
      %dma_start3A_293 = arith.constant 5 : i32
      %dma_start3A_294 = arith.constant 0 : i32
      %dma_start3A_295 = tpu.memref_slice %arg8[%rem3A_113, %dma_start3A_293, %dma_start3A_294] : memref<3x8x25xi32, #tpu.memory_space<vmem>> -> memref<1x1x25xi32, #tpu.memory_space<vmem>>
      %dma_start3A_296 = tpu.memref_squeeze %dma_start3A_295 : memref<1x1x25xi32, #tpu.memory_space<vmem>> -> memref<25xi32, #tpu.memory_space<vmem>>
      %dma_start3A_297 = arith.constant 0 : i32
      %dma_start3A_298 = arith.constant 0 : i32
      %dma_start3A_299 = tpu.memref_slice %arg9[%dma_start3A_297, %dma_start3A_298] : memref<10240x128xf32, #tpu.memory_space<vmem_shared>> -> memref<10240x128xf32, #tpu.memory_space<vmem_shared>>
      tpu.enqueue_indirect_dma source(%arg15 : memref<25x128xf32, #tpu.memory_space<vmem>>) target(%dma_start3A_299 : memref<10240x128xf32, #tpu.memory_space<vmem_shared>>) offsets(%dma_start3A_296 : memref<25xi32, #tpu.memory_space<vmem>>) semaphore(%arg31 : memref<!tpu.dma_semaphore, #tpu.memory_space<semaphore_mem>>) {add = true}
      %ge3A_300 = arith.constant 4 : i32
      %ge3A_301 = arith.cmpi sge, %add3A_285, %ge3A_300 : i32
      %convert_element_type3A_302 = arith.extui %ge3A_301 : i1 to i32
      %cond3A_303 = arith.constant 0 : i32
      %cond3A_304 = arith.cmpi ne, %convert_element_type3A_302, %cond3A_303 : i32
      scf.if %cond3A_304 {
        %dma_wait3A_373 = arith.constant 5 : i32
        %dma_wait3A_374 = arith.constant 0 : i32
        %dma_wait3A_375 = tpu.memref_slice %arg8[%rem3A_113, %dma_wait3A_373, %dma_wait3A_374] : memref<3x8x25xi32, #tpu.memory_space<vmem>> -> memref<1x1x25xi32, #tpu.memory_space<vmem>>
        %dma_wait3A_376 = tpu.memref_squeeze %dma_wait3A_375 : memref<1x1x25xi32, #tpu.memory_space<vmem>> -> memref<25xi32, #tpu.memory_space<vmem>>
        %dma_wait3A_377 = arith.constant 0 : i32
        %dma_wait3A_378 = arith.constant 0 : i32
        %dma_wait3A_379 = tpu.memref_slice %arg9[%dma_wait3A_377, %dma_wait3A_378] : memref<10240x128xf32, #tpu.memory_space<vmem_shared>> -> memref<10240x128xf32, #tpu.memory_space<vmem_shared>>
        tpu.wait_indirect_dma semaphore(%arg27 : memref<!tpu.dma_semaphore, #tpu.memory_space<semaphore_mem>>) src(%arg11 : memref<25x128xf32, #tpu.memory_space<vmem>>) dst(%dma_wait3A_379 : memref<10240x128xf32, #tpu.memory_space<vmem_shared>>)
      } else {
      }
      %add3A_305 = arith.constant 4 : i32
      %add3A_306 = arith.addi %add3A_285, %add3A_305 : i32
      %lt3A_307 = arith.constant 400 : i32
      %lt3A_308 = arith.cmpi slt, %add3A_306, %lt3A_307 : i32
      %convert_element_type3A_309 = arith.extui %lt3A_308 : i1 to i32
      %cond3A_310 = arith.constant 0 : i32
      %cond3A_311 = arith.cmpi ne, %convert_element_type3A_309, %cond3A_310 : i32
      scf.if %cond3A_311 {
        %dma_start3A_373 = arith.constant 1 : i32
        %dma_start3A_374 = arith.constant 0 : i32
        %dma_start3A_375 = tpu.memref_slice %arg7[%rem3A_117, %dma_start3A_373, %dma_start3A_374] : memref<3x8x25xi32, #tpu.memory_space<vmem>> -> memref<1x1x25xi32, #tpu.memory_space<vmem>>
        %dma_start3A_376 = tpu.memref_squeeze %dma_start3A_375 : memref<1x1x25xi32, #tpu.memory_space<vmem>> -> memref<25xi32, #tpu.memory_space<vmem>>
        %dma_start3A_377 = arith.constant 0 : i32
        %dma_start3A_378 = arith.constant 0 : i32
        %dma_start3A_379 = tpu.memref_slice %arg2[%dma_start3A_377, %dma_start3A_378] : memref<10240x128xf32, #tpu.memory_space<hbm>> -> memref<10240x128xf32, #tpu.memory_space<hbm>>
        tpu.enqueue_indirect_dma source(%dma_start3A_379 : memref<10240x128xf32, #tpu.memory_space<hbm>>) target(%arg11 : memref<25x128xf32, #tpu.memory_space<vmem>>) offsets(%dma_start3A_376 : memref<25xi32, #tpu.memory_space<vmem>>) semaphore(%arg19 : memref<!tpu.dma_semaphore, #tpu.memory_space<semaphore_mem>>)
      } else {
      }
      %mul3A_312 = arith.constant 8 : i32
      %mul3A_313 = arith.muli %scan3A_111, %mul3A_312 : i32
      %add3A_314 = arith.constant 6 : i32
      %add3A_315 = arith.addi %mul3A_313, %add3A_314 : i32
      %dma_wait3A_316 = arith.constant 6 : i32
      %dma_wait3A_317 = arith.constant 0 : i32
      %dma_wait3A_318 = tpu.memref_slice %arg7[%rem3A_113, %dma_wait3A_316, %dma_wait3A_317] : memref<3x8x25xi32, #tpu.memory_space<vmem>> -> memref<1x1x25xi32, #tpu.memory_space<vmem>>
      %dma_wait3A_319 = tpu.memref_squeeze %dma_wait3A_318 : memref<1x1x25xi32, #tpu.memory_space<vmem>> -> memref<25xi32, #tpu.memory_space<vmem>>
      %dma_wait3A_320 = arith.constant 0 : i32
      %dma_wait3A_321 = arith.constant 0 : i32
      %dma_wait3A_322 = tpu.memref_slice %arg2[%dma_wait3A_320, %dma_wait3A_321] : memref<10240x128xf32, #tpu.memory_space<hbm>> -> memref<10240x128xf32, #tpu.memory_space<hbm>>
      tpu.wait_indirect_dma semaphore(%arg24 : memref<!tpu.dma_semaphore, #tpu.memory_space<semaphore_mem>>) src(%dma_wait3A_322 : memref<10240x128xf32, #tpu.memory_space<hbm>>) dst(%arg16 : memref<25x128xf32, #tpu.memory_space<vmem>>)
      %dma_start3A_323 = arith.constant 6 : i32
      %dma_start3A_324 = arith.constant 0 : i32
      %dma_start3A_325 = tpu.memref_slice %arg8[%rem3A_113, %dma_start3A_323, %dma_start3A_324] : memref<3x8x25xi32, #tpu.memory_space<vmem>> -> memref<1x1x25xi32, #tpu.memory_space<vmem>>
      %dma_start3A_326 = tpu.memref_squeeze %dma_start3A_325 : memref<1x1x25xi32, #tpu.memory_space<vmem>> -> memref<25xi32, #tpu.memory_space<vmem>>
      %dma_start3A_327 = arith.constant 0 : i32
      %dma_start3A_328 = arith.constant 0 : i32
      %dma_start3A_329 = tpu.memref_slice %arg9[%dma_start3A_327, %dma_start3A_328] : memref<10240x128xf32, #tpu.memory_space<vmem_shared>> -> memref<10240x128xf32, #tpu.memory_space<vmem_shared>>
      tpu.enqueue_indirect_dma source(%arg16 : memref<25x128xf32, #tpu.memory_space<vmem>>) target(%dma_start3A_329 : memref<10240x128xf32, #tpu.memory_space<vmem_shared>>) offsets(%dma_start3A_326 : memref<25xi32, #tpu.memory_space<vmem>>) semaphore(%arg32 : memref<!tpu.dma_semaphore, #tpu.memory_space<semaphore_mem>>) {add = true}
      %ge3A_330 = arith.constant 4 : i32
      %ge3A_331 = arith.cmpi sge, %add3A_315, %ge3A_330 : i32
      %convert_element_type3A_332 = arith.extui %ge3A_331 : i1 to i32
      %cond3A_333 = arith.constant 0 : i32
      %cond3A_334 = arith.cmpi ne, %convert_element_type3A_332, %cond3A_333 : i32
      scf.if %cond3A_334 {
        %dma_wait3A_373 = arith.constant 6 : i32
        %dma_wait3A_374 = arith.constant 0 : i32
        %dma_wait3A_375 = tpu.memref_slice %arg8[%rem3A_113, %dma_wait3A_373, %dma_wait3A_374] : memref<3x8x25xi32, #tpu.memory_space<vmem>> -> memref<1x1x25xi32, #tpu.memory_space<vmem>>
        %dma_wait3A_376 = tpu.memref_squeeze %dma_wait3A_375 : memref<1x1x25xi32, #tpu.memory_space<vmem>> -> memref<25xi32, #tpu.memory_space<vmem>>
        %dma_wait3A_377 = arith.constant 0 : i32
        %dma_wait3A_378 = arith.constant 0 : i32
        %dma_wait3A_379 = tpu.memref_slice %arg9[%dma_wait3A_377, %dma_wait3A_378] : memref<10240x128xf32, #tpu.memory_space<vmem_shared>> -> memref<10240x128xf32, #tpu.memory_space<vmem_shared>>
        tpu.wait_indirect_dma semaphore(%arg28 : memref<!tpu.dma_semaphore, #tpu.memory_space<semaphore_mem>>) src(%arg12 : memref<25x128xf32, #tpu.memory_space<vmem>>) dst(%dma_wait3A_379 : memref<10240x128xf32, #tpu.memory_space<vmem_shared>>)
      } else {
      }
      %add3A_335 = arith.constant 4 : i32
      %add3A_336 = arith.addi %add3A_315, %add3A_335 : i32
      %lt3A_337 = arith.constant 400 : i32
      %lt3A_338 = arith.cmpi slt, %add3A_336, %lt3A_337 : i32
      %convert_element_type3A_339 = arith.extui %lt3A_338 : i1 to i32
      %cond3A_340 = arith.constant 0 : i32
      %cond3A_341 = arith.cmpi ne, %convert_element_type3A_339, %cond3A_340 : i32
      scf.if %cond3A_341 {
        %dma_start3A_373 = arith.constant 2 : i32
        %dma_start3A_374 = arith.constant 0 : i32
        %dma_start3A_375 = tpu.memref_slice %arg7[%rem3A_117, %dma_start3A_373, %dma_start3A_374] : memref<3x8x25xi32, #tpu.memory_space<vmem>> -> memref<1x1x25xi32, #tpu.memory_space<vmem>>
        %dma_start3A_376 = tpu.memref_squeeze %dma_start3A_375 : memref<1x1x25xi32, #tpu.memory_space<vmem>> -> memref<25xi32, #tpu.memory_space<vmem>>
        %dma_start3A_377 = arith.constant 0 : i32
        %dma_start3A_378 = arith.constant 0 : i32
        %dma_start3A_379 = tpu.memref_slice %arg2[%dma_start3A_377, %dma_start3A_378] : memref<10240x128xf32, #tpu.memory_space<hbm>> -> memref<10240x128xf32, #tpu.memory_space<hbm>>
        tpu.enqueue_indirect_dma source(%dma_start3A_379 : memref<10240x128xf32, #tpu.memory_space<hbm>>) target(%arg12 : memref<25x128xf32, #tpu.memory_space<vmem>>) offsets(%dma_start3A_376 : memref<25xi32, #tpu.memory_space<vmem>>) semaphore(%arg20 : memref<!tpu.dma_semaphore, #tpu.memory_space<semaphore_mem>>)
      } else {
      }
      %mul3A_342 = arith.constant 8 : i32
      %mul3A_343 = arith.muli %scan3A_111, %mul3A_342 : i32
      %add3A_344 = arith.constant 7 : i32
      %add3A_345 = arith.addi %mul3A_343, %add3A_344 : i32
      %dma_wait3A_346 = arith.constant 7 : i32
      %dma_wait3A_347 = arith.constant 0 : i32
      %dma_wait3A_348 = tpu.memref_slice %arg7[%rem3A_113, %dma_wait3A_346, %dma_wait3A_347] : memref<3x8x25xi32, #tpu.memory_space<vmem>> -> memref<1x1x25xi32, #tpu.memory_space<vmem>>
      %dma_wait3A_349 = tpu.memref_squeeze %dma_wait3A_348 : memref<1x1x25xi32, #tpu.memory_space<vmem>> -> memref<25xi32, #tpu.memory_space<vmem>>
      %dma_wait3A_350 = arith.constant 0 : i32
      %dma_wait3A_351 = arith.constant 0 : i32
      %dma_wait3A_352 = tpu.memref_slice %arg2[%dma_wait3A_350, %dma_wait3A_351] : memref<10240x128xf32, #tpu.memory_space<hbm>> -> memref<10240x128xf32, #tpu.memory_space<hbm>>
      tpu.wait_indirect_dma semaphore(%arg25 : memref<!tpu.dma_semaphore, #tpu.memory_space<semaphore_mem>>) src(%dma_wait3A_352 : memref<10240x128xf32, #tpu.memory_space<hbm>>) dst(%arg17 : memref<25x128xf32, #tpu.memory_space<vmem>>)
      %dma_start3A_353 = arith.constant 7 : i32
      %dma_start3A_354 = arith.constant 0 : i32
      %dma_start3A_355 = tpu.memref_slice %arg8[%rem3A_113, %dma_start3A_353, %dma_start3A_354] : memref<3x8x25xi32, #tpu.memory_space<vmem>> -> memref<1x1x25xi32, #tpu.memory_space<vmem>>
      %dma_start3A_356 = tpu.memref_squeeze %dma_start3A_355 : memref<1x1x25xi32, #tpu.memory_space<vmem>> -> memref<25xi32, #tpu.memory_space<vmem>>
      %dma_start3A_357 = arith.constant 0 : i32
      %dma_start3A_358 = arith.constant 0 : i32
      %dma_start3A_359 = tpu.memref_slice %arg9[%dma_start3A_357, %dma_start3A_358] : memref<10240x128xf32, #tpu.memory_space<vmem_shared>> -> memref<10240x128xf32, #tpu.memory_space<vmem_shared>>
      tpu.enqueue_indirect_dma source(%arg17 : memref<25x128xf32, #tpu.memory_space<vmem>>) target(%dma_start3A_359 : memref<10240x128xf32, #tpu.memory_space<vmem_shared>>) offsets(%dma_start3A_356 : memref<25xi32, #tpu.memory_space<vmem>>) semaphore(%arg33 : memref<!tpu.dma_semaphore, #tpu.memory_space<semaphore_mem>>) {add = true}
      %ge3A_360 = arith.constant 4 : i32
      %ge3A_361 = arith.cmpi sge, %add3A_345, %ge3A_360 : i32
      %convert_element_type3A_362 = arith.extui %ge3A_361 : i1 to i32
      %cond3A_363 = arith.constant 0 : i32
      %cond3A_364 = arith.cmpi ne, %convert_element_type3A_362, %cond3A_363 : i32
      scf.if %cond3A_364 {
        %dma_wait3A_373 = arith.constant 7 : i32
        %dma_wait3A_374 = arith.constant 0 : i32
        %dma_wait3A_375 = tpu.memref_slice %arg8[%rem3A_113, %dma_wait3A_373, %dma_wait3A_374] : memref<3x8x25xi32, #tpu.memory_space<vmem>> -> memref<1x1x25xi32, #tpu.memory_space<vmem>>
        %dma_wait3A_376 = tpu.memref_squeeze %dma_wait3A_375 : memref<1x1x25xi32, #tpu.memory_space<vmem>> -> memref<25xi32, #tpu.memory_space<vmem>>
        %dma_wait3A_377 = arith.constant 0 : i32
        %dma_wait3A_378 = arith.constant 0 : i32
        %dma_wait3A_379 = tpu.memref_slice %arg9[%dma_wait3A_377, %dma_wait3A_378] : memref<10240x128xf32, #tpu.memory_space<vmem_shared>> -> memref<10240x128xf32, #tpu.memory_space<vmem_shared>>
        tpu.wait_indirect_dma semaphore(%arg29 : memref<!tpu.dma_semaphore, #tpu.memory_space<semaphore_mem>>) src(%arg13 : memref<25x128xf32, #tpu.memory_space<vmem>>) dst(%dma_wait3A_379 : memref<10240x128xf32, #tpu.memory_space<vmem_shared>>)
      } else {
      }
      %add3A_365 = arith.constant 4 : i32
      %add3A_366 = arith.addi %add3A_345, %add3A_365 : i32
      %lt3A_367 = arith.constant 400 : i32
      %lt3A_368 = arith.cmpi slt, %add3A_366, %lt3A_367 : i32
      %convert_element_type3A_369 = arith.extui %lt3A_368 : i1 to i32
      %cond3A_370 = arith.constant 0 : i32
      %cond3A_371 = arith.cmpi ne, %convert_element_type3A_369, %cond3A_370 : i32
      scf.if %cond3A_371 {
        %dma_start3A_373 = arith.constant 3 : i32
        %dma_start3A_374 = arith.constant 0 : i32
        %dma_start3A_375 = tpu.memref_slice %arg7[%rem3A_117, %dma_start3A_373, %dma_start3A_374] : memref<3x8x25xi32, #tpu.memory_space<vmem>> -> memref<1x1x25xi32, #tpu.memory_space<vmem>>
        %dma_start3A_376 = tpu.memref_squeeze %dma_start3A_375 : memref<1x1x25xi32, #tpu.memory_space<vmem>> -> memref<25xi32, #tpu.memory_space<vmem>>
        %dma_start3A_377 = arith.constant 0 : i32
        %dma_start3A_378 = arith.constant 0 : i32
        %dma_start3A_379 = tpu.memref_slice %arg2[%dma_start3A_377, %dma_start3A_378] : memref<10240x128xf32, #tpu.memory_space<hbm>> -> memref<10240x128xf32, #tpu.memory_space<hbm>>
        tpu.enqueue_indirect_dma source(%dma_start3A_379 : memref<10240x128xf32, #tpu.memory_space<hbm>>) target(%arg13 : memref<25x128xf32, #tpu.memory_space<vmem>>) offsets(%dma_start3A_376 : memref<25xi32, #tpu.memory_space<vmem>>) semaphore(%arg21 : memref<!tpu.dma_semaphore, #tpu.memory_space<semaphore_mem>>)
      } else {
      }
      %scan3A_372 = arith.constant 0 : i32
      scf.yield %scan3A_372 : i32
    }
    %scan3A_78 = arith.constant 50 : i32
    %dma_wait3A = arith.constant 0 : i32
    %dma_wait3A_79 = arith.constant 0 : i32
    %dma_wait3A_80 = arith.constant 0 : i32
    %dma_wait3A_81 = tpu.memref_slice %arg8[%dma_wait3A, %dma_wait3A_79, %dma_wait3A_80] : memref<3x8x25xi32, #tpu.memory_space<vmem>> -> memref<1x1x25xi32, #tpu.memory_space<vmem>>
    %dma_wait3A_82 = tpu.memref_squeeze %dma_wait3A_81 : memref<1x1x25xi32, #tpu.memory_space<vmem>> -> memref<25xi32, #tpu.memory_space<vmem>>
    %dma_wait3A_83 = arith.constant 0 : i32
    %dma_wait3A_84 = arith.constant 0 : i32
    %dma_wait3A_85 = tpu.memref_slice %arg9[%dma_wait3A_83, %dma_wait3A_84] : memref<10240x128xf32, #tpu.memory_space<vmem_shared>> -> memref<10240x128xf32, #tpu.memory_space<vmem_shared>>
    tpu.wait_indirect_dma semaphore(%arg30 : memref<!tpu.dma_semaphore, #tpu.memory_space<semaphore_mem>>) src(%arg14 : memref<25x128xf32, #tpu.memory_space<vmem>>) dst(%dma_wait3A_85 : memref<10240x128xf32, #tpu.memory_space<vmem_shared>>)
    %dma_wait3A_86 = arith.constant 0 : i32
    %dma_wait3A_87 = arith.constant 0 : i32
    %dma_wait3A_88 = arith.constant 0 : i32
    %dma_wait3A_89 = tpu.memref_slice %arg8[%dma_wait3A_86, %dma_wait3A_87, %dma_wait3A_88] : memref<3x8x25xi32, #tpu.memory_space<vmem>> -> memref<1x1x25xi32, #tpu.memory_space<vmem>>
    %dma_wait3A_90 = tpu.memref_squeeze %dma_wait3A_89 : memref<1x1x25xi32, #tpu.memory_space<vmem>> -> memref<25xi32, #tpu.memory_space<vmem>>
    %dma_wait3A_91 = arith.constant 0 : i32
    %dma_wait3A_92 = arith.constant 0 : i32
    %dma_wait3A_93 = tpu.memref_slice %arg9[%dma_wait3A_91, %dma_wait3A_92] : memref<10240x128xf32, #tpu.memory_space<vmem_shared>> -> memref<10240x128xf32, #tpu.memory_space<vmem_shared>>
    tpu.wait_indirect_dma semaphore(%arg31 : memref<!tpu.dma_semaphore, #tpu.memory_space<semaphore_mem>>) src(%arg15 : memref<25x128xf32, #tpu.memory_space<vmem>>) dst(%dma_wait3A_93 : memref<10240x128xf32, #tpu.memory_space<vmem_shared>>)
    %dma_wait3A_94 = arith.constant 0 : i32
    %dma_wait3A_95 = arith.constant 0 : i32
    %dma_wait3A_96 = arith.constant 0 : i32
    %dma_wait3A_97 = tpu.memref_slice %arg8[%dma_wait3A_94, %dma_wait3A_95, %dma_wait3A_96] : memref<3x8x25xi32, #tpu.memory_space<vmem>> -> memref<1x1x25xi32, #tpu.memory_space<vmem>>
    %dma_wait3A_98 = tpu.memref_squeeze %dma_wait3A_97 : memref<1x1x25xi32, #tpu.memory_space<vmem>> -> memref<25xi32, #tpu.memory_space<vmem>>
    %dma_wait3A_99 = arith.constant 0 : i32
    %dma_wait3A_100 = arith.constant 0 : i32
    %dma_wait3A_101 = tpu.memref_slice %arg9[%dma_wait3A_99, %dma_wait3A_100] : memref<10240x128xf32, #tpu.memory_space<vmem_shared>> -> memref<10240x128xf32, #tpu.memory_space<vmem_shared>>
    tpu.wait_indirect_dma semaphore(%arg32 : memref<!tpu.dma_semaphore, #tpu.memory_space<semaphore_mem>>) src(%arg16 : memref<25x128xf32, #tpu.memory_space<vmem>>) dst(%dma_wait3A_101 : memref<10240x128xf32, #tpu.memory_space<vmem_shared>>)
    %dma_wait3A_102 = arith.constant 0 : i32
    %dma_wait3A_103 = arith.constant 0 : i32
    %dma_wait3A_104 = arith.constant 0 : i32
    %dma_wait3A_105 = tpu.memref_slice %arg8[%dma_wait3A_102, %dma_wait3A_103, %dma_wait3A_104] : memref<3x8x25xi32, #tpu.memory_space<vmem>> -> memref<1x1x25xi32, #tpu.memory_space<vmem>>
    %dma_wait3A_106 = tpu.memref_squeeze %dma_wait3A_105 : memref<1x1x25xi32, #tpu.memory_space<vmem>> -> memref<25xi32, #tpu.memory_space<vmem>>
    %dma_wait3A_107 = arith.constant 0 : i32
    %dma_wait3A_108 = arith.constant 0 : i32
    %dma_wait3A_109 = tpu.memref_slice %arg9[%dma_wait3A_107, %dma_wait3A_108] : memref<10240x128xf32, #tpu.memory_space<vmem_shared>> -> memref<10240x128xf32, #tpu.memory_space<vmem_shared>>
    tpu.wait_indirect_dma semaphore(%arg33 : memref<!tpu.dma_semaphore, #tpu.memory_space<semaphore_mem>>) src(%arg17 : memref<25x128xf32, #tpu.memory_space<vmem>>) dst(%dma_wait3A_109 : memref<10240x128xf32, #tpu.memory_space<vmem_shared>>)
    %barrier3A_110 = arith.constant 0 : index
    tpu.barrier barrier_id(%barrier3A_110)
    "tpu.region"() ({
      %run_scoped3A_111 = tpu.sem_alloc : memref<!tpu.dma_semaphore, #tpu.memory_space<semaphore_mem>>
      %dma_start3A_112 = arith.constant 0 : i32
      %dma_start3A_113 = tpu.memref_slice %arg6[%arg0, %mul3A_2, %dma_start3A_112] : memref<2x10240x128xf32, #tpu.memory_space<hbm>> -> memref<1x640x128xf32, #tpu.memory_space<hbm>>
      %dma_start3A_114 = tpu.memref_squeeze %dma_start3A_113 : memref<1x640x128xf32, #tpu.memory_space<hbm>> -> memref<640x128xf32, #tpu.memory_space<hbm>>
      %dma_start3A_115 = arith.constant 0 : i32
      %dma_start3A_116 = tpu.memref_slice %arg9[%mul3A_2, %dma_start3A_115] : memref<10240x128xf32, #tpu.memory_space<vmem_shared>> -> memref<640x128xf32, #tpu.memory_space<vmem_shared>>
      tpu.enqueue_dma source(%dma_start3A_116 : memref<640x128xf32, #tpu.memory_space<vmem_shared>>) target(%dma_start3A_114 : memref<640x128xf32, #tpu.memory_space<hbm>>) target_semaphore(%run_scoped3A_111 : memref<!tpu.dma_semaphore, #tpu.memory_space<semaphore_mem>>)
      %dma_wait3A_117 = arith.constant 0 : i32
      %dma_wait3A_118 = tpu.memref_slice %arg6[%arg0, %mul3A_2, %dma_wait3A_117] : memref<2x10240x128xf32, #tpu.memory_space<hbm>> -> memref<1x640x128xf32, #tpu.memory_space<hbm>>
      %dma_wait3A_119 = tpu.memref_squeeze %dma_wait3A_118 : memref<1x640x128xf32, #tpu.memory_space<hbm>> -> memref<640x128xf32, #tpu.memory_space<hbm>>
      %dma_wait3A_120 = arith.constant 0 : i32
      %dma_wait3A_121 = tpu.memref_slice %arg9[%mul3A_2, %dma_wait3A_120] : memref<10240x128xf32, #tpu.memory_space<vmem_shared>> -> memref<640x128xf32, #tpu.memory_space<vmem_shared>>
      tpu.wait_dma2 semaphore(%run_scoped3A_111 : memref<!tpu.dma_semaphore, #tpu.memory_space<semaphore_mem>>) src(%dma_wait3A_121 : memref<640x128xf32, #tpu.memory_space<vmem_shared>>) dst(%dma_wait3A_119 : memref<640x128xf32, #tpu.memory_space<hbm>>)
      tpu.yield
    }) : () -> ()
    return
  }
}

module attributes {stable_mosaic.version = 14 : i64} {
  func.func @_tc_dense_body(%arg0: i32, %arg1: memref<2x2048x128xf32, #tpu.memory_space<vmem>>, %arg2: memref<32x2048xf32, #tpu.memory_space<vmem>>, %arg3: memref<2048x128xf32, #tpu.memory_space<vmem>>, %arg4: memref<128x128xf32, #tpu.memory_space<vmem>>, %arg5: memref<128xf32, #tpu.memory_space<vmem>>, %arg6: memref<128x128xf32, #tpu.memory_space<vmem>>, %arg7: memref<1x1xf32, #tpu.memory_space<vmem>>, %arg8: memref<2048x128xf32, #tpu.memory_space<vmem>>) attributes {dimension_semantics = [#tpu.dimension_semantics<arbitrary>], iteration_bounds = array<i64: 5>, scalar_prefetch = 0 : i64, scratch_operands = 0 : i64, tpu.core_type = #tpu.core_type<tc>, window_params = [{transform_indices = @transform_0, window_bounds = array<i64: 2, 2048, 128>}, {transform_indices = @transform_1, window_bounds = array<i64: 32, 2048>}, {transform_indices = @transform_2, window_bounds = array<i64: 2048, 128>}, {pipeline_mode = #tpu.pipeline_mode<synchronous>, transform_indices = @transform_3, window_bounds = array<i64: 128, 128>}, {pipeline_mode = #tpu.pipeline_mode<synchronous>, transform_indices = @transform_4, window_bounds = array<i64: 128>}, {pipeline_mode = #tpu.pipeline_mode<synchronous>, transform_indices = @transform_5, window_bounds = array<i64: 128, 128>}, {pipeline_mode = #tpu.pipeline_mode<synchronous>, transform_indices = @transform_6, window_bounds = array<i64: 1, 1>}, {transform_indices = @transform_7, window_bounds = array<i64: 2048, 128>}]} {
    %get3A = arith.constant 0 : index
    %get3A_0 = arith.constant 0 : index
    %get3A_1 = arith.constant 0 : index
    %get3A_2 = vector.load %arg1[%get3A, %get3A_0, %get3A_1] : memref<2x2048x128xf32, #tpu.memory_space<vmem>>, vector<1x2048x128xf32>
    %get3A_3 = vector.shape_cast %get3A_2 : vector<1x2048x128xf32> to vector<2048x128xf32>
    %get3A_4 = arith.constant 1 : index
    %get3A_5 = arith.constant 0 : index
    %get3A_6 = arith.constant 0 : index
    %get3A_7 = vector.load %arg1[%get3A_4, %get3A_5, %get3A_6] : memref<2x2048x128xf32, #tpu.memory_space<vmem>>, vector<1x2048x128xf32>
    %get3A_8 = vector.shape_cast %get3A_7 : vector<1x2048x128xf32> to vector<2048x128xf32>
    %add3A = arith.addf %get3A_3, %get3A_8 : vector<2048x128xf32>
    %get3A_9 = arith.constant 0 : index
    %get3A_10 = arith.constant 0 : index
    %get3A_11 = vector.load %arg2[%get3A_9, %get3A_10] : memref<32x2048xf32, #tpu.memory_space<vmem>>, vector<32x2048xf32>
    %reduce_sum3A = arith.constant dense<0.000000e+00> : vector<2048xf32>
    %reduce_sum3A_12 = vector.multi_reduction <add>, %get3A_11, %reduce_sum3A [0] : vector<32x2048xf32> to vector<2048xf32>
    %jit3A = arith.constant 1.000000e+00 : f32
    %max3A = vector.broadcast %jit3A : f32 to vector<2048xf32>
    %max3A_13 = arith.maximumf %max3A, %reduce_sum3A_12 : vector<2048xf32>
    %div3A = arith.constant 1.000000e+00 : f32
    %div3A_14 = vector.broadcast %div3A : f32 to vector<2048xf32>
    %div3A_15 = arith.divf %div3A_14, %max3A_13 : vector<2048xf32>
    %broadcast_in_dim3A = vector.shape_cast %div3A_15 : vector<2048xf32> to vector<2048x1xf32>
    %mul3A = vector.broadcast %broadcast_in_dim3A : vector<2048x1xf32> to vector<2048x128xf32>
    %mul3A_16 = arith.mulf %add3A, %mul3A : vector<2048x128xf32>
    %get3A_17 = arith.constant 0 : index
    %get3A_18 = arith.constant 0 : index
    %get3A_19 = vector.load %arg3[%get3A_17, %get3A_18] : memref<2048x128xf32, #tpu.memory_space<vmem>>, vector<2048x128xf32>
    %get3A_20 = arith.constant 0 : index
    %get3A_21 = arith.constant 0 : index
    %get3A_22 = vector.load %arg4[%get3A_20, %get3A_21] : memref<128x128xf32, #tpu.memory_space<vmem>>, vector<128x128xf32>
    %dot_general3A = arith.constant dense<0.000000e+00> : vector<2048x128xf32>
    %dot_general3A_23 = tpu.matmul %mul3A_16, %get3A_22, %dot_general3A {dimension_numbers = #tpu.dot_dimension_numbers<[1], [0], [0], [1], [0, 0, 1, 1], [], []>, transpose_lhs_hint = false} : vector<2048x128xf32>, vector<128x128xf32>, vector<2048x128xf32> -> vector<2048x128xf32>
    %get3A_24 = arith.constant 0 : index
    %get3A_25 = vector.load %arg5[%get3A_24] : memref<128xf32, #tpu.memory_space<vmem>>, vector<128xf32>
    %broadcast_in_dim3A_26 = vector.shape_cast %get3A_25 : vector<128xf32> to vector<1x128xf32>
    %add3A_27 = vector.broadcast %broadcast_in_dim3A_26 : vector<1x128xf32> to vector<2048x128xf32>
    %add3A_28 = arith.addf %dot_general3A_23, %add3A_27 : vector<2048x128xf32>
    %get3A_29 = arith.constant 0 : index
    %get3A_30 = arith.constant 0 : index
    %get3A_31 = vector.load %arg6[%get3A_29, %get3A_30] : memref<128x128xf32, #tpu.memory_space<vmem>>, vector<128x128xf32>
    %dot_general3A_32 = arith.constant dense<0.000000e+00> : vector<2048x128xf32>
    %dot_general3A_33 = tpu.matmul %get3A_19, %get3A_31, %dot_general3A_32 {dimension_numbers = #tpu.dot_dimension_numbers<[1], [0], [0], [1], [0, 0, 1, 1], [], []>, transpose_lhs_hint = false} : vector<2048x128xf32>, vector<128x128xf32>, vector<2048x128xf32> -> vector<2048x128xf32>
    %add3A_34 = arith.addf %add3A_28, %dot_general3A_33 : vector<2048x128xf32>
    %get3A_35 = arith.constant 0 : index
    %get3A_36 = arith.constant 0 : index
    %get3A_37 = vector.load %arg7[%get3A_35, %get3A_36] : memref<1x1xf32, #tpu.memory_space<vmem>>, vector<1x1xf32>
    %get3A_38 = vector.extract %get3A_37[0, 0] : f32 from vector<1x1xf32>
    %ge3A = arith.constant 0.000000e+00 : f32
    %ge3A_39 = vector.broadcast %ge3A : f32 to vector<2048x128xf32>
    %ge3A_40 = arith.cmpf oge, %add3A_34, %ge3A_39 : vector<2048x128xf32>
    %mul3A_41 = vector.broadcast %get3A_38 : f32 to vector<2048x128xf32>
    %mul3A_42 = arith.mulf %mul3A_41, %add3A_34 : vector<2048x128xf32>
    %select_n3A = arith.select %ge3A_40, %add3A_34, %mul3A_42 : vector<2048x128xi1>, vector<2048x128xf32>
    %swap3A = arith.constant 0 : index
    %swap3A_43 = arith.constant 0 : index
    %swap3A_44 = vector.load %arg8[%swap3A, %swap3A_43] : memref<2048x128xf32, #tpu.memory_space<vmem>>, vector<2048x128xf32>
    tpu.vector_store %arg8[%swap3A, %swap3A_43], %select_n3A {strides = array<i32>} : memref<2048x128xf32, #tpu.memory_space<vmem>>, vector<2048x128xf32>,
    return
  }
  func.func @transform_0(%arg0: i32) -> (i32, i32, i32) {
    %c0_i32 = arith.constant 0 : i32
    %c0_i32_0 = arith.constant 0 : i32
    %c0_i32_1 = arith.constant 0 : i32
    return %c0_i32, %arg0, %c0_i32_0 : i32, i32, i32
  }
  func.func @transform_1(%arg0: i32) -> (i32, i32) {
    %c0_i32 = arith.constant 0 : i32
    %c0_i32_0 = arith.constant 0 : i32
    return %c0_i32, %arg0 : i32, i32
  }
  func.func @transform_2(%arg0: i32) -> (i32, i32) {
    %c0_i32 = arith.constant 0 : i32
    %c0_i32_0 = arith.constant 0 : i32
    return %arg0, %c0_i32 : i32, i32
  }
  func.func @transform_3(%arg0: i32) -> (i32, i32) {
    %c0_i32 = arith.constant 0 : i32
    %c0_i32_0 = arith.constant 0 : i32
    %c0_i32_1 = arith.constant 0 : i32
    return %c0_i32, %c0_i32_0 : i32, i32
  }
  func.func @transform_4(%arg0: i32) -> i32 {
    %c0_i32 = arith.constant 0 : i32
    %c0_i32_0 = arith.constant 0 : i32
    return %c0_i32 : i32
  }
  func.func @transform_5(%arg0: i32) -> (i32, i32) {
    %c0_i32 = arith.constant 0 : i32
    %c0_i32_0 = arith.constant 0 : i32
    %c0_i32_1 = arith.constant 0 : i32
    return %c0_i32, %c0_i32_0 : i32, i32
  }
  func.func @transform_6(%arg0: i32) -> (i32, i32) {
    %c0_i32 = arith.constant 0 : i32
    %c0_i32_0 = arith.constant 0 : i32
    %c0_i32_1 = arith.constant 0 : i32
    return %c0_i32, %c0_i32_0 : i32, i32
  }
  func.func @transform_7(%arg0: i32) -> (i32, i32) {
    %c0_i32 = arith.constant 0 : i32
    %c0_i32_0 = arith.constant 0 : i32
    return %arg0, %c0_i32 : i32, i32
  }
}

module attributes {stable_mosaic.version = 14 : i64} {
  func.func @_tc_dense_body(%arg0: i32, %arg1: memref<2x2048x128xf32, #tpu.memory_space<vmem>>, %arg2: memref<32x2048xf32, #tpu.memory_space<vmem>>, %arg3: memref<2048x128xf32, #tpu.memory_space<vmem>>, %arg4: memref<128x128xf32, #tpu.memory_space<vmem>>, %arg5: memref<128xf32, #tpu.memory_space<vmem>>, %arg6: memref<128x128xf32, #tpu.memory_space<vmem>>, %arg7: memref<1x1xf32, #tpu.memory_space<vmem>>, %arg8: memref<128x1xf32, #tpu.memory_space<vmem>>, %arg9: memref<1xf32, #tpu.memory_space<vmem>>, %arg10: memref<2048x1xf32, #tpu.memory_space<vmem>>) attributes {dimension_semantics = [#tpu.dimension_semantics<arbitrary>], iteration_bounds = array<i64: 5>, scalar_prefetch = 0 : i64, scratch_operands = 0 : i64, tpu.core_type = #tpu.core_type<tc>, window_params = [{transform_indices = @transform_0, window_bounds = array<i64: 2, 2048, 128>}, {transform_indices = @transform_1, window_bounds = array<i64: 32, 2048>}, {transform_indices = @transform_2, window_bounds = array<i64: 2048, 128>}, {pipeline_mode = #tpu.pipeline_mode<synchronous>, transform_indices = @transform_3, window_bounds = array<i64: 128, 128>}, {pipeline_mode = #tpu.pipeline_mode<synchronous>, transform_indices = @transform_4, window_bounds = array<i64: 128>}, {pipeline_mode = #tpu.pipeline_mode<synchronous>, transform_indices = @transform_5, window_bounds = array<i64: 128, 128>}, {pipeline_mode = #tpu.pipeline_mode<synchronous>, transform_indices = @transform_6, window_bounds = array<i64: 1, 1>}, {pipeline_mode = #tpu.pipeline_mode<synchronous>, transform_indices = @transform_7, window_bounds = array<i64: 128, 1>}, {pipeline_mode = #tpu.pipeline_mode<synchronous>, transform_indices = @transform_8, window_bounds = array<i64: 1>}, {transform_indices = @transform_9, window_bounds = array<i64: 2048, 1>}]} {
    %get3A = arith.constant 0 : index
    %get3A_0 = arith.constant 0 : index
    %get3A_1 = arith.constant 0 : index
    %get3A_2 = vector.load %arg1[%get3A, %get3A_0, %get3A_1] : memref<2x2048x128xf32, #tpu.memory_space<vmem>>, vector<1x2048x128xf32>
    %get3A_3 = vector.shape_cast %get3A_2 : vector<1x2048x128xf32> to vector<2048x128xf32>
    %get3A_4 = arith.constant 1 : index
    %get3A_5 = arith.constant 0 : index
    %get3A_6 = arith.constant 0 : index
    %get3A_7 = vector.load %arg1[%get3A_4, %get3A_5, %get3A_6] : memref<2x2048x128xf32, #tpu.memory_space<vmem>>, vector<1x2048x128xf32>
    %get3A_8 = vector.shape_cast %get3A_7 : vector<1x2048x128xf32> to vector<2048x128xf32>
    %add3A = arith.addf %get3A_3, %get3A_8 : vector<2048x128xf32>
    %get3A_9 = arith.constant 0 : index
    %get3A_10 = arith.constant 0 : index
    %get3A_11 = vector.load %arg2[%get3A_9, %get3A_10] : memref<32x2048xf32, #tpu.memory_space<vmem>>, vector<32x2048xf32>
    %reduce_sum3A = arith.constant dense<0.000000e+00> : vector<2048xf32>
    %reduce_sum3A_12 = vector.multi_reduction <add>, %get3A_11, %reduce_sum3A [0] : vector<32x2048xf32> to vector<2048xf32>
    %jit3A = arith.constant 1.000000e+00 : f32
    %max3A = vector.broadcast %jit3A : f32 to vector<2048xf32>
    %max3A_13 = arith.maximumf %max3A, %reduce_sum3A_12 : vector<2048xf32>
    %div3A = arith.constant 1.000000e+00 : f32
    %div3A_14 = vector.broadcast %div3A : f32 to vector<2048xf32>
    %div3A_15 = arith.divf %div3A_14, %max3A_13 : vector<2048xf32>
    %broadcast_in_dim3A = vector.shape_cast %div3A_15 : vector<2048xf32> to vector<2048x1xf32>
    %mul3A = vector.broadcast %broadcast_in_dim3A : vector<2048x1xf32> to vector<2048x128xf32>
    %mul3A_16 = arith.mulf %add3A, %mul3A : vector<2048x128xf32>
    %get3A_17 = arith.constant 0 : index
    %get3A_18 = arith.constant 0 : index
    %get3A_19 = vector.load %arg3[%get3A_17, %get3A_18] : memref<2048x128xf32, #tpu.memory_space<vmem>>, vector<2048x128xf32>
    %get3A_20 = arith.constant 0 : index
    %get3A_21 = arith.constant 0 : index
    %get3A_22 = vector.load %arg4[%get3A_20, %get3A_21] : memref<128x128xf32, #tpu.memory_space<vmem>>, vector<128x128xf32>
    %dot_general3A = arith.constant dense<0.000000e+00> : vector<2048x128xf32>
    %dot_general3A_23 = tpu.matmul %mul3A_16, %get3A_22, %dot_general3A {dimension_numbers = #tpu.dot_dimension_numbers<[1], [0], [0], [1], [0, 0, 1, 1], [], []>, transpose_lhs_hint = false} : vector<2048x128xf32>, vector<128x128xf32>, vector<2048x128xf32> -> vector<2048x128xf32>
    %get3A_24 = arith.constant 0 : index
    %get3A_25 = vector.load %arg5[%get3A_24] : memref<128xf32, #tpu.memory_space<vmem>>, vector<128xf32>
    %broadcast_in_dim3A_26 = vector.shape_cast %get3A_25 : vector<128xf32> to vector<1x128xf32>
    %add3A_27 = vector.broadcast %broadcast_in_dim3A_26 : vector<1x128xf32> to vector<2048x128xf32>
    %add3A_28 = arith.addf %dot_general3A_23, %add3A_27 : vector<2048x128xf32>
    %get3A_29 = arith.constant 0 : index
    %get3A_30 = arith.constant 0 : index
    %get3A_31 = vector.load %arg6[%get3A_29, %get3A_30] : memref<128x128xf32, #tpu.memory_space<vmem>>, vector<128x128xf32>
    %dot_general3A_32 = arith.constant dense<0.000000e+00> : vector<2048x128xf32>
    %dot_general3A_33 = tpu.matmul %get3A_19, %get3A_31, %dot_general3A_32 {dimension_numbers = #tpu.dot_dimension_numbers<[1], [0], [0], [1], [0, 0, 1, 1], [], []>, transpose_lhs_hint = false} : vector<2048x128xf32>, vector<128x128xf32>, vector<2048x128xf32> -> vector<2048x128xf32>
    %add3A_34 = arith.addf %add3A_28, %dot_general3A_33 : vector<2048x128xf32>
    %get3A_35 = arith.constant 0 : index
    %get3A_36 = arith.constant 0 : index
    %get3A_37 = vector.load %arg8[%get3A_35, %get3A_36] : memref<128x1xf32, #tpu.memory_space<vmem>>, vector<128x1xf32>
    %dot_general3A_38 = arith.constant dense<0.000000e+00> : vector<2048x1xf32>
    %dot_general3A_39 = tpu.matmul %add3A_34, %get3A_37, %dot_general3A_38 {dimension_numbers = #tpu.dot_dimension_numbers<[1], [0], [0], [1], [0, 0, 1, 1], [], []>, transpose_lhs_hint = false} : vector<2048x128xf32>, vector<128x1xf32>, vector<2048x1xf32> -> vector<2048x1xf32>
    %get3A_40 = arith.constant 0 : index
    %get3A_41 = vector.load %arg9[%get3A_40] : memref<1xf32, #tpu.memory_space<vmem>>, vector<1xf32>
    %broadcast_in_dim3A_42 = vector.shape_cast %get3A_41 : vector<1xf32> to vector<1x1xf32>
    %add3A_43 = vector.broadcast %broadcast_in_dim3A_42 : vector<1x1xf32> to vector<2048x1xf32>
    %add3A_44 = arith.addf %dot_general3A_39, %add3A_43 : vector<2048x1xf32>
    %swap3A = arith.constant 0 : index
    %swap3A_45 = arith.constant 0 : index
    %swap3A_46 = vector.load %arg10[%swap3A, %swap3A_45] : memref<2048x1xf32, #tpu.memory_space<vmem>>, vector<2048x1xf32>
    tpu.vector_store %arg10[%swap3A, %swap3A_45], %add3A_44 {strides = array<i32>} : memref<2048x1xf32, #tpu.memory_space<vmem>>, vector<2048x1xf32>,
    return
  }
  func.func @transform_0(%arg0: i32) -> (i32, i32, i32) {
    %c0_i32 = arith.constant 0 : i32
    %c0_i32_0 = arith.constant 0 : i32
    %c0_i32_1 = arith.constant 0 : i32
    return %c0_i32, %arg0, %c0_i32_0 : i32, i32, i32
  }
  func.func @transform_1(%arg0: i32) -> (i32, i32) {
    %c0_i32 = arith.constant 0 : i32
    %c0_i32_0 = arith.constant 0 : i32
    return %c0_i32, %arg0 : i32, i32
  }
  func.func @transform_2(%arg0: i32) -> (i32, i32) {
    %c0_i32 = arith.constant 0 : i32
    %c0_i32_0 = arith.constant 0 : i32
    return %arg0, %c0_i32 : i32, i32
  }
  func.func @transform_3(%arg0: i32) -> (i32, i32) {
    %c0_i32 = arith.constant 0 : i32
    %c0_i32_0 = arith.constant 0 : i32
    %c0_i32_1 = arith.constant 0 : i32
    return %c0_i32, %c0_i32_0 : i32, i32
  }
  func.func @transform_4(%arg0: i32) -> i32 {
    %c0_i32 = arith.constant 0 : i32
    %c0_i32_0 = arith.constant 0 : i32
    return %c0_i32 : i32
  }
  func.func @transform_5(%arg0: i32) -> (i32, i32) {
    %c0_i32 = arith.constant 0 : i32
    %c0_i32_0 = arith.constant 0 : i32
    %c0_i32_1 = arith.constant 0 : i32
    return %c0_i32, %c0_i32_0 : i32, i32
  }
  func.func @transform_6(%arg0: i32) -> (i32, i32) {
    %c0_i32 = arith.constant 0 : i32
    %c0_i32_0 = arith.constant 0 : i32
    %c0_i32_1 = arith.constant 0 : i32
    return %c0_i32, %c0_i32_0 : i32, i32
  }
  func.func @transform_7(%arg0: i32) -> (i32, i32) {
    %c0_i32 = arith.constant 0 : i32
    %c0_i32_0 = arith.constant 0 : i32
    %c0_i32_1 = arith.constant 0 : i32
    return %c0_i32, %c0_i32_0 : i32, i32
  }
  func.func @transform_8(%arg0: i32) -> i32 {
    %c0_i32 = arith.constant 0 : i32
    %c0_i32_0 = arith.constant 0 : i32
    return %c0_i32 : i32
  }
  func.func @transform_9(%arg0: i32) -> (i32, i32) {
    %c0_i32 = arith.constant 0 : i32
    %c0_i32_0 = arith.constant 0 : i32
    return %arg0, %c0_i32 : i32, i32
  }
}

</mosaic_0001>

<sc_bundles>
// kernel: kernel.12.cloned.1.call-start
scs
__scs_entry_jumppad:
0x0: {  	(pc) =	sbr.rel $0x88, $3  }
0x1: {  	(tag) =	ssettag $0x0;
	lr =	simm.s32 $0x1  }
0x2: {  	[smem:$0x3F93] =	sst lr;
	_ =	strace $0xD0000000  }
0x3: {  	_ = 	snop  }
0x4: {  	_ = 	snop  }
0x5: {  	_ = 	snop  }
0x6: {  	_ = 	snop  }
0x7: {  	_ = 	snop  }
__scs_overlays_trampoline_lowered:
0x8: {  	[smem:$0x3FA2] =	sst s0  }
0x9: {  	[smem:$0x3FA3] =	sst s1  }
0xa: {  	[smem:$0x3FA4] =	sst s2  }
0xb: {  	[smem:$0x3FA5] =	sst s3  }
0xc: {  	[smem:$0x3FA6] =	sst s4  }
0xd: {  	[smem:$0x3FA7] =	sst s5  }
0xe: {  	[smem:$0x3FA8] =	sst s6  }
0xf: {  	[smem:$0x3FA9] =	sst s7  }
0x10: {  	[smem:$0x3FAA] =	sst s8  }
0x11: {  	[smem:$0x3FAB] =	sst s9;
	s0 =	simm.s32 @!p0 $0x0  }
0x12: {  	s1 =	sld [smem:$0x3F91];
	s0 =	simm.s32 @p0 $0x1  }
0x13: {  	[smem:$0x3FAC] =	sst s0;
	s0 =	simm.s32 @!p1 $0x0  }
0x14: {  	s2 =	sld [smem:$0x3F90];
	s0 =	simm.s32 @p1 $0x1  }
0x15: {  	[smem:$0x3FAD] =	sst s0;
	s0 =	simm.s32 @!p2 $0x0  }
0x16: {  	s3 =	sld [smem:$0x3FDB];
	s0 =	simm.s32 @p2 $0x1  }
0x17: {  	s4 =	simm.s32 $0x1BF5;
	[smem:$0x3FAF] =	sst s0  }
0x18: {  	s0 =	sld [smem:$0x3F92];
	_ =	swait.ge [sflag:s4], $0x0  }
0x19: {  	s7 =	sld [smem:$0x3F93]  }
0x1a: {  	s8 =	sadd.s32 $0xFFFFE003, lr  }
0x1b: {  	s9 =	sadd.s32 $0xFFFFFEF7, lr;
	s5 =	simm.s32 $0xFFFFFFFF;
	p2 =	slt.u32 s8, $0xFFFFF086  }
0x1c: {  	p1 =	slt.u32 s9, $0xF7A;
	s5 =	simm.s32 @!p2 $0x0  }
0x1d: {  	s5 =	simm.s32 @p1 $0x1;
	p0 =	seq.s32 s7, s2  }
0x1e: {  	s7 =	smul.u32 @!p0 $0xF7A, s2;
	p2 =	seq.s32 @!p0 s5, $0x0  }
0x1f: {  	s9 =	smul.u32 $0xF7A, s1;
	s8 =	simm.s32 @!p0 $0x1BF5;
	p2 =	por !p2, p0  }
0x20: {  	[sflag:s8] =	ssyncset.s32 @!p0 $0xFFFFF086;
	s6 =	sadd.s32 @!p0 s3, s7;
	s7 =	simm.s32 @!p0 $0x108  }
0x21: {  	s3 =	sadd.s32 s3, s9;
	s6 =	sadd.s32 @!p0 $0x88, s6;
	s7 =	simm.s32 @p2 $0x1082  }
0x22: {  	[simem:s7], [sflag:s8] =	dma.local @!p0 [hbm:s6], $0xF7A  }
0x23: {  	s9 =	sor.u32 $0xD0000000, s2;
	s6 =	simm.s32 $0x108;
	_ =	swait.ge @!p0 [sflag:s8], $0x0  }
0x24: {  	s3 =	sadd.s32 $0x88, s3;
	s6 =	simm.s32 @!p1 $0x1082;
	[sflag:s4] =	ssyncset.s32 $0xFFFFF086  }
0x25: {  	[simem:s6], [sflag:s4] =	dma.local [hbm:s3], $0xF7A  }
0x26: {  	[smem:$0x3F93] =	sst s1;
	(tag) =	ssettag s2;
	_ =	strace s9  }
0x27: {  	s1 =	sld [smem:$0x3FA3]  }
0x28: {  	s2 =	sld [smem:$0x3FA4]  }
0x29: {  	s4 =	sld [smem:$0x3FA6]  }
0x2a: {  	p0 =	seq.s32 s5, $0x0;
	s5 =	sld [smem:$0x3FA7]  }
0x2b: {  	s6 =	sld [smem:$0x3FA8]  }
0x2c: {  	s7 =	sld [smem:$0x3FA9]  }
0x2d: {  	s3 =	simm.s32 $0x108;
	s8 =	sld [smem:$0x3FAA]  }
0x2e: {  	s3 =	simm.s32 @!p0 $0x1082;
	s9 =	sld [smem:$0x3FAB]  }
0x2f: {  	lr =	sadd.s32 s0, s3;
	s0 =	sld [smem:$0x3FA2]  }
0x30: {  	s3 =	sld [smem:$0x3FA5]  }
0x31: {  	[smem:$0x3FAE] =	sst s10  }
0x32: {  	s10 =	sld [smem:$0x3FAC];
	_ =	sdelay $0x3  }
0x33: {  	p0 =	seq.s32 s10, $0x1;
	s10 =	sld [smem:$0x3FAE];
	_ =	sdelay $0x3  }
0x34: {  	[smem:$0x3FAE] =	sst s10  }
0x35: {  	s10 =	sld [smem:$0x3FAD];
	_ =	sdelay $0x3  }
0x36: {  	p1 =	seq.s32 s10, $0x1;
	s10 =	sld [smem:$0x3FAE];
	_ =	sdelay $0x3  }
0x37: {  	[smem:$0x3FAE] =	sst s10  }
0x38: {  	s10 =	sld [smem:$0x3FAF]  }
0x39: {  	_ = 	snop;
	(pc) =	sbr.ind lr, $3  }
0x3a: {  	_ = 	snop  }
0x3b: {  	_ = 	snop  }
0x3c: {  	p2 =	seq.s32 s10, $0x1;
	s10 =	sld [smem:$0x3FAE]  }
0x3d: {  	_ =	shalt  }
0x3e: {  	_ =	shalt  }
0x3f: {  	_ =	shalt  }
0x40: {  	_ =	shalt  }
0x41: {  	_ =	shalt  }
0x42: {  	_ =	shalt  }
0x43: {  	_ =	shalt  }
0x44: {  	_ =	shalt  }
0x45: {  	_ =	shalt  }
0x46: {  	_ =	shalt  }
0x47: {  	_ =	shalt  }
0x48: {  	_ =	shalt  }
0x49: {  	_ =	shalt  }
0x4a: {  	_ =	shalt  }
0x4b: {  	_ =	shalt  }
0x4c: {  	_ =	shalt  }
0x4d: {  	_ =	shalt  }
0x4e: {  	_ =	shalt  }
0x4f: {  	_ =	shalt  }
0x50: {  	_ =	shalt  }
0x51: {  	_ =	shalt  }
0x52: {  	_ =	shalt  }
0x53: {  	_ =	shalt  }
0x54: {  	_ =	shalt  }
0x55: {  	_ =	shalt  }
0x56: {  	_ =	shalt  }
0x57: {  	_ =	shalt  }
0x58: {  	_ =	shalt  }
0x59: {  	_ =	shalt  }
0x5a: {  	_ =	shalt  }
0x5b: {  	_ =	shalt  }
0x5c: {  	_ =	shalt  }
0x5d: {  	_ =	shalt  }
0x5e: {  	_ =	shalt  }
0x5f: {  	_ =	shalt  }
0x60: {  	_ =	shalt  }
0x61: {  	_ =	shalt  }
0x62: {  	_ =	shalt  }
0x63: {  	_ =	shalt  }
0x64: {  	_ =	shalt  }
0x65: {  	_ =	shalt  }
0x66: {  	_ =	shalt  }
0x67: {  	_ =	shalt  }
0x68: {  	_ =	shalt  }
0x69: {  	_ =	shalt  }
0x6a: {  	_ =	shalt  }
0x6b: {  	_ =	shalt  }
0x6c: {  	_ =	shalt  }
0x6d: {  	_ =	shalt  }
0x6e: {  	_ =	shalt  }
0x6f: {  	_ =	shalt  }
0x70: {  	_ =	shalt  }
0x71: {  	_ =	shalt  }
0x72: {  	_ =	shalt  }
0x73: {  	_ =	shalt  }
0x74: {  	_ =	shalt  }
0x75: {  	_ =	shalt  }
0x76: {  	_ =	shalt  }
0x77: {  	_ =	shalt  }
0x78: {  	_ =	shalt  }
0x79: {  	_ =	shalt  }
0x7a: {  	_ =	shalt  }
0x7b: {  	_ =	shalt  }
0x7c: {  	_ =	shalt  }
0x7d: {  	_ =	shalt  }
0x7e: {  	_ =	shalt  }
0x7f: {  	_ =	shalt  }
0x80: {  	_ =	shalt  }
0x81: {  	_ =	shalt  }
0x82: {  	_ =	shalt  }
0x83: {  	_ =	shalt  }
0x84: {  	_ =	shalt  }
0x85: {  	_ =	shalt  }
0x86: {  	_ =	shalt  }
0x87: {  	_ =	shalt  }
.Lfunc_end0:
.L_simem_size_0:
called_computation.1_lowered:
.L_overlay_start_0:
0x88: {  	s2 =	sld [smem:$0x3FD9]  }
0x89: {  	s3 =	sld [smem:$0x3FFE];
	_ =	sdelay $0x1  }
0x8a: {  	s1 =	srdreg.scid  }
0x8b: {  	s0 =	sand.u32 $0x1, s1  }
0x8c: {  	s16 =	sshll.u32 s0, $0xA;
	s2 =	sadd.s32 s3, s2  }
0x8d: {  	s2 =	sadd.s32 s2, s16  }
0x8e: {  	[smem:$0x3FBA] =	sst s2  }
0x8f: {  	_ = 	snop  }
0x90: {  	(tm) =	ssettm $0x1  }
0x91: {  	s17 =	sld [smem:$0x3FFB];
	_ =	sdelay $0x3  }
0x92: {  	_ =	strace s17  }
0x93: {  	s2 =	sld [smem:$0x3FFC];
	_ =	sdelay $0x3  }
0x94: {  	_ =	strace s2  }
0x95: {  	s2 =	sld [smem:$0x3FFD];
	_ =	sdelay $0x3  }
0x96: {  	_ =	strace s2  }
0x97: {  	_ =	strace $0x8FFFFFFF  }
0x98: {  	s18 =	sld [smem:$0x3FDB];
	_ =	sdelay $0x1  }
0x99: {  	s19 =	simm.s32 $_scs_section_size  }
0x9a: {  	s4 =	simm.s32 $_size__tile_overlayer_lowered;
	s5 =	simm.s32 $_tile_overlayer_lowered  }
0x9b: {  	s22 =	simm.s32 $0x1BFF;
	s21 =	sshll.u32 s5, $0x1;
	s2 =	sadd.s32 s19, s18  }
0x9c: {  	s6 =	simm.s32 $0x0;
	s20 =	sshll.u32 s4, $0x1;
	s4 =	sadd.s32 s21, s2  }
0x9d: {  	[timem:s6], [sflag:s22] =	dma.local [hbm:s4], s20  }
0x9e: {  	_ =	swait.ge [sflag:s22], s20  }
0x9f: {  	s3 =	ssub.s32 $0x0, s20;
	[sflag:s22] =	ssyncset.done $0x0  }
0xa0: {  	[sflag:s22] =	ssyncadd.s32 s3;
	_ =	sdelay $0x1  }
0xa1: {  	s23 =	simm.s32 $0x1B8B  }
0xa2: {  	_ =	swait.ge [sflag:s23], $0x1  }
0xa3: {  	[sflag:s23] =	ssyncset.done $0x0  }
0xa4: {  	s25 =	simm.s32 $0x1B8E;
	s24 =	sld [smem:$0x3FFE];
	[sflag:s23] =	ssyncadd.s32 $0xFFFFFFFF  }
0xa5: {  	s26 =	simm.s32 $execute0_lowered;
	[smem:$0x3FD2] =	sst s25  }
0xa6: {  	s4 =	sshll.u32 s26, $0x1;
	_ =	strace $0x80000046;
	[dreg:$0x1] =	wrdreg $0xFFFFFFFF  }
0xa7: {  	s28 =	simm.s32 $_size_execute0_lowered;
	s2 =	sadd.s32 s2, s4;
	[dreg:$0x0] =	wrdreg $0x0  }
0xa8: {  	s4 =	sshll.u32 s28, $0x1;
	[dreg:$0x2] =	wrdreg s2  }
0xa9: {  	[dreg:$0x3] =	wrdreg s4  }
0xaa: {  	[dreg:$0x4] =	wrdreg $0xC0  }
0xab: {  	_ =	task [dreg:s6], $0x5FFFF  }
0xac: {  	[dreg:$0x1] =	wrdreg $0xFFFFFFFF  }
0xad: {  	[dreg:$0x0] =	wrdreg $0x60  }
0xae: {  	[dreg:$0x2] =	wrdreg s24  }
0xaf: {  	[dreg:$0x3] =	wrdreg $0x18000  }
0xb0: {  	[dreg:$0x4] =	wrdreg $0xA  }
0xb1: {  	_ =	task.clear_ibuf [dreg:s6], $0x5FFFF;
	_ =	strace $0x90000046  }
0xb2: {  	s29 =	simm.s32 $0xA;
	_ =	strace $0x80000048  }
0xb3: {  	_ =	swait.ge [sflag:s29], $0x1  }
0xb4: {  	[sflag:s29] =	ssyncadd.s32 $0xFFFFFFFF  }
0xb5: {  	_ =	strace $0x90000048  }
0xb6: {  	_ =	sfence  }
0xb7: {  	s30 =	sld [smem:$0x0];
	_ =	sdelay $0x2  }
0xb8: {  	s31 =	sshll.u32 s1, $0xD;
	s1 =	sshrl.u32 s1, $0x2  }
0xb9: {  	s3 =	sand.u32 $0x4000, s31;
	s1 =	sadd.s32 s1, s30  }
0xba: {  	s0 =	sor.u32 s3, s0;
	s1 =	sshll.u32 s1, $0x11  }
0xbb: {  	s0 =	sor.u32 s1, s0  }
0xbc: {  	s0 =	sadd.s32 $0x8F2B, s0  }
0xbd: {  	[sflag:s0] =	ssyncadd.remote.s32 $0x1  }
0xbe: {  	_ =	sfence.sel $0xFFFF  }
0xbf: {  	[dreg:$0x0] =	wrdreg $0xFFFFFFFF;
	(pc) =	sbr.abs _section_cstart, $3  }
0xc0: {  	[dreg:$0x1] =	wrdreg $0xFFFFFFFF  }
0xc1: {  	_ =	task.clear_ibuf [dreg:s6], $0x2FFFF;
	_ =	strace $0x9FFFFFFF  }
0xc2: {  	(tm) =	ssettm $0x7FFFFFFF  }
0xc3: {  	_ =	shalt  }
tec
execute0_lowered:
.L_overlay_start_1:
0x0: {  	(tag) =	ssettag $0x1  }
0x1: {  	s0 =	rddreg [dreg:$0x0]  }
0x2: {  	s1 =	rddreg [dreg:$0x1]  }
0x3: {  	s3 =	simm.s32 $0x0;
	s2 =	srdreg.scid;
	s12 =	stileid.u32  }
0x4: {  	s28 =	simm.s32 $0x18800;
	s29 =	simm.s32 $0x1;
	s30 =	simm.s32 $0x19800  }
0x5: {  	s31 =	simm.s32 $0x2;
	s13 =	simm.s32 $0x10;
	s14 =	simm.s32 $0x0  }
0x6: {  	[smem:$0x7FF] =	sst s3;
	s2 =	sand.u32 $0x1, s2;
	s6 =	smul.u32 $0x14000, s12  }
0x7: {  	s4 =	sadd.s32 $0x71600, s0;
	s7 =	sadd.s32 $0x3F600, s0;
	s10 =	smul.u32 $0x50000, s12  }
0x8: {  	s8 =	sadd.s32 $0xD600, s0;
	s9 =	sadd.s32 $0x99600, s0;
	s18 =	smul.u32 $0x19000, s12  }
0x9: {  	s15 =	sshll.u32 s12, $0x1;
	s19 =	sshll.u32 s12, $0x6;
	s5 =	smul.u32 $0x140000, s2  }
0xa: {  	_ =	strace $0x80000047;
	[dreg:$0x3] =	wrdreg s9;
	s16 =	ssub.s32 $0x2, s2  }
0xb: {  	s12 =	sor.u32 $0x1C12, s19;
	s19 =	simm.s32 $0x9;
	s9 =	simm.s32 $0xC  }
0xc: {  	s11 =	sshrl.u32 s16, $0x1;
	s10 =	sshrl.u32 s10, $0x2;
	[dreg:$0x4] =	wrdreg s12  }
0xd: {  	s5 =	sadd.s32 s6, s5;
	s6 =	sor.u32 s2, s15;
	s17 =	ssub.s32 s16, s11  }
0xe: {  	s2 =	smul.u32 $0xC800, s2;
	s10 =	sadd.s32 s10, s1;
	s11 =	simm.s32 $0x12  }
0xf: {  	s5 =	sshrl.u32 s5, $0x3;
	s6 =	smul.u32 $0xC800, s6;
	s25 =	smax.u32 s17, $0x1  }
0x10: {  	s10 =	sshrl.u32 s10, $0x3;
	s17 =	simm.s32 $0x1C800;
	s0 =	sadd.s32 s5, s0  }
0x11: {  	s2 =	sadd.s32 s2, s18;
	[dreg:$0xa] =	wrdreg s25;
	s18 =	simm.s32 $0x5  }
0x12: {  	s5 =	simm.s32 $0x7;
	[dreg:$0xd] =	wrdreg s10;
	s6 =	sshrl.u32 s6, $0x3  }
0x13: {  	s2 =	sadd.s32 $0x800, s2;
	s0 =	sadd.s32 $0x9BE00, s0;
	s20 =	sadd.s32 s7, s6  }
0x14: {  	s21 =	sor.u32 $0x80, s6;
	s6 =	sadd.s32 s8, s6;
	[dreg:$0x9] =	wrdreg s0  }
0x15: {  	s24 =	sshrl.u32 s2, $0x3;
	s2 =	simm.s32 $0x4;
	[dreg:$0x5] =	wrdreg s20  }
0x16: {  	[dreg:$0x6] =	wrdreg s6;
	s22 =	sadd.s32 s7, s21;
	s23 =	sadd.s32 s8, s21  }
.Ltmp0:
0x17: {  	s26 =	sadd.s32 s24, s8;
	[dreg:$0x7] =	wrdreg s22;
	(pc) =	sbr.rel .LBB2_1-.Ltmp0, $4  }
0x18: {  	s0 =	sadd.s32 s24, s7;
	s20 =	simm.s32 $0x19;
	[dreg:$0x8] =	wrdreg s23  }
0x19: {  	s21 =	simm.s32 $0x15800;
	s7 =	simm.s32 $0xB;
	[dreg:$0xb] =	wrdreg s26  }
0x1a: {  	s8 =	simm.s32 $0x8;
	[dreg:$0xc] =	wrdreg s0;
	s23 =	simm.s32 $0x16800  }
0x1b: {  	s0 =	simm.s32 $0x1B800;
	s22 =	simm.s32 $0x6;
	s26 =	simm.s32 $0xA  }
.LBB2_8:
0x1c: {  	_ =	swait.ge [sflag:s8], $0xC80  }
0x1d: {  	[sflag:s8] =	ssyncset.done $0x0  }
0x1e: {  	s6 =	sadd.s32 $0xF80, s6;
	[sflag:s8] =	ssyncadd.s32 $0xFFFFF380  }
0x1f: {  	[spmem:s1] =	stream.indirect.scatter.add.f32 [tilespmem:s17], [sflag:$0x10], $0x80, s6, s20, $0xb8;
	[tilespmem:$0x1D800] =	vst v63  }
0x20: {  	_ =	swait.ge [sflag:s9], $0xC80  }
0x21: {  	[sflag:s9] =	ssyncset.done $0x0  }
0x22: {  	[sflag:s9] =	ssyncadd.s32 $0xFFFFF380  }
.LBB2_10:
0x23: {  	s6 =	simm.s32 $0xD  }
0x24: {  	_ =	swait.ge [sflag:s6], $0xC80  }
0x25: {  	[sflag:s6] =	ssyncset.done $0x0  }
0x26: {  	s15 =	simm.s32 $0xE;
	[sflag:s6] =	ssyncadd.s32 $0xFFFFF380  }
0x27: {  	_ =	swait.ge [sflag:s15], $0xC80  }
0x28: {  	[sflag:s15] =	ssyncset.done $0x0  }
0x29: {  	s16 =	simm.s32 $0xF;
	[sflag:s15] =	ssyncadd.s32 $0xFFFFF380  }
0x2a: {  	_ =	swait.ge [sflag:s16], $0xC80  }
0x2b: {  	[sflag:s16] =	ssyncset.done $0x0  }
0x2c: {  	[sflag:s16] =	ssyncadd.s32 $0xFFFFF380  }
0x2d: {  	_ =	swait.ge [sflag:s13], $0xC80  }
0x2e: {  	[sflag:s13] =	ssyncset.done $0x0  }
0x2f: {  	[sflag:s13] =	ssyncadd.s32 $0xFFFFF380  }
0x30: {  	[bflag:$0x0] =	sbarrier.arrive $0xFFFF  }
0x31: {  	s12 =	rddreg [dreg:$0x4]  }
0x32: {  	s24 =	rddreg [dreg:$0x9]  }
0x33: {  	s11 =	simm.s32 $0x12;
	s10 =	rddreg [dreg:$0xd]  }
0x34: {  	[hbm:s24], [sflag:s12] =	dma.local [spmem:s10], $0x2800  }
0x35: {  	_ =	swait.ge [sflag:s11], $0x2800  }
0x36: {  	s14 =	rddreg [dreg:$0xe]  }
0x37: {  	s25 =	rddreg [dreg:$0xa];
	s14 =	sadd.s32 $0x1, s14  }
0x38: {  	p0 =	sne.s32 s14, s25  }
.Ltmp1:
0x39: {  	_ = 	snop;
	(pc) =	sbr.rel @!p0 .LBB2_11-.Ltmp1, $3  }
0x3a: {  	_ =	sdelay $0x1  }
0x3b: {  	[sflag:s11] =	ssyncset.done $0x0  }
0x3c: {  	[sflag:s11] =	ssyncadd.s32 $0xFFFFD800  }
.LBB2_1:
0x3d: {  	[dreg:$0xe] =	wrdreg s14  }
0x3e: {  	s6 =	rddreg [dreg:$0x3]  }
0x3f: {  	[spmem:s10], [sflag:s12] =	dma.local [hbm:s6], $0x2800  }
0x40: {  	_ =	swait.ge [sflag:s11], $0x2800  }
0x41: {  	[sflag:s11] =	ssyncset.done $0x0  }
0x42: {  	[sflag:s11] =	ssyncadd.s32 $0xFFFFD800  }
0x43: {  	[bflag:$0x0] =	sbarrier.arrive $0xFFFF  }
0x44: {  	s16 =	rddreg [dreg:$0x5]  }
0x45: {  	[tilespmem:s3], [sflag:$0x12] =	stream.linear.gather [hbm4b:s16+s3], $0x400, $0x38;
	[tilespmem:$0x1D800] =	vst v63  }
0x46: {  	_ =	swait.ge [sflag:s11], $0x400  }
0x47: {  	[sflag:s11] =	ssyncset.done $0x0  }
0x48: {  	s25 =	simm.s32 $0xC00;
	s24 =	rddreg [dreg:$0x6];
	[sflag:s11] =	ssyncadd.s32 $0xFFFFFC00  }
0x49: {  	[tilespmem:s25], [sflag:$0x12] =	stream.linear.gather [hbm4b:s24+s3], $0x400, $0x38;
	[tilespmem:$0x1D800] =	vst v63  }
0x4a: {  	_ =	swait.ge [sflag:s11], $0x400  }
0x4b: {  	[sflag:s11] =	ssyncset.done $0x0  }
0x4c: {  	s10 =	rddreg [dreg:$0x7];
	[sflag:s11] =	ssyncadd.s32 $0xFFFFFC00;
	s11 =	simm.s32 $0x400  }
0x4d: {  	[tilespmem:s11], [sflag:$0x11] =	stream.linear.gather [hbm4b:s10+s3], $0x400, $0x38;
	[tilespmem:$0x1D800] =	vst v63  }
0x4e: {  	s14 =	simm.s32 $0x1000;
	s12 =	rddreg [dreg:$0x8]  }
0x4f: {  	[tilespmem:s14], [sflag:$0x11] =	stream.linear.gather [hbm4b:s12+s3], $0x400, $0x38;
	[tilespmem:$0x1D800] =	vst v63  }
0x50: {  	_ = 	snop  }
0x51: {  	[tilespmem:s21], [sflag:$0x1] =	stream.indirect.gather [hbm4b:s4+s20], $0x80, s3, s20, $0xb8;
	[tilespmem:$0x1D800] =	vst v63  }
0x52: {  	s15 =	simm.s32 $0x80  }
0x53: {  	[tilespmem:s23], [sflag:$0x2] =	stream.indirect.gather [hbm4b:s4+s20], $0x80, s15, s20, $0xb8;
	[tilespmem:$0x1D800] =	vst v63  }
0x54: {  	s16 =	simm.s32 $0x100;
	s24 =	simm.s32 $0x17800;
	s11 =	rddreg [dreg:$0xc]  }
0x55: {  	[tilespmem:s24], [sflag:$0x3] =	stream.indirect.gather [hbm4b:s4+s20], $0x80, s16, s20, $0xb8;
	[tilespmem:$0x1D800] =	vst v63  }
0x56: {  	s25 =	simm.s32 $0x180;
	s10 =	simm.s32 $0x2;
	s12 =	rddreg [dreg:$0xb]  }
0x57: {  	[tilespmem:s28], [sflag:$0x4] =	stream.indirect.gather [hbm4b:s4+s20], $0x80, s25, s20, $0xb8;
	[tilespmem:$0x1D800] =	vst v63  }
.LBB2_2:
0x58: {  	s15 =	smul.u32 $0xAB, s10;
	_ =	sdelay $0x1  }
0x59: {  	s6 =	sadd.s32 $0xFFFFFEAA, s15  }
0x5a: {  	s6 =	sshrl.u32 s6, $0x9  }
0x5b: {  	s6 =	sand.u32 $0x7F, s6  }
0x5c: {  	s6 =	smul.u32 $0x3, s6  }
0x5d: {  	s16 =	sadd.s32 $0xFFFFFFFE, s10  }
0x5e: {  	s6 =	ssub.s32 s16, s6  }
0x5f: {  	_ =	swait.ge [sflag:s29], $0xC80;
	s6 =	sand.u32 $0xFF, s6  }
0x60: {  	[sflag:s29] =	ssyncset.done $0x0;
	s6 =	sshll.u32 s6, $0xA  }
0x61: {  	p0 =	seq.s32 s10, $0x2;
	[sflag:s29] =	ssyncadd.s32 $0xFFFFF380;
	s14 =	sadd.s32 $0xC00, s6  }
0x62: {  	[spmem:s1] =	stream.indirect.scatter.add.f32 [tilespmem:s21], [sflag:$0x9], $0x80, s14, s20, $0xb8;
	[tilespmem:$0x1D800] =	vst v63  }
0x63: {  	s14 =	simm.s32 @!p0 $0xD  }
0x64: {  	_ =	swait.ge @!p0 [sflag:s14], $0xC80  }
0x65: {  	[sflag:s14] =	ssyncset.done @!p0 $0x0  }
0x66: {  	s24 =	sadd.s32 $0x200, s6;
	[sflag:s14] =	ssyncadd.s32 @!p0 $0xFFFFF380  }
0x67: {  	[tilespmem:s30], [sflag:$0x5] =	stream.indirect.gather [hbm4b:s4+s20], $0x80, s24, s20, $0xb8;
	[tilespmem:$0x1D800] =	vst v63  }
0x68: {  	_ =	swait.ge [sflag:s31], $0xC80  }
0x69: {  	[sflag:s31] =	ssyncset.done $0x0  }
0x6a: {  	s25 =	sadd.s32 $0xC80, s6;
	[sflag:s31] =	ssyncadd.s32 $0xFFFFF380  }
0x6b: {  	[spmem:s1] =	stream.indirect.scatter.add.f32 [tilespmem:s23], [sflag:$0xA], $0x80, s25, s20, $0xb8;
	[tilespmem:$0x1D800] =	vst v63  }
0x6c: {  	s14 =	sadd.s32 @p0 $0x280, s6;
	s24 =	simm.s32 @p0 $0x1A800;
	s25 =	simm.s32 @p0 $0x19  }
0x6d: {  	[tilespmem:s24], [sflag:$0x6] =	stream.indirect.gather @p0 [hbm4b:s4+s25], $0x80, s14, s25, $0xb8;
	[tilespmem:$0x1D800] =	vst v63  }
0x6e: {  	s14 =	simm.s32 @p0 $0x3  }
0x6f: {  	_ =	swait.ge @p0 [sflag:s14], $0xC80  }
0x70: {  	[sflag:s14] =	ssyncset.done @p0 $0x0  }
0x71: {  	s24 =	simm.s32 @p0 $0x17800;
	[sflag:s14] =	ssyncadd.s32 @p0 $0xFFFFF380;
	s14 =	sadd.s32 @p0 $0xD00, s6  }
0x72: {  	[spmem:s1] =	stream.indirect.scatter.add.f32 @p0 [tilespmem:s24], [sflag:$0xB], $0x80, s14, s25, $0xb8;
	[tilespmem:$0x1D800] =	vst v63  }
0x73: {  	s14 =	simm.s32 @!p0 $0xE  }
0x74: {  	_ =	swait.ge @!p0 [sflag:s14], $0xC80  }
0x75: {  	s24 =	simm.s32 @!p0 $0x19;
	[sflag:s14] =	ssyncset.done @!p0 $0x0  }
0x76: {  	s25 =	simm.s32 @!p0 $0x1A800;
	[sflag:s14] =	ssyncadd.s32 @!p0 $0xFFFFF380;
	s14 =	sadd.s32 @!p0 $0x280, s6  }
0x77: {  	[tilespmem:s25], [sflag:$0x6] =	stream.indirect.gather @!p0 [hbm4b:s4+s24], $0x80, s14, s24, $0xb8;
	[tilespmem:$0x1D800] =	vst v63  }
0x78: {  	s14 =	simm.s32 @!p0 $0x3  }
0x79: {  	_ =	swait.ge @!p0 [sflag:s14], $0xC80  }
0x7a: {  	[sflag:s14] =	ssyncset.done @!p0 $0x0  }
0x7b: {  	s25 =	simm.s32 @!p0 $0x17800;
	[sflag:s14] =	ssyncadd.s32 @!p0 $0xFFFFF380;
	s14 =	sadd.s32 @!p0 $0xD00, s6  }
0x7c: {  	[spmem:s1] =	stream.indirect.scatter.add.f32 @!p0 [tilespmem:s25], [sflag:$0xB], $0x80, s14, s24, $0xb8;
	[tilespmem:$0x1D800] =	vst v63  }
0x7d: {  	s14 =	simm.s32 @!p0 $0xF  }
0x7e: {  	_ =	swait.ge @!p0 [sflag:s14], $0xC80  }
0x7f: {  	[sflag:s14] =	ssyncset.done @!p0 $0x0  }
0x80: {  	s24 =	sadd.s32 $0x300, s6;
	[sflag:s14] =	ssyncadd.s32 @!p0 $0xFFFFF380  }
0x81: {  	[tilespmem:s0], [sflag:$0x7] =	stream.indirect.gather [hbm4b:s4+s20], $0x80, s24, s20, $0xb8;
	[tilespmem:$0x1D800] =	vst v63  }
0x82: {  	_ =	swait.ge [sflag:s2], $0xC80  }
0x83: {  	p0 =	seq.s32 s10, $0x33;
	[sflag:s2] =	ssyncset.done $0x0  }
0x84: {  	s25 =	sadd.s32 $0xD80, s6;
	s14 =	simm.s32 @!p0 $0x11;
	[sflag:s2] =	ssyncadd.s32 $0xFFFFF380  }
0x85: {  	[spmem:s1] =	stream.indirect.scatter.add.f32 [tilespmem:s28], [sflag:$0xC], $0x80, s25, s20, $0xb8;
	[tilespmem:$0x1D800] =	vst v63  }
0x86: {  	_ =	swait.ge @!p0 [sflag:s14], $0x400  }
0x87: {  	[sflag:s14] =	ssyncset.done @!p0 $0x0  }
0x88: {  	[sflag:s14] =	ssyncadd.s32 @!p0 $0xFFFFFC00  }
0x89: {  	_ =	swait.ge @!p0 [sflag:s14], $0x400  }
0x8a: {  	p1 =	seq.s32 @!p0 s10, $0x2;
	[sflag:s14] =	ssyncset.done @!p0 $0x0  }
0x8b: {  	s24 =	sadd.s32 $0xFFFFFF55, s15;
	p1 =	por p0, !p1;
	[sflag:s14] =	ssyncadd.s32 @!p0 $0xFFFFFC00  }
0x8c: {  	s14 =	sshrl.u32 s24, $0x9;
	_ =	swait.ge @p1 [sflag:s13], $0xC80  }
0x8d: {  	s25 =	sadd.s32 $0x380, s6;
	s14 =	sand.u32 $0x7F, s14;
	[sflag:s13] =	ssyncset.done @p1 $0x0  }
0x8e: {  	s14 =	smul.u32 $0x3, s14;
	[sflag:s13] =	ssyncadd.s32 @p1 $0xFFFFF380;
	p1 =	sgt.u32 s16, $0x2F  }
0x8f: {  	[tilespmem:s17], [sflag:$0x8] =	stream.indirect.gather [hbm4b:s4+s20], $0x80, s25, s20, $0xb8;
	[tilespmem:$0x1D800] =	vst v63  }
.Ltmp2:
0x90: {  	_ = 	snop;
	(pc) =	sbr.rel @p1 .LBB2_4-.Ltmp2, $4  }
0x91: {  	s14 =	sxor.u32 $0xFFFFFFFF, s14;
	_ =	swait.ge [sflag:s18], $0xC80  }
0x92: {  	s14 =	sadd.s32 s10, s14;
	[sflag:s18] =	ssyncset.done $0x0  }
0x93: {  	s25 =	sadd.s32 $0xE00, s6;
	s16 =	sand.u32 $0xFF, s14;
	[sflag:s18] =	ssyncadd.s32 $0xFFFFF380  }
0x94: {  	[spmem:s1] =	stream.indirect.scatter.add.f32 [tilespmem:s30], [sflag:$0xD], $0x80, s25, s20, $0xb8;
	[tilespmem:$0x1D800] =	vst v63  }
0x95: {  	s14 =	sshrl.u32 s15, $0x9  }
0x96: {  	s14 =	sand.u32 $0x7F, s14  }
0x97: {  	s14 =	smul.u32 $0x3, s14;
	_ =	sdelay $0x1  }
0x98: {  	s14 =	ssub.s32 s10, s14  }
0x99: {  	s14 =	sand.u32 $0xFF, s14  }
0x9a: {  	s14 =	sshll.u32 s14, $0xA  }
0x9b: {  	[tilespmem:s14], [sflag:$0x11] =	stream.linear.gather [hbm4b:s11+s3], $0x400, $0x38;
	[tilespmem:$0x1D800] =	vst v63  }
.Ltmp3:
0x9c: {  	s14 =	sadd.s32 $0xC00, s14;
	(pc) =	sbr.rel .LBB2_5-.Ltmp3, $4  }
0x9d: {  	[tilespmem:s14], [sflag:$0x11] =	stream.linear.gather [hbm4b:s12+s3], $0x400, $0x38;
	[tilespmem:$0x1D800] =	vst v63  }
0x9e: {  	_ =	swait.ge [sflag:s19], $0xC80  }
0x9f: {  	[sflag:s19] =	ssyncset.done $0x0  }
0xa0: {  	[sflag:s19] =	ssyncadd.s32 $0xFFFFF380  }
.LBB2_4:
.Ltmp4:
0xa1: {  	(pc) =	sbr.rel @!p0 .LBB2_5-.Ltmp4, $4  }
0xa2: {  	_ = 	snop  }
0xa3: {  	_ =	swait.ge [sflag:s19], $0xC80  }
0xa4: {  	[sflag:s19] =	ssyncset.done $0x0  }
0xa5: {  	[sflag:s19] =	ssyncadd.s32 $0xFFFFF380  }
0xa6: {  	_ =	swait.ge [sflag:s22], $0xC80  }
0xa7: {  	s14 =	sadd.s32 $0xE80, s6;
	[sflag:s22] =	ssyncset.done $0x0  }
.Ltmp5:
0xa8: {  	s15 =	simm.s32 $0x1A800;
	[sflag:s22] =	ssyncadd.s32 $0xFFFFF380;
	(pc) =	sbr.rel .LBB2_7-.Ltmp5, $4  }
0xa9: {  	[spmem:s1] =	stream.indirect.scatter.add.f32 [tilespmem:s15], [sflag:$0xE], $0x80, s14, s20, $0xb8;
	[tilespmem:$0x1D800] =	vst v63  }
0xaa: {  	_ =	swait.ge [sflag:s26], $0xC80  }
0xab: {  	[sflag:s26] =	ssyncset.done $0x0  }
0xac: {  	[sflag:s26] =	ssyncadd.s32 $0xFFFFF380  }
.LBB2_5:
0xad: {  	s14 =	sshll.u32 s16, $0xA  }
0xae: {  	[tilespmem:s21], [sflag:$0x1] =	stream.indirect.gather [hbm4b:s4+s20], $0x80, s14, s20, $0xb8;
	[tilespmem:$0x1D800] =	vst v63  }
0xaf: {  	_ =	swait.ge [sflag:s22], $0xC80  }
0xb0: {  	[sflag:s22] =	ssyncset.done $0x0  }
0xb1: {  	s15 =	sadd.s32 $0xE80, s6;
	s24 =	simm.s32 $0x1A800;
	[sflag:s22] =	ssyncadd.s32 $0xFFFFF380  }
0xb2: {  	[spmem:s1] =	stream.indirect.scatter.add.f32 [tilespmem:s24], [sflag:$0xE], $0x80, s15, s20, $0xb8;
	[tilespmem:$0x1D800] =	vst v63  }
0xb3: {  	_ =	swait.ge [sflag:s26], $0xC80  }
0xb4: {  	[sflag:s26] =	ssyncset.done $0x0  }
0xb5: {  	s14 =	sor.u32 $0x80, s14;
	[sflag:s26] =	ssyncadd.s32 $0xFFFFF380  }
0xb6: {  	[tilespmem:s23], [sflag:$0x2] =	stream.indirect.gather [hbm4b:s4+s20], $0x80, s14, s20, $0xb8;
	[tilespmem:$0x1D800] =	vst v63  }
.LBB2_7:
0xb7: {  	_ =	swait.ge [sflag:s5], $0xC80  }
0xb8: {  	p0 =	sne.s32 s10, $0x33;
	[sflag:s5] =	ssyncset.done $0x0  }
.Ltmp6:
0xb9: {  	s14 =	sadd.s32 $0xF00, s6;
	[sflag:s5] =	ssyncadd.s32 $0xFFFFF380;
	(pc) =	sbr.rel @!p0 .LBB2_8-.Ltmp6, $4  }
0xba: {  	[spmem:s1] =	stream.indirect.scatter.add.f32 [tilespmem:s0], [sflag:$0xF], $0x80, s14, s20, $0xb8;
	[tilespmem:$0x1D800] =	vst v63  }
0xbb: {  	_ =	swait.ge [sflag:s7], $0xC80  }
0xbc: {  	[sflag:s7] =	ssyncset.done $0x0  }
0xbd: {  	[sflag:s7] =	ssyncadd.s32 $0xFFFFF380  }
0xbe: {  	s14 =	sshll.u32 s16, $0xA  }
0xbf: {  	s24 =	simm.s32 $0x17800;
	s15 =	sor.u32 $0x100, s14  }
0xc0: {  	[tilespmem:s24], [sflag:$0x3] =	stream.indirect.gather [hbm4b:s4+s20], $0x80, s15, s20, $0xb8;
	[tilespmem:$0x1D800] =	vst v63  }
0xc1: {  	_ =	swait.ge [sflag:s8], $0xC80  }
0xc2: {  	s10 =	sadd.s32 $0x1, s10;
	[sflag:s8] =	ssyncset.done $0x0  }
0xc3: {  	s6 =	sadd.s32 $0xF80, s6;
	p0 =	sne.s32 s10, $0x34;
	[sflag:s8] =	ssyncadd.s32 $0xFFFFF380  }
0xc4: {  	[spmem:s1] =	stream.indirect.scatter.add.f32 [tilespmem:s17], [sflag:$0x10], $0x80, s6, s20, $0xb8;
	[tilespmem:$0x1D800] =	vst v63  }
.Ltmp7:
0xc5: {  	_ = 	snop;
	(pc) =	sbr.rel @p0 .LBB2_2-.Ltmp7, $4  }
.Ltmp8:
0xc6: {  	_ =	swait.ge [sflag:s9], $0xC80;
	(pc) =	sbr.rel @!p0 .LBB2_10-.Ltmp8, $4  }
0xc7: {  	s12 =	sadd.s32 $0x80, s12;
	[sflag:s9] =	ssyncset.done $0x0  }
0xc8: {  	s11 =	sadd.s32 $0x80, s11;
	s25 =	sor.u32 $0x180, s14;
	[sflag:s9] =	ssyncadd.s32 $0xFFFFF380  }
0xc9: {  	[tilespmem:s28], [sflag:$0x4] =	stream.indirect.gather [hbm4b:s4+s20], $0x80, s25, s20, $0xb8;
	[tilespmem:$0x1D800] =	vst v63  }
0xca: {  	_ = 	snop  }
.LBB2_11:
0xcb: {  	_ =	sfence.sel $0x180000  }
0xcc: {  	[bflag:$0x0] =	sbarrier.arrive $0xFFFF  }
0xcd: {  	_ =	strace $0x90000047  }
0xce: {  	s0 =	stileid.u32;
	[bflag:$0x2] =	sbarrier.arrive $0xFFFF  }
0xcf: {  	p0 =	sne.s32 s0, $0x0;
	s0 =	rddreg [dreg:$0x2]  }
0xd0: {  	s0 =	sadd.s32 @!p0 $0x100000, s0  }
0xd1: {  	[sflag:s0] =	ssyncadd.tile.s32 @!p0 $0x1;
	_ =	shalt  }
.Lfunc_end2:
_tile_overlayer_lowered:
.L_overlay_start_2:
0xd2: {  	(tag) =	ssettag $0x2  }
0xd3: {  	s0 =	rddreg [dreg:$0x0];
	s2 =	stileid.u32  }
0xd4: {  	s1 =	rddreg [dreg:$0x1];
	p0 =	sne.s32 s2, $0x0  }
0xd5: {  	s3 =	rddreg [dreg:$0x2];
	[bflag:$0x3] =	sbarrier.arrive $0xFFFF;
	s2 =	simm.s32 @!p0 $0x1C12  }
0xd6: {  	[timem:s3], [sflag:s2] =	dma.local @!p0 [hbm:s0], s1  }
0xd7: {  	s0 =	simm.s32 @!p0 $0x12  }
0xd8: {  	_ =	swait.ge @!p0 [sflag:s0], s1  }
0xd9: {  	s1 =	ssub.s32 @!p0 $0x0, s1;
	[sflag:s0] =	ssyncset.done @!p0 $0x0  }
0xda: {  	[sflag:s0] =	ssyncadd.s32 @!p0 s1  }
0xdb: {  	[bflag:$0x3] =	sbarrier.arrive $0xFFFF  }
0xdc: {  	_ =	shalt  }

// kernel: kernel.15.cloned.1.call-start
scs
__scs_entry_jumppad:
0x0: {  	(pc) =	sbr.rel $0x88, $3  }
0x1: {  	(tag) =	ssettag $0x0;
	lr =	simm.s32 $0x1  }
0x2: {  	[smem:$0x3F93] =	sst lr;
	_ =	strace $0xD0000000  }
0x3: {  	_ = 	snop  }
0x4: {  	_ = 	snop  }
0x5: {  	_ = 	snop  }
0x6: {  	_ = 	snop  }
0x7: {  	_ = 	snop  }
__scs_overlays_trampoline_lowered:
0x8: {  	[smem:$0x3FA2] =	sst s0  }
0x9: {  	[smem:$0x3FA3] =	sst s1  }
0xa: {  	[smem:$0x3FA4] =	sst s2  }
0xb: {  	[smem:$0x3FA5] =	sst s3  }
0xc: {  	[smem:$0x3FA6] =	sst s4  }
0xd: {  	[smem:$0x3FA7] =	sst s5  }
0xe: {  	[smem:$0x3FA8] =	sst s6  }
0xf: {  	[smem:$0x3FA9] =	sst s7  }
0x10: {  	[smem:$0x3FAA] =	sst s8  }
0x11: {  	[smem:$0x3FAB] =	sst s9;
	s0 =	simm.s32 @!p0 $0x0  }
0x12: {  	s1 =	sld [smem:$0x3F91];
	s0 =	simm.s32 @p0 $0x1  }
0x13: {  	[smem:$0x3FAC] =	sst s0;
	s0 =	simm.s32 @!p1 $0x0  }
0x14: {  	s2 =	sld [smem:$0x3F90];
	s0 =	simm.s32 @p1 $0x1  }
0x15: {  	[smem:$0x3FAD] =	sst s0;
	s0 =	simm.s32 @!p2 $0x0  }
0x16: {  	s3 =	sld [smem:$0x3FDB];
	s0 =	simm.s32 @p2 $0x1  }
0x17: {  	s4 =	simm.s32 $0x1BF5;
	[smem:$0x3FAF] =	sst s0  }
0x18: {  	s0 =	sld [smem:$0x3F92];
	_ =	swait.ge [sflag:s4], $0x0  }
0x19: {  	s7 =	sld [smem:$0x3F93]  }
0x1a: {  	s8 =	sadd.s32 $0xFFFFE003, lr  }
0x1b: {  	s9 =	sadd.s32 $0xFFFFFEF7, lr;
	s5 =	simm.s32 $0xFFFFFFFF;
	p2 =	slt.u32 s8, $0xFFFFF086  }
0x1c: {  	p1 =	slt.u32 s9, $0xF7A;
	s5 =	simm.s32 @!p2 $0x0  }
0x1d: {  	s5 =	simm.s32 @p1 $0x1;
	p0 =	seq.s32 s7, s2  }
0x1e: {  	s7 =	smul.u32 @!p0 $0xF7A, s2;
	p2 =	seq.s32 @!p0 s5, $0x0  }
0x1f: {  	s9 =	smul.u32 $0xF7A, s1;
	s8 =	simm.s32 @!p0 $0x1BF5;
	p2 =	por !p2, p0  }
0x20: {  	[sflag:s8] =	ssyncset.s32 @!p0 $0xFFFFF086;
	s6 =	sadd.s32 @!p0 s3, s7;
	s7 =	simm.s32 @!p0 $0x108  }
0x21: {  	s3 =	sadd.s32 s3, s9;
	s6 =	sadd.s32 @!p0 $0x88, s6;
	s7 =	simm.s32 @p2 $0x1082  }
0x22: {  	[simem:s7], [sflag:s8] =	dma.local @!p0 [hbm:s6], $0xF7A  }
0x23: {  	s9 =	sor.u32 $0xD0000000, s2;
	s6 =	simm.s32 $0x108;
	_ =	swait.ge @!p0 [sflag:s8], $0x0  }
0x24: {  	s3 =	sadd.s32 $0x88, s3;
	s6 =	simm.s32 @!p1 $0x1082;
	[sflag:s4] =	ssyncset.s32 $0xFFFFF086  }
0x25: {  	[simem:s6], [sflag:s4] =	dma.local [hbm:s3], $0xF7A  }
0x26: {  	[smem:$0x3F93] =	sst s1;
	(tag) =	ssettag s2;
	_ =	strace s9  }
0x27: {  	s1 =	sld [smem:$0x3FA3]  }
0x28: {  	s2 =	sld [smem:$0x3FA4]  }
0x29: {  	s4 =	sld [smem:$0x3FA6]  }
0x2a: {  	p0 =	seq.s32 s5, $0x0;
	s5 =	sld [smem:$0x3FA7]  }
0x2b: {  	s6 =	sld [smem:$0x3FA8]  }
0x2c: {  	s7 =	sld [smem:$0x3FA9]  }
0x2d: {  	s3 =	simm.s32 $0x108;
	s8 =	sld [smem:$0x3FAA]  }
0x2e: {  	s3 =	simm.s32 @!p0 $0x1082;
	s9 =	sld [smem:$0x3FAB]  }
0x2f: {  	lr =	sadd.s32 s0, s3;
	s0 =	sld [smem:$0x3FA2]  }
0x30: {  	s3 =	sld [smem:$0x3FA5]  }
0x31: {  	[smem:$0x3FAE] =	sst s10  }
0x32: {  	s10 =	sld [smem:$0x3FAC];
	_ =	sdelay $0x3  }
0x33: {  	p0 =	seq.s32 s10, $0x1;
	s10 =	sld [smem:$0x3FAE];
	_ =	sdelay $0x3  }
0x34: {  	[smem:$0x3FAE] =	sst s10  }
0x35: {  	s10 =	sld [smem:$0x3FAD];
	_ =	sdelay $0x3  }
0x36: {  	p1 =	seq.s32 s10, $0x1;
	s10 =	sld [smem:$0x3FAE];
	_ =	sdelay $0x3  }
0x37: {  	[smem:$0x3FAE] =	sst s10  }
0x38: {  	s10 =	sld [smem:$0x3FAF]  }
0x39: {  	_ = 	snop;
	(pc) =	sbr.ind lr, $3  }
0x3a: {  	_ = 	snop  }
0x3b: {  	_ = 	snop  }
0x3c: {  	p2 =	seq.s32 s10, $0x1;
	s10 =	sld [smem:$0x3FAE]  }
0x3d: {  	_ =	shalt  }
0x3e: {  	_ =	shalt  }
0x3f: {  	_ =	shalt  }
0x40: {  	_ =	shalt  }
0x41: {  	_ =	shalt  }
0x42: {  	_ =	shalt  }
0x43: {  	_ =	shalt  }
0x44: {  	_ =	shalt  }
0x45: {  	_ =	shalt  }
0x46: {  	_ =	shalt  }
0x47: {  	_ =	shalt  }
0x48: {  	_ =	shalt  }
0x49: {  	_ =	shalt  }
0x4a: {  	_ =	shalt  }
0x4b: {  	_ =	shalt  }
0x4c: {  	_ =	shalt  }
0x4d: {  	_ =	shalt  }
0x4e: {  	_ =	shalt  }
0x4f: {  	_ =	shalt  }
0x50: {  	_ =	shalt  }
0x51: {  	_ =	shalt  }
0x52: {  	_ =	shalt  }
0x53: {  	_ =	shalt  }
0x54: {  	_ =	shalt  }
0x55: {  	_ =	shalt  }
0x56: {  	_ =	shalt  }
0x57: {  	_ =	shalt  }
0x58: {  	_ =	shalt  }
0x59: {  	_ =	shalt  }
0x5a: {  	_ =	shalt  }
0x5b: {  	_ =	shalt  }
0x5c: {  	_ =	shalt  }
0x5d: {  	_ =	shalt  }
0x5e: {  	_ =	shalt  }
0x5f: {  	_ =	shalt  }
0x60: {  	_ =	shalt  }
0x61: {  	_ =	shalt  }
0x62: {  	_ =	shalt  }
0x63: {  	_ =	shalt  }
0x64: {  	_ =	shalt  }
0x65: {  	_ =	shalt  }
0x66: {  	_ =	shalt  }
0x67: {  	_ =	shalt  }
0x68: {  	_ =	shalt  }
0x69: {  	_ =	shalt  }
0x6a: {  	_ =	shalt  }
0x6b: {  	_ =	shalt  }
0x6c: {  	_ =	shalt  }
0x6d: {  	_ =	shalt  }
0x6e: {  	_ =	shalt  }
0x6f: {  	_ =	shalt  }
0x70: {  	_ =	shalt  }
0x71: {  	_ =	shalt  }
0x72: {  	_ =	shalt  }
0x73: {  	_ =	shalt  }
0x74: {  	_ =	shalt  }
0x75: {  	_ =	shalt  }
0x76: {  	_ =	shalt  }
0x77: {  	_ =	shalt  }
0x78: {  	_ =	shalt  }
0x79: {  	_ =	shalt  }
0x7a: {  	_ =	shalt  }
0x7b: {  	_ =	shalt  }
0x7c: {  	_ =	shalt  }
0x7d: {  	_ =	shalt  }
0x7e: {  	_ =	shalt  }
0x7f: {  	_ =	shalt  }
0x80: {  	_ =	shalt  }
0x81: {  	_ =	shalt  }
0x82: {  	_ =	shalt  }
0x83: {  	_ =	shalt  }
0x84: {  	_ =	shalt  }
0x85: {  	_ =	shalt  }
0x86: {  	_ =	shalt  }
0x87: {  	_ =	shalt  }
.Lfunc_end0:
.L_simem_size_0:
called_computation.2_lowered:
.L_overlay_start_0:
0x88: {  	s2 =	sld [smem:$0x3FD9]  }
0x89: {  	s3 =	sld [smem:$0x3FFE];
	_ =	sdelay $0x1  }
0x8a: {  	s1 =	srdreg.scid  }
0x8b: {  	s0 =	sand.u32 $0x1, s1  }
0x8c: {  	s16 =	sshll.u32 s0, $0xA;
	s2 =	sadd.s32 s3, s2  }
0x8d: {  	s2 =	sadd.s32 s2, s16  }
0x8e: {  	[smem:$0x3FBA] =	sst s2  }
0x8f: {  	_ = 	snop  }
0x90: {  	(tm) =	ssettm $0x1  }
0x91: {  	s17 =	sld [smem:$0x3FFB];
	_ =	sdelay $0x3  }
0x92: {  	_ =	strace s17  }
0x93: {  	s2 =	sld [smem:$0x3FFC];
	_ =	sdelay $0x3  }
0x94: {  	_ =	strace s2  }
0x95: {  	s2 =	sld [smem:$0x3FFD];
	_ =	sdelay $0x3  }
0x96: {  	_ =	strace s2  }
0x97: {  	_ =	strace $0x8FFFFFFF  }
0x98: {  	s18 =	sld [smem:$0x3FDB];
	_ =	sdelay $0x1  }
0x99: {  	s19 =	simm.s32 $_scs_section_size  }
0x9a: {  	s4 =	simm.s32 $_size__tile_overlayer_lowered;
	s5 =	simm.s32 $_tile_overlayer_lowered  }
0x9b: {  	s22 =	simm.s32 $0x1BFF;
	s21 =	sshll.u32 s5, $0x1;
	s2 =	sadd.s32 s19, s18  }
0x9c: {  	s6 =	simm.s32 $0x0;
	s20 =	sshll.u32 s4, $0x1;
	s4 =	sadd.s32 s21, s2  }
0x9d: {  	[timem:s6], [sflag:s22] =	dma.local [hbm:s4], s20  }
0x9e: {  	_ =	swait.ge [sflag:s22], s20  }
0x9f: {  	s3 =	ssub.s32 $0x0, s20;
	[sflag:s22] =	ssyncset.done $0x0  }
0xa0: {  	[sflag:s22] =	ssyncadd.s32 s3;
	_ =	sdelay $0x1  }
0xa1: {  	s23 =	simm.s32 $0x1B8B  }
0xa2: {  	_ =	swait.ge [sflag:s23], $0x1  }
0xa3: {  	[sflag:s23] =	ssyncset.done $0x0  }
0xa4: {  	s25 =	simm.s32 $0x1B8E;
	s24 =	sld [smem:$0x3FFE];
	[sflag:s23] =	ssyncadd.s32 $0xFFFFFFFF  }
0xa5: {  	s26 =	simm.s32 $execute0_lowered;
	[smem:$0x3FD2] =	sst s25  }
0xa6: {  	s4 =	sshll.u32 s26, $0x1;
	_ =	strace $0x8000004C;
	[dreg:$0x1] =	wrdreg $0xFFFFFFFF  }
0xa7: {  	s28 =	simm.s32 $_size_execute0_lowered;
	s2 =	sadd.s32 s2, s4;
	[dreg:$0x0] =	wrdreg $0x0  }
0xa8: {  	s4 =	sshll.u32 s28, $0x1;
	[dreg:$0x2] =	wrdreg s2  }
0xa9: {  	[dreg:$0x3] =	wrdreg s4  }
0xaa: {  	[dreg:$0x4] =	wrdreg $0xC0  }
0xab: {  	_ =	task [dreg:s6], $0x5FFFF  }
0xac: {  	[dreg:$0x1] =	wrdreg $0xFFFFFFFF  }
0xad: {  	[dreg:$0x0] =	wrdreg $0x60  }
0xae: {  	[dreg:$0x2] =	wrdreg s24  }
0xaf: {  	[dreg:$0x3] =	wrdreg $0x18000  }
0xb0: {  	[dreg:$0x4] =	wrdreg $0x9  }
0xb1: {  	_ =	task.clear_ibuf [dreg:s6], $0x5FFFF;
	_ =	strace $0x9000004C  }
0xb2: {  	s29 =	simm.s32 $0x9;
	_ =	strace $0x8000004E  }
0xb3: {  	_ =	swait.ge [sflag:s29], $0x1  }
0xb4: {  	[sflag:s29] =	ssyncadd.s32 $0xFFFFFFFF  }
0xb5: {  	_ =	strace $0x9000004E  }
0xb6: {  	_ =	sfence  }
0xb7: {  	s30 =	sld [smem:$0x0];
	_ =	sdelay $0x2  }
0xb8: {  	s31 =	sshll.u32 s1, $0xD;
	s1 =	sshrl.u32 s1, $0x2  }
0xb9: {  	s3 =	sand.u32 $0x4000, s31;
	s1 =	sadd.s32 s1, s30  }
0xba: {  	s0 =	sor.u32 s3, s0;
	s1 =	sshll.u32 s1, $0x11  }
0xbb: {  	s0 =	sor.u32 s1, s0  }
0xbc: {  	s0 =	sadd.s32 $0x8F2B, s0  }
0xbd: {  	[sflag:s0] =	ssyncadd.remote.s32 $0x1  }
0xbe: {  	_ =	sfence.sel $0xFFFF  }
0xbf: {  	[dreg:$0x0] =	wrdreg $0xFFFFFFFF;
	(pc) =	sbr.abs _section_cstart, $3  }
0xc0: {  	[dreg:$0x1] =	wrdreg $0xFFFFFFFF  }
0xc1: {  	_ =	task.clear_ibuf [dreg:s6], $0x2FFFF;
	_ =	strace $0x9FFFFFFF  }
0xc2: {  	(tm) =	ssettm $0x7FFFFFFF  }
0xc3: {  	_ =	shalt  }
tec
execute0_lowered:
.L_overlay_start_1:
0x0: {  	(tag) =	ssettag $0x1  }
0x1: {  	s0 =	rddreg [dreg:$0x0]  }
0x2: {  	s1 =	rddreg [dreg:$0x1]  }
0x3: {  	s3 =	simm.s32 $0x0;
	s2 =	srdreg.scid;
	s12 =	stileid.u32  }
0x4: {  	s28 =	simm.s32 $0x18800;
	s29 =	simm.s32 $0x1;
	s30 =	simm.s32 $0x19800  }
0x5: {  	s31 =	simm.s32 $0x2;
	s13 =	simm.s32 $0x10;
	s14 =	simm.s32 $0x0  }
0x6: {  	[smem:$0x7FF] =	sst s3;
	s2 =	sand.u32 $0x1, s2;
	s6 =	smul.u32 $0x14000, s12  }
0x7: {  	s4 =	sadd.s32 $0x71600, s0;
	s7 =	sadd.s32 $0x3F600, s0;
	s10 =	smul.u32 $0x50000, s12  }
0x8: {  	s8 =	sadd.s32 $0xD600, s0;
	s9 =	sadd.s32 $0x99600, s0;
	s18 =	smul.u32 $0x19000, s12  }
0x9: {  	s15 =	sshll.u32 s12, $0x1;
	s19 =	sshll.u32 s12, $0x6;
	s5 =	smul.u32 $0x140000, s2  }
0xa: {  	_ =	strace $0x8000004D;
	[dreg:$0x3] =	wrdreg s9;
	s16 =	ssub.s32 $0x2, s2  }
0xb: {  	s12 =	sor.u32 $0x1C12, s19;
	s19 =	simm.s32 $0x9;
	s9 =	simm.s32 $0xC  }
0xc: {  	s11 =	sshrl.u32 s16, $0x1;
	s10 =	sshrl.u32 s10, $0x2;
	[dreg:$0x4] =	wrdreg s12  }
0xd: {  	s5 =	sadd.s32 s6, s5;
	s6 =	sor.u32 s2, s15;
	s17 =	ssub.s32 s16, s11  }
0xe: {  	s2 =	smul.u32 $0xC800, s2;
	s10 =	sadd.s32 s10, s1;
	s11 =	simm.s32 $0x12  }
0xf: {  	s5 =	sshrl.u32 s5, $0x3;
	s6 =	smul.u32 $0xC800, s6;
	s25 =	smax.u32 s17, $0x1  }
0x10: {  	s10 =	sshrl.u32 s10, $0x3;
	s17 =	simm.s32 $0x1C800;
	s0 =	sadd.s32 s5, s0  }
0x11: {  	s2 =	sadd.s32 s2, s18;
	[dreg:$0xa] =	wrdreg s25;
	s18 =	simm.s32 $0x5  }
0x12: {  	s5 =	simm.s32 $0x7;
	[dreg:$0xd] =	wrdreg s10;
	s6 =	sshrl.u32 s6, $0x3  }
0x13: {  	s2 =	sadd.s32 $0x800, s2;
	s0 =	sadd.s32 $0x9BE00, s0;
	s20 =	sadd.s32 s7, s6  }
0x14: {  	s21 =	sor.u32 $0x80, s6;
	s6 =	sadd.s32 s8, s6;
	[dreg:$0x9] =	wrdreg s0  }
0x15: {  	s24 =	sshrl.u32 s2, $0x3;
	s2 =	simm.s32 $0x4;
	[dreg:$0x5] =	wrdreg s20  }
0x16: {  	[dreg:$0x6] =	wrdreg s6;
	s22 =	sadd.s32 s7, s21;
	s23 =	sadd.s32 s8, s21  }
.Ltmp0:
0x17: {  	s26 =	sadd.s32 s24, s8;
	[dreg:$0x7] =	wrdreg s22;
	(pc) =	sbr.rel .LBB2_1-.Ltmp0, $4  }
0x18: {  	s0 =	sadd.s32 s24, s7;
	s20 =	simm.s32 $0x19;
	[dreg:$0x8] =	wrdreg s23  }
0x19: {  	s21 =	simm.s32 $0x15800;
	s7 =	simm.s32 $0xB;
	[dreg:$0xb] =	wrdreg s26  }
0x1a: {  	s8 =	simm.s32 $0x8;
	[dreg:$0xc] =	wrdreg s0;
	s23 =	simm.s32 $0x16800  }
0x1b: {  	s0 =	simm.s32 $0x1B800;
	s22 =	simm.s32 $0x6;
	s26 =	simm.s32 $0xA  }
.LBB2_8:
0x1c: {  	_ =	swait.ge [sflag:s8], $0xC80  }
0x1d: {  	[sflag:s8] =	ssyncset.done $0x0  }
0x1e: {  	s6 =	sadd.s32 $0xF80, s6;
	[sflag:s8] =	ssyncadd.s32 $0xFFFFF380  }
0x1f: {  	[spmem:s1] =	stream.indirect.scatter.add.f32 [tilespmem:s17], [sflag:$0x10], $0x80, s6, s20, $0xb8;
	[tilespmem:$0x1D800] =	vst v63  }
0x20: {  	_ =	swait.ge [sflag:s9], $0xC80  }
0x21: {  	[sflag:s9] =	ssyncset.done $0x0  }
0x22: {  	[sflag:s9] =	ssyncadd.s32 $0xFFFFF380  }
.LBB2_10:
0x23: {  	s6 =	simm.s32 $0xD  }
0x24: {  	_ =	swait.ge [sflag:s6], $0xC80  }
0x25: {  	[sflag:s6] =	ssyncset.done $0x0  }
0x26: {  	s15 =	simm.s32 $0xE;
	[sflag:s6] =	ssyncadd.s32 $0xFFFFF380  }
0x27: {  	_ =	swait.ge [sflag:s15], $0xC80  }
0x28: {  	[sflag:s15] =	ssyncset.done $0x0  }
0x29: {  	s16 =	simm.s32 $0xF;
	[sflag:s15] =	ssyncadd.s32 $0xFFFFF380  }
0x2a: {  	_ =	swait.ge [sflag:s16], $0xC80  }
0x2b: {  	[sflag:s16] =	ssyncset.done $0x0  }
0x2c: {  	[sflag:s16] =	ssyncadd.s32 $0xFFFFF380  }
0x2d: {  	_ =	swait.ge [sflag:s13], $0xC80  }
0x2e: {  	[sflag:s13] =	ssyncset.done $0x0  }
0x2f: {  	[sflag:s13] =	ssyncadd.s32 $0xFFFFF380  }
0x30: {  	[bflag:$0x0] =	sbarrier.arrive $0xFFFF  }
0x31: {  	s12 =	rddreg [dreg:$0x4]  }
0x32: {  	s24 =	rddreg [dreg:$0x9]  }
0x33: {  	s11 =	simm.s32 $0x12;
	s10 =	rddreg [dreg:$0xd]  }
0x34: {  	[hbm:s24], [sflag:s12] =	dma.local [spmem:s10], $0x2800  }
0x35: {  	_ =	swait.ge [sflag:s11], $0x2800  }
0x36: {  	s14 =	rddreg [dreg:$0xe]  }
0x37: {  	s25 =	rddreg [dreg:$0xa];
	s14 =	sadd.s32 $0x1, s14  }
0x38: {  	p0 =	sne.s32 s14, s25  }
.Ltmp1:
0x39: {  	_ = 	snop;
	(pc) =	sbr.rel @!p0 .LBB2_11-.Ltmp1, $3  }
0x3a: {  	_ =	sdelay $0x1  }
0x3b: {  	[sflag:s11] =	ssyncset.done $0x0  }
0x3c: {  	[sflag:s11] =	ssyncadd.s32 $0xFFFFD800  }
.LBB2_1:
0x3d: {  	[dreg:$0xe] =	wrdreg s14  }
0x3e: {  	s6 =	rddreg [dreg:$0x3]  }
0x3f: {  	[spmem:s10], [sflag:s12] =	dma.local [hbm:s6], $0x2800  }
0x40: {  	_ =	swait.ge [sflag:s11], $0x2800  }
0x41: {  	[sflag:s11] =	ssyncset.done $0x0  }
0x42: {  	[sflag:s11] =	ssyncadd.s32 $0xFFFFD800  }
0x43: {  	[bflag:$0x0] =	sbarrier.arrive $0xFFFF  }
0x44: {  	s16 =	rddreg [dreg:$0x5]  }
0x45: {  	[tilespmem:s3], [sflag:$0x12] =	stream.linear.gather [hbm4b:s16+s3], $0x400, $0x38;
	[tilespmem:$0x1D800] =	vst v63  }
0x46: {  	_ =	swait.ge [sflag:s11], $0x400  }
0x47: {  	[sflag:s11] =	ssyncset.done $0x0  }
0x48: {  	s25 =	simm.s32 $0xC00;
	s24 =	rddreg [dreg:$0x6];
	[sflag:s11] =	ssyncadd.s32 $0xFFFFFC00  }
0x49: {  	[tilespmem:s25], [sflag:$0x12] =	stream.linear.gather [hbm4b:s24+s3], $0x400, $0x38;
	[tilespmem:$0x1D800] =	vst v63  }
0x4a: {  	_ =	swait.ge [sflag:s11], $0x400  }
0x4b: {  	[sflag:s11] =	ssyncset.done $0x0  }
0x4c: {  	s10 =	rddreg [dreg:$0x7];
	[sflag:s11] =	ssyncadd.s32 $0xFFFFFC00;
	s11 =	simm.s32 $0x400  }
0x4d: {  	[tilespmem:s11], [sflag:$0x11] =	stream.linear.gather [hbm4b:s10+s3], $0x400, $0x38;
	[tilespmem:$0x1D800] =	vst v63  }
0x4e: {  	s14 =	simm.s32 $0x1000;
	s12 =	rddreg [dreg:$0x8]  }
0x4f: {  	[tilespmem:s14], [sflag:$0x11] =	stream.linear.gather [hbm4b:s12+s3], $0x400, $0x38;
	[tilespmem:$0x1D800] =	vst v63  }
0x50: {  	_ = 	snop  }
0x51: {  	[tilespmem:s21], [sflag:$0x1] =	stream.indirect.gather [hbm4b:s4+s20], $0x80, s3, s20, $0xb8;
	[tilespmem:$0x1D800] =	vst v63  }
0x52: {  	s15 =	simm.s32 $0x80  }
0x53: {  	[tilespmem:s23], [sflag:$0x2] =	stream.indirect.gather [hbm4b:s4+s20], $0x80, s15, s20, $0xb8;
	[tilespmem:$0x1D800] =	vst v63  }
0x54: {  	s16 =	simm.s32 $0x100;
	s24 =	simm.s32 $0x17800;
	s11 =	rddreg [dreg:$0xc]  }
0x55: {  	[tilespmem:s24], [sflag:$0x3] =	stream.indirect.gather [hbm4b:s4+s20], $0x80, s16, s20, $0xb8;
	[tilespmem:$0x1D800] =	vst v63  }
0x56: {  	s25 =	simm.s32 $0x180;
	s10 =	simm.s32 $0x2;
	s12 =	rddreg [dreg:$0xb]  }
0x57: {  	[tilespmem:s28], [sflag:$0x4] =	stream.indirect.gather [hbm4b:s4+s20], $0x80, s25, s20, $0xb8;
	[tilespmem:$0x1D800] =	vst v63  }
.LBB2_2:
0x58: {  	s15 =	smul.u32 $0xAB, s10;
	_ =	sdelay $0x1  }
0x59: {  	s6 =	sadd.s32 $0xFFFFFEAA, s15  }
0x5a: {  	s6 =	sshrl.u32 s6, $0x9  }
0x5b: {  	s6 =	sand.u32 $0x7F, s6  }
0x5c: {  	s6 =	smul.u32 $0x3, s6  }
0x5d: {  	s16 =	sadd.s32 $0xFFFFFFFE, s10  }
0x5e: {  	s6 =	ssub.s32 s16, s6  }
0x5f: {  	_ =	swait.ge [sflag:s29], $0xC80;
	s6 =	sand.u32 $0xFF, s6  }
0x60: {  	[sflag:s29] =	ssyncset.done $0x0;
	s6 =	sshll.u32 s6, $0xA  }
0x61: {  	p0 =	seq.s32 s10, $0x2;
	[sflag:s29] =	ssyncadd.s32 $0xFFFFF380;
	s14 =	sadd.s32 $0xC00, s6  }
0x62: {  	[spmem:s1] =	stream.indirect.scatter.add.f32 [tilespmem:s21], [sflag:$0x9], $0x80, s14, s20, $0xb8;
	[tilespmem:$0x1D800] =	vst v63  }
0x63: {  	s14 =	simm.s32 @!p0 $0xD  }
0x64: {  	_ =	swait.ge @!p0 [sflag:s14], $0xC80  }
0x65: {  	[sflag:s14] =	ssyncset.done @!p0 $0x0  }
0x66: {  	s24 =	sadd.s32 $0x200, s6;
	[sflag:s14] =	ssyncadd.s32 @!p0 $0xFFFFF380  }
0x67: {  	[tilespmem:s30], [sflag:$0x5] =	stream.indirect.gather [hbm4b:s4+s20], $0x80, s24, s20, $0xb8;
	[tilespmem:$0x1D800] =	vst v63  }
0x68: {  	_ =	swait.ge [sflag:s31], $0xC80  }
0x69: {  	[sflag:s31] =	ssyncset.done $0x0  }
0x6a: {  	s25 =	sadd.s32 $0xC80, s6;
	[sflag:s31] =	ssyncadd.s32 $0xFFFFF380  }
0x6b: {  	[spmem:s1] =	stream.indirect.scatter.add.f32 [tilespmem:s23], [sflag:$0xA], $0x80, s25, s20, $0xb8;
	[tilespmem:$0x1D800] =	vst v63  }
0x6c: {  	s14 =	sadd.s32 @p0 $0x280, s6;
	s24 =	simm.s32 @p0 $0x1A800;
	s25 =	simm.s32 @p0 $0x19  }
0x6d: {  	[tilespmem:s24], [sflag:$0x6] =	stream.indirect.gather @p0 [hbm4b:s4+s25], $0x80, s14, s25, $0xb8;
	[tilespmem:$0x1D800] =	vst v63  }
0x6e: {  	s14 =	simm.s32 @p0 $0x3  }
0x6f: {  	_ =	swait.ge @p0 [sflag:s14], $0xC80  }
0x70: {  	[sflag:s14] =	ssyncset.done @p0 $0x0  }
0x71: {  	s24 =	simm.s32 @p0 $0x17800;
	[sflag:s14] =	ssyncadd.s32 @p0 $0xFFFFF380;
	s14 =	sadd.s32 @p0 $0xD00, s6  }
0x72: {  	[spmem:s1] =	stream.indirect.scatter.add.f32 @p0 [tilespmem:s24], [sflag:$0xB], $0x80, s14, s25, $0xb8;
	[tilespmem:$0x1D800] =	vst v63  }
0x73: {  	s14 =	simm.s32 @!p0 $0xE  }
0x74: {  	_ =	swait.ge @!p0 [sflag:s14], $0xC80  }
0x75: {  	s24 =	simm.s32 @!p0 $0x19;
	[sflag:s14] =	ssyncset.done @!p0 $0x0  }
0x76: {  	s25 =	simm.s32 @!p0 $0x1A800;
	[sflag:s14] =	ssyncadd.s32 @!p0 $0xFFFFF380;
	s14 =	sadd.s32 @!p0 $0x280, s6  }
0x77: {  	[tilespmem:s25], [sflag:$0x6] =	stream.indirect.gather @!p0 [hbm4b:s4+s24], $0x80, s14, s24, $0xb8;
	[tilespmem:$0x1D800] =	vst v63  }
0x78: {  	s14 =	simm.s32 @!p0 $0x3  }
0x79: {  	_ =	swait.ge @!p0 [sflag:s14], $0xC80  }
0x7a: {  	[sflag:s14] =	ssyncset.done @!p0 $0x0  }
0x7b: {  	s25 =	simm.s32 @!p0 $0x17800;
	[sflag:s14] =	ssyncadd.s32 @!p0 $0xFFFFF380;
	s14 =	sadd.s32 @!p0 $0xD00, s6  }
0x7c: {  	[spmem:s1] =	stream.indirect.scatter.add.f32 @!p0 [tilespmem:s25], [sflag:$0xB], $0x80, s14, s24, $0xb8;
	[tilespmem:$0x1D800] =	vst v63  }
0x7d: {  	s14 =	simm.s32 @!p0 $0xF  }
0x7e: {  	_ =	swait.ge @!p0 [sflag:s14], $0xC80  }
0x7f: {  	[sflag:s14] =	ssyncset.done @!p0 $0x0  }
0x80: {  	s24 =	sadd.s32 $0x300, s6;
	[sflag:s14] =	ssyncadd.s32 @!p0 $0xFFFFF380  }
0x81: {  	[tilespmem:s0], [sflag:$0x7] =	stream.indirect.gather [hbm4b:s4+s20], $0x80, s24, s20, $0xb8;
	[tilespmem:$0x1D800] =	vst v63  }
0x82: {  	_ =	swait.ge [sflag:s2], $0xC80  }
0x83: {  	p0 =	seq.s32 s10, $0x33;
	[sflag:s2] =	ssyncset.done $0x0  }
0x84: {  	s25 =	sadd.s32 $0xD80, s6;
	s14 =	simm.s32 @!p0 $0x11;
	[sflag:s2] =	ssyncadd.s32 $0xFFFFF380  }
0x85: {  	[spmem:s1] =	stream.indirect.scatter.add.f32 [tilespmem:s28], [sflag:$0xC], $0x80, s25, s20, $0xb8;
	[tilespmem:$0x1D800] =	vst v63  }
0x86: {  	_ =	swait.ge @!p0 [sflag:s14], $0x400  }
0x87: {  	[sflag:s14] =	ssyncset.done @!p0 $0x0  }
0x88: {  	[sflag:s14] =	ssyncadd.s32 @!p0 $0xFFFFFC00  }
0x89: {  	_ =	swait.ge @!p0 [sflag:s14], $0x400  }
0x8a: {  	p1 =	seq.s32 @!p0 s10, $0x2;
	[sflag:s14] =	ssyncset.done @!p0 $0x0  }
0x8b: {  	s24 =	sadd.s32 $0xFFFFFF55, s15;
	p1 =	por p0, !p1;
	[sflag:s14] =	ssyncadd.s32 @!p0 $0xFFFFFC00  }
0x8c: {  	s14 =	sshrl.u32 s24, $0x9;
	_ =	swait.ge @p1 [sflag:s13], $0xC80  }
0x8d: {  	s25 =	sadd.s32 $0x380, s6;
	s14 =	sand.u32 $0x7F, s14;
	[sflag:s13] =	ssyncset.done @p1 $0x0  }
0x8e: {  	s14 =	smul.u32 $0x3, s14;
	[sflag:s13] =	ssyncadd.s32 @p1 $0xFFFFF380;
	p1 =	sgt.u32 s16, $0x2F  }
0x8f: {  	[tilespmem:s17], [sflag:$0x8] =	stream.indirect.gather [hbm4b:s4+s20], $0x80, s25, s20, $0xb8;
	[tilespmem:$0x1D800] =	vst v63  }
.Ltmp2:
0x90: {  	_ = 	snop;
	(pc) =	sbr.rel @p1 .LBB2_4-.Ltmp2, $4  }
0x91: {  	s14 =	sxor.u32 $0xFFFFFFFF, s14;
	_ =	swait.ge [sflag:s18], $0xC80  }
0x92: {  	s14 =	sadd.s32 s10, s14;
	[sflag:s18] =	ssyncset.done $0x0  }
0x93: {  	s25 =	sadd.s32 $0xE00, s6;
	s16 =	sand.u32 $0xFF, s14;
	[sflag:s18] =	ssyncadd.s32 $0xFFFFF380  }
0x94: {  	[spmem:s1] =	stream.indirect.scatter.add.f32 [tilespmem:s30], [sflag:$0xD], $0x80, s25, s20, $0xb8;
	[tilespmem:$0x1D800] =	vst v63  }
0x95: {  	s14 =	sshrl.u32 s15, $0x9  }
0x96: {  	s14 =	sand.u32 $0x7F, s14  }
0x97: {  	s14 =	smul.u32 $0x3, s14;
	_ =	sdelay $0x1  }
0x98: {  	s14 =	ssub.s32 s10, s14  }
0x99: {  	s14 =	sand.u32 $0xFF, s14  }
0x9a: {  	s14 =	sshll.u32 s14, $0xA  }
0x9b: {  	[tilespmem:s14], [sflag:$0x11] =	stream.linear.gather [hbm4b:s11+s3], $0x400, $0x38;
	[tilespmem:$0x1D800] =	vst v63  }
.Ltmp3:
0x9c: {  	s14 =	sadd.s32 $0xC00, s14;
	(pc) =	sbr.rel .LBB2_5-.Ltmp3, $4  }
0x9d: {  	[tilespmem:s14], [sflag:$0x11] =	stream.linear.gather [hbm4b:s12+s3], $0x400, $0x38;
	[tilespmem:$0x1D800] =	vst v63  }
0x9e: {  	_ =	swait.ge [sflag:s19], $0xC80  }
0x9f: {  	[sflag:s19] =	ssyncset.done $0x0  }
0xa0: {  	[sflag:s19] =	ssyncadd.s32 $0xFFFFF380  }
.LBB2_4:
.Ltmp4:
0xa1: {  	(pc) =	sbr.rel @!p0 .LBB2_5-.Ltmp4, $4  }
0xa2: {  	_ = 	snop  }
0xa3: {  	_ =	swait.ge [sflag:s19], $0xC80  }
0xa4: {  	[sflag:s19] =	ssyncset.done $0x0  }
0xa5: {  	[sflag:s19] =	ssyncadd.s32 $0xFFFFF380  }
0xa6: {  	_ =	swait.ge [sflag:s22], $0xC80  }
0xa7: {  	s14 =	sadd.s32 $0xE80, s6;
	[sflag:s22] =	ssyncset.done $0x0  }
.Ltmp5:
0xa8: {  	s15 =	simm.s32 $0x1A800;
	[sflag:s22] =	ssyncadd.s32 $0xFFFFF380;
	(pc) =	sbr.rel .LBB2_7-.Ltmp5, $4  }
0xa9: {  	[spmem:s1] =	stream.indirect.scatter.add.f32 [tilespmem:s15], [sflag:$0xE], $0x80, s14, s20, $0xb8;
	[tilespmem:$0x1D800] =	vst v63  }
0xaa: {  	_ =	swait.ge [sflag:s26], $0xC80  }
0xab: {  	[sflag:s26] =	ssyncset.done $0x0  }
0xac: {  	[sflag:s26] =	ssyncadd.s32 $0xFFFFF380  }
.LBB2_5:
0xad: {  	s14 =	sshll.u32 s16, $0xA  }
0xae: {  	[tilespmem:s21], [sflag:$0x1] =	stream.indirect.gather [hbm4b:s4+s20], $0x80, s14, s20, $0xb8;
	[tilespmem:$0x1D800] =	vst v63  }
0xaf: {  	_ =	swait.ge [sflag:s22], $0xC80  }
0xb0: {  	[sflag:s22] =	ssyncset.done $0x0  }
0xb1: {  	s15 =	sadd.s32 $0xE80, s6;
	s24 =	simm.s32 $0x1A800;
	[sflag:s22] =	ssyncadd.s32 $0xFFFFF380  }
0xb2: {  	[spmem:s1] =	stream.indirect.scatter.add.f32 [tilespmem:s24], [sflag:$0xE], $0x80, s15, s20, $0xb8;
	[tilespmem:$0x1D800] =	vst v63  }
0xb3: {  	_ =	swait.ge [sflag:s26], $0xC80  }
0xb4: {  	[sflag:s26] =	ssyncset.done $0x0  }
0xb5: {  	s14 =	sor.u32 $0x80, s14;
	[sflag:s26] =	ssyncadd.s32 $0xFFFFF380  }
0xb6: {  	[tilespmem:s23], [sflag:$0x2] =	stream.indirect.gather [hbm4b:s4+s20], $0x80, s14, s20, $0xb8;
	[tilespmem:$0x1D800] =	vst v63  }
.LBB2_7:
0xb7: {  	_ =	swait.ge [sflag:s5], $0xC80  }
0xb8: {  	p0 =	sne.s32 s10, $0x33;
	[sflag:s5] =	ssyncset.done $0x0  }
.Ltmp6:
0xb9: {  	s14 =	sadd.s32 $0xF00, s6;
	[sflag:s5] =	ssyncadd.s32 $0xFFFFF380;
	(pc) =	sbr.rel @!p0 .LBB2_8-.Ltmp6, $4  }
0xba: {  	[spmem:s1] =	stream.indirect.scatter.add.f32 [tilespmem:s0], [sflag:$0xF], $0x80, s14, s20, $0xb8;
	[tilespmem:$0x1D800] =	vst v63  }
0xbb: {  	_ =	swait.ge [sflag:s7], $0xC80  }
0xbc: {  	[sflag:s7] =	ssyncset.done $0x0  }
0xbd: {  	[sflag:s7] =	ssyncadd.s32 $0xFFFFF380  }
0xbe: {  	s14 =	sshll.u32 s16, $0xA  }
0xbf: {  	s24 =	simm.s32 $0x17800;
	s15 =	sor.u32 $0x100, s14  }
0xc0: {  	[tilespmem:s24], [sflag:$0x3] =	stream.indirect.gather [hbm4b:s4+s20], $0x80, s15, s20, $0xb8;
	[tilespmem:$0x1D800] =	vst v63  }
0xc1: {  	_ =	swait.ge [sflag:s8], $0xC80  }
0xc2: {  	s10 =	sadd.s32 $0x1, s10;
	[sflag:s8] =	ssyncset.done $0x0  }
0xc3: {  	s6 =	sadd.s32 $0xF80, s6;
	p0 =	sne.s32 s10, $0x34;
	[sflag:s8] =	ssyncadd.s32 $0xFFFFF380  }
0xc4: {  	[spmem:s1] =	stream.indirect.scatter.add.f32 [tilespmem:s17], [sflag:$0x10], $0x80, s6, s20, $0xb8;
	[tilespmem:$0x1D800] =	vst v63  }
.Ltmp7:
0xc5: {  	_ = 	snop;
	(pc) =	sbr.rel @p0 .LBB2_2-.Ltmp7, $4  }
.Ltmp8:
0xc6: {  	_ =	swait.ge [sflag:s9], $0xC80;
	(pc) =	sbr.rel @!p0 .LBB2_10-.Ltmp8, $4  }
0xc7: {  	s12 =	sadd.s32 $0x80, s12;
	[sflag:s9] =	ssyncset.done $0x0  }
0xc8: {  	s11 =	sadd.s32 $0x80, s11;
	s25 =	sor.u32 $0x180, s14;
	[sflag:s9] =	ssyncadd.s32 $0xFFFFF380  }
0xc9: {  	[tilespmem:s28], [sflag:$0x4] =	stream.indirect.gather [hbm4b:s4+s20], $0x80, s25, s20, $0xb8;
	[tilespmem:$0x1D800] =	vst v63  }
0xca: {  	_ = 	snop  }
.LBB2_11:
0xcb: {  	_ =	sfence.sel $0x180000  }
0xcc: {  	[bflag:$0x0] =	sbarrier.arrive $0xFFFF  }
0xcd: {  	_ =	strace $0x9000004D  }
0xce: {  	s0 =	stileid.u32;
	[bflag:$0x2] =	sbarrier.arrive $0xFFFF  }
0xcf: {  	p0 =	sne.s32 s0, $0x0;
	s0 =	rddreg [dreg:$0x2]  }
0xd0: {  	s0 =	sadd.s32 @!p0 $0x100000, s0  }
0xd1: {  	[sflag:s0] =	ssyncadd.tile.s32 @!p0 $0x1;
	_ =	shalt  }
.Lfunc_end2:
_tile_overlayer_lowered:
.L_overlay_start_2:
0xd2: {  	(tag) =	ssettag $0x2  }
0xd3: {  	s0 =	rddreg [dreg:$0x0];
	s2 =	stileid.u32  }
0xd4: {  	s1 =	rddreg [dreg:$0x1];
	p0 =	sne.s32 s2, $0x0  }
0xd5: {  	s3 =	rddreg [dreg:$0x2];
	[bflag:$0x3] =	sbarrier.arrive $0xFFFF;
	s2 =	simm.s32 @!p0 $0x1C12  }
0xd6: {  	[timem:s3], [sflag:s2] =	dma.local @!p0 [hbm:s0], s1  }
0xd7: {  	s0 =	simm.s32 @!p0 $0x12  }
0xd8: {  	_ =	swait.ge @!p0 [sflag:s0], s1  }
0xd9: {  	s1 =	ssub.s32 @!p0 $0x0, s1;
	[sflag:s0] =	ssyncset.done @!p0 $0x0  }
0xda: {  	[sflag:s0] =	ssyncadd.s32 @!p0 s1  }
0xdb: {  	[bflag:$0x3] =	sbarrier.arrive $0xFFFF  }
0xdc: {  	_ =	shalt  }

// kernel: kernel.18.cloned.1.call-start
scs
__scs_entry_jumppad:
0x0: {  	(pc) =	sbr.rel $0x88, $3  }
0x1: {  	(tag) =	ssettag $0x0;
	lr =	simm.s32 $0x1  }
0x2: {  	[smem:$0x3F93] =	sst lr;
	_ =	strace $0xD0000000  }
0x3: {  	_ = 	snop  }
0x4: {  	_ = 	snop  }
0x5: {  	_ = 	snop  }
0x6: {  	_ = 	snop  }
0x7: {  	_ = 	snop  }
__scs_overlays_trampoline_lowered:
0x8: {  	[smem:$0x3FA2] =	sst s0  }
0x9: {  	[smem:$0x3FA3] =	sst s1  }
0xa: {  	[smem:$0x3FA4] =	sst s2  }
0xb: {  	[smem:$0x3FA5] =	sst s3  }
0xc: {  	[smem:$0x3FA6] =	sst s4  }
0xd: {  	[smem:$0x3FA7] =	sst s5  }
0xe: {  	[smem:$0x3FA8] =	sst s6  }
0xf: {  	[smem:$0x3FA9] =	sst s7  }
0x10: {  	[smem:$0x3FAA] =	sst s8  }
0x11: {  	[smem:$0x3FAB] =	sst s9;
	s0 =	simm.s32 @!p0 $0x0  }
0x12: {  	s1 =	sld [smem:$0x3F91];
	s0 =	simm.s32 @p0 $0x1  }
0x13: {  	[smem:$0x3FAC] =	sst s0;
	s0 =	simm.s32 @!p1 $0x0  }
0x14: {  	s2 =	sld [smem:$0x3F90];
	s0 =	simm.s32 @p1 $0x1  }
0x15: {  	[smem:$0x3FAD] =	sst s0;
	s0 =	simm.s32 @!p2 $0x0  }
0x16: {  	s3 =	sld [smem:$0x3FDB];
	s0 =	simm.s32 @p2 $0x1  }
0x17: {  	s4 =	simm.s32 $0x1BF5;
	[smem:$0x3FAF] =	sst s0  }
0x18: {  	s0 =	sld [smem:$0x3F92];
	_ =	swait.ge [sflag:s4], $0x0  }
0x19: {  	s7 =	sld [smem:$0x3F93]  }
0x1a: {  	s8 =	sadd.s32 $0xFFFFE003, lr  }
0x1b: {  	s9 =	sadd.s32 $0xFFFFFEF7, lr;
	s5 =	simm.s32 $0xFFFFFFFF;
	p2 =	slt.u32 s8, $0xFFFFF086  }
0x1c: {  	p1 =	slt.u32 s9, $0xF7A;
	s5 =	simm.s32 @!p2 $0x0  }
0x1d: {  	s5 =	simm.s32 @p1 $0x1;
	p0 =	seq.s32 s7, s2  }
0x1e: {  	s7 =	smul.u32 @!p0 $0xF7A, s2;
	p2 =	seq.s32 @!p0 s5, $0x0  }
0x1f: {  	s9 =	smul.u32 $0xF7A, s1;
	s8 =	simm.s32 @!p0 $0x1BF5;
	p2 =	por !p2, p0  }
0x20: {  	[sflag:s8] =	ssyncset.s32 @!p0 $0xFFFFF086;
	s6 =	sadd.s32 @!p0 s3, s7;
	s7 =	simm.s32 @!p0 $0x108  }
0x21: {  	s3 =	sadd.s32 s3, s9;
	s6 =	sadd.s32 @!p0 $0x88, s6;
	s7 =	simm.s32 @p2 $0x1082  }
0x22: {  	[simem:s7], [sflag:s8] =	dma.local @!p0 [hbm:s6], $0xF7A  }
0x23: {  	s9 =	sor.u32 $0xD0000000, s2;
	s6 =	simm.s32 $0x108;
	_ =	swait.ge @!p0 [sflag:s8], $0x0  }
0x24: {  	s3 =	sadd.s32 $0x88, s3;
	s6 =	simm.s32 @!p1 $0x1082;
	[sflag:s4] =	ssyncset.s32 $0xFFFFF086  }
0x25: {  	[simem:s6], [sflag:s4] =	dma.local [hbm:s3], $0xF7A  }
0x26: {  	[smem:$0x3F93] =	sst s1;
	(tag) =	ssettag s2;
	_ =	strace s9  }
0x27: {  	s1 =	sld [smem:$0x3FA3]  }
0x28: {  	s2 =	sld [smem:$0x3FA4]  }
0x29: {  	s4 =	sld [smem:$0x3FA6]  }
0x2a: {  	p0 =	seq.s32 s5, $0x0;
	s5 =	sld [smem:$0x3FA7]  }
0x2b: {  	s6 =	sld [smem:$0x3FA8]  }
0x2c: {  	s7 =	sld [smem:$0x3FA9]  }
0x2d: {  	s3 =	simm.s32 $0x108;
	s8 =	sld [smem:$0x3FAA]  }
0x2e: {  	s3 =	simm.s32 @!p0 $0x1082;
	s9 =	sld [smem:$0x3FAB]  }
0x2f: {  	lr =	sadd.s32 s0, s3;
	s0 =	sld [smem:$0x3FA2]  }
0x30: {  	s3 =	sld [smem:$0x3FA5]  }
0x31: {  	[smem:$0x3FAE] =	sst s10  }
0x32: {  	s10 =	sld [smem:$0x3FAC];
	_ =	sdelay $0x3  }
0x33: {  	p0 =	seq.s32 s10, $0x1;
	s10 =	sld [smem:$0x3FAE];
	_ =	sdelay $0x3  }
0x34: {  	[smem:$0x3FAE] =	sst s10  }
0x35: {  	s10 =	sld [smem:$0x3FAD];
	_ =	sdelay $0x3  }
0x36: {  	p1 =	seq.s32 s10, $0x1;
	s10 =	sld [smem:$0x3FAE];
	_ =	sdelay $0x3  }
0x37: {  	[smem:$0x3FAE] =	sst s10  }
0x38: {  	s10 =	sld [smem:$0x3FAF]  }
0x39: {  	_ = 	snop;
	(pc) =	sbr.ind lr, $3  }
0x3a: {  	_ = 	snop  }
0x3b: {  	_ = 	snop  }
0x3c: {  	p2 =	seq.s32 s10, $0x1;
	s10 =	sld [smem:$0x3FAE]  }
0x3d: {  	_ =	shalt  }
0x3e: {  	_ =	shalt  }
0x3f: {  	_ =	shalt  }
0x40: {  	_ =	shalt  }
0x41: {  	_ =	shalt  }
0x42: {  	_ =	shalt  }
0x43: {  	_ =	shalt  }
0x44: {  	_ =	shalt  }
0x45: {  	_ =	shalt  }
0x46: {  	_ =	shalt  }
0x47: {  	_ =	shalt  }
0x48: {  	_ =	shalt  }
0x49: {  	_ =	shalt  }
0x4a: {  	_ =	shalt  }
0x4b: {  	_ =	shalt  }
0x4c: {  	_ =	shalt  }
0x4d: {  	_ =	shalt  }
0x4e: {  	_ =	shalt  }
0x4f: {  	_ =	shalt  }
0x50: {  	_ =	shalt  }
0x51: {  	_ =	shalt  }
0x52: {  	_ =	shalt  }
0x53: {  	_ =	shalt  }
0x54: {  	_ =	shalt  }
0x55: {  	_ =	shalt  }
0x56: {  	_ =	shalt  }
0x57: {  	_ =	shalt  }
0x58: {  	_ =	shalt  }
0x59: {  	_ =	shalt  }
0x5a: {  	_ =	shalt  }
0x5b: {  	_ =	shalt  }
0x5c: {  	_ =	shalt  }
0x5d: {  	_ =	shalt  }
0x5e: {  	_ =	shalt  }
0x5f: {  	_ =	shalt  }
0x60: {  	_ =	shalt  }
0x61: {  	_ =	shalt  }
0x62: {  	_ =	shalt  }
0x63: {  	_ =	shalt  }
0x64: {  	_ =	shalt  }
0x65: {  	_ =	shalt  }
0x66: {  	_ =	shalt  }
0x67: {  	_ =	shalt  }
0x68: {  	_ =	shalt  }
0x69: {  	_ =	shalt  }
0x6a: {  	_ =	shalt  }
0x6b: {  	_ =	shalt  }
0x6c: {  	_ =	shalt  }
0x6d: {  	_ =	shalt  }
0x6e: {  	_ =	shalt  }
0x6f: {  	_ =	shalt  }
0x70: {  	_ =	shalt  }
0x71: {  	_ =	shalt  }
0x72: {  	_ =	shalt  }
0x73: {  	_ =	shalt  }
0x74: {  	_ =	shalt  }
0x75: {  	_ =	shalt  }
0x76: {  	_ =	shalt  }
0x77: {  	_ =	shalt  }
0x78: {  	_ =	shalt  }
0x79: {  	_ =	shalt  }
0x7a: {  	_ =	shalt  }
0x7b: {  	_ =	shalt  }
0x7c: {  	_ =	shalt  }
0x7d: {  	_ =	shalt  }
0x7e: {  	_ =	shalt  }
0x7f: {  	_ =	shalt  }
0x80: {  	_ =	shalt  }
0x81: {  	_ =	shalt  }
0x82: {  	_ =	shalt  }
0x83: {  	_ =	shalt  }
0x84: {  	_ =	shalt  }
0x85: {  	_ =	shalt  }
0x86: {  	_ =	shalt  }
0x87: {  	_ =	shalt  }
.Lfunc_end0:
.L_simem_size_0:
called_computation.3_lowered:
.L_overlay_start_0:
0x88: {  	s2 =	sld [smem:$0x3FD9]  }
0x89: {  	s3 =	sld [smem:$0x3FFE];
	_ =	sdelay $0x1  }
0x8a: {  	s1 =	srdreg.scid  }
0x8b: {  	s0 =	sand.u32 $0x1, s1  }
0x8c: {  	s16 =	sshll.u32 s0, $0xA;
	s2 =	sadd.s32 s3, s2  }
0x8d: {  	s2 =	sadd.s32 s2, s16  }
0x8e: {  	[smem:$0x3FBA] =	sst s2  }
0x8f: {  	_ = 	snop  }
0x90: {  	(tm) =	ssettm $0x1  }
0x91: {  	s17 =	sld [smem:$0x3FFB];
	_ =	sdelay $0x3  }
0x92: {  	_ =	strace s17  }
0x93: {  	s2 =	sld [smem:$0x3FFC];
	_ =	sdelay $0x3  }
0x94: {  	_ =	strace s2  }
0x95: {  	s2 =	sld [smem:$0x3FFD];
	_ =	sdelay $0x3  }
0x96: {  	_ =	strace s2  }
0x97: {  	_ =	strace $0x8FFFFFFF  }
0x98: {  	s18 =	sld [smem:$0x3FDB];
	_ =	sdelay $0x1  }
0x99: {  	s19 =	simm.s32 $_scs_section_size  }
0x9a: {  	s4 =	simm.s32 $_size__tile_overlayer_lowered;
	s5 =	simm.s32 $_tile_overlayer_lowered  }
0x9b: {  	s22 =	simm.s32 $0x1BFF;
	s21 =	sshll.u32 s5, $0x1;
	s2 =	sadd.s32 s19, s18  }
0x9c: {  	s6 =	simm.s32 $0x0;
	s20 =	sshll.u32 s4, $0x1;
	s4 =	sadd.s32 s21, s2  }
0x9d: {  	[timem:s6], [sflag:s22] =	dma.local [hbm:s4], s20  }
0x9e: {  	_ =	swait.ge [sflag:s22], s20  }
0x9f: {  	s3 =	ssub.s32 $0x0, s20;
	[sflag:s22] =	ssyncset.done $0x0  }
0xa0: {  	[sflag:s22] =	ssyncadd.s32 s3;
	_ =	sdelay $0x1  }
0xa1: {  	s23 =	simm.s32 $0x1B8B  }
0xa2: {  	_ =	swait.ge [sflag:s23], $0x1  }
0xa3: {  	[sflag:s23] =	ssyncset.done $0x0  }
0xa4: {  	s25 =	simm.s32 $0x1B8E;
	s24 =	sld [smem:$0x3FFE];
	[sflag:s23] =	ssyncadd.s32 $0xFFFFFFFF  }
0xa5: {  	s26 =	simm.s32 $execute0_lowered;
	[smem:$0x3FD2] =	sst s25  }
0xa6: {  	s4 =	sshll.u32 s26, $0x1;
	_ =	strace $0x8000004F;
	[dreg:$0x1] =	wrdreg $0xFFFFFFFF  }
0xa7: {  	s28 =	simm.s32 $_size_execute0_lowered;
	s2 =	sadd.s32 s2, s4;
	[dreg:$0x0] =	wrdreg $0x0  }
0xa8: {  	s4 =	sshll.u32 s28, $0x1;
	[dreg:$0x2] =	wrdreg s2  }
0xa9: {  	[dreg:$0x3] =	wrdreg s4  }
0xaa: {  	[dreg:$0x4] =	wrdreg $0xC0  }
0xab: {  	_ =	task [dreg:s6], $0x5FFFF  }
0xac: {  	[dreg:$0x1] =	wrdreg $0xFFFFFFFF  }
0xad: {  	[dreg:$0x0] =	wrdreg $0x60  }
0xae: {  	[dreg:$0x2] =	wrdreg s24  }
0xaf: {  	[dreg:$0x3] =	wrdreg $0x18000  }
0xb0: {  	[dreg:$0x4] =	wrdreg $0x9  }
0xb1: {  	_ =	task.clear_ibuf [dreg:s6], $0x5FFFF;
	_ =	strace $0x9000004F  }
0xb2: {  	s29 =	simm.s32 $0x9;
	_ =	strace $0x80000051  }
0xb3: {  	_ =	swait.ge [sflag:s29], $0x1  }
0xb4: {  	[sflag:s29] =	ssyncadd.s32 $0xFFFFFFFF  }
0xb5: {  	_ =	strace $0x90000051  }
0xb6: {  	_ =	sfence  }
0xb7: {  	s30 =	sld [smem:$0x0];
	_ =	sdelay $0x2  }
0xb8: {  	s31 =	sshll.u32 s1, $0xD;
	s1 =	sshrl.u32 s1, $0x2  }
0xb9: {  	s3 =	sand.u32 $0x4000, s31;
	s1 =	sadd.s32 s1, s30  }
0xba: {  	s0 =	sor.u32 s3, s0;
	s1 =	sshll.u32 s1, $0x11  }
0xbb: {  	s0 =	sor.u32 s1, s0  }
0xbc: {  	s0 =	sadd.s32 $0x8F2B, s0  }
0xbd: {  	[sflag:s0] =	ssyncadd.remote.s32 $0x1  }
0xbe: {  	_ =	sfence.sel $0xFFFF  }
0xbf: {  	[dreg:$0x0] =	wrdreg $0xFFFFFFFF;
	(pc) =	sbr.abs _section_cstart, $3  }
0xc0: {  	[dreg:$0x1] =	wrdreg $0xFFFFFFFF  }
0xc1: {  	_ =	task.clear_ibuf [dreg:s6], $0x2FFFF;
	_ =	strace $0x9FFFFFFF  }
0xc2: {  	(tm) =	ssettm $0x7FFFFFFF  }
0xc3: {  	_ =	shalt  }
tec
execute0_lowered:
.L_overlay_start_1:
0x0: {  	(tag) =	ssettag $0x1  }
0x1: {  	s0 =	rddreg [dreg:$0x0]  }
0x2: {  	s1 =	rddreg [dreg:$0x1]  }
0x3: {  	s3 =	simm.s32 $0x0;
	s2 =	srdreg.scid;
	s12 =	stileid.u32  }
0x4: {  	s28 =	simm.s32 $0x18800;
	s29 =	simm.s32 $0x1;
	s30 =	simm.s32 $0x19800  }
0x5: {  	s31 =	simm.s32 $0x2;
	s13 =	simm.s32 $0x10;
	s14 =	simm.s32 $0x0  }
0x6: {  	[smem:$0x7FF] =	sst s3;
	s2 =	sand.u32 $0x1, s2;
	s6 =	smul.u32 $0x14000, s12  }
0x7: {  	s4 =	sadd.s32 $0x71600, s0;
	s7 =	sadd.s32 $0x3F600, s0;
	s10 =	smul.u32 $0x50000, s12  }
0x8: {  	s8 =	sadd.s32 $0xD600, s0;
	s9 =	sadd.s32 $0x99600, s0;
	s18 =	smul.u32 $0x19000, s12  }
0x9: {  	s15 =	sshll.u32 s12, $0x1;
	s19 =	sshll.u32 s12, $0x6;
	s5 =	smul.u32 $0x140000, s2  }
0xa: {  	_ =	strace $0x80000050;
	[dreg:$0x3] =	wrdreg s9;
	s16 =	ssub.s32 $0x2, s2  }
0xb: {  	s12 =	sor.u32 $0x1C12, s19;
	s19 =	simm.s32 $0x9;
	s9 =	simm.s32 $0xC  }
0xc: {  	s11 =	sshrl.u32 s16, $0x1;
	s10 =	sshrl.u32 s10, $0x2;
	[dreg:$0x4] =	wrdreg s12  }
0xd: {  	s5 =	sadd.s32 s6, s5;
	s6 =	sor.u32 s2, s15;
	s17 =	ssub.s32 s16, s11  }
0xe: {  	s2 =	smul.u32 $0xC800, s2;
	s10 =	sadd.s32 s10, s1;
	s11 =	simm.s32 $0x12  }
0xf: {  	s5 =	sshrl.u32 s5, $0x3;
	s6 =	smul.u32 $0xC800, s6;
	s25 =	smax.u32 s17, $0x1  }
0x10: {  	s10 =	sshrl.u32 s10, $0x3;
	s17 =	simm.s32 $0x1C800;
	s0 =	sadd.s32 s5, s0  }
0x11: {  	s2 =	sadd.s32 s2, s18;
	[dreg:$0xa] =	wrdreg s25;
	s18 =	simm.s32 $0x5  }
0x12: {  	s5 =	simm.s32 $0x7;
	[dreg:$0xd] =	wrdreg s10;
	s6 =	sshrl.u32 s6, $0x3  }
0x13: {  	s2 =	sadd.s32 $0x800, s2;
	s0 =	sadd.s32 $0x9BE00, s0;
	s20 =	sadd.s32 s7, s6  }
0x14: {  	s21 =	sor.u32 $0x80, s6;
	s6 =	sadd.s32 s8, s6;
	[dreg:$0x9] =	wrdreg s0  }
0x15: {  	s24 =	sshrl.u32 s2, $0x3;
	s2 =	simm.s32 $0x4;
	[dreg:$0x5] =	wrdreg s20  }
0x16: {  	[dreg:$0x6] =	wrdreg s6;
	s22 =	sadd.s32 s7, s21;
	s23 =	sadd.s32 s8, s21  }
.Ltmp0:
0x17: {  	s26 =	sadd.s32 s24, s8;
	[dreg:$0x7] =	wrdreg s22;
	(pc) =	sbr.rel .LBB2_1-.Ltmp0, $4  }
0x18: {  	s0 =	sadd.s32 s24, s7;
	s20 =	simm.s32 $0x19;
	[dreg:$0x8] =	wrdreg s23  }
0x19: {  	s21 =	simm.s32 $0x15800;
	s7 =	simm.s32 $0xB;
	[dreg:$0xb] =	wrdreg s26  }
0x1a: {  	s8 =	simm.s32 $0x8;
	[dreg:$0xc] =	wrdreg s0;
	s23 =	simm.s32 $0x16800  }
0x1b: {  	s0 =	simm.s32 $0x1B800;
	s22 =	simm.s32 $0x6;
	s26 =	simm.s32 $0xA  }
.LBB2_8:
0x1c: {  	_ =	swait.ge [sflag:s8], $0xC80  }
0x1d: {  	[sflag:s8] =	ssyncset.done $0x0  }
0x1e: {  	s6 =	sadd.s32 $0xF80, s6;
	[sflag:s8] =	ssyncadd.s32 $0xFFFFF380  }
0x1f: {  	[spmem:s1] =	stream.indirect.scatter.add.f32 [tilespmem:s17], [sflag:$0x10], $0x80, s6, s20, $0xb8;
	[tilespmem:$0x1D800] =	vst v63  }
0x20: {  	_ =	swait.ge [sflag:s9], $0xC80  }
0x21: {  	[sflag:s9] =	ssyncset.done $0x0  }
0x22: {  	[sflag:s9] =	ssyncadd.s32 $0xFFFFF380  }
.LBB2_10:
0x23: {  	s6 =	simm.s32 $0xD  }
0x24: {  	_ =	swait.ge [sflag:s6], $0xC80  }
0x25: {  	[sflag:s6] =	ssyncset.done $0x0  }
0x26: {  	s15 =	simm.s32 $0xE;
	[sflag:s6] =	ssyncadd.s32 $0xFFFFF380  }
0x27: {  	_ =	swait.ge [sflag:s15], $0xC80  }
0x28: {  	[sflag:s15] =	ssyncset.done $0x0  }
0x29: {  	s16 =	simm.s32 $0xF;
	[sflag:s15] =	ssyncadd.s32 $0xFFFFF380  }
0x2a: {  	_ =	swait.ge [sflag:s16], $0xC80  }
0x2b: {  	[sflag:s16] =	ssyncset.done $0x0  }
0x2c: {  	[sflag:s16] =	ssyncadd.s32 $0xFFFFF380  }
0x2d: {  	_ =	swait.ge [sflag:s13], $0xC80  }
0x2e: {  	[sflag:s13] =	ssyncset.done $0x0  }
0x2f: {  	[sflag:s13] =	ssyncadd.s32 $0xFFFFF380  }
0x30: {  	[bflag:$0x0] =	sbarrier.arrive $0xFFFF  }
0x31: {  	s12 =	rddreg [dreg:$0x4]  }
0x32: {  	s24 =	rddreg [dreg:$0x9]  }
0x33: {  	s11 =	simm.s32 $0x12;
	s10 =	rddreg [dreg:$0xd]  }
0x34: {  	[hbm:s24], [sflag:s12] =	dma.local [spmem:s10], $0x2800  }
0x35: {  	_ =	swait.ge [sflag:s11], $0x2800  }
0x36: {  	s14 =	rddreg [dreg:$0xe]  }
0x37: {  	s25 =	rddreg [dreg:$0xa];
	s14 =	sadd.s32 $0x1, s14  }
0x38: {  	p0 =	sne.s32 s14, s25  }
.Ltmp1:
0x39: {  	_ = 	snop;
	(pc) =	sbr.rel @!p0 .LBB2_11-.Ltmp1, $3  }
0x3a: {  	_ =	sdelay $0x1  }
0x3b: {  	[sflag:s11] =	ssyncset.done $0x0  }
0x3c: {  	[sflag:s11] =	ssyncadd.s32 $0xFFFFD800  }
.LBB2_1:
0x3d: {  	[dreg:$0xe] =	wrdreg s14  }
0x3e: {  	s6 =	rddreg [dreg:$0x3]  }
0x3f: {  	[spmem:s10], [sflag:s12] =	dma.local [hbm:s6], $0x2800  }
0x40: {  	_ =	swait.ge [sflag:s11], $0x2800  }
0x41: {  	[sflag:s11] =	ssyncset.done $0x0  }
0x42: {  	[sflag:s11] =	ssyncadd.s32 $0xFFFFD800  }
0x43: {  	[bflag:$0x0] =	sbarrier.arrive $0xFFFF  }
0x44: {  	s16 =	rddreg [dreg:$0x5]  }
0x45: {  	[tilespmem:s3], [sflag:$0x12] =	stream.linear.gather [hbm4b:s16+s3], $0x400, $0x38;
	[tilespmem:$0x1D800] =	vst v63  }
0x46: {  	_ =	swait.ge [sflag:s11], $0x400  }
0x47: {  	[sflag:s11] =	ssyncset.done $0x0  }
0x48: {  	s25 =	simm.s32 $0xC00;
	s24 =	rddreg [dreg:$0x6];
	[sflag:s11] =	ssyncadd.s32 $0xFFFFFC00  }
0x49: {  	[tilespmem:s25], [sflag:$0x12] =	stream.linear.gather [hbm4b:s24+s3], $0x400, $0x38;
	[tilespmem:$0x1D800] =	vst v63  }
0x4a: {  	_ =	swait.ge [sflag:s11], $0x400  }
0x4b: {  	[sflag:s11] =	ssyncset.done $0x0  }
0x4c: {  	s10 =	rddreg [dreg:$0x7];
	[sflag:s11] =	ssyncadd.s32 $0xFFFFFC00;
	s11 =	simm.s32 $0x400  }
0x4d: {  	[tilespmem:s11], [sflag:$0x11] =	stream.linear.gather [hbm4b:s10+s3], $0x400, $0x38;
	[tilespmem:$0x1D800] =	vst v63  }
0x4e: {  	s14 =	simm.s32 $0x1000;
	s12 =	rddreg [dreg:$0x8]  }
0x4f: {  	[tilespmem:s14], [sflag:$0x11] =	stream.linear.gather [hbm4b:s12+s3], $0x400, $0x38;
	[tilespmem:$0x1D800] =	vst v63  }
0x50: {  	_ = 	snop  }
0x51: {  	[tilespmem:s21], [sflag:$0x1] =	stream.indirect.gather [hbm4b:s4+s20], $0x80, s3, s20, $0xb8;
	[tilespmem:$0x1D800] =	vst v63  }
0x52: {  	s15 =	simm.s32 $0x80  }
0x53: {  	[tilespmem:s23], [sflag:$0x2] =	stream.indirect.gather [hbm4b:s4+s20], $0x80, s15, s20, $0xb8;
	[tilespmem:$0x1D800] =	vst v63  }
0x54: {  	s16 =	simm.s32 $0x100;
	s24 =	simm.s32 $0x17800;
	s11 =	rddreg [dreg:$0xc]  }
0x55: {  	[tilespmem:s24], [sflag:$0x3] =	stream.indirect.gather [hbm4b:s4+s20], $0x80, s16, s20, $0xb8;
	[tilespmem:$0x1D800] =	vst v63  }
0x56: {  	s25 =	simm.s32 $0x180;
	s10 =	simm.s32 $0x2;
	s12 =	rddreg [dreg:$0xb]  }
0x57: {  	[tilespmem:s28], [sflag:$0x4] =	stream.indirect.gather [hbm4b:s4+s20], $0x80, s25, s20, $0xb8;
	[tilespmem:$0x1D800] =	vst v63  }
.LBB2_2:
0x58: {  	s15 =	smul.u32 $0xAB, s10;
	_ =	sdelay $0x1  }
0x59: {  	s6 =	sadd.s32 $0xFFFFFEAA, s15  }
0x5a: {  	s6 =	sshrl.u32 s6, $0x9  }
0x5b: {  	s6 =	sand.u32 $0x7F, s6  }
0x5c: {  	s6 =	smul.u32 $0x3, s6  }
0x5d: {  	s16 =	sadd.s32 $0xFFFFFFFE, s10  }
0x5e: {  	s6 =	ssub.s32 s16, s6  }
0x5f: {  	_ =	swait.ge [sflag:s29], $0xC80;
	s6 =	sand.u32 $0xFF, s6  }
0x60: {  	[sflag:s29] =	ssyncset.done $0x0;
	s6 =	sshll.u32 s6, $0xA  }
0x61: {  	p0 =	seq.s32 s10, $0x2;
	[sflag:s29] =	ssyncadd.s32 $0xFFFFF380;
	s14 =	sadd.s32 $0xC00, s6  }
0x62: {  	[spmem:s1] =	stream.indirect.scatter.add.f32 [tilespmem:s21], [sflag:$0x9], $0x80, s14, s20, $0xb8;
	[tilespmem:$0x1D800] =	vst v63  }
0x63: {  	s14 =	simm.s32 @!p0 $0xD  }
0x64: {  	_ =	swait.ge @!p0 [sflag:s14], $0xC80  }
0x65: {  	[sflag:s14] =	ssyncset.done @!p0 $0x0  }
0x66: {  	s24 =	sadd.s32 $0x200, s6;
	[sflag:s14] =	ssyncadd.s32 @!p0 $0xFFFFF380  }
0x67: {  	[tilespmem:s30], [sflag:$0x5] =	stream.indirect.gather [hbm4b:s4+s20], $0x80, s24, s20, $0xb8;
	[tilespmem:$0x1D800] =	vst v63  }
0x68: {  	_ =	swait.ge [sflag:s31], $0xC80  }
0x69: {  	[sflag:s31] =	ssyncset.done $0x0  }
0x6a: {  	s25 =	sadd.s32 $0xC80, s6;
	[sflag:s31] =	ssyncadd.s32 $0xFFFFF380  }
0x6b: {  	[spmem:s1] =	stream.indirect.scatter.add.f32 [tilespmem:s23], [sflag:$0xA], $0x80, s25, s20, $0xb8;
	[tilespmem:$0x1D800] =	vst v63  }
0x6c: {  	s14 =	sadd.s32 @p0 $0x280, s6;
	s24 =	simm.s32 @p0 $0x1A800;
	s25 =	simm.s32 @p0 $0x19  }
0x6d: {  	[tilespmem:s24], [sflag:$0x6] =	stream.indirect.gather @p0 [hbm4b:s4+s25], $0x80, s14, s25, $0xb8;
	[tilespmem:$0x1D800] =	vst v63  }
0x6e: {  	s14 =	simm.s32 @p0 $0x3  }
0x6f: {  	_ =	swait.ge @p0 [sflag:s14], $0xC80  }
0x70: {  	[sflag:s14] =	ssyncset.done @p0 $0x0  }
0x71: {  	s24 =	simm.s32 @p0 $0x17800;
	[sflag:s14] =	ssyncadd.s32 @p0 $0xFFFFF380;
	s14 =	sadd.s32 @p0 $0xD00, s6  }
0x72: {  	[spmem:s1] =	stream.indirect.scatter.add.f32 @p0 [tilespmem:s24], [sflag:$0xB], $0x80, s14, s25, $0xb8;
	[tilespmem:$0x1D800] =	vst v63  }
0x73: {  	s14 =	simm.s32 @!p0 $0xE  }
0x74: {  	_ =	swait.ge @!p0 [sflag:s14], $0xC80  }
0x75: {  	s24 =	simm.s32 @!p0 $0x19;
	[sflag:s14] =	ssyncset.done @!p0 $0x0  }
0x76: {  	s25 =	simm.s32 @!p0 $0x1A800;
	[sflag:s14] =	ssyncadd.s32 @!p0 $0xFFFFF380;
	s14 =	sadd.s32 @!p0 $0x280, s6  }
0x77: {  	[tilespmem:s25], [sflag:$0x6] =	stream.indirect.gather @!p0 [hbm4b:s4+s24], $0x80, s14, s24, $0xb8;
	[tilespmem:$0x1D800] =	vst v63  }
0x78: {  	s14 =	simm.s32 @!p0 $0x3  }
0x79: {  	_ =	swait.ge @!p0 [sflag:s14], $0xC80  }
0x7a: {  	[sflag:s14] =	ssyncset.done @!p0 $0x0  }
0x7b: {  	s25 =	simm.s32 @!p0 $0x17800;
	[sflag:s14] =	ssyncadd.s32 @!p0 $0xFFFFF380;
	s14 =	sadd.s32 @!p0 $0xD00, s6  }
0x7c: {  	[spmem:s1] =	stream.indirect.scatter.add.f32 @!p0 [tilespmem:s25], [sflag:$0xB], $0x80, s14, s24, $0xb8;
	[tilespmem:$0x1D800] =	vst v63  }
0x7d: {  	s14 =	simm.s32 @!p0 $0xF  }
0x7e: {  	_ =	swait.ge @!p0 [sflag:s14], $0xC80  }
0x7f: {  	[sflag:s14] =	ssyncset.done @!p0 $0x0  }
0x80: {  	s24 =	sadd.s32 $0x300, s6;
	[sflag:s14] =	ssyncadd.s32 @!p0 $0xFFFFF380  }
0x81: {  	[tilespmem:s0], [sflag:$0x7] =	stream.indirect.gather [hbm4b:s4+s20], $0x80, s24, s20, $0xb8;
	[tilespmem:$0x1D800] =	vst v63  }
0x82: {  	_ =	swait.ge [sflag:s2], $0xC80  }
0x83: {  	p0 =	seq.s32 s10, $0x33;
	[sflag:s2] =	ssyncset.done $0x0  }
0x84: {  	s25 =	sadd.s32 $0xD80, s6;
	s14 =	simm.s32 @!p0 $0x11;
	[sflag:s2] =	ssyncadd.s32 $0xFFFFF380  }
0x85: {  	[spmem:s1] =	stream.indirect.scatter.add.f32 [tilespmem:s28], [sflag:$0xC], $0x80, s25, s20, $0xb8;
	[tilespmem:$0x1D800] =	vst v63  }
0x86: {  	_ =	swait.ge @!p0 [sflag:s14], $0x400  }
0x87: {  	[sflag:s14] =	ssyncset.done @!p0 $0x0  }
0x88: {  	[sflag:s14] =	ssyncadd.s32 @!p0 $0xFFFFFC00  }
0x89: {  	_ =	swait.ge @!p0 [sflag:s14], $0x400  }
0x8a: {  	p1 =	seq.s32 @!p0 s10, $0x2;
	[sflag:s14] =	ssyncset.done @!p0 $0x0  }
0x8b: {  	s24 =	sadd.s32 $0xFFFFFF55, s15;
	p1 =	por p0, !p1;
	[sflag:s14] =	ssyncadd.s32 @!p0 $0xFFFFFC00  }
0x8c: {  	s14 =	sshrl.u32 s24, $0x9;
	_ =	swait.ge @p1 [sflag:s13], $0xC80  }
0x8d: {  	s25 =	sadd.s32 $0x380, s6;
	s14 =	sand.u32 $0x7F, s14;
	[sflag:s13] =	ssyncset.done @p1 $0x0  }
0x8e: {  	s14 =	smul.u32 $0x3, s14;
	[sflag:s13] =	ssyncadd.s32 @p1 $0xFFFFF380;
	p1 =	sgt.u32 s16, $0x2F  }
0x8f: {  	[tilespmem:s17], [sflag:$0x8] =	stream.indirect.gather [hbm4b:s4+s20], $0x80, s25, s20, $0xb8;
	[tilespmem:$0x1D800] =	vst v63  }
.Ltmp2:
0x90: {  	_ = 	snop;
	(pc) =	sbr.rel @p1 .LBB2_4-.Ltmp2, $4  }
0x91: {  	s14 =	sxor.u32 $0xFFFFFFFF, s14;
	_ =	swait.ge [sflag:s18], $0xC80  }
0x92: {  	s14 =	sadd.s32 s10, s14;
	[sflag:s18] =	ssyncset.done $0x0  }
0x93: {  	s25 =	sadd.s32 $0xE00, s6;
	s16 =	sand.u32 $0xFF, s14;
	[sflag:s18] =	ssyncadd.s32 $0xFFFFF380  }
0x94: {  	[spmem:s1] =	stream.indirect.scatter.add.f32 [tilespmem:s30], [sflag:$0xD], $0x80, s25, s20, $0xb8;
	[tilespmem:$0x1D800] =	vst v63  }
0x95: {  	s14 =	sshrl.u32 s15, $0x9  }
0x96: {  	s14 =	sand.u32 $0x7F, s14  }
0x97: {  	s14 =	smul.u32 $0x3, s14;
	_ =	sdelay $0x1  }
0x98: {  	s14 =	ssub.s32 s10, s14  }
0x99: {  	s14 =	sand.u32 $0xFF, s14  }
0x9a: {  	s14 =	sshll.u32 s14, $0xA  }
0x9b: {  	[tilespmem:s14], [sflag:$0x11] =	stream.linear.gather [hbm4b:s11+s3], $0x400, $0x38;
	[tilespmem:$0x1D800] =	vst v63  }
.Ltmp3:
0x9c: {  	s14 =	sadd.s32 $0xC00, s14;
	(pc) =	sbr.rel .LBB2_5-.Ltmp3, $4  }
0x9d: {  	[tilespmem:s14], [sflag:$0x11] =	stream.linear.gather [hbm4b:s12+s3], $0x400, $0x38;
	[tilespmem:$0x1D800] =	vst v63  }
0x9e: {  	_ =	swait.ge [sflag:s19], $0xC80  }
0x9f: {  	[sflag:s19] =	ssyncset.done $0x0  }
0xa0: {  	[sflag:s19] =	ssyncadd.s32 $0xFFFFF380  }
.LBB2_4:
.Ltmp4:
0xa1: {  	(pc) =	sbr.rel @!p0 .LBB2_5-.Ltmp4, $4  }
0xa2: {  	_ = 	snop  }
0xa3: {  	_ =	swait.ge [sflag:s19], $0xC80  }
0xa4: {  	[sflag:s19] =	ssyncset.done $0x0  }
0xa5: {  	[sflag:s19] =	ssyncadd.s32 $0xFFFFF380  }
0xa6: {  	_ =	swait.ge [sflag:s22], $0xC80  }
0xa7: {  	s14 =	sadd.s32 $0xE80, s6;
	[sflag:s22] =	ssyncset.done $0x0  }
.Ltmp5:
0xa8: {  	s15 =	simm.s32 $0x1A800;
	[sflag:s22] =	ssyncadd.s32 $0xFFFFF380;
	(pc) =	sbr.rel .LBB2_7-.Ltmp5, $4  }
0xa9: {  	[spmem:s1] =	stream.indirect.scatter.add.f32 [tilespmem:s15], [sflag:$0xE], $0x80, s14, s20, $0xb8;
	[tilespmem:$0x1D800] =	vst v63  }
0xaa: {  	_ =	swait.ge [sflag:s26], $0xC80  }
0xab: {  	[sflag:s26] =	ssyncset.done $0x0  }
0xac: {  	[sflag:s26] =	ssyncadd.s32 $0xFFFFF380  }
.LBB2_5:
0xad: {  	s14 =	sshll.u32 s16, $0xA  }
0xae: {  	[tilespmem:s21], [sflag:$0x1] =	stream.indirect.gather [hbm4b:s4+s20], $0x80, s14, s20, $0xb8;
	[tilespmem:$0x1D800] =	vst v63  }
0xaf: {  	_ =	swait.ge [sflag:s22], $0xC80  }
0xb0: {  	[sflag:s22] =	ssyncset.done $0x0  }
0xb1: {  	s15 =	sadd.s32 $0xE80, s6;
	s24 =	simm.s32 $0x1A800;
	[sflag:s22] =	ssyncadd.s32 $0xFFFFF380  }
0xb2: {  	[spmem:s1] =	stream.indirect.scatter.add.f32 [tilespmem:s24], [sflag:$0xE], $0x80, s15, s20, $0xb8;
	[tilespmem:$0x1D800] =	vst v63  }
0xb3: {  	_ =	swait.ge [sflag:s26], $0xC80  }
0xb4: {  	[sflag:s26] =	ssyncset.done $0x0  }
0xb5: {  	s14 =	sor.u32 $0x80, s14;
	[sflag:s26] =	ssyncadd.s32 $0xFFFFF380  }
0xb6: {  	[tilespmem:s23], [sflag:$0x2] =	stream.indirect.gather [hbm4b:s4+s20], $0x80, s14, s20, $0xb8;
	[tilespmem:$0x1D800] =	vst v63  }
.LBB2_7:
0xb7: {  	_ =	swait.ge [sflag:s5], $0xC80  }
0xb8: {  	p0 =	sne.s32 s10, $0x33;
	[sflag:s5] =	ssyncset.done $0x0  }
.Ltmp6:
0xb9: {  	s14 =	sadd.s32 $0xF00, s6;
	[sflag:s5] =	ssyncadd.s32 $0xFFFFF380;
	(pc) =	sbr.rel @!p0 .LBB2_8-.Ltmp6, $4  }
0xba: {  	[spmem:s1] =	stream.indirect.scatter.add.f32 [tilespmem:s0], [sflag:$0xF], $0x80, s14, s20, $0xb8;
	[tilespmem:$0x1D800] =	vst v63  }
0xbb: {  	_ =	swait.ge [sflag:s7], $0xC80  }
0xbc: {  	[sflag:s7] =	ssyncset.done $0x0  }
0xbd: {  	[sflag:s7] =	ssyncadd.s32 $0xFFFFF380  }
0xbe: {  	s14 =	sshll.u32 s16, $0xA  }
0xbf: {  	s24 =	simm.s32 $0x17800;
	s15 =	sor.u32 $0x100, s14  }
0xc0: {  	[tilespmem:s24], [sflag:$0x3] =	stream.indirect.gather [hbm4b:s4+s20], $0x80, s15, s20, $0xb8;
	[tilespmem:$0x1D800] =	vst v63  }
0xc1: {  	_ =	swait.ge [sflag:s8], $0xC80  }
0xc2: {  	s10 =	sadd.s32 $0x1, s10;
	[sflag:s8] =	ssyncset.done $0x0  }
0xc3: {  	s6 =	sadd.s32 $0xF80, s6;
	p0 =	sne.s32 s10, $0x34;
	[sflag:s8] =	ssyncadd.s32 $0xFFFFF380  }
0xc4: {  	[spmem:s1] =	stream.indirect.scatter.add.f32 [tilespmem:s17], [sflag:$0x10], $0x80, s6, s20, $0xb8;
	[tilespmem:$0x1D800] =	vst v63  }
.Ltmp7:
0xc5: {  	_ = 	snop;
	(pc) =	sbr.rel @p0 .LBB2_2-.Ltmp7, $4  }
.Ltmp8:
0xc6: {  	_ =	swait.ge [sflag:s9], $0xC80;
	(pc) =	sbr.rel @!p0 .LBB2_10-.Ltmp8, $4  }
0xc7: {  	s12 =	sadd.s32 $0x80, s12;
	[sflag:s9] =	ssyncset.done $0x0  }
0xc8: {  	s11 =	sadd.s32 $0x80, s11;
	s25 =	sor.u32 $0x180, s14;
	[sflag:s9] =	ssyncadd.s32 $0xFFFFF380  }
0xc9: {  	[tilespmem:s28], [sflag:$0x4] =	stream.indirect.gather [hbm4b:s4+s20], $0x80, s25, s20, $0xb8;
	[tilespmem:$0x1D800] =	vst v63  }
0xca: {  	_ = 	snop  }
.LBB2_11:
0xcb: {  	_ =	sfence.sel $0x180000  }
0xcc: {  	[bflag:$0x0] =	sbarrier.arrive $0xFFFF  }
0xcd: {  	_ =	strace $0x90000050  }
0xce: {  	s0 =	stileid.u32;
	[bflag:$0x2] =	sbarrier.arrive $0xFFFF  }
0xcf: {  	p0 =	sne.s32 s0, $0x0;
	s0 =	rddreg [dreg:$0x2]  }
0xd0: {  	s0 =	sadd.s32 @!p0 $0x100000, s0  }
0xd1: {  	[sflag:s0] =	ssyncadd.tile.s32 @!p0 $0x1;
	_ =	shalt  }
.Lfunc_end2:
_tile_overlayer_lowered:
.L_overlay_start_2:
0xd2: {  	(tag) =	ssettag $0x2  }
0xd3: {  	s0 =	rddreg [dreg:$0x0];
	s2 =	stileid.u32  }
0xd4: {  	s1 =	rddreg [dreg:$0x1];
	p0 =	sne.s32 s2, $0x0  }
0xd5: {  	s3 =	rddreg [dreg:$0x2];
	[bflag:$0x3] =	sbarrier.arrive $0xFFFF;
	s2 =	simm.s32 @!p0 $0x1C12  }
0xd6: {  	[timem:s3], [sflag:s2] =	dma.local @!p0 [hbm:s0], s1  }
0xd7: {  	s0 =	simm.s32 @!p0 $0x12  }
0xd8: {  	_ =	swait.ge @!p0 [sflag:s0], s1  }
0xd9: {  	s1 =	ssub.s32 @!p0 $0x0, s1;
	[sflag:s0] =	ssyncset.done @!p0 $0x0  }
0xda: {  	[sflag:s0] =	ssyncadd.s32 @!p0 s1  }
0xdb: {  	[bflag:$0x3] =	sbarrier.arrive $0xFFFF  }
0xdc: {  	_ =	shalt  }

// kernel: kernel.9.cloned.1.call-start
scs
__scs_entry_jumppad:
0x0: {  	(pc) =	sbr.rel $0x88, $3  }
0x1: {  	(tag) =	ssettag $0x0;
	lr =	simm.s32 $0x1  }
0x2: {  	[smem:$0x3F93] =	sst lr;
	_ =	strace $0xD0000000  }
0x3: {  	_ = 	snop  }
0x4: {  	_ = 	snop  }
0x5: {  	_ = 	snop  }
0x6: {  	_ = 	snop  }
0x7: {  	_ = 	snop  }
__scs_overlays_trampoline_lowered:
0x8: {  	[smem:$0x3FA2] =	sst s0  }
0x9: {  	[smem:$0x3FA3] =	sst s1  }
0xa: {  	[smem:$0x3FA4] =	sst s2  }
0xb: {  	[smem:$0x3FA5] =	sst s3  }
0xc: {  	[smem:$0x3FA6] =	sst s4  }
0xd: {  	[smem:$0x3FA7] =	sst s5  }
0xe: {  	[smem:$0x3FA8] =	sst s6  }
0xf: {  	[smem:$0x3FA9] =	sst s7  }
0x10: {  	[smem:$0x3FAA] =	sst s8  }
0x11: {  	[smem:$0x3FAB] =	sst s9;
	s0 =	simm.s32 @!p0 $0x0  }
0x12: {  	s1 =	sld [smem:$0x3F91];
	s0 =	simm.s32 @p0 $0x1  }
0x13: {  	[smem:$0x3FAC] =	sst s0;
	s0 =	simm.s32 @!p1 $0x0  }
0x14: {  	s2 =	sld [smem:$0x3F90];
	s0 =	simm.s32 @p1 $0x1  }
0x15: {  	[smem:$0x3FAD] =	sst s0;
	s0 =	simm.s32 @!p2 $0x0  }
0x16: {  	s3 =	sld [smem:$0x3FDB];
	s0 =	simm.s32 @p2 $0x1  }
0x17: {  	s4 =	simm.s32 $0x1BF5;
	[smem:$0x3FAF] =	sst s0  }
0x18: {  	s0 =	sld [smem:$0x3F92];
	_ =	swait.ge [sflag:s4], $0x0  }
0x19: {  	s7 =	sld [smem:$0x3F93]  }
0x1a: {  	s8 =	sadd.s32 $0xFFFFE003, lr  }
0x1b: {  	s9 =	sadd.s32 $0xFFFFFEF7, lr;
	s5 =	simm.s32 $0xFFFFFFFF;
	p2 =	slt.u32 s8, $0xFFFFF086  }
0x1c: {  	p1 =	slt.u32 s9, $0xF7A;
	s5 =	simm.s32 @!p2 $0x0  }
0x1d: {  	s5 =	simm.s32 @p1 $0x1;
	p0 =	seq.s32 s7, s2  }
0x1e: {  	s7 =	smul.u32 @!p0 $0xF7A, s2;
	p2 =	seq.s32 @!p0 s5, $0x0  }
0x1f: {  	s9 =	smul.u32 $0xF7A, s1;
	s8 =	simm.s32 @!p0 $0x1BF5;
	p2 =	por !p2, p0  }
0x20: {  	[sflag:s8] =	ssyncset.s32 @!p0 $0xFFFFF086;
	s6 =	sadd.s32 @!p0 s3, s7;
	s7 =	simm.s32 @!p0 $0x108  }
0x21: {  	s3 =	sadd.s32 s3, s9;
	s6 =	sadd.s32 @!p0 $0x88, s6;
	s7 =	simm.s32 @p2 $0x1082  }
0x22: {  	[simem:s7], [sflag:s8] =	dma.local @!p0 [hbm:s6], $0xF7A  }
0x23: {  	s9 =	sor.u32 $0xD0000000, s2;
	s6 =	simm.s32 $0x108;
	_ =	swait.ge @!p0 [sflag:s8], $0x0  }
0x24: {  	s3 =	sadd.s32 $0x88, s3;
	s6 =	simm.s32 @!p1 $0x1082;
	[sflag:s4] =	ssyncset.s32 $0xFFFFF086  }
0x25: {  	[simem:s6], [sflag:s4] =	dma.local [hbm:s3], $0xF7A  }
0x26: {  	[smem:$0x3F93] =	sst s1;
	(tag) =	ssettag s2;
	_ =	strace s9  }
0x27: {  	s1 =	sld [smem:$0x3FA3]  }
0x28: {  	s2 =	sld [smem:$0x3FA4]  }
0x29: {  	s4 =	sld [smem:$0x3FA6]  }
0x2a: {  	p0 =	seq.s32 s5, $0x0;
	s5 =	sld [smem:$0x3FA7]  }
0x2b: {  	s6 =	sld [smem:$0x3FA8]  }
0x2c: {  	s7 =	sld [smem:$0x3FA9]  }
0x2d: {  	s3 =	simm.s32 $0x108;
	s8 =	sld [smem:$0x3FAA]  }
0x2e: {  	s3 =	simm.s32 @!p0 $0x1082;
	s9 =	sld [smem:$0x3FAB]  }
0x2f: {  	lr =	sadd.s32 s0, s3;
	s0 =	sld [smem:$0x3FA2]  }
0x30: {  	s3 =	sld [smem:$0x3FA5]  }
0x31: {  	[smem:$0x3FAE] =	sst s10  }
0x32: {  	s10 =	sld [smem:$0x3FAC];
	_ =	sdelay $0x3  }
0x33: {  	p0 =	seq.s32 s10, $0x1;
	s10 =	sld [smem:$0x3FAE];
	_ =	sdelay $0x3  }
0x34: {  	[smem:$0x3FAE] =	sst s10  }
0x35: {  	s10 =	sld [smem:$0x3FAD];
	_ =	sdelay $0x3  }
0x36: {  	p1 =	seq.s32 s10, $0x1;
	s10 =	sld [smem:$0x3FAE];
	_ =	sdelay $0x3  }
0x37: {  	[smem:$0x3FAE] =	sst s10  }
0x38: {  	s10 =	sld [smem:$0x3FAF]  }
0x39: {  	_ = 	snop;
	(pc) =	sbr.ind lr, $3  }
0x3a: {  	_ = 	snop  }
0x3b: {  	_ = 	snop  }
0x3c: {  	p2 =	seq.s32 s10, $0x1;
	s10 =	sld [smem:$0x3FAE]  }
0x3d: {  	_ =	shalt  }
0x3e: {  	_ =	shalt  }
0x3f: {  	_ =	shalt  }
0x40: {  	_ =	shalt  }
0x41: {  	_ =	shalt  }
0x42: {  	_ =	shalt  }
0x43: {  	_ =	shalt  }
0x44: {  	_ =	shalt  }
0x45: {  	_ =	shalt  }
0x46: {  	_ =	shalt  }
0x47: {  	_ =	shalt  }
0x48: {  	_ =	shalt  }
0x49: {  	_ =	shalt  }
0x4a: {  	_ =	shalt  }
0x4b: {  	_ =	shalt  }
0x4c: {  	_ =	shalt  }
0x4d: {  	_ =	shalt  }
0x4e: {  	_ =	shalt  }
0x4f: {  	_ =	shalt  }
0x50: {  	_ =	shalt  }
0x51: {  	_ =	shalt  }
0x52: {  	_ =	shalt  }
0x53: {  	_ =	shalt  }
0x54: {  	_ =	shalt  }
0x55: {  	_ =	shalt  }
0x56: {  	_ =	shalt  }
0x57: {  	_ =	shalt  }
0x58: {  	_ =	shalt  }
0x59: {  	_ =	shalt  }
0x5a: {  	_ =	shalt  }
0x5b: {  	_ =	shalt  }
0x5c: {  	_ =	shalt  }
0x5d: {  	_ =	shalt  }
0x5e: {  	_ =	shalt  }
0x5f: {  	_ =	shalt  }
0x60: {  	_ =	shalt  }
0x61: {  	_ =	shalt  }
0x62: {  	_ =	shalt  }
0x63: {  	_ =	shalt  }
0x64: {  	_ =	shalt  }
0x65: {  	_ =	shalt  }
0x66: {  	_ =	shalt  }
0x67: {  	_ =	shalt  }
0x68: {  	_ =	shalt  }
0x69: {  	_ =	shalt  }
0x6a: {  	_ =	shalt  }
0x6b: {  	_ =	shalt  }
0x6c: {  	_ =	shalt  }
0x6d: {  	_ =	shalt  }
0x6e: {  	_ =	shalt  }
0x6f: {  	_ =	shalt  }
0x70: {  	_ =	shalt  }
0x71: {  	_ =	shalt  }
0x72: {  	_ =	shalt  }
0x73: {  	_ =	shalt  }
0x74: {  	_ =	shalt  }
0x75: {  	_ =	shalt  }
0x76: {  	_ =	shalt  }
0x77: {  	_ =	shalt  }
0x78: {  	_ =	shalt  }
0x79: {  	_ =	shalt  }
0x7a: {  	_ =	shalt  }
0x7b: {  	_ =	shalt  }
0x7c: {  	_ =	shalt  }
0x7d: {  	_ =	shalt  }
0x7e: {  	_ =	shalt  }
0x7f: {  	_ =	shalt  }
0x80: {  	_ =	shalt  }
0x81: {  	_ =	shalt  }
0x82: {  	_ =	shalt  }
0x83: {  	_ =	shalt  }
0x84: {  	_ =	shalt  }
0x85: {  	_ =	shalt  }
0x86: {  	_ =	shalt  }
0x87: {  	_ =	shalt  }
.Lfunc_end0:
.L_simem_size_0:
called_computation_lowered:
.L_overlay_start_0:
0x88: {  	s2 =	sld [smem:$0x3FD9]  }
0x89: {  	s3 =	sld [smem:$0x3FFE];
	_ =	sdelay $0x1  }
0x8a: {  	s1 =	srdreg.scid  }
0x8b: {  	s0 =	sand.u32 $0x1, s1  }
0x8c: {  	s17 =	sshll.u32 s0, $0xA;
	s2 =	sadd.s32 s3, s2  }
0x8d: {  	s2 =	sadd.s32 s2, s17  }
0x8e: {  	[smem:$0x3FBA] =	sst s2  }
0x8f: {  	_ = 	snop  }
0x90: {  	(tm) =	ssettm $0x1  }
0x91: {  	s18 =	sld [smem:$0x3FFB];
	_ =	sdelay $0x3  }
0x92: {  	_ =	strace s18  }
0x93: {  	s2 =	sld [smem:$0x3FFC];
	_ =	sdelay $0x3  }
0x94: {  	_ =	strace s2  }
0x95: {  	s2 =	sld [smem:$0x3FFD];
	_ =	sdelay $0x3  }
0x96: {  	_ =	strace s2  }
0x97: {  	_ =	strace $0x8FFFFFFF  }
0x98: {  	s19 =	sld [smem:$0x3FDB];
	_ =	sdelay $0x1  }
0x99: {  	s20 =	simm.s32 $_scs_section_size  }
0x9a: {  	s4 =	simm.s32 $_size__tile_overlayer_lowered;
	s5 =	simm.s32 $_tile_overlayer_lowered  }
0x9b: {  	s6 =	simm.s32 $0x1BFF;
	s21 =	sshll.u32 s5, $0x1;
	s3 =	sadd.s32 s20, s19  }
0x9c: {  	s22 =	simm.s32 $0x0;
	s4 =	sshll.u32 s4, $0x1;
	s5 =	sadd.s32 s21, s3  }
0x9d: {  	[timem:s22], [sflag:s6] =	dma.local [hbm:s5], s4  }
0x9e: {  	_ =	swait.ge [sflag:s6], s4  }
0x9f: {  	s4 =	ssub.s32 $0x0, s4;
	[sflag:s6] =	ssyncset.done $0x0  }
0xa0: {  	[sflag:s6] =	ssyncadd.s32 s4;
	_ =	sdelay $0x1  }
0xa1: {  	s23 =	simm.s32 $0x1B8B  }
0xa2: {  	_ =	swait.ge [sflag:s23], $0x1  }
0xa3: {  	[sflag:s23] =	ssyncset.done $0x0  }
0xa4: {  	[sflag:s23] =	ssyncadd.s32 $0xFFFFFFFF  }
0xa5: {  	s4 =	sld [smem:$0x0]  }
0xa6: {  	s5 =	sand.u32 $0xFFFFFFFE, s1  }
0xa7: {  	p0 =	sne.s32 s1, s5  }
0xa8: {  	s5 =	sshll.u32 @p0 s5, $0xE  }
0xa9: {  	s5 =	sadd.s32 @p0 $0x11B8D, s5;
	s6 =	sshll.u32 @p0 s4, $0x11  }
0xaa: {  	s5 =	sor.u32 @p0 s6, s5  }
0xab: {  	[sflag:s5] =	ssyncadd.remote.s32 @p0 $0x1;
	_ =	sdelay $0x1  }
0xac: {  	s5 =	simm.s32 @p0 $0x1B8D  }
0xad: {  	_ =	swait.eq @p0 [sflag:s5], $0x1  }
0xae: {  	[sflag:s5] =	ssyncadd.s32 @p0 $0xFFFFFFFF  }
0xaf: {  	s6 =	sshll.u32 @!p0 s1, $0xE  }
0xb0: {  	s6 =	sor.u32 @!p0 $0x4000, s6;
	s5 =	simm.s32 @!p0 $0x1B8D  }
0xb1: {  	s4 =	sshll.u32 @!p0 s4, $0x11;
	s6 =	sadd.s32 @!p0 $0x11B8D, s6;
	_ =	swait.eq @!p0 [sflag:s5], $0x1  }
0xb2: {  	s4 =	sor.u32 @!p0 s4, s6;
	[sflag:s5] =	ssyncadd.s32 @!p0 $0xFFFFFFFF  }
0xb3: {  	s25 =	simm.s32 $0x1B8E;
	s24 =	sld [smem:$0x3FFE];
	[sflag:s4] =	ssyncadd.remote.s32 @!p0 $0x1  }
0xb4: {  	s26 =	simm.s32 $execute0_lowered;
	[smem:$0x3FD2] =	sst s25  }
0xb5: {  	s5 =	sshll.u32 s26, $0x1;
	_ =	strace $0x80000049;
	[dreg:$0x1] =	wrdreg $0xFFFFFFFF  }
0xb6: {  	s28 =	simm.s32 $_size_execute0_lowered;
	s3 =	sadd.s32 s3, s5;
	[dreg:$0x0] =	wrdreg $0x0  }
0xb7: {  	s5 =	sshll.u32 s28, $0x1;
	[dreg:$0x2] =	wrdreg s3  }
0xb8: {  	[dreg:$0x3] =	wrdreg s5  }
0xb9: {  	[dreg:$0x4] =	wrdreg $0xC0  }
0xba: {  	_ =	task [dreg:s22], $0x5FFFF  }
0xbb: {  	[dreg:$0x1] =	wrdreg $0xFFFFFFFF  }
0xbc: {  	[dreg:$0x0] =	wrdreg $0x60  }
0xbd: {  	[dreg:$0x2] =	wrdreg s24  }
0xbe: {  	[dreg:$0x3] =	wrdreg $0x9  }
0xbf: {  	_ =	task.clear_ibuf [dreg:s22], $0x4FFFF;
	_ =	strace $0x90000049  }
0xc0: {  	s29 =	simm.s32 $0x9;
	_ =	strace $0x8000004B  }
0xc1: {  	_ =	swait.ge [sflag:s29], $0x1  }
0xc2: {  	[sflag:s29] =	ssyncadd.s32 $0xFFFFFFFF  }
0xc3: {  	_ =	strace $0x9000004B  }
0xc4: {  	_ =	sfence  }
0xc5: {  	s30 =	sld [smem:$0x0];
	_ =	sdelay $0x2  }
0xc6: {  	s31 =	sshll.u32 s1, $0xD;
	s1 =	sshrl.u32 s1, $0x2  }
0xc7: {  	s4 =	sand.u32 $0x4000, s31;
	s1 =	sadd.s32 s1, s30  }
0xc8: {  	s0 =	sor.u32 s4, s0;
	s1 =	sshll.u32 s1, $0x11  }
0xc9: {  	s0 =	sor.u32 s1, s0  }
0xca: {  	s0 =	sadd.s32 $0x8F2B, s0  }
0xcb: {  	[sflag:s0] =	ssyncadd.remote.s32 $0x1  }
0xcc: {  	_ =	sfence.sel $0xFFFF  }
0xcd: {  	[dreg:$0x0] =	wrdreg $0xFFFFFFFF;
	(pc) =	sbr.abs _section_cstart, $3  }
0xce: {  	[dreg:$0x1] =	wrdreg $0xFFFFFFFF  }
0xcf: {  	_ =	task.clear_ibuf [dreg:s22], $0x2FFFF;
	_ =	strace $0x9FFFFFFF  }
0xd0: {  	(tm) =	ssettm $0x7FFFFFFF  }
0xd1: {  	_ =	shalt  }
tec
execute0_lowered:
.L_overlay_start_1:
0x0: {  	(tag) =	ssettag $0x1  }
0x1: {  	s0 =	srdreg.scid  }
0x2: {  	s3 =	rddreg [dreg:$0x0];
	s1 =	stileid.u32;
	s2 =	simm.s32 $0x0  }
0x3: {  	s9 =	simm.s32 $0x400;
	s4 =	sand.u32 $0x1, s0;
	s0 =	rddreg [dreg:$0x1]  }
0x4: {  	s6 =	sshrl.u32 s1, $0x3;
	s7 =	sshll.u32 s1, $0x1;
	s5 =	smul.u32 $0x28000, s4  }
0x5: {  	[smem:$0x7FF] =	sst s2;
	s8 =	sshll.u32 s1, $0x7;
	s6 =	smul.u32 $0x14000, s6  }
0x6: {  	s7 =	sor.u32 s4, s7;
	s29 =	sand.u32 $0x380, s8;
	_ =	strace $0x8000004A  }
0x7: {  	s4 =	ssub.s32 $0x2, s4;
	s7 =	smul.u32 $0x4E2, s7;
	s5 =	sadd.s32 s5, s6  }
0x8: {  	s8 =	simm.s32 $0x80;
	s31 =	sshrl.u32 s4, $0x1;
	s5 =	sor.u32 s29, s5  }
0x9: {  	s6 =	simm.s32 $0x1;
	s30 =	sadd.s32 s7, s3;
	s5 =	sshrl.u32 s5, $0x3  }
0xa: {  	s7 =	ssub.s32 s4, s31;
	s5 =	sadd.s32 s5, s3;
	s3 =	sadd.s32 $0x3800, s30  }
0xb: {  	v0 =	vimm.f32 $0.0e+00;
	v1 =	vimm.f32 $1.000000000e+00;
	s4 =	sadd.s32 $0xEBE00, s5;
	s5 =	smax.u32 s7, $0x1;
	s7 =	simm.s32 $0x2780  }
.LBB2_1:
0xc: {  	s10 =	simm.s32 $0x40;
	s11 =	simm.s32 $0x0  }
.LBB2_2:
0xd: {  	p0 =	sne.s32 s10, $0x9FC0;
	[tilespmem:s11+$0x2780] =	vst v0;
	s11 =	smov.u32 s10;
	s10 =	sadd.s32 $0x40, s10  }
.Ltmp0:
0xe: {  	(pc) =	sbr.rel @p0 .LBB2_2-.Ltmp0, $2  }
0xf: {  	_ =	sdelay $0x2  }
0x10: {  	s11 =	sshra.s32 s11, $0x2  }
0x11: {  	[tilespmem:s11+$0x2780] =	vst v0;
	s10 =	simm.s32 $0x0  }
0x12: {  	[tilespmem:s10], [sflag:$0x1] =	stream.linear.gather [hbm4b:s3+s10], $0x2710, $0x38;
	[tilespmem:$0x4F80] =	vst v63  }
0x13: {  	_ =	swait.ge [sflag:s6], $0x2710  }
0x14: {  	[sflag:s6] =	ssyncset.done $0x0  }
0x15: {  	s11 =	simm.s32 $0x0;
	s10 =	simm.s32 $0x40;
	[sflag:s6] =	ssyncadd.s32 $0xFFFFD8F0  }
.LBB2_4:
0x16: {  	p0 =	sne.s32 s10, $0x9C00;
	v2 =	vld [tilespmem:s11+$0x0];
	_ =	sdelay $0x3  }
.Ltmp1:
0x17: {  	(pc) =	sbr.rel @p0 .LBB2_4-.Ltmp1, $2  }
0x18: {  	_ =	sdelay $0x2  }
0x19: {  	s11 =	sshra.s32 s10, $0x2;
	s10 =	sadd.s32 $0x40, s10;
	[tilespmem:v2+s7+$0x0] =	vst.idx.add.f32.msk $0xffff, v1  }
0x1a: {  	v2 =	vld [tilespmem:s11+$0x0];
	_ =	sdelay $0x5  }
0x1b: {  	s2 =	sadd.s32 $0x1, s2  }
0x1c: {  	p0 =	sne.s32 s2, s5  }
.Ltmp2:
0x1d: {  	[tilespmem:v2+s7+$0x0] =	vst.idx.add.f32.msk $0xffff, v1;
	(pc) =	sbr.rel @p0 .LBB2_1-.Ltmp2, $4  }
0x1e: {  	[hbm4b:s4+s8] =	stream.strided.scatter [tilespmem:s7], [sflag:$0x1], $0x2800, s9, s8, $0x38;
	[tilespmem:$0x4F80] =	vst v63  }
0x1f: {  	_ =	swait.ge [sflag:s6], $0x2800  }
0x20: {  	[sflag:s6] =	ssyncset.done $0x0  }
0x21: {  	[sflag:s6] =	ssyncadd.s32 $0xFFFFD800  }
0x22: {  	_ =	sfence.sel $0x180000  }
0x23: {  	[bflag:$0x0] =	sbarrier.arrive $0xFFFF  }
0x24: {  	p0 =	sne.s32 s1, $0x0;
	_ =	strace $0x9000004A  }
0x25: {  	s0 =	sadd.s32 @!p0 $0x100000, s0;
	[bflag:$0x2] =	sbarrier.arrive $0xFFFF  }
0x26: {  	[sflag:s0] =	ssyncadd.tile.s32 @!p0 $0x1;
	_ =	shalt  }
.Lfunc_end2:
_tile_overlayer_lowered:
.L_overlay_start_2:
0x27: {  	(tag) =	ssettag $0x2  }
0x28: {  	s0 =	rddreg [dreg:$0x0];
	s2 =	stileid.u32  }
0x29: {  	s1 =	rddreg [dreg:$0x1];
	p0 =	sne.s32 s2, $0x0  }
0x2a: {  	s3 =	rddreg [dreg:$0x2];
	[bflag:$0x3] =	sbarrier.arrive $0xFFFF;
	s2 =	simm.s32 @!p0 $0x1C01  }
0x2b: {  	[timem:s3], [sflag:s2] =	dma.local @!p0 [hbm:s0], s1  }
0x2c: {  	s0 =	simm.s32 @!p0 $0x1  }
0x2d: {  	_ =	swait.ge @!p0 [sflag:s0], s1  }
0x2e: {  	s1 =	ssub.s32 @!p0 $0x0, s1;
	[sflag:s0] =	ssyncset.done @!p0 $0x0  }
0x2f: {  	[sflag:s0] =	ssyncadd.s32 @!p0 s1  }
0x30: {  	[bflag:$0x3] =	sbarrier.arrive $0xFFFF  }
0x31: {  	_ =	shalt  }

</sc_bundles>
